<compile_context>
chip_gen: v7x
topology: tpu7x:2x2x1
jax: 0.10.2.dev20260603
libtpu: 0.0.44.dev20260713+nightly
codegen_flags: <defaults>
</compile_context>

<pallas_src>
import jax
import jax.numpy as jnp
from jax import lax
from jax.experimental import pallas as pl
from jax.experimental.pallas import tpu as pltpu
from jax.experimental.pallas import tpu_sc as plsc

N = 10000
E = 320000
D = 128
NC = 2
NS = 16
NP = 10240
NB = NP
L = 16
K = 80

BLK = 2048
GRID = NP // BLK


def _mesh():
    return plsc.VectorSubcoreMesh(
        core_axis_name="c", subcore_axis_name="s", num_cores=NC, num_subcores=NS
    )


GB = 5
NG = (E // (NC * NS)) // K // GB


def _deg_body(src_hbm, dst_hbm, out_hbm, ibS, ibD, obS, obD, zb, isem, ssem, hist):
    c = lax.axis_index("c")
    s = lax.axis_index("s")
    oh0 = jnp.where(lax.iota(jnp.int32, L) == 0, 1.0, 0.0).astype(jnp.float32)
    oh1 = jnp.where(lax.iota(jnp.int32, L) == 1, 1.0, 0.0).astype(jnp.float32)
    zv = jnp.zeros((L,), jnp.float32)

    def fill_o(i, _):
        for j in range(D // L):
            obS[i, pl.ds(j * L, L)] = oh0 if j == 0 else zv
            obD[i, pl.ds(j * L, L)] = oh1 if j == 0 else zv
        return 0

    lax.fori_loop(0, K, fill_o, 0)

    def fill_z(i, _):
        for j in range(D // L):
            zb[i, pl.ds(j * L, L)] = zv
        return 0

    lax.fori_loop(0, 64, fill_z, 0)

    def fill_deg(i, _):
        pltpu.sync_copy(zb, hist.at[pl.ds(s * 640 + i * 64, 64), :])
        return 0

    lax.fori_loop(0, 10, fill_deg, 0)
    plsc.subcore_barrier()

    ept = E // (NC * NS)
    base_t = c * (E // NC) + s * ept

    def group(g, _):
        par = lax.rem(g, 2) * GB
        descs = []
        for b in range(GB):
            base = base_t + (g * GB + b) * K
            descs.append(pltpu.async_copy(src_hbm.at[pl.ds(base, K)], ibS.at[par + b], isem))
            descs.append(pltpu.async_copy(dst_hbm.at[pl.ds(base, K)], ibD.at[par + b], isem))

        for d_ in descs:
            d_.wait()
        for b in range(GB):
            pltpu.async_copy(obS, hist.at[ibS.at[par + b]], ssem, add=True)
            pltpu.async_copy(obD, hist.at[ibD.at[par + b]], ssem, add=True)

        @pl.when(g > 0)
        def _():
            for b in range(2 * GB):
                pltpu.make_async_copy(out_hbm.at[c, pl.ds(0, K), :], obS, ssem).wait()
        return 0

    lax.fori_loop(0, NG, group, 0)
    for b in range(2 * GB):
        pltpu.make_async_copy(out_hbm.at[c, pl.ds(0, K), :], obS, ssem).wait()
    plsc.subcore_barrier()
    sl = pl.ds(s * 640, 640)
    pltpu.sync_copy(hist.at[sl, :], out_hbm.at[c, sl, :])


def _deg_pass(src, dst):
    f = pl.kernel(
        _deg_body,
        out_type=jax.ShapeDtypeStruct((NC, NB, D), jnp.float32),
        mesh=_mesh(),
        scratch_types=[
            pltpu.VMEM((2 * GB, K), jnp.int32),
            pltpu.VMEM((2 * GB, K), jnp.int32),
            pltpu.VMEM((K, D), jnp.float32),
            pltpu.VMEM((K, D), jnp.float32),
            pltpu.VMEM((64, D), jnp.float32),
            pltpu.SemaphoreType.DMA,
            pltpu.SemaphoreType.DMA,
            pltpu.VMEM_SHARED((NB, D), jnp.float32),
        ],
    )
    return f(src, dst)


GBE = 4
NGE = 31


def _edge_body(h_hbm, src_hbm, dst_hbm, agg_hbm, sidx, didx, r0, r1, r2, r3,
               isem, gsem, ssem, asp):
    c = lax.axis_index("c")
    s = lax.axis_index("s")
    rows = [r0, r1, r2, r3]
    rpt = NP // NS
    zv = jnp.zeros((L,), jnp.float32)

    def fill_z(i, _):
        for j in range(D // L):
            r0[i, pl.ds(j * L, L)] = zv
        return 0

    lax.fori_loop(0, K, fill_z, 0)

    def fill_a(i, _):
        pltpu.sync_copy(r0, asp.at[pl.ds(s * rpt + i * K, K), :])
        return 0

    lax.fori_loop(0, 8, fill_a, 0)
    plsc.subcore_barrier()

    ept = E // (NC * NS)
    base_t = c * (E // NC) + s * ept

    def group(g, _):
        par = lax.rem(g, 2) * GBE
        descs = []
        for b in range(GBE):
            base = base_t + (g * GBE + b) * K
            descs.append(pltpu.async_copy(src_hbm.at[pl.ds(base, K)], sidx.at[par + b], isem))
            descs.append(pltpu.async_copy(dst_hbm.at[pl.ds(base, K)], didx.at[par + b], isem))
        for d_ in descs:
            d_.wait()
        gds = []
        for b in range(GBE):
            @pl.when(g > 0)
            def _():
                pltpu.make_async_copy(h_hbm.at[pl.ds(0, K), :], rows[b], ssem).wait()
            gds.append(pltpu.async_copy(h_hbm.at[sidx.at[par + b]], rows[b], gsem))
        for b in range(GBE):
            gds[b].wait()
            pltpu.async_copy(rows[b], asp.at[didx.at[par + b]], ssem, add=True)
        return 0

    lax.fori_loop(0, NGE, group, 0)
    for b in range(GBE):
        pltpu.make_async_copy(h_hbm.at[pl.ds(0, K), :], rows[b], ssem).wait()
    tbase = base_t + NGE * GBE * K
    pltpu.sync_copy(src_hbm.at[pl.ds(tbase, K)], sidx.at[0])
    pltpu.sync_copy(dst_hbm.at[pl.ds(tbase, K)], didx.at[0])
    pltpu.async_copy(h_hbm.at[sidx.at[0]], r0, gsem).wait()
    pltpu.async_copy(r0, asp.at[didx.at[0]], ssem, add=True).wait()
    plsc.subcore_barrier()
    sl = pl.ds(s * rpt, rpt)
    pltpu.sync_copy(asp.at[sl, :], agg_hbm.at[c, sl, :])


def _edge_pass(h, src, dst):
    f = pl.kernel(
        _edge_body,
        out_type=jax.ShapeDtypeStruct((NC, NP, D), jnp.float32),
        mesh=_mesh(),
        scratch_types=[
            pltpu.VMEM((2 * GBE, K), jnp.int32),
            pltpu.VMEM((2 * GBE, K), jnp.int32),
            pltpu.VMEM((K, D), jnp.float32),
            pltpu.VMEM((K, D), jnp.float32),
            pltpu.VMEM((K, D), jnp.float32),
            pltpu.VMEM((K, D), jnp.float32),
            pltpu.SemaphoreType.DMA,
            pltpu.SemaphoreType.DMA,
            pltpu.SemaphoreType.DMA,
            pltpu.VMEM_SHARED((NP, D), jnp.float32),
        ],
    )
    return f(h, src, dst)


def _norms(degp_ref, dsl):
    blk = degp_ref[0, dsl, :] + degp_ref[1, dsl, :]
    lanes = lax.broadcasted_iota(jnp.int32, (1, D), 1)
    d_out = jnp.sum(jnp.where(lanes == 0, blk, 0.0), axis=1)
    d_in = jnp.sum(jnp.where(lanes == 1, blk, 0.0), axis=1)
    no = jnp.where(d_out > 0, lax.rsqrt(jnp.maximum(d_out, 1.0)), 0.0)
    ni = jnp.where(d_in > 0, lax.rsqrt(jnp.maximum(d_in, 1.0)), 0.0)
    return no, ni


def _pre_body(x_ref, w_ref, degp_ref, h_ref, a_ref):
    i = pl.program_id(0)
    dsl = pl.ds(i * BLK, BLK)
    no, ni = _norms(degp_ref, dsl)
    y = jnp.dot(x_ref[...], w_ref[...], preferred_element_type=jnp.float32)
    h_ref[...] = y * no[:, None]
    a_ref[...] = jnp.concatenate(
        [no[:, None], ni[:, None], jnp.zeros((BLK, 6), jnp.float32)], axis=1
    )


def _tc_pre(x, W1, degp):
    return pl.pallas_call(
        _pre_body,
        grid=(GRID,),
        in_specs=[
            pl.BlockSpec((BLK, D), lambda i: (i, 0)),
            pl.BlockSpec((D, D), lambda i: (0, 0)),
            pl.BlockSpec((NC, NB, D), lambda i: (0, 0, 0)),
        ],
        out_specs=[
            pl.BlockSpec((BLK, D), lambda i: (i, 0)),
            pl.BlockSpec((BLK, 8), lambda i: (i, 0)),
        ],
        out_shape=[
            jax.ShapeDtypeStruct((NP, D), jnp.float32),
            jax.ShapeDtypeStruct((NP, 8), jnp.float32),
        ],
    )(x, W1, degp)


def _mid_body(a_ref, nrm_ref, b_ref, w_ref, h_ref):
    ni = nrm_ref[:, 1]
    no = nrm_ref[:, 0]
    a = a_ref[0] + a_ref[1]
    t = jnp.maximum(a * ni[:, None] + b_ref[0], 0.0)
    y = jnp.dot(t, w_ref[...], preferred_element_type=jnp.float32)
    h_ref[...] = y * no[:, None]


def _tc_mid(agg1, nrm, b1, W2):
    return pl.pallas_call(
        _mid_body,
        grid=(GRID,),
        in_specs=[
            pl.BlockSpec((NC, BLK, D), lambda i: (0, i, 0)),
            pl.BlockSpec((BLK, 8), lambda i: (i, 0)),
            pl.BlockSpec((1, D), lambda i: (0, 0)),
            pl.BlockSpec((D, D), lambda i: (0, 0)),
        ],
        out_specs=pl.BlockSpec((BLK, D), lambda i: (i, 0)),
        out_shape=jax.ShapeDtypeStruct((NP, D), jnp.float32),
    )(agg1, nrm, b1.reshape(1, D), W2)


def _post_body(a_ref, nrm_ref, b_ref, x_ref, o_ref):
    ni = nrm_ref[:, 1]
    a = a_ref[0] + a_ref[1]
    o_ref[...] = jnp.maximum(a * ni[:, None] + b_ref[0], 0.0) + x_ref[...]


def _tc_post(agg2, nrm, b2, x):
    return pl.pallas_call(
        _post_body,
        grid=(GRID,),
        in_specs=[
            pl.BlockSpec((NC, BLK, D), lambda i: (0, i, 0)),
            pl.BlockSpec((BLK, 8), lambda i: (i, 0)),
            pl.BlockSpec((1, D), lambda i: (0, 0)),
            pl.BlockSpec((BLK, D), lambda i: (i, 0)),
        ],
        out_specs=pl.BlockSpec((BLK, D), lambda i: (i, 0)),
        out_shape=jax.ShapeDtypeStruct((N, D), jnp.float32),
    )(agg2, nrm, b2.reshape(1, D), x)


def kernel(x, edge_index, W1, b1, W2, b2):
    ei = edge_index.astype(jnp.int32)
    src, dst = ei[0], ei[1]
    degp = _deg_pass(src, dst)
    h1, nrm = _tc_pre(x, W1, degp)
    agg1 = _edge_pass(h1, src, dst)
    h2 = _tc_mid(agg1, nrm, b1, W2)
    agg2 = _edge_pass(h2, src, dst)
    return _tc_post(agg2, nrm, b2, x)

# --- scband reference (transcript-rebuilt; emitter-appended) ---
"""Pipeline reference for scband-residual-block-homo-78134045048944 (READ-ONLY COPY).

The authoritative reference and input builder live on the scoring server;
editing this copy changes nothing except your own understanding.
"""

import jax, jax.numpy as jnp
import numpy as np

N_NODES = 10000
N_EDGES = 320000
D = 128


def setup_inputs(seed: int = 0) -> dict:
    key = jax.random.key(seed)
    k1, k2, k3, k4, k5, k6 = jax.random.split(key, 6)
    x = jax.random.normal(k1, (N_NODES, D), dtype=jnp.float32)
    edge_index = jax.random.randint(k2, (2, N_EDGES), 0, N_NODES, dtype=jnp.int64)
    # two GraphConvDropoutBatch layers (GraphConv weight + bias each);
    # dropout p=0.0 and batch_norm disabled per layer_args, so identity at inference
    scale = 1.0 / np.sqrt(D)
    W1 = jax.random.uniform(k3, (D, D), dtype=jnp.float32, minval=-scale, maxval=scale)
    b1 = jnp.zeros((D,), dtype=jnp.float32)
    W2 = jax.random.uniform(k4, (D, D), dtype=jnp.float32, minval=-scale, maxval=scale)
    b2 = jnp.zeros((D,), dtype=jnp.float32)
    return {"x": x, "edge_index": edge_index, "W1": W1, "b1": b1, "W2": W2, "b2": b2}


def _graph_conv(x, edge_index, W, b):
    # DGL GraphConv with norm='both': D_out^{-1/2} gather -> scatter-add -> D_in^{-1/2} -> XW + b -> relu
    n = x.shape[0]
    src = edge_index[0]
    dst = edge_index[1]
    ones = jnp.ones((src.shape[0],), dtype=x.dtype)
    deg_out = jnp.zeros((n,), dtype=x.dtype).at[src].add(ones)
    deg_in = jnp.zeros((n,), dtype=x.dtype).at[dst].add(ones)
    norm_out = jnp.where(deg_out > 0, jax.lax.rsqrt(jnp.maximum(deg_out, 1.0)), 0.0)
    norm_in = jnp.where(deg_in > 0, jax.lax.rsqrt(jnp.maximum(deg_in, 1.0)), 0.0)
    h = x * norm_out[:, None]
    msg = jnp.take(h, src, axis=0)                      # gather (SparseCore)
    agg = jnp.zeros_like(x).at[dst].add(msg)            # scatter-add (SparseCore)
    agg = agg * norm_in[:, None]
    out = agg @ W + b                                   # in_feats == out_feats -> aggregate first (DGL order)
    return jax.nn.relu(out)                             # activation; dropout p=0 and no BN -> identity


def reference(x, edge_index, W1, b1, W2, b2):
    feat = x
    feat = _graph_conv(feat, edge_index, W1, b1)
    feat = _graph_conv(feat, edge_index, W2, b2)
    # output_block == False -> residual add of block input
    return feat + x

if __name__ == "__main__":
    import jax
    _d = setup_inputs()
    print(jax.jit(kernel)(*tuple(_d.values())))

</pallas_src>

<mosaic_0001>
#map = affine_map<(d0, d1) -> (0, 0)>
#map1 = affine_map<(d0, d1) -> (0)>
#map2 = affine_map<(d0, d1) -> (0, 0, 0)>
module attributes {stable_mosaic.version = 14 : i64} {
  func.func @_edge_body(%arg0: i32, %arg1: i32, %arg2: memref<10240x128xf32, #tpu.memory_space<hbm>>, %arg3: memref<320000xi32, #tpu.memory_space<hbm>>, %arg4: memref<320000xi32, #tpu.memory_space<hbm>>, %arg5: memref<2x10240x128xf32, #tpu.memory_space<hbm>>, %arg6: memref<8x80xi32, #tpu.memory_space<vmem>>, %arg7: memref<8x80xi32, #tpu.memory_space<vmem>>, %arg8: memref<80x128xf32, #tpu.memory_space<vmem>>, %arg9: memref<80x128xf32, #tpu.memory_space<vmem>>, %arg10: memref<80x128xf32, #tpu.memory_space<vmem>>, %arg11: memref<80x128xf32, #tpu.memory_space<vmem>>, %arg12: memref<!tpu.dma_semaphore, #tpu.memory_space<semaphore_mem>>, %arg13: memref<!tpu.dma_semaphore, #tpu.memory_space<semaphore_mem>>, %arg14: memref<!tpu.dma_semaphore, #tpu.memory_space<semaphore_mem>>, %arg15: memref<10240x128xf32, #tpu.memory_space<vmem_shared>>) attributes {dimension_semantics = [#tpu.dimension_semantics<core_parallel>, #tpu.dimension_semantics<subcore_parallel>], iteration_bounds = array<i64: 2, 16>, scalar_prefetch = 0 : i64, scratch_operands = 10 : i64, tpu.core_type = #tpu.core_type<sc_vector_subcore>, window_params = [{transform_indices = #map}, {transform_indices = #map1}, {transform_indices = #map1}, {transform_indices = #map2}]} {
    %broadcast_in_dim3A = arith.constant 0.000000e+00 : f32
    %broadcast_in_dim3A_0 = vector.broadcast %broadcast_in_dim3A : f32 to vector<16xf32>
    %scan3A = arith.constant 0 : i32
    %scan3A_1 = arith.constant 0 : i32
    %scan3A_2 = arith.constant 80 : i32
    %scan3A_3 = arith.addi %scan3A_1, %scan3A_2 : i32
    %scan3A_4 = arith.constant 1 : i32
    %scan3A_5 = scf.for %scan3A_80 = %scan3A_1 to %scan3A_3 step %scan3A_4 iter_args(%scan3A_81 = %scan3A) -> (i32)  : i32 {
      %swap3A = arith.index_cast %scan3A_80 : i32 to index
      %swap3A_82 = arith.constant 0 : index
      %swap3A_83 = tpu.vector_load %arg8[%swap3A, %swap3A_82] {strides = array<i32>} : memref<80x128xf32, #tpu.memory_space<vmem>>, vector<1x16xf32>,
      %swap3A_84 = vector.shape_cast %swap3A_83 : vector<1x16xf32> to vector<16xf32>
      %swap3A_85 = vector.shape_cast %broadcast_in_dim3A_0 : vector<16xf32> to vector<1x16xf32>
      tpu.vector_store %arg8[%swap3A, %swap3A_82], %swap3A_85 {strides = array<i32>} : memref<80x128xf32, #tpu.memory_space<vmem>>, vector<1x16xf32>,
      %swap3A_86 = arith.index_cast %scan3A_80 : i32 to index
      %swap3A_87 = arith.constant 16 : index
      %swap3A_88 = tpu.vector_load %arg8[%swap3A_86, %swap3A_87] {strides = array<i32>} : memref<80x128xf32, #tpu.memory_space<vmem>>, vector<1x16xf32>,
      %swap3A_89 = vector.shape_cast %swap3A_88 : vector<1x16xf32> to vector<16xf32>
      %swap3A_90 = vector.shape_cast %broadcast_in_dim3A_0 : vector<16xf32> to vector<1x16xf32>
      tpu.vector_store %arg8[%swap3A_86, %swap3A_87], %swap3A_90 {strides = array<i32>} : memref<80x128xf32, #tpu.memory_space<vmem>>, vector<1x16xf32>,
      %swap3A_91 = arith.index_cast %scan3A_80 : i32 to index
      %swap3A_92 = arith.constant 32 : index
      %swap3A_93 = tpu.vector_load %arg8[%swap3A_91, %swap3A_92] {strides = array<i32>} : memref<80x128xf32, #tpu.memory_space<vmem>>, vector<1x16xf32>,
      %swap3A_94 = vector.shape_cast %swap3A_93 : vector<1x16xf32> to vector<16xf32>
      %swap3A_95 = vector.shape_cast %broadcast_in_dim3A_0 : vector<16xf32> to vector<1x16xf32>
      tpu.vector_store %arg8[%swap3A_91, %swap3A_92], %swap3A_95 {strides = array<i32>} : memref<80x128xf32, #tpu.memory_space<vmem>>, vector<1x16xf32>,
      %swap3A_96 = arith.index_cast %scan3A_80 : i32 to index
      %swap3A_97 = arith.constant 48 : index
      %swap3A_98 = tpu.vector_load %arg8[%swap3A_96, %swap3A_97] {strides = array<i32>} : memref<80x128xf32, #tpu.memory_space<vmem>>, vector<1x16xf32>,
      %swap3A_99 = vector.shape_cast %swap3A_98 : vector<1x16xf32> to vector<16xf32>
      %swap3A_100 = vector.shape_cast %broadcast_in_dim3A_0 : vector<16xf32> to vector<1x16xf32>
      tpu.vector_store %arg8[%swap3A_96, %swap3A_97], %swap3A_100 {strides = array<i32>} : memref<80x128xf32, #tpu.memory_space<vmem>>, vector<1x16xf32>,
      %swap3A_101 = arith.index_cast %scan3A_80 : i32 to index
      %swap3A_102 = arith.constant 64 : index
      %swap3A_103 = tpu.vector_load %arg8[%swap3A_101, %swap3A_102] {strides = array<i32>} : memref<80x128xf32, #tpu.memory_space<vmem>>, vector<1x16xf32>,
      %swap3A_104 = vector.shape_cast %swap3A_103 : vector<1x16xf32> to vector<16xf32>
      %swap3A_105 = vector.shape_cast %broadcast_in_dim3A_0 : vector<16xf32> to vector<1x16xf32>
      tpu.vector_store %arg8[%swap3A_101, %swap3A_102], %swap3A_105 {strides = array<i32>} : memref<80x128xf32, #tpu.memory_space<vmem>>, vector<1x16xf32>,
      %swap3A_106 = arith.index_cast %scan3A_80 : i32 to index
      %swap3A_107 = arith.constant 80 : index
      %swap3A_108 = tpu.vector_load %arg8[%swap3A_106, %swap3A_107] {strides = array<i32>} : memref<80x128xf32, #tpu.memory_space<vmem>>, vector<1x16xf32>,
      %swap3A_109 = vector.shape_cast %swap3A_108 : vector<1x16xf32> to vector<16xf32>
      %swap3A_110 = vector.shape_cast %broadcast_in_dim3A_0 : vector<16xf32> to vector<1x16xf32>
      tpu.vector_store %arg8[%swap3A_106, %swap3A_107], %swap3A_110 {strides = array<i32>} : memref<80x128xf32, #tpu.memory_space<vmem>>, vector<1x16xf32>,
      %swap3A_111 = arith.index_cast %scan3A_80 : i32 to index
      %swap3A_112 = arith.constant 96 : index
      %swap3A_113 = tpu.vector_load %arg8[%swap3A_111, %swap3A_112] {strides = array<i32>} : memref<80x128xf32, #tpu.memory_space<vmem>>, vector<1x16xf32>,
      %swap3A_114 = vector.shape_cast %swap3A_113 : vector<1x16xf32> to vector<16xf32>
      %swap3A_115 = vector.shape_cast %broadcast_in_dim3A_0 : vector<16xf32> to vector<1x16xf32>
      tpu.vector_store %arg8[%swap3A_111, %swap3A_112], %swap3A_115 {strides = array<i32>} : memref<80x128xf32, #tpu.memory_space<vmem>>, vector<1x16xf32>,
      %swap3A_116 = arith.index_cast %scan3A_80 : i32 to index
      %swap3A_117 = arith.constant 112 : index
      %swap3A_118 = tpu.vector_load %arg8[%swap3A_116, %swap3A_117] {strides = array<i32>} : memref<80x128xf32, #tpu.memory_space<vmem>>, vector<1x16xf32>,
      %swap3A_119 = vector.shape_cast %swap3A_118 : vector<1x16xf32> to vector<16xf32>
      %swap3A_120 = vector.shape_cast %broadcast_in_dim3A_0 : vector<16xf32> to vector<1x16xf32>
      tpu.vector_store %arg8[%swap3A_116, %swap3A_117], %swap3A_120 {strides = array<i32>} : memref<80x128xf32, #tpu.memory_space<vmem>>, vector<1x16xf32>,
      %scan3A_121 = arith.constant 0 : i32
      scf.yield %scan3A_121 : i32
    }
    %scan3A_6 = arith.constant 80 : i32
    %scan3A_7 = arith.constant 0 : i32
    %scan3A_8 = arith.constant 0 : i32
    %scan3A_9 = arith.constant 8 : i32
    %scan3A_10 = arith.addi %scan3A_8, %scan3A_9 : i32
    %scan3A_11 = arith.constant 1 : i32
    %scan3A_12 = scf.for %scan3A_80 = %scan3A_8 to %scan3A_10 step %scan3A_11 iter_args(%scan3A_81 = %scan3A_7) -> (i32)  : i32 {
      %mul3A_82 = arith.constant 640 : i32
      %mul3A_83 = arith.muli %arg1, %mul3A_82 : i32
      %mul3A_84 = arith.constant 80 : i32
      %mul3A_85 = arith.muli %scan3A_80, %mul3A_84 : i32
      %add3A_86 = arith.addi %mul3A_83, %mul3A_85 : i32
      "tpu.region"() ({
        %run_scoped3A_88 = tpu.sem_alloc : memref<!tpu.dma_semaphore, #tpu.memory_space<semaphore_mem>>
        %dma_start3A_89 = arith.constant 0 : i32
        %dma_start3A_90 = tpu.memref_slice %arg15[%add3A_86, %dma_start3A_89] : memref<10240x128xf32, #tpu.memory_space<vmem_shared>> -> memref<80x128xf32, #tpu.memory_space<vmem_shared>>
        %dma_start3A_91 = arith.constant 0 : i32
        %dma_start3A_92 = tpu.memref_slice %arg15[%add3A_86, %dma_start3A_91] : memref<10240x128xf32, #tpu.memory_space<vmem_shared>> -> memref<80x128xf32, #tpu.memory_space<vmem_shared>>
        tpu.enqueue_dma source(%arg8 : memref<80x128xf32, #tpu.memory_space<vmem>>) target(%dma_start3A_92 : memref<80x128xf32, #tpu.memory_space<vmem_shared>>) target_semaphore(%run_scoped3A_88 : memref<!tpu.dma_semaphore, #tpu.memory_space<semaphore_mem>>)
        %dma_wait3A_93 = arith.constant 0 : i32
        %dma_wait3A_94 = tpu.memref_slice %arg15[%add3A_86, %dma_wait3A_93] : memref<10240x128xf32, #tpu.memory_space<vmem_shared>> -> memref<80x128xf32, #tpu.memory_space<vmem_shared>>
        %dma_wait3A_95 = arith.constant 0 : i32
        %dma_wait3A_96 = tpu.memref_slice %arg15[%add3A_86, %dma_wait3A_95] : memref<10240x128xf32, #tpu.memory_space<vmem_shared>> -> memref<80x128xf32, #tpu.memory_space<vmem_shared>>
        tpu.wait_dma2 semaphore(%run_scoped3A_88 : memref<!tpu.dma_semaphore, #tpu.memory_space<semaphore_mem>>) src(%arg8 : memref<80x128xf32, #tpu.memory_space<vmem>>) dst(%dma_wait3A_96 : memref<80x128xf32, #tpu.memory_space<vmem_shared>>)
        tpu.yield
      }) : () -> ()
      %scan3A_87 = arith.constant 0 : i32
      scf.yield %scan3A_87 : i32
    }
    %scan3A_13 = arith.constant 8 : i32
    %barrier3A = arith.constant 0 : index
    tpu.barrier barrier_id(%barrier3A)
    %mul3A = arith.constant 160000 : i32
    %mul3A_14 = arith.muli %arg0, %mul3A : i32
    %mul3A_15 = arith.constant 10000 : i32
    %mul3A_16 = arith.muli %arg1, %mul3A_15 : i32
    %add3A = arith.addi %mul3A_14, %mul3A_16 : i32
    %scan3A_17 = arith.constant 0 : i32
    %scan3A_18 = arith.constant 0 : i32
    %scan3A_19 = arith.constant 31 : i32
    %scan3A_20 = arith.addi %scan3A_18, %scan3A_19 : i32
    %scan3A_21 = arith.constant 1 : i32
    %scan3A_22 = scf.for %scan3A_80 = %scan3A_18 to %scan3A_20 step %scan3A_21 iter_args(%scan3A_81 = %scan3A_17) -> (i32)  : i32 {
      %rem3A = arith.constant 2 : i32
      %rem3A_82 = arith.remsi %scan3A_80, %rem3A : i32
      %mul3A_83 = arith.constant 4 : i32
      %mul3A_84 = arith.muli %rem3A_82, %mul3A_83 : i32
      %mul3A_85 = arith.constant 4 : i32
      %mul3A_86 = arith.muli %scan3A_80, %mul3A_85 : i32
      %add3A_87 = arith.constant 0 : i32
      %add3A_88 = arith.addi %mul3A_86, %add3A_87 : i32
      %mul3A_89 = arith.constant 80 : i32
      %mul3A_90 = arith.muli %add3A_88, %mul3A_89 : i32
      %add3A_91 = arith.addi %add3A, %mul3A_90 : i32
      %add3A_92 = arith.constant 0 : i32
      %add3A_93 = arith.addi %mul3A_84, %add3A_92 : i32
      %dma_start3A_94 = arith.constant 0 : i32
      %dma_start3A_95 = tpu.memref_slice %arg6[%add3A_93, %dma_start3A_94] : memref<8x80xi32, #tpu.memory_space<vmem>> -> memref<1x80xi32, #tpu.memory_space<vmem>>
      %dma_start3A_96 = tpu.memref_squeeze %dma_start3A_95 : memref<1x80xi32, #tpu.memory_space<vmem>> -> memref<80xi32, #tpu.memory_space<vmem>>
      %dma_start3A_97 = tpu.memref_slice %arg3[%add3A_91] : memref<320000xi32, #tpu.memory_space<hbm>> -> memref<80xi32, #tpu.memory_space<hbm>>
      %dma_start3A_98 = arith.constant 0 : i32
      %dma_start3A_99 = tpu.memref_slice %arg6[%add3A_93, %dma_start3A_98] : memref<8x80xi32, #tpu.memory_space<vmem>> -> memref<1x80xi32, #tpu.memory_space<vmem>>
      %dma_start3A_100 = tpu.memref_squeeze %dma_start3A_99 : memref<1x80xi32, #tpu.memory_space<vmem>> -> memref<80xi32, #tpu.memory_space<vmem>>
      %dma_start3A_101 = tpu.memref_slice %arg3[%add3A_91] : memref<320000xi32, #tpu.memory_space<hbm>> -> memref<80xi32, #tpu.memory_space<hbm>>
      tpu.enqueue_dma source(%dma_start3A_101 : memref<80xi32, #tpu.memory_space<hbm>>) target(%dma_start3A_100 : memref<80xi32, #tpu.memory_space<vmem>>) target_semaphore(%arg12 : memref<!tpu.dma_semaphore, #tpu.memory_space<semaphore_mem>>)
      %add3A_102 = arith.constant 0 : i32
      %add3A_103 = arith.addi %mul3A_84, %add3A_102 : i32
      %dma_start3A_104 = arith.constant 0 : i32
      %dma_start3A_105 = tpu.memref_slice %arg7[%add3A_103, %dma_start3A_104] : memref<8x80xi32, #tpu.memory_space<vmem>> -> memref<1x80xi32, #tpu.memory_space<vmem>>
      %dma_start3A_106 = tpu.memref_squeeze %dma_start3A_105 : memref<1x80xi32, #tpu.memory_space<vmem>> -> memref<80xi32, #tpu.memory_space<vmem>>
      %dma_start3A_107 = tpu.memref_slice %arg4[%add3A_91] : memref<320000xi32, #tpu.memory_space<hbm>> -> memref<80xi32, #tpu.memory_space<hbm>>
      %dma_start3A_108 = arith.constant 0 : i32
      %dma_start3A_109 = tpu.memref_slice %arg7[%add3A_103, %dma_start3A_108] : memref<8x80xi32, #tpu.memory_space<vmem>> -> memref<1x80xi32, #tpu.memory_space<vmem>>
      %dma_start3A_110 = tpu.memref_squeeze %dma_start3A_109 : memref<1x80xi32, #tpu.memory_space<vmem>> -> memref<80xi32, #tpu.memory_space<vmem>>
      %dma_start3A_111 = tpu.memref_slice %arg4[%add3A_91] : memref<320000xi32, #tpu.memory_space<hbm>> -> memref<80xi32, #tpu.memory_space<hbm>>
      tpu.enqueue_dma source(%dma_start3A_111 : memref<80xi32, #tpu.memory_space<hbm>>) target(%dma_start3A_110 : memref<80xi32, #tpu.memory_space<vmem>>) target_semaphore(%arg12 : memref<!tpu.dma_semaphore, #tpu.memory_space<semaphore_mem>>)
      %mul3A_112 = arith.constant 4 : i32
      %mul3A_113 = arith.muli %scan3A_80, %mul3A_112 : i32
      %add3A_114 = arith.constant 1 : i32
      %add3A_115 = arith.addi %mul3A_113, %add3A_114 : i32
      %mul3A_116 = arith.constant 80 : i32
      %mul3A_117 = arith.muli %add3A_115, %mul3A_116 : i32
      %add3A_118 = arith.addi %add3A, %mul3A_117 : i32
      %add3A_119 = arith.constant 1 : i32
      %add3A_120 = arith.addi %mul3A_84, %add3A_119 : i32
      %dma_start3A_121 = arith.constant 0 : i32
      %dma_start3A_122 = tpu.memref_slice %arg6[%add3A_120, %dma_start3A_121] : memref<8x80xi32, #tpu.memory_space<vmem>> -> memref<1x80xi32, #tpu.memory_space<vmem>>
      %dma_start3A_123 = tpu.memref_squeeze %dma_start3A_122 : memref<1x80xi32, #tpu.memory_space<vmem>> -> memref<80xi32, #tpu.memory_space<vmem>>
      %dma_start3A_124 = tpu.memref_slice %arg3[%add3A_118] : memref<320000xi32, #tpu.memory_space<hbm>> -> memref<80xi32, #tpu.memory_space<hbm>>
      %dma_start3A_125 = arith.constant 0 : i32
      %dma_start3A_126 = tpu.memref_slice %arg6[%add3A_120, %dma_start3A_125] : memref<8x80xi32, #tpu.memory_space<vmem>> -> memref<1x80xi32, #tpu.memory_space<vmem>>
      %dma_start3A_127 = tpu.memref_squeeze %dma_start3A_126 : memref<1x80xi32, #tpu.memory_space<vmem>> -> memref<80xi32, #tpu.memory_space<vmem>>
      %dma_start3A_128 = tpu.memref_slice %arg3[%add3A_118] : memref<320000xi32, #tpu.memory_space<hbm>> -> memref<80xi32, #tpu.memory_space<hbm>>
      tpu.enqueue_dma source(%dma_start3A_128 : memref<80xi32, #tpu.memory_space<hbm>>) target(%dma_start3A_127 : memref<80xi32, #tpu.memory_space<vmem>>) target_semaphore(%arg12 : memref<!tpu.dma_semaphore, #tpu.memory_space<semaphore_mem>>)
      %add3A_129 = arith.constant 1 : i32
      %add3A_130 = arith.addi %mul3A_84, %add3A_129 : i32
      %dma_start3A_131 = arith.constant 0 : i32
      %dma_start3A_132 = tpu.memref_slice %arg7[%add3A_130, %dma_start3A_131] : memref<8x80xi32, #tpu.memory_space<vmem>> -> memref<1x80xi32, #tpu.memory_space<vmem>>
      %dma_start3A_133 = tpu.memref_squeeze %dma_start3A_132 : memref<1x80xi32, #tpu.memory_space<vmem>> -> memref<80xi32, #tpu.memory_space<vmem>>
      %dma_start3A_134 = tpu.memref_slice %arg4[%add3A_118] : memref<320000xi32, #tpu.memory_space<hbm>> -> memref<80xi32, #tpu.memory_space<hbm>>
      %dma_start3A_135 = arith.constant 0 : i32
      %dma_start3A_136 = tpu.memref_slice %arg7[%add3A_130, %dma_start3A_135] : memref<8x80xi32, #tpu.memory_space<vmem>> -> memref<1x80xi32, #tpu.memory_space<vmem>>
      %dma_start3A_137 = tpu.memref_squeeze %dma_start3A_136 : memref<1x80xi32, #tpu.memory_space<vmem>> -> memref<80xi32, #tpu.memory_space<vmem>>
      %dma_start3A_138 = tpu.memref_slice %arg4[%add3A_118] : memref<320000xi32, #tpu.memory_space<hbm>> -> memref<80xi32, #tpu.memory_space<hbm>>
      tpu.enqueue_dma source(%dma_start3A_138 : memref<80xi32, #tpu.memory_space<hbm>>) target(%dma_start3A_137 : memref<80xi32, #tpu.memory_space<vmem>>) target_semaphore(%arg12 : memref<!tpu.dma_semaphore, #tpu.memory_space<semaphore_mem>>)
      %mul3A_139 = arith.constant 4 : i32
      %mul3A_140 = arith.muli %scan3A_80, %mul3A_139 : i32
      %add3A_141 = arith.constant 2 : i32
      %add3A_142 = arith.addi %mul3A_140, %add3A_141 : i32
      %mul3A_143 = arith.constant 80 : i32
      %mul3A_144 = arith.muli %add3A_142, %mul3A_143 : i32
      %add3A_145 = arith.addi %add3A, %mul3A_144 : i32
      %add3A_146 = arith.constant 2 : i32
      %add3A_147 = arith.addi %mul3A_84, %add3A_146 : i32
      %dma_start3A_148 = arith.constant 0 : i32
      %dma_start3A_149 = tpu.memref_slice %arg6[%add3A_147, %dma_start3A_148] : memref<8x80xi32, #tpu.memory_space<vmem>> -> memref<1x80xi32, #tpu.memory_space<vmem>>
      %dma_start3A_150 = tpu.memref_squeeze %dma_start3A_149 : memref<1x80xi32, #tpu.memory_space<vmem>> -> memref<80xi32, #tpu.memory_space<vmem>>
      %dma_start3A_151 = tpu.memref_slice %arg3[%add3A_145] : memref<320000xi32, #tpu.memory_space<hbm>> -> memref<80xi32, #tpu.memory_space<hbm>>
      %dma_start3A_152 = arith.constant 0 : i32
      %dma_start3A_153 = tpu.memref_slice %arg6[%add3A_147, %dma_start3A_152] : memref<8x80xi32, #tpu.memory_space<vmem>> -> memref<1x80xi32, #tpu.memory_space<vmem>>
      %dma_start3A_154 = tpu.memref_squeeze %dma_start3A_153 : memref<1x80xi32, #tpu.memory_space<vmem>> -> memref<80xi32, #tpu.memory_space<vmem>>
      %dma_start3A_155 = tpu.memref_slice %arg3[%add3A_145] : memref<320000xi32, #tpu.memory_space<hbm>> -> memref<80xi32, #tpu.memory_space<hbm>>
      tpu.enqueue_dma source(%dma_start3A_155 : memref<80xi32, #tpu.memory_space<hbm>>) target(%dma_start3A_154 : memref<80xi32, #tpu.memory_space<vmem>>) target_semaphore(%arg12 : memref<!tpu.dma_semaphore, #tpu.memory_space<semaphore_mem>>)
      %add3A_156 = arith.constant 2 : i32
      %add3A_157 = arith.addi %mul3A_84, %add3A_156 : i32
      %dma_start3A_158 = arith.constant 0 : i32
      %dma_start3A_159 = tpu.memref_slice %arg7[%add3A_157, %dma_start3A_158] : memref<8x80xi32, #tpu.memory_space<vmem>> -> memref<1x80xi32, #tpu.memory_space<vmem>>
      %dma_start3A_160 = tpu.memref_squeeze %dma_start3A_159 : memref<1x80xi32, #tpu.memory_space<vmem>> -> memref<80xi32, #tpu.memory_space<vmem>>
      %dma_start3A_161 = tpu.memref_slice %arg4[%add3A_145] : memref<320000xi32, #tpu.memory_space<hbm>> -> memref<80xi32, #tpu.memory_space<hbm>>
      %dma_start3A_162 = arith.constant 0 : i32
      %dma_start3A_163 = tpu.memref_slice %arg7[%add3A_157, %dma_start3A_162] : memref<8x80xi32, #tpu.memory_space<vmem>> -> memref<1x80xi32, #tpu.memory_space<vmem>>
      %dma_start3A_164 = tpu.memref_squeeze %dma_start3A_163 : memref<1x80xi32, #tpu.memory_space<vmem>> -> memref<80xi32, #tpu.memory_space<vmem>>
      %dma_start3A_165 = tpu.memref_slice %arg4[%add3A_145] : memref<320000xi32, #tpu.memory_space<hbm>> -> memref<80xi32, #tpu.memory_space<hbm>>
      tpu.enqueue_dma source(%dma_start3A_165 : memref<80xi32, #tpu.memory_space<hbm>>) target(%dma_start3A_164 : memref<80xi32, #tpu.memory_space<vmem>>) target_semaphore(%arg12 : memref<!tpu.dma_semaphore, #tpu.memory_space<semaphore_mem>>)
      %mul3A_166 = arith.constant 4 : i32
      %mul3A_167 = arith.muli %scan3A_80, %mul3A_166 : i32
      %add3A_168 = arith.constant 3 : i32
      %add3A_169 = arith.addi %mul3A_167, %add3A_168 : i32
      %mul3A_170 = arith.constant 80 : i32
      %mul3A_171 = arith.muli %add3A_169, %mul3A_170 : i32
      %add3A_172 = arith.addi %add3A, %mul3A_171 : i32
      %add3A_173 = arith.constant 3 : i32
      %add3A_174 = arith.addi %mul3A_84, %add3A_173 : i32
      %dma_start3A_175 = arith.constant 0 : i32
      %dma_start3A_176 = tpu.memref_slice %arg6[%add3A_174, %dma_start3A_175] : memref<8x80xi32, #tpu.memory_space<vmem>> -> memref<1x80xi32, #tpu.memory_space<vmem>>
      %dma_start3A_177 = tpu.memref_squeeze %dma_start3A_176 : memref<1x80xi32, #tpu.memory_space<vmem>> -> memref<80xi32, #tpu.memory_space<vmem>>
      %dma_start3A_178 = tpu.memref_slice %arg3[%add3A_172] : memref<320000xi32, #tpu.memory_space<hbm>> -> memref<80xi32, #tpu.memory_space<hbm>>
      %dma_start3A_179 = arith.constant 0 : i32
      %dma_start3A_180 = tpu.memref_slice %arg6[%add3A_174, %dma_start3A_179] : memref<8x80xi32, #tpu.memory_space<vmem>> -> memref<1x80xi32, #tpu.memory_space<vmem>>
      %dma_start3A_181 = tpu.memref_squeeze %dma_start3A_180 : memref<1x80xi32, #tpu.memory_space<vmem>> -> memref<80xi32, #tpu.memory_space<vmem>>
      %dma_start3A_182 = tpu.memref_slice %arg3[%add3A_172] : memref<320000xi32, #tpu.memory_space<hbm>> -> memref<80xi32, #tpu.memory_space<hbm>>
      tpu.enqueue_dma source(%dma_start3A_182 : memref<80xi32, #tpu.memory_space<hbm>>) target(%dma_start3A_181 : memref<80xi32, #tpu.memory_space<vmem>>) target_semaphore(%arg12 : memref<!tpu.dma_semaphore, #tpu.memory_space<semaphore_mem>>)
      %add3A_183 = arith.constant 3 : i32
      %add3A_184 = arith.addi %mul3A_84, %add3A_183 : i32
      %dma_start3A_185 = arith.constant 0 : i32
      %dma_start3A_186 = tpu.memref_slice %arg7[%add3A_184, %dma_start3A_185] : memref<8x80xi32, #tpu.memory_space<vmem>> -> memref<1x80xi32, #tpu.memory_space<vmem>>
      %dma_start3A_187 = tpu.memref_squeeze %dma_start3A_186 : memref<1x80xi32, #tpu.memory_space<vmem>> -> memref<80xi32, #tpu.memory_space<vmem>>
      %dma_start3A_188 = tpu.memref_slice %arg4[%add3A_172] : memref<320000xi32, #tpu.memory_space<hbm>> -> memref<80xi32, #tpu.memory_space<hbm>>
      %dma_start3A_189 = arith.constant 0 : i32
      %dma_start3A_190 = tpu.memref_slice %arg7[%add3A_184, %dma_start3A_189] : memref<8x80xi32, #tpu.memory_space<vmem>> -> memref<1x80xi32, #tpu.memory_space<vmem>>
      %dma_start3A_191 = tpu.memref_squeeze %dma_start3A_190 : memref<1x80xi32, #tpu.memory_space<vmem>> -> memref<80xi32, #tpu.memory_space<vmem>>
      %dma_start3A_192 = tpu.memref_slice %arg4[%add3A_172] : memref<320000xi32, #tpu.memory_space<hbm>> -> memref<80xi32, #tpu.memory_space<hbm>>
      tpu.enqueue_dma source(%dma_start3A_192 : memref<80xi32, #tpu.memory_space<hbm>>) target(%dma_start3A_191 : memref<80xi32, #tpu.memory_space<vmem>>) target_semaphore(%arg12 : memref<!tpu.dma_semaphore, #tpu.memory_space<semaphore_mem>>)
      %dma_wait3A_193 = arith.constant 0 : i32
      %dma_wait3A_194 = tpu.memref_slice %arg6[%add3A_93, %dma_wait3A_193] : memref<8x80xi32, #tpu.memory_space<vmem>> -> memref<1x80xi32, #tpu.memory_space<vmem>>
      %dma_wait3A_195 = tpu.memref_squeeze %dma_wait3A_194 : memref<1x80xi32, #tpu.memory_space<vmem>> -> memref<80xi32, #tpu.memory_space<vmem>>
      %dma_wait3A_196 = tpu.memref_slice %arg3[%add3A_91] : memref<320000xi32, #tpu.memory_space<hbm>> -> memref<80xi32, #tpu.memory_space<hbm>>
      %dma_wait3A_197 = arith.constant 0 : i32
      %dma_wait3A_198 = tpu.memref_slice %arg6[%add3A_93, %dma_wait3A_197] : memref<8x80xi32, #tpu.memory_space<vmem>> -> memref<1x80xi32, #tpu.memory_space<vmem>>
      %dma_wait3A_199 = tpu.memref_squeeze %dma_wait3A_198 : memref<1x80xi32, #tpu.memory_space<vmem>> -> memref<80xi32, #tpu.memory_space<vmem>>
      %dma_wait3A_200 = tpu.memref_slice %arg3[%add3A_91] : memref<320000xi32, #tpu.memory_space<hbm>> -> memref<80xi32, #tpu.memory_space<hbm>>
      tpu.wait_dma2 semaphore(%arg12 : memref<!tpu.dma_semaphore, #tpu.memory_space<semaphore_mem>>) src(%dma_wait3A_200 : memref<80xi32, #tpu.memory_space<hbm>>) dst(%dma_wait3A_199 : memref<80xi32, #tpu.memory_space<vmem>>)
      %dma_wait3A_201 = arith.constant 0 : i32
      %dma_wait3A_202 = tpu.memref_slice %arg7[%add3A_103, %dma_wait3A_201] : memref<8x80xi32, #tpu.memory_space<vmem>> -> memref<1x80xi32, #tpu.memory_space<vmem>>
      %dma_wait3A_203 = tpu.memref_squeeze %dma_wait3A_202 : memref<1x80xi32, #tpu.memory_space<vmem>> -> memref<80xi32, #tpu.memory_space<vmem>>
      %dma_wait3A_204 = tpu.memref_slice %arg4[%add3A_91] : memref<320000xi32, #tpu.memory_space<hbm>> -> memref<80xi32, #tpu.memory_space<hbm>>
      %dma_wait3A_205 = arith.constant 0 : i32
      %dma_wait3A_206 = tpu.memref_slice %arg7[%add3A_103, %dma_wait3A_205] : memref<8x80xi32, #tpu.memory_space<vmem>> -> memref<1x80xi32, #tpu.memory_space<vmem>>
      %dma_wait3A_207 = tpu.memref_squeeze %dma_wait3A_206 : memref<1x80xi32, #tpu.memory_space<vmem>> -> memref<80xi32, #tpu.memory_space<vmem>>
      %dma_wait3A_208 = tpu.memref_slice %arg4[%add3A_91] : memref<320000xi32, #tpu.memory_space<hbm>> -> memref<80xi32, #tpu.memory_space<hbm>>
      tpu.wait_dma2 semaphore(%arg12 : memref<!tpu.dma_semaphore, #tpu.memory_space<semaphore_mem>>) src(%dma_wait3A_208 : memref<80xi32, #tpu.memory_space<hbm>>) dst(%dma_wait3A_207 : memref<80xi32, #tpu.memory_space<vmem>>)
      %dma_wait3A_209 = arith.constant 0 : i32
      %dma_wait3A_210 = tpu.memref_slice %arg6[%add3A_120, %dma_wait3A_209] : memref<8x80xi32, #tpu.memory_space<vmem>> -> memref<1x80xi32, #tpu.memory_space<vmem>>
      %dma_wait3A_211 = tpu.memref_squeeze %dma_wait3A_210 : memref<1x80xi32, #tpu.memory_space<vmem>> -> memref<80xi32, #tpu.memory_space<vmem>>
      %dma_wait3A_212 = tpu.memref_slice %arg3[%add3A_118] : memref<320000xi32, #tpu.memory_space<hbm>> -> memref<80xi32, #tpu.memory_space<hbm>>
      %dma_wait3A_213 = arith.constant 0 : i32
      %dma_wait3A_214 = tpu.memref_slice %arg6[%add3A_120, %dma_wait3A_213] : memref<8x80xi32, #tpu.memory_space<vmem>> -> memref<1x80xi32, #tpu.memory_space<vmem>>
      %dma_wait3A_215 = tpu.memref_squeeze %dma_wait3A_214 : memref<1x80xi32, #tpu.memory_space<vmem>> -> memref<80xi32, #tpu.memory_space<vmem>>
      %dma_wait3A_216 = tpu.memref_slice %arg3[%add3A_118] : memref<320000xi32, #tpu.memory_space<hbm>> -> memref<80xi32, #tpu.memory_space<hbm>>
      tpu.wait_dma2 semaphore(%arg12 : memref<!tpu.dma_semaphore, #tpu.memory_space<semaphore_mem>>) src(%dma_wait3A_216 : memref<80xi32, #tpu.memory_space<hbm>>) dst(%dma_wait3A_215 : memref<80xi32, #tpu.memory_space<vmem>>)
      %dma_wait3A_217 = arith.constant 0 : i32
      %dma_wait3A_218 = tpu.memref_slice %arg7[%add3A_130, %dma_wait3A_217] : memref<8x80xi32, #tpu.memory_space<vmem>> -> memref<1x80xi32, #tpu.memory_space<vmem>>
      %dma_wait3A_219 = tpu.memref_squeeze %dma_wait3A_218 : memref<1x80xi32, #tpu.memory_space<vmem>> -> memref<80xi32, #tpu.memory_space<vmem>>
      %dma_wait3A_220 = tpu.memref_slice %arg4[%add3A_118] : memref<320000xi32, #tpu.memory_space<hbm>> -> memref<80xi32, #tpu.memory_space<hbm>>
      %dma_wait3A_221 = arith.constant 0 : i32
      %dma_wait3A_222 = tpu.memref_slice %arg7[%add3A_130, %dma_wait3A_221] : memref<8x80xi32, #tpu.memory_space<vmem>> -> memref<1x80xi32, #tpu.memory_space<vmem>>
      %dma_wait3A_223 = tpu.memref_squeeze %dma_wait3A_222 : memref<1x80xi32, #tpu.memory_space<vmem>> -> memref<80xi32, #tpu.memory_space<vmem>>
      %dma_wait3A_224 = tpu.memref_slice %arg4[%add3A_118] : memref<320000xi32, #tpu.memory_space<hbm>> -> memref<80xi32, #tpu.memory_space<hbm>>
      tpu.wait_dma2 semaphore(%arg12 : memref<!tpu.dma_semaphore, #tpu.memory_space<semaphore_mem>>) src(%dma_wait3A_224 : memref<80xi32, #tpu.memory_space<hbm>>) dst(%dma_wait3A_223 : memref<80xi32, #tpu.memory_space<vmem>>)
      %dma_wait3A_225 = arith.constant 0 : i32
      %dma_wait3A_226 = tpu.memref_slice %arg6[%add3A_147, %dma_wait3A_225] : memref<8x80xi32, #tpu.memory_space<vmem>> -> memref<1x80xi32, #tpu.memory_space<vmem>>
      %dma_wait3A_227 = tpu.memref_squeeze %dma_wait3A_226 : memref<1x80xi32, #tpu.memory_space<vmem>> -> memref<80xi32, #tpu.memory_space<vmem>>
      %dma_wait3A_228 = tpu.memref_slice %arg3[%add3A_145] : memref<320000xi32, #tpu.memory_space<hbm>> -> memref<80xi32, #tpu.memory_space<hbm>>
      %dma_wait3A_229 = arith.constant 0 : i32
      %dma_wait3A_230 = tpu.memref_slice %arg6[%add3A_147, %dma_wait3A_229] : memref<8x80xi32, #tpu.memory_space<vmem>> -> memref<1x80xi32, #tpu.memory_space<vmem>>
      %dma_wait3A_231 = tpu.memref_squeeze %dma_wait3A_230 : memref<1x80xi32, #tpu.memory_space<vmem>> -> memref<80xi32, #tpu.memory_space<vmem>>
      %dma_wait3A_232 = tpu.memref_slice %arg3[%add3A_145] : memref<320000xi32, #tpu.memory_space<hbm>> -> memref<80xi32, #tpu.memory_space<hbm>>
      tpu.wait_dma2 semaphore(%arg12 : memref<!tpu.dma_semaphore, #tpu.memory_space<semaphore_mem>>) src(%dma_wait3A_232 : memref<80xi32, #tpu.memory_space<hbm>>) dst(%dma_wait3A_231 : memref<80xi32, #tpu.memory_space<vmem>>)
      %dma_wait3A_233 = arith.constant 0 : i32
      %dma_wait3A_234 = tpu.memref_slice %arg7[%add3A_157, %dma_wait3A_233] : memref<8x80xi32, #tpu.memory_space<vmem>> -> memref<1x80xi32, #tpu.memory_space<vmem>>
      %dma_wait3A_235 = tpu.memref_squeeze %dma_wait3A_234 : memref<1x80xi32, #tpu.memory_space<vmem>> -> memref<80xi32, #tpu.memory_space<vmem>>
      %dma_wait3A_236 = tpu.memref_slice %arg4[%add3A_145] : memref<320000xi32, #tpu.memory_space<hbm>> -> memref<80xi32, #tpu.memory_space<hbm>>
      %dma_wait3A_237 = arith.constant 0 : i32
      %dma_wait3A_238 = tpu.memref_slice %arg7[%add3A_157, %dma_wait3A_237] : memref<8x80xi32, #tpu.memory_space<vmem>> -> memref<1x80xi32, #tpu.memory_space<vmem>>
      %dma_wait3A_239 = tpu.memref_squeeze %dma_wait3A_238 : memref<1x80xi32, #tpu.memory_space<vmem>> -> memref<80xi32, #tpu.memory_space<vmem>>
      %dma_wait3A_240 = tpu.memref_slice %arg4[%add3A_145] : memref<320000xi32, #tpu.memory_space<hbm>> -> memref<80xi32, #tpu.memory_space<hbm>>
      tpu.wait_dma2 semaphore(%arg12 : memref<!tpu.dma_semaphore, #tpu.memory_space<semaphore_mem>>) src(%dma_wait3A_240 : memref<80xi32, #tpu.memory_space<hbm>>) dst(%dma_wait3A_239 : memref<80xi32, #tpu.memory_space<vmem>>)
      %dma_wait3A_241 = arith.constant 0 : i32
      %dma_wait3A_242 = tpu.memref_slice %arg6[%add3A_174, %dma_wait3A_241] : memref<8x80xi32, #tpu.memory_space<vmem>> -> memref<1x80xi32, #tpu.memory_space<vmem>>
      %dma_wait3A_243 = tpu.memref_squeeze %dma_wait3A_242 : memref<1x80xi32, #tpu.memory_space<vmem>> -> memref<80xi32, #tpu.memory_space<vmem>>
      %dma_wait3A_244 = tpu.memref_slice %arg3[%add3A_172] : memref<320000xi32, #tpu.memory_space<hbm>> -> memref<80xi32, #tpu.memory_space<hbm>>
      %dma_wait3A_245 = arith.constant 0 : i32
      %dma_wait3A_246 = tpu.memref_slice %arg6[%add3A_174, %dma_wait3A_245] : memref<8x80xi32, #tpu.memory_space<vmem>> -> memref<1x80xi32, #tpu.memory_space<vmem>>
      %dma_wait3A_247 = tpu.memref_squeeze %dma_wait3A_246 : memref<1x80xi32, #tpu.memory_space<vmem>> -> memref<80xi32, #tpu.memory_space<vmem>>
      %dma_wait3A_248 = tpu.memref_slice %arg3[%add3A_172] : memref<320000xi32, #tpu.memory_space<hbm>> -> memref<80xi32, #tpu.memory_space<hbm>>
      tpu.wait_dma2 semaphore(%arg12 : memref<!tpu.dma_semaphore, #tpu.memory_space<semaphore_mem>>) src(%dma_wait3A_248 : memref<80xi32, #tpu.memory_space<hbm>>) dst(%dma_wait3A_247 : memref<80xi32, #tpu.memory_space<vmem>>)
      %dma_wait3A_249 = arith.constant 0 : i32
      %dma_wait3A_250 = tpu.memref_slice %arg7[%add3A_184, %dma_wait3A_249] : memref<8x80xi32, #tpu.memory_space<vmem>> -> memref<1x80xi32, #tpu.memory_space<vmem>>
      %dma_wait3A_251 = tpu.memref_squeeze %dma_wait3A_250 : memref<1x80xi32, #tpu.memory_space<vmem>> -> memref<80xi32, #tpu.memory_space<vmem>>
      %dma_wait3A_252 = tpu.memref_slice %arg4[%add3A_172] : memref<320000xi32, #tpu.memory_space<hbm>> -> memref<80xi32, #tpu.memory_space<hbm>>
      %dma_wait3A_253 = arith.constant 0 : i32
      %dma_wait3A_254 = tpu.memref_slice %arg7[%add3A_184, %dma_wait3A_253] : memref<8x80xi32, #tpu.memory_space<vmem>> -> memref<1x80xi32, #tpu.memory_space<vmem>>
      %dma_wait3A_255 = tpu.memref_squeeze %dma_wait3A_254 : memref<1x80xi32, #tpu.memory_space<vmem>> -> memref<80xi32, #tpu.memory_space<vmem>>
      %dma_wait3A_256 = tpu.memref_slice %arg4[%add3A_172] : memref<320000xi32, #tpu.memory_space<hbm>> -> memref<80xi32, #tpu.memory_space<hbm>>
      tpu.wait_dma2 semaphore(%arg12 : memref<!tpu.dma_semaphore, #tpu.memory_space<semaphore_mem>>) src(%dma_wait3A_256 : memref<80xi32, #tpu.memory_space<hbm>>) dst(%dma_wait3A_255 : memref<80xi32, #tpu.memory_space<vmem>>)
      %gt3A = arith.constant 0 : i32
      %gt3A_257 = arith.cmpi sgt, %scan3A_80, %gt3A : i32
      %convert_element_type3A = arith.extui %gt3A_257 : i1 to i32
      %cond3A = arith.constant 0 : i32
      %cond3A_258 = arith.cmpi ne, %convert_element_type3A, %cond3A : i32
      scf.if %cond3A_258 {
        %dma_wait3A_363 = arith.constant 0 : i32
        %dma_wait3A_364 = arith.constant 0 : i32
        %dma_wait3A_365 = tpu.memref_slice %arg2[%dma_wait3A_363, %dma_wait3A_364] : memref<10240x128xf32, #tpu.memory_space<hbm>> -> memref<80x128xf32, #tpu.memory_space<hbm>>
        %dma_wait3A_366 = arith.constant 0 : i32
        %dma_wait3A_367 = arith.constant 0 : i32
        %dma_wait3A_368 = tpu.memref_slice %arg2[%dma_wait3A_366, %dma_wait3A_367] : memref<10240x128xf32, #tpu.memory_space<hbm>> -> memref<80x128xf32, #tpu.memory_space<hbm>>
        tpu.wait_dma2 semaphore(%arg14 : memref<!tpu.dma_semaphore, #tpu.memory_space<semaphore_mem>>) src(%dma_wait3A_368 : memref<80x128xf32, #tpu.memory_space<hbm>>) dst(%arg8 : memref<80x128xf32, #tpu.memory_space<vmem>>)
      } else {
      }
      %add3A_259 = arith.constant 0 : i32
      %add3A_260 = arith.addi %mul3A_84, %add3A_259 : i32
      %dma_start3A_261 = arith.constant 0 : i32
      %dma_start3A_262 = tpu.memref_slice %arg6[%add3A_260, %dma_start3A_261] : memref<8x80xi32, #tpu.memory_space<vmem>> -> memref<1x80xi32, #tpu.memory_space<vmem>>
      %dma_start3A_263 = tpu.memref_squeeze %dma_start3A_262 : memref<1x80xi32, #tpu.memory_space<vmem>> -> memref<80xi32, #tpu.memory_space<vmem>>
      %dma_start3A_264 = arith.constant 0 : i32
      %dma_start3A_265 = arith.constant 0 : i32
      %dma_start3A_266 = tpu.memref_slice %arg2[%dma_start3A_264, %dma_start3A_265] : memref<10240x128xf32, #tpu.memory_space<hbm>> -> memref<10240x128xf32, #tpu.memory_space<hbm>>
      tpu.enqueue_indirect_dma source(%dma_start3A_266 : memref<10240x128xf32, #tpu.memory_space<hbm>>) target(%arg8 : memref<80x128xf32, #tpu.memory_space<vmem>>) offsets(%dma_start3A_263 : memref<80xi32, #tpu.memory_space<vmem>>) semaphore(%arg13 : memref<!tpu.dma_semaphore, #tpu.memory_space<semaphore_mem>>)
      %gt3A_267 = arith.constant 0 : i32
      %gt3A_268 = arith.cmpi sgt, %scan3A_80, %gt3A_267 : i32
      %convert_element_type3A_269 = arith.extui %gt3A_268 : i1 to i32
      %cond3A_270 = arith.constant 0 : i32
      %cond3A_271 = arith.cmpi ne, %convert_element_type3A_269, %cond3A_270 : i32
      scf.if %cond3A_271 {
        %dma_wait3A_363 = arith.constant 0 : i32
        %dma_wait3A_364 = arith.constant 0 : i32
        %dma_wait3A_365 = tpu.memref_slice %arg2[%dma_wait3A_363, %dma_wait3A_364] : memref<10240x128xf32, #tpu.memory_space<hbm>> -> memref<80x128xf32, #tpu.memory_space<hbm>>
        %dma_wait3A_366 = arith.constant 0 : i32
        %dma_wait3A_367 = arith.constant 0 : i32
        %dma_wait3A_368 = tpu.memref_slice %arg2[%dma_wait3A_366, %dma_wait3A_367] : memref<10240x128xf32, #tpu.memory_space<hbm>> -> memref<80x128xf32, #tpu.memory_space<hbm>>
        tpu.wait_dma2 semaphore(%arg14 : memref<!tpu.dma_semaphore, #tpu.memory_space<semaphore_mem>>) src(%dma_wait3A_368 : memref<80x128xf32, #tpu.memory_space<hbm>>) dst(%arg9 : memref<80x128xf32, #tpu.memory_space<vmem>>)
      } else {
      }
      %add3A_272 = arith.constant 1 : i32
      %add3A_273 = arith.addi %mul3A_84, %add3A_272 : i32
      %dma_start3A_274 = arith.constant 0 : i32
      %dma_start3A_275 = tpu.memref_slice %arg6[%add3A_273, %dma_start3A_274] : memref<8x80xi32, #tpu.memory_space<vmem>> -> memref<1x80xi32, #tpu.memory_space<vmem>>
      %dma_start3A_276 = tpu.memref_squeeze %dma_start3A_275 : memref<1x80xi32, #tpu.memory_space<vmem>> -> memref<80xi32, #tpu.memory_space<vmem>>
      %dma_start3A_277 = arith.constant 0 : i32
      %dma_start3A_278 = arith.constant 0 : i32
      %dma_start3A_279 = tpu.memref_slice %arg2[%dma_start3A_277, %dma_start3A_278] : memref<10240x128xf32, #tpu.memory_space<hbm>> -> memref<10240x128xf32, #tpu.memory_space<hbm>>
      tpu.enqueue_indirect_dma source(%dma_start3A_279 : memref<10240x128xf32, #tpu.memory_space<hbm>>) target(%arg9 : memref<80x128xf32, #tpu.memory_space<vmem>>) offsets(%dma_start3A_276 : memref<80xi32, #tpu.memory_space<vmem>>) semaphore(%arg13 : memref<!tpu.dma_semaphore, #tpu.memory_space<semaphore_mem>>)
      %gt3A_280 = arith.constant 0 : i32
      %gt3A_281 = arith.cmpi sgt, %scan3A_80, %gt3A_280 : i32
      %convert_element_type3A_282 = arith.extui %gt3A_281 : i1 to i32
      %cond3A_283 = arith.constant 0 : i32
      %cond3A_284 = arith.cmpi ne, %convert_element_type3A_282, %cond3A_283 : i32
      scf.if %cond3A_284 {
        %dma_wait3A_363 = arith.constant 0 : i32
        %dma_wait3A_364 = arith.constant 0 : i32
        %dma_wait3A_365 = tpu.memref_slice %arg2[%dma_wait3A_363, %dma_wait3A_364] : memref<10240x128xf32, #tpu.memory_space<hbm>> -> memref<80x128xf32, #tpu.memory_space<hbm>>
        %dma_wait3A_366 = arith.constant 0 : i32
        %dma_wait3A_367 = arith.constant 0 : i32
        %dma_wait3A_368 = tpu.memref_slice %arg2[%dma_wait3A_366, %dma_wait3A_367] : memref<10240x128xf32, #tpu.memory_space<hbm>> -> memref<80x128xf32, #tpu.memory_space<hbm>>
        tpu.wait_dma2 semaphore(%arg14 : memref<!tpu.dma_semaphore, #tpu.memory_space<semaphore_mem>>) src(%dma_wait3A_368 : memref<80x128xf32, #tpu.memory_space<hbm>>) dst(%arg10 : memref<80x128xf32, #tpu.memory_space<vmem>>)
      } else {
      }
      %add3A_285 = arith.constant 2 : i32
      %add3A_286 = arith.addi %mul3A_84, %add3A_285 : i32
      %dma_start3A_287 = arith.constant 0 : i32
      %dma_start3A_288 = tpu.memref_slice %arg6[%add3A_286, %dma_start3A_287] : memref<8x80xi32, #tpu.memory_space<vmem>> -> memref<1x80xi32, #tpu.memory_space<vmem>>
      %dma_start3A_289 = tpu.memref_squeeze %dma_start3A_288 : memref<1x80xi32, #tpu.memory_space<vmem>> -> memref<80xi32, #tpu.memory_space<vmem>>
      %dma_start3A_290 = arith.constant 0 : i32
      %dma_start3A_291 = arith.constant 0 : i32
      %dma_start3A_292 = tpu.memref_slice %arg2[%dma_start3A_290, %dma_start3A_291] : memref<10240x128xf32, #tpu.memory_space<hbm>> -> memref<10240x128xf32, #tpu.memory_space<hbm>>
      tpu.enqueue_indirect_dma source(%dma_start3A_292 : memref<10240x128xf32, #tpu.memory_space<hbm>>) target(%arg10 : memref<80x128xf32, #tpu.memory_space<vmem>>) offsets(%dma_start3A_289 : memref<80xi32, #tpu.memory_space<vmem>>) semaphore(%arg13 : memref<!tpu.dma_semaphore, #tpu.memory_space<semaphore_mem>>)
      %gt3A_293 = arith.constant 0 : i32
      %gt3A_294 = arith.cmpi sgt, %scan3A_80, %gt3A_293 : i32
      %convert_element_type3A_295 = arith.extui %gt3A_294 : i1 to i32
      %cond3A_296 = arith.constant 0 : i32
      %cond3A_297 = arith.cmpi ne, %convert_element_type3A_295, %cond3A_296 : i32
      scf.if %cond3A_297 {
        %dma_wait3A_363 = arith.constant 0 : i32
        %dma_wait3A_364 = arith.constant 0 : i32
        %dma_wait3A_365 = tpu.memref_slice %arg2[%dma_wait3A_363, %dma_wait3A_364] : memref<10240x128xf32, #tpu.memory_space<hbm>> -> memref<80x128xf32, #tpu.memory_space<hbm>>
        %dma_wait3A_366 = arith.constant 0 : i32
        %dma_wait3A_367 = arith.constant 0 : i32
        %dma_wait3A_368 = tpu.memref_slice %arg2[%dma_wait3A_366, %dma_wait3A_367] : memref<10240x128xf32, #tpu.memory_space<hbm>> -> memref<80x128xf32, #tpu.memory_space<hbm>>
        tpu.wait_dma2 semaphore(%arg14 : memref<!tpu.dma_semaphore, #tpu.memory_space<semaphore_mem>>) src(%dma_wait3A_368 : memref<80x128xf32, #tpu.memory_space<hbm>>) dst(%arg11 : memref<80x128xf32, #tpu.memory_space<vmem>>)
      } else {
      }
      %add3A_298 = arith.constant 3 : i32
      %add3A_299 = arith.addi %mul3A_84, %add3A_298 : i32
      %dma_start3A_300 = arith.constant 0 : i32
      %dma_start3A_301 = tpu.memref_slice %arg6[%add3A_299, %dma_start3A_300] : memref<8x80xi32, #tpu.memory_space<vmem>> -> memref<1x80xi32, #tpu.memory_space<vmem>>
      %dma_start3A_302 = tpu.memref_squeeze %dma_start3A_301 : memref<1x80xi32, #tpu.memory_space<vmem>> -> memref<80xi32, #tpu.memory_space<vmem>>
      %dma_start3A_303 = arith.constant 0 : i32
      %dma_start3A_304 = arith.constant 0 : i32
      %dma_start3A_305 = tpu.memref_slice %arg2[%dma_start3A_303, %dma_start3A_304] : memref<10240x128xf32, #tpu.memory_space<hbm>> -> memref<10240x128xf32, #tpu.memory_space<hbm>>
      tpu.enqueue_indirect_dma source(%dma_start3A_305 : memref<10240x128xf32, #tpu.memory_space<hbm>>) target(%arg11 : memref<80x128xf32, #tpu.memory_space<vmem>>) offsets(%dma_start3A_302 : memref<80xi32, #tpu.memory_space<vmem>>) semaphore(%arg13 : memref<!tpu.dma_semaphore, #tpu.memory_space<semaphore_mem>>)
      %dma_wait3A_306 = arith.constant 0 : i32
      %dma_wait3A_307 = tpu.memref_slice %arg6[%add3A_260, %dma_wait3A_306] : memref<8x80xi32, #tpu.memory_space<vmem>> -> memref<1x80xi32, #tpu.memory_space<vmem>>
      %dma_wait3A_308 = tpu.memref_squeeze %dma_wait3A_307 : memref<1x80xi32, #tpu.memory_space<vmem>> -> memref<80xi32, #tpu.memory_space<vmem>>
      %dma_wait3A_309 = arith.constant 0 : i32
      %dma_wait3A_310 = arith.constant 0 : i32
      %dma_wait3A_311 = tpu.memref_slice %arg2[%dma_wait3A_309, %dma_wait3A_310] : memref<10240x128xf32, #tpu.memory_space<hbm>> -> memref<10240x128xf32, #tpu.memory_space<hbm>>
      tpu.wait_indirect_dma semaphore(%arg13 : memref<!tpu.dma_semaphore, #tpu.memory_space<semaphore_mem>>) src(%dma_wait3A_311 : memref<10240x128xf32, #tpu.memory_space<hbm>>) dst(%arg8 : memref<80x128xf32, #tpu.memory_space<vmem>>)
      %add3A_312 = arith.constant 0 : i32
      %add3A_313 = arith.addi %mul3A_84, %add3A_312 : i32
      %dma_start3A_314 = arith.constant 0 : i32
      %dma_start3A_315 = tpu.memref_slice %arg7[%add3A_313, %dma_start3A_314] : memref<8x80xi32, #tpu.memory_space<vmem>> -> memref<1x80xi32, #tpu.memory_space<vmem>>
      %dma_start3A_316 = tpu.memref_squeeze %dma_start3A_315 : memref<1x80xi32, #tpu.memory_space<vmem>> -> memref<80xi32, #tpu.memory_space<vmem>>
      %dma_start3A_317 = arith.constant 0 : i32
      %dma_start3A_318 = arith.constant 0 : i32
      %dma_start3A_319 = tpu.memref_slice %arg15[%dma_start3A_317, %dma_start3A_318] : memref<10240x128xf32, #tpu.memory_space<vmem_shared>> -> memref<10240x128xf32, #tpu.memory_space<vmem_shared>>
      tpu.enqueue_indirect_dma source(%arg8 : memref<80x128xf32, #tpu.memory_space<vmem>>) target(%dma_start3A_319 : memref<10240x128xf32, #tpu.memory_space<vmem_shared>>) offsets(%dma_start3A_316 : memref<80xi32, #tpu.memory_space<vmem>>) semaphore(%arg14 : memref<!tpu.dma_semaphore, #tpu.memory_space<semaphore_mem>>) {add = true}
      %dma_wait3A_320 = arith.constant 0 : i32
      %dma_wait3A_321 = tpu.memref_slice %arg6[%add3A_273, %dma_wait3A_320] : memref<8x80xi32, #tpu.memory_space<vmem>> -> memref<1x80xi32, #tpu.memory_space<vmem>>
      %dma_wait3A_322 = tpu.memref_squeeze %dma_wait3A_321 : memref<1x80xi32, #tpu.memory_space<vmem>> -> memref<80xi32, #tpu.memory_space<vmem>>
      %dma_wait3A_323 = arith.constant 0 : i32
      %dma_wait3A_324 = arith.constant 0 : i32
      %dma_wait3A_325 = tpu.memref_slice %arg2[%dma_wait3A_323, %dma_wait3A_324] : memref<10240x128xf32, #tpu.memory_space<hbm>> -> memref<10240x128xf32, #tpu.memory_space<hbm>>
      tpu.wait_indirect_dma semaphore(%arg13 : memref<!tpu.dma_semaphore, #tpu.memory_space<semaphore_mem>>) src(%dma_wait3A_325 : memref<10240x128xf32, #tpu.memory_space<hbm>>) dst(%arg9 : memref<80x128xf32, #tpu.memory_space<vmem>>)
      %add3A_326 = arith.constant 1 : i32
      %add3A_327 = arith.addi %mul3A_84, %add3A_326 : i32
      %dma_start3A_328 = arith.constant 0 : i32
      %dma_start3A_329 = tpu.memref_slice %arg7[%add3A_327, %dma_start3A_328] : memref<8x80xi32, #tpu.memory_space<vmem>> -> memref<1x80xi32, #tpu.memory_space<vmem>>
      %dma_start3A_330 = tpu.memref_squeeze %dma_start3A_329 : memref<1x80xi32, #tpu.memory_space<vmem>> -> memref<80xi32, #tpu.memory_space<vmem>>
      %dma_start3A_331 = arith.constant 0 : i32
      %dma_start3A_332 = arith.constant 0 : i32
      %dma_start3A_333 = tpu.memref_slice %arg15[%dma_start3A_331, %dma_start3A_332] : memref<10240x128xf32, #tpu.memory_space<vmem_shared>> -> memref<10240x128xf32, #tpu.memory_space<vmem_shared>>
      tpu.enqueue_indirect_dma source(%arg9 : memref<80x128xf32, #tpu.memory_space<vmem>>) target(%dma_start3A_333 : memref<10240x128xf32, #tpu.memory_space<vmem_shared>>) offsets(%dma_start3A_330 : memref<80xi32, #tpu.memory_space<vmem>>) semaphore(%arg14 : memref<!tpu.dma_semaphore, #tpu.memory_space<semaphore_mem>>) {add = true}
      %dma_wait3A_334 = arith.constant 0 : i32
      %dma_wait3A_335 = tpu.memref_slice %arg6[%add3A_286, %dma_wait3A_334] : memref<8x80xi32, #tpu.memory_space<vmem>> -> memref<1x80xi32, #tpu.memory_space<vmem>>
      %dma_wait3A_336 = tpu.memref_squeeze %dma_wait3A_335 : memref<1x80xi32, #tpu.memory_space<vmem>> -> memref<80xi32, #tpu.memory_space<vmem>>
      %dma_wait3A_337 = arith.constant 0 : i32
      %dma_wait3A_338 = arith.constant 0 : i32
      %dma_wait3A_339 = tpu.memref_slice %arg2[%dma_wait3A_337, %dma_wait3A_338] : memref<10240x128xf32, #tpu.memory_space<hbm>> -> memref<10240x128xf32, #tpu.memory_space<hbm>>
      tpu.wait_indirect_dma semaphore(%arg13 : memref<!tpu.dma_semaphore, #tpu.memory_space<semaphore_mem>>) src(%dma_wait3A_339 : memref<10240x128xf32, #tpu.memory_space<hbm>>) dst(%arg10 : memref<80x128xf32, #tpu.memory_space<vmem>>)
      %add3A_340 = arith.constant 2 : i32
      %add3A_341 = arith.addi %mul3A_84, %add3A_340 : i32
      %dma_start3A_342 = arith.constant 0 : i32
      %dma_start3A_343 = tpu.memref_slice %arg7[%add3A_341, %dma_start3A_342] : memref<8x80xi32, #tpu.memory_space<vmem>> -> memref<1x80xi32, #tpu.memory_space<vmem>>
      %dma_start3A_344 = tpu.memref_squeeze %dma_start3A_343 : memref<1x80xi32, #tpu.memory_space<vmem>> -> memref<80xi32, #tpu.memory_space<vmem>>
      %dma_start3A_345 = arith.constant 0 : i32
      %dma_start3A_346 = arith.constant 0 : i32
      %dma_start3A_347 = tpu.memref_slice %arg15[%dma_start3A_345, %dma_start3A_346] : memref<10240x128xf32, #tpu.memory_space<vmem_shared>> -> memref<10240x128xf32, #tpu.memory_space<vmem_shared>>
      tpu.enqueue_indirect_dma source(%arg10 : memref<80x128xf32, #tpu.memory_space<vmem>>) target(%dma_start3A_347 : memref<10240x128xf32, #tpu.memory_space<vmem_shared>>) offsets(%dma_start3A_344 : memref<80xi32, #tpu.memory_space<vmem>>) semaphore(%arg14 : memref<!tpu.dma_semaphore, #tpu.memory_space<semaphore_mem>>) {add = true}
      %dma_wait3A_348 = arith.constant 0 : i32
      %dma_wait3A_349 = tpu.memref_slice %arg6[%add3A_299, %dma_wait3A_348] : memref<8x80xi32, #tpu.memory_space<vmem>> -> memref<1x80xi32, #tpu.memory_space<vmem>>
      %dma_wait3A_350 = tpu.memref_squeeze %dma_wait3A_349 : memref<1x80xi32, #tpu.memory_space<vmem>> -> memref<80xi32, #tpu.memory_space<vmem>>
      %dma_wait3A_351 = arith.constant 0 : i32
      %dma_wait3A_352 = arith.constant 0 : i32
      %dma_wait3A_353 = tpu.memref_slice %arg2[%dma_wait3A_351, %dma_wait3A_352] : memref<10240x128xf32, #tpu.memory_space<hbm>> -> memref<10240x128xf32, #tpu.memory_space<hbm>>
      tpu.wait_indirect_dma semaphore(%arg13 : memref<!tpu.dma_semaphore, #tpu.memory_space<semaphore_mem>>) src(%dma_wait3A_353 : memref<10240x128xf32, #tpu.memory_space<hbm>>) dst(%arg11 : memref<80x128xf32, #tpu.memory_space<vmem>>)
      %add3A_354 = arith.constant 3 : i32
      %add3A_355 = arith.addi %mul3A_84, %add3A_354 : i32
      %dma_start3A_356 = arith.constant 0 : i32
      %dma_start3A_357 = tpu.memref_slice %arg7[%add3A_355, %dma_start3A_356] : memref<8x80xi32, #tpu.memory_space<vmem>> -> memref<1x80xi32, #tpu.memory_space<vmem>>
      %dma_start3A_358 = tpu.memref_squeeze %dma_start3A_357 : memref<1x80xi32, #tpu.memory_space<vmem>> -> memref<80xi32, #tpu.memory_space<vmem>>
      %dma_start3A_359 = arith.constant 0 : i32
      %dma_start3A_360 = arith.constant 0 : i32
      %dma_start3A_361 = tpu.memref_slice %arg15[%dma_start3A_359, %dma_start3A_360] : memref<10240x128xf32, #tpu.memory_space<vmem_shared>> -> memref<10240x128xf32, #tpu.memory_space<vmem_shared>>
      tpu.enqueue_indirect_dma source(%arg11 : memref<80x128xf32, #tpu.memory_space<vmem>>) target(%dma_start3A_361 : memref<10240x128xf32, #tpu.memory_space<vmem_shared>>) offsets(%dma_start3A_358 : memref<80xi32, #tpu.memory_space<vmem>>) semaphore(%arg14 : memref<!tpu.dma_semaphore, #tpu.memory_space<semaphore_mem>>) {add = true}
      %scan3A_362 = arith.constant 0 : i32
      scf.yield %scan3A_362 : i32
    }
    %scan3A_23 = arith.constant 31 : i32
    %dma_wait3A = arith.constant 0 : i32
    %dma_wait3A_24 = arith.constant 0 : i32
    %dma_wait3A_25 = tpu.memref_slice %arg2[%dma_wait3A, %dma_wait3A_24] : memref<10240x128xf32, #tpu.memory_space<hbm>> -> memref<80x128xf32, #tpu.memory_space<hbm>>
    %dma_wait3A_26 = arith.constant 0 : i32
    %dma_wait3A_27 = arith.constant 0 : i32
    %dma_wait3A_28 = tpu.memref_slice %arg2[%dma_wait3A_26, %dma_wait3A_27] : memref<10240x128xf32, #tpu.memory_space<hbm>> -> memref<80x128xf32, #tpu.memory_space<hbm>>
    tpu.wait_dma2 semaphore(%arg14 : memref<!tpu.dma_semaphore, #tpu.memory_space<semaphore_mem>>) src(%dma_wait3A_28 : memref<80x128xf32, #tpu.memory_space<hbm>>) dst(%arg8 : memref<80x128xf32, #tpu.memory_space<vmem>>)
    %dma_wait3A_29 = arith.constant 0 : i32
    %dma_wait3A_30 = arith.constant 0 : i32
    %dma_wait3A_31 = tpu.memref_slice %arg2[%dma_wait3A_29, %dma_wait3A_30] : memref<10240x128xf32, #tpu.memory_space<hbm>> -> memref<80x128xf32, #tpu.memory_space<hbm>>
    %dma_wait3A_32 = arith.constant 0 : i32
    %dma_wait3A_33 = arith.constant 0 : i32
    %dma_wait3A_34 = tpu.memref_slice %arg2[%dma_wait3A_32, %dma_wait3A_33] : memref<10240x128xf32, #tpu.memory_space<hbm>> -> memref<80x128xf32, #tpu.memory_space<hbm>>
    tpu.wait_dma2 semaphore(%arg14 : memref<!tpu.dma_semaphore, #tpu.memory_space<semaphore_mem>>) src(%dma_wait3A_34 : memref<80x128xf32, #tpu.memory_space<hbm>>) dst(%arg9 : memref<80x128xf32, #tpu.memory_space<vmem>>)
    %dma_wait3A_35 = arith.constant 0 : i32
    %dma_wait3A_36 = arith.constant 0 : i32
    %dma_wait3A_37 = tpu.memref_slice %arg2[%dma_wait3A_35, %dma_wait3A_36] : memref<10240x128xf32, #tpu.memory_space<hbm>> -> memref<80x128xf32, #tpu.memory_space<hbm>>
    %dma_wait3A_38 = arith.constant 0 : i32
    %dma_wait3A_39 = arith.constant 0 : i32
    %dma_wait3A_40 = tpu.memref_slice %arg2[%dma_wait3A_38, %dma_wait3A_39] : memref<10240x128xf32, #tpu.memory_space<hbm>> -> memref<80x128xf32, #tpu.memory_space<hbm>>
    tpu.wait_dma2 semaphore(%arg14 : memref<!tpu.dma_semaphore, #tpu.memory_space<semaphore_mem>>) src(%dma_wait3A_40 : memref<80x128xf32, #tpu.memory_space<hbm>>) dst(%arg10 : memref<80x128xf32, #tpu.memory_space<vmem>>)
    %dma_wait3A_41 = arith.constant 0 : i32
    %dma_wait3A_42 = arith.constant 0 : i32
    %dma_wait3A_43 = tpu.memref_slice %arg2[%dma_wait3A_41, %dma_wait3A_42] : memref<10240x128xf32, #tpu.memory_space<hbm>> -> memref<80x128xf32, #tpu.memory_space<hbm>>
    %dma_wait3A_44 = arith.constant 0 : i32
    %dma_wait3A_45 = arith.constant 0 : i32
    %dma_wait3A_46 = tpu.memref_slice %arg2[%dma_wait3A_44, %dma_wait3A_45] : memref<10240x128xf32, #tpu.memory_space<hbm>> -> memref<80x128xf32, #tpu.memory_space<hbm>>
    tpu.wait_dma2 semaphore(%arg14 : memref<!tpu.dma_semaphore, #tpu.memory_space<semaphore_mem>>) src(%dma_wait3A_46 : memref<80x128xf32, #tpu.memory_space<hbm>>) dst(%arg11 : memref<80x128xf32, #tpu.memory_space<vmem>>)
    %add3A_47 = arith.constant 9920 : i32
    %add3A_48 = arith.addi %add3A, %add3A_47 : i32
    %run_scoped3A = arith.constant 0 : i32
    "tpu.region"() ({
      %run_scoped3A_80 = tpu.sem_alloc : memref<!tpu.dma_semaphore, #tpu.memory_space<semaphore_mem>>
      %dma_start3A_81 = arith.constant 0 : i32
      %dma_start3A_82 = tpu.memref_slice %arg6[%run_scoped3A, %dma_start3A_81] : memref<8x80xi32, #tpu.memory_space<vmem>> -> memref<1x80xi32, #tpu.memory_space<vmem>>
      %dma_start3A_83 = tpu.memref_squeeze %dma_start3A_82 : memref<1x80xi32, #tpu.memory_space<vmem>> -> memref<80xi32, #tpu.memory_space<vmem>>
      %dma_start3A_84 = tpu.memref_slice %arg3[%add3A_48] : memref<320000xi32, #tpu.memory_space<hbm>> -> memref<80xi32, #tpu.memory_space<hbm>>
      %dma_start3A_85 = arith.constant 0 : i32
      %dma_start3A_86 = tpu.memref_slice %arg6[%run_scoped3A, %dma_start3A_85] : memref<8x80xi32, #tpu.memory_space<vmem>> -> memref<1x80xi32, #tpu.memory_space<vmem>>
      %dma_start3A_87 = tpu.memref_squeeze %dma_start3A_86 : memref<1x80xi32, #tpu.memory_space<vmem>> -> memref<80xi32, #tpu.memory_space<vmem>>
      %dma_start3A_88 = tpu.memref_slice %arg3[%add3A_48] : memref<320000xi32, #tpu.memory_space<hbm>> -> memref<80xi32, #tpu.memory_space<hbm>>
      tpu.enqueue_dma source(%dma_start3A_88 : memref<80xi32, #tpu.memory_space<hbm>>) target(%dma_start3A_87 : memref<80xi32, #tpu.memory_space<vmem>>) target_semaphore(%run_scoped3A_80 : memref<!tpu.dma_semaphore, #tpu.memory_space<semaphore_mem>>)
      %dma_wait3A_89 = arith.constant 0 : i32
      %dma_wait3A_90 = tpu.memref_slice %arg6[%run_scoped3A, %dma_wait3A_89] : memref<8x80xi32, #tpu.memory_space<vmem>> -> memref<1x80xi32, #tpu.memory_space<vmem>>
      %dma_wait3A_91 = tpu.memref_squeeze %dma_wait3A_90 : memref<1x80xi32, #tpu.memory_space<vmem>> -> memref<80xi32, #tpu.memory_space<vmem>>
      %dma_wait3A_92 = tpu.memref_slice %arg3[%add3A_48] : memref<320000xi32, #tpu.memory_space<hbm>> -> memref<80xi32, #tpu.memory_space<hbm>>
      %dma_wait3A_93 = arith.constant 0 : i32
      %dma_wait3A_94 = tpu.memref_slice %arg6[%run_scoped3A, %dma_wait3A_93] : memref<8x80xi32, #tpu.memory_space<vmem>> -> memref<1x80xi32, #tpu.memory_space<vmem>>
      %dma_wait3A_95 = tpu.memref_squeeze %dma_wait3A_94 : memref<1x80xi32, #tpu.memory_space<vmem>> -> memref<80xi32, #tpu.memory_space<vmem>>
      %dma_wait3A_96 = tpu.memref_slice %arg3[%add3A_48] : memref<320000xi32, #tpu.memory_space<hbm>> -> memref<80xi32, #tpu.memory_space<hbm>>
      tpu.wait_dma2 semaphore(%run_scoped3A_80 : memref<!tpu.dma_semaphore, #tpu.memory_space<semaphore_mem>>) src(%dma_wait3A_96 : memref<80xi32, #tpu.memory_space<hbm>>) dst(%dma_wait3A_95 : memref<80xi32, #tpu.memory_space<vmem>>)
      tpu.yield
    }) : () -> ()
    %run_scoped3A_49 = arith.constant 0 : i32
    "tpu.region"() ({
      %run_scoped3A_80 = tpu.sem_alloc : memref<!tpu.dma_semaphore, #tpu.memory_space<semaphore_mem>>
      %dma_start3A_81 = arith.constant 0 : i32
      %dma_start3A_82 = tpu.memref_slice %arg7[%run_scoped3A_49, %dma_start3A_81] : memref<8x80xi32, #tpu.memory_space<vmem>> -> memref<1x80xi32, #tpu.memory_space<vmem>>
      %dma_start3A_83 = tpu.memref_squeeze %dma_start3A_82 : memref<1x80xi32, #tpu.memory_space<vmem>> -> memref<80xi32, #tpu.memory_space<vmem>>
      %dma_start3A_84 = tpu.memref_slice %arg4[%add3A_48] : memref<320000xi32, #tpu.memory_space<hbm>> -> memref<80xi32, #tpu.memory_space<hbm>>
      %dma_start3A_85 = arith.constant 0 : i32
      %dma_start3A_86 = tpu.memref_slice %arg7[%run_scoped3A_49, %dma_start3A_85] : memref<8x80xi32, #tpu.memory_space<vmem>> -> memref<1x80xi32, #tpu.memory_space<vmem>>
      %dma_start3A_87 = tpu.memref_squeeze %dma_start3A_86 : memref<1x80xi32, #tpu.memory_space<vmem>> -> memref<80xi32, #tpu.memory_space<vmem>>
      %dma_start3A_88 = tpu.memref_slice %arg4[%add3A_48] : memref<320000xi32, #tpu.memory_space<hbm>> -> memref<80xi32, #tpu.memory_space<hbm>>
      tpu.enqueue_dma source(%dma_start3A_88 : memref<80xi32, #tpu.memory_space<hbm>>) target(%dma_start3A_87 : memref<80xi32, #tpu.memory_space<vmem>>) target_semaphore(%run_scoped3A_80 : memref<!tpu.dma_semaphore, #tpu.memory_space<semaphore_mem>>)
      %dma_wait3A_89 = arith.constant 0 : i32
      %dma_wait3A_90 = tpu.memref_slice %arg7[%run_scoped3A_49, %dma_wait3A_89] : memref<8x80xi32, #tpu.memory_space<vmem>> -> memref<1x80xi32, #tpu.memory_space<vmem>>
      %dma_wait3A_91 = tpu.memref_squeeze %dma_wait3A_90 : memref<1x80xi32, #tpu.memory_space<vmem>> -> memref<80xi32, #tpu.memory_space<vmem>>
      %dma_wait3A_92 = tpu.memref_slice %arg4[%add3A_48] : memref<320000xi32, #tpu.memory_space<hbm>> -> memref<80xi32, #tpu.memory_space<hbm>>
      %dma_wait3A_93 = arith.constant 0 : i32
      %dma_wait3A_94 = tpu.memref_slice %arg7[%run_scoped3A_49, %dma_wait3A_93] : memref<8x80xi32, #tpu.memory_space<vmem>> -> memref<1x80xi32, #tpu.memory_space<vmem>>
      %dma_wait3A_95 = tpu.memref_squeeze %dma_wait3A_94 : memref<1x80xi32, #tpu.memory_space<vmem>> -> memref<80xi32, #tpu.memory_space<vmem>>
      %dma_wait3A_96 = tpu.memref_slice %arg4[%add3A_48] : memref<320000xi32, #tpu.memory_space<hbm>> -> memref<80xi32, #tpu.memory_space<hbm>>
      tpu.wait_dma2 semaphore(%run_scoped3A_80 : memref<!tpu.dma_semaphore, #tpu.memory_space<semaphore_mem>>) src(%dma_wait3A_96 : memref<80xi32, #tpu.memory_space<hbm>>) dst(%dma_wait3A_95 : memref<80xi32, #tpu.memory_space<vmem>>)
      tpu.yield
    }) : () -> ()
    %dma_start3A = arith.constant 0 : i32
    %dma_start3A_50 = arith.constant 0 : i32
    %dma_start3A_51 = tpu.memref_slice %arg6[%dma_start3A, %dma_start3A_50] : memref<8x80xi32, #tpu.memory_space<vmem>> -> memref<1x80xi32, #tpu.memory_space<vmem>>
    %dma_start3A_52 = tpu.memref_squeeze %dma_start3A_51 : memref<1x80xi32, #tpu.memory_space<vmem>> -> memref<80xi32, #tpu.memory_space<vmem>>
    %dma_start3A_53 = arith.constant 0 : i32
    %dma_start3A_54 = arith.constant 0 : i32
    %dma_start3A_55 = tpu.memref_slice %arg2[%dma_start3A_53, %dma_start3A_54] : memref<10240x128xf32, #tpu.memory_space<hbm>> -> memref<10240x128xf32, #tpu.memory_space<hbm>>
    tpu.enqueue_indirect_dma source(%dma_start3A_55 : memref<10240x128xf32, #tpu.memory_space<hbm>>) target(%arg8 : memref<80x128xf32, #tpu.memory_space<vmem>>) offsets(%dma_start3A_52 : memref<80xi32, #tpu.memory_space<vmem>>) semaphore(%arg13 : memref<!tpu.dma_semaphore, #tpu.memory_space<semaphore_mem>>)
    %dma_wait3A_56 = arith.constant 0 : i32
    %dma_wait3A_57 = arith.constant 0 : i32
    %dma_wait3A_58 = tpu.memref_slice %arg6[%dma_wait3A_56, %dma_wait3A_57] : memref<8x80xi32, #tpu.memory_space<vmem>> -> memref<1x80xi32, #tpu.memory_space<vmem>>
    %dma_wait3A_59 = tpu.memref_squeeze %dma_wait3A_58 : memref<1x80xi32, #tpu.memory_space<vmem>> -> memref<80xi32, #tpu.memory_space<vmem>>
    %dma_wait3A_60 = arith.constant 0 : i32
    %dma_wait3A_61 = arith.constant 0 : i32
    %dma_wait3A_62 = tpu.memref_slice %arg2[%dma_wait3A_60, %dma_wait3A_61] : memref<10240x128xf32, #tpu.memory_space<hbm>> -> memref<10240x128xf32, #tpu.memory_space<hbm>>
    tpu.wait_indirect_dma semaphore(%arg13 : memref<!tpu.dma_semaphore, #tpu.memory_space<semaphore_mem>>) src(%dma_wait3A_62 : memref<10240x128xf32, #tpu.memory_space<hbm>>) dst(%arg8 : memref<80x128xf32, #tpu.memory_space<vmem>>)
    %dma_start3A_63 = arith.constant 0 : i32
    %dma_start3A_64 = arith.constant 0 : i32
    %dma_start3A_65 = tpu.memref_slice %arg7[%dma_start3A_63, %dma_start3A_64] : memref<8x80xi32, #tpu.memory_space<vmem>> -> memref<1x80xi32, #tpu.memory_space<vmem>>
    %dma_start3A_66 = tpu.memref_squeeze %dma_start3A_65 : memref<1x80xi32, #tpu.memory_space<vmem>> -> memref<80xi32, #tpu.memory_space<vmem>>
    %dma_start3A_67 = arith.constant 0 : i32
    %dma_start3A_68 = arith.constant 0 : i32
    %dma_start3A_69 = tpu.memref_slice %arg15[%dma_start3A_67, %dma_start3A_68] : memref<10240x128xf32, #tpu.memory_space<vmem_shared>> -> memref<10240x128xf32, #tpu.memory_space<vmem_shared>>
    tpu.enqueue_indirect_dma source(%arg8 : memref<80x128xf32, #tpu.memory_space<vmem>>) target(%dma_start3A_69 : memref<10240x128xf32, #tpu.memory_space<vmem_shared>>) offsets(%dma_start3A_66 : memref<80xi32, #tpu.memory_space<vmem>>) semaphore(%arg14 : memref<!tpu.dma_semaphore, #tpu.memory_space<semaphore_mem>>) {add = true}
    %dma_wait3A_70 = arith.constant 0 : i32
    %dma_wait3A_71 = arith.constant 0 : i32
    %dma_wait3A_72 = tpu.memref_slice %arg7[%dma_wait3A_70, %dma_wait3A_71] : memref<8x80xi32, #tpu.memory_space<vmem>> -> memref<1x80xi32, #tpu.memory_space<vmem>>
    %dma_wait3A_73 = tpu.memref_squeeze %dma_wait3A_72 : memref<1x80xi32, #tpu.memory_space<vmem>> -> memref<80xi32, #tpu.memory_space<vmem>>
    %dma_wait3A_74 = arith.constant 0 : i32
    %dma_wait3A_75 = arith.constant 0 : i32
    %dma_wait3A_76 = tpu.memref_slice %arg15[%dma_wait3A_74, %dma_wait3A_75] : memref<10240x128xf32, #tpu.memory_space<vmem_shared>> -> memref<10240x128xf32, #tpu.memory_space<vmem_shared>>
    tpu.wait_indirect_dma semaphore(%arg14 : memref<!tpu.dma_semaphore, #tpu.memory_space<semaphore_mem>>) src(%arg8 : memref<80x128xf32, #tpu.memory_space<vmem>>) dst(%dma_wait3A_76 : memref<10240x128xf32, #tpu.memory_space<vmem_shared>>)
    %barrier3A_77 = arith.constant 0 : index
    tpu.barrier barrier_id(%barrier3A_77)
    %mul3A_78 = arith.constant 640 : i32
    %mul3A_79 = arith.muli %arg1, %mul3A_78 : i32
    "tpu.region"() ({
      %run_scoped3A_80 = tpu.sem_alloc : memref<!tpu.dma_semaphore, #tpu.memory_space<semaphore_mem>>
      %dma_start3A_81 = arith.constant 0 : i32
      %dma_start3A_82 = tpu.memref_slice %arg5[%arg0, %mul3A_79, %dma_start3A_81] : memref<2x10240x128xf32, #tpu.memory_space<hbm>> -> memref<1x640x128xf32, #tpu.memory_space<hbm>>
      %dma_start3A_83 = tpu.memref_squeeze %dma_start3A_82 : memref<1x640x128xf32, #tpu.memory_space<hbm>> -> memref<640x128xf32, #tpu.memory_space<hbm>>
      %dma_start3A_84 = arith.constant 0 : i32
      %dma_start3A_85 = tpu.memref_slice %arg15[%mul3A_79, %dma_start3A_84] : memref<10240x128xf32, #tpu.memory_space<vmem_shared>> -> memref<640x128xf32, #tpu.memory_space<vmem_shared>>
      tpu.enqueue_dma source(%dma_start3A_85 : memref<640x128xf32, #tpu.memory_space<vmem_shared>>) target(%dma_start3A_83 : memref<640x128xf32, #tpu.memory_space<hbm>>) target_semaphore(%run_scoped3A_80 : memref<!tpu.dma_semaphore, #tpu.memory_space<semaphore_mem>>)
      %dma_wait3A_86 = arith.constant 0 : i32
      %dma_wait3A_87 = tpu.memref_slice %arg5[%arg0, %mul3A_79, %dma_wait3A_86] : memref<2x10240x128xf32, #tpu.memory_space<hbm>> -> memref<1x640x128xf32, #tpu.memory_space<hbm>>
      %dma_wait3A_88 = tpu.memref_squeeze %dma_wait3A_87 : memref<1x640x128xf32, #tpu.memory_space<hbm>> -> memref<640x128xf32, #tpu.memory_space<hbm>>
      %dma_wait3A_89 = arith.constant 0 : i32
      %dma_wait3A_90 = tpu.memref_slice %arg15[%mul3A_79, %dma_wait3A_89] : memref<10240x128xf32, #tpu.memory_space<vmem_shared>> -> memref<640x128xf32, #tpu.memory_space<vmem_shared>>
      tpu.wait_dma2 semaphore(%run_scoped3A_80 : memref<!tpu.dma_semaphore, #tpu.memory_space<semaphore_mem>>) src(%dma_wait3A_90 : memref<640x128xf32, #tpu.memory_space<vmem_shared>>) dst(%dma_wait3A_88 : memref<640x128xf32, #tpu.memory_space<hbm>>)
      tpu.yield
    }) : () -> ()
    return
  }
}

#map = affine_map<(d0, d1) -> (0)>
#map1 = affine_map<(d0, d1) -> (0, 0, 0)>
module attributes {stable_mosaic.version = 14 : i64} {
  func.func @_deg_body(%arg0: i32, %arg1: i32, %arg2: memref<320000xi32, #tpu.memory_space<hbm>>, %arg3: memref<320000xi32, #tpu.memory_space<hbm>>, %arg4: memref<2x10240x128xf32, #tpu.memory_space<hbm>>, %arg5: memref<10x80xi32, #tpu.memory_space<vmem>>, %arg6: memref<10x80xi32, #tpu.memory_space<vmem>>, %arg7: memref<80x128xf32, #tpu.memory_space<vmem>>, %arg8: memref<80x128xf32, #tpu.memory_space<vmem>>, %arg9: memref<64x128xf32, #tpu.memory_space<vmem>>, %arg10: memref<!tpu.dma_semaphore, #tpu.memory_space<semaphore_mem>>, %arg11: memref<!tpu.dma_semaphore, #tpu.memory_space<semaphore_mem>>, %arg12: memref<10240x128xf32, #tpu.memory_space<vmem_shared>>) attributes {dimension_semantics = [#tpu.dimension_semantics<core_parallel>, #tpu.dimension_semantics<subcore_parallel>], iteration_bounds = array<i64: 2, 16>, scalar_prefetch = 0 : i64, scratch_operands = 8 : i64, tpu.core_type = #tpu.core_type<sc_vector_subcore>, window_params = [{transform_indices = #map}, {transform_indices = #map}, {transform_indices = #map1}]} {
    %iota3A = tpu.iota {dimensions = array<i32: 0>} : vector<16xi32>
    %eq3A = arith.constant 0 : i32
    %eq3A_0 = vector.broadcast %eq3A : i32 to vector<16xi32>
    %eq3A_1 = arith.cmpi eq, %iota3A, %eq3A_0 : vector<16xi32>
    %jit3A = arith.constant 1.000000e+00 : f32
    %jit3A_2 = arith.constant 0.000000e+00 : f32
    %broadcast_in_dim3A = vector.broadcast %jit3A : f32 to vector<16xf32>
    %broadcast_in_dim3A_3 = vector.broadcast %jit3A_2 : f32 to vector<16xf32>
    %select_n3A = arith.select %eq3A_1, %broadcast_in_dim3A, %broadcast_in_dim3A_3 : vector<16xi1>, vector<16xf32>
    %iota3A_4 = tpu.iota {dimensions = array<i32: 0>} : vector<16xi32>
    %eq3A_5 = arith.constant 1 : i32
    %eq3A_6 = vector.broadcast %eq3A_5 : i32 to vector<16xi32>
    %eq3A_7 = arith.cmpi eq, %iota3A_4, %eq3A_6 : vector<16xi32>
    %jit3A_8 = arith.constant 1.000000e+00 : f32
    %jit3A_9 = arith.constant 0.000000e+00 : f32
    %broadcast_in_dim3A_10 = vector.broadcast %jit3A_8 : f32 to vector<16xf32>
    %broadcast_in_dim3A_11 = vector.broadcast %jit3A_9 : f32 to vector<16xf32>
    %select_n3A_12 = arith.select %eq3A_7, %broadcast_in_dim3A_10, %broadcast_in_dim3A_11 : vector<16xi1>, vector<16xf32>
    %broadcast_in_dim3A_13 = arith.constant 0.000000e+00 : f32
    %broadcast_in_dim3A_14 = vector.broadcast %broadcast_in_dim3A_13 : f32 to vector<16xf32>
    %scan3A = arith.constant 0 : i32
    %scan3A_15 = arith.constant 0 : i32
    %scan3A_16 = arith.constant 80 : i32
    %scan3A_17 = arith.addi %scan3A_15, %scan3A_16 : i32
    %scan3A_18 = arith.constant 1 : i32
    %scan3A_19 = scf.for %scan3A_127 = %scan3A_15 to %scan3A_17 step %scan3A_18 iter_args(%scan3A_128 = %scan3A) -> (i32)  : i32 {
      %swap3A = arith.index_cast %scan3A_127 : i32 to index
      %swap3A_129 = arith.constant 0 : index
      %swap3A_130 = tpu.vector_load %arg7[%swap3A, %swap3A_129] {strides = array<i32>} : memref<80x128xf32, #tpu.memory_space<vmem>>, vector<1x16xf32>,
      %swap3A_131 = vector.shape_cast %swap3A_130 : vector<1x16xf32> to vector<16xf32>
      %swap3A_132 = vector.shape_cast %select_n3A : vector<16xf32> to vector<1x16xf32>
      tpu.vector_store %arg7[%swap3A, %swap3A_129], %swap3A_132 {strides = array<i32>} : memref<80x128xf32, #tpu.memory_space<vmem>>, vector<1x16xf32>,
      %swap3A_133 = arith.index_cast %scan3A_127 : i32 to index
      %swap3A_134 = arith.constant 0 : index
      %swap3A_135 = tpu.vector_load %arg8[%swap3A_133, %swap3A_134] {strides = array<i32>} : memref<80x128xf32, #tpu.memory_space<vmem>>, vector<1x16xf32>,
      %swap3A_136 = vector.shape_cast %swap3A_135 : vector<1x16xf32> to vector<16xf32>
      %swap3A_137 = vector.shape_cast %select_n3A_12 : vector<16xf32> to vector<1x16xf32>
      tpu.vector_store %arg8[%swap3A_133, %swap3A_134], %swap3A_137 {strides = array<i32>} : memref<80x128xf32, #tpu.memory_space<vmem>>, vector<1x16xf32>,
      %swap3A_138 = arith.index_cast %scan3A_127 : i32 to index
      %swap3A_139 = arith.constant 16 : index
      %swap3A_140 = tpu.vector_load %arg7[%swap3A_138, %swap3A_139] {strides = array<i32>} : memref<80x128xf32, #tpu.memory_space<vmem>>, vector<1x16xf32>,
      %swap3A_141 = vector.shape_cast %swap3A_140 : vector<1x16xf32> to vector<16xf32>
      %swap3A_142 = vector.shape_cast %broadcast_in_dim3A_14 : vector<16xf32> to vector<1x16xf32>
      tpu.vector_store %arg7[%swap3A_138, %swap3A_139], %swap3A_142 {strides = array<i32>} : memref<80x128xf32, #tpu.memory_space<vmem>>, vector<1x16xf32>,
      %swap3A_143 = arith.index_cast %scan3A_127 : i32 to index
      %swap3A_144 = arith.constant 16 : index
      %swap3A_145 = tpu.vector_load %arg8[%swap3A_143, %swap3A_144] {strides = array<i32>} : memref<80x128xf32, #tpu.memory_space<vmem>>, vector<1x16xf32>,
      %swap3A_146 = vector.shape_cast %swap3A_145 : vector<1x16xf32> to vector<16xf32>
      %swap3A_147 = vector.shape_cast %broadcast_in_dim3A_14 : vector<16xf32> to vector<1x16xf32>
      tpu.vector_store %arg8[%swap3A_143, %swap3A_144], %swap3A_147 {strides = array<i32>} : memref<80x128xf32, #tpu.memory_space<vmem>>, vector<1x16xf32>,
      %swap3A_148 = arith.index_cast %scan3A_127 : i32 to index
      %swap3A_149 = arith.constant 32 : index
      %swap3A_150 = tpu.vector_load %arg7[%swap3A_148, %swap3A_149] {strides = array<i32>} : memref<80x128xf32, #tpu.memory_space<vmem>>, vector<1x16xf32>,
      %swap3A_151 = vector.shape_cast %swap3A_150 : vector<1x16xf32> to vector<16xf32>
      %swap3A_152 = vector.shape_cast %broadcast_in_dim3A_14 : vector<16xf32> to vector<1x16xf32>
      tpu.vector_store %arg7[%swap3A_148, %swap3A_149], %swap3A_152 {strides = array<i32>} : memref<80x128xf32, #tpu.memory_space<vmem>>, vector<1x16xf32>,
      %swap3A_153 = arith.index_cast %scan3A_127 : i32 to index
      %swap3A_154 = arith.constant 32 : index
      %swap3A_155 = tpu.vector_load %arg8[%swap3A_153, %swap3A_154] {strides = array<i32>} : memref<80x128xf32, #tpu.memory_space<vmem>>, vector<1x16xf32>,
      %swap3A_156 = vector.shape_cast %swap3A_155 : vector<1x16xf32> to vector<16xf32>
      %swap3A_157 = vector.shape_cast %broadcast_in_dim3A_14 : vector<16xf32> to vector<1x16xf32>
      tpu.vector_store %arg8[%swap3A_153, %swap3A_154], %swap3A_157 {strides = array<i32>} : memref<80x128xf32, #tpu.memory_space<vmem>>, vector<1x16xf32>,
      %swap3A_158 = arith.index_cast %scan3A_127 : i32 to index
      %swap3A_159 = arith.constant 48 : index
      %swap3A_160 = tpu.vector_load %arg7[%swap3A_158, %swap3A_159] {strides = array<i32>} : memref<80x128xf32, #tpu.memory_space<vmem>>, vector<1x16xf32>,
      %swap3A_161 = vector.shape_cast %swap3A_160 : vector<1x16xf32> to vector<16xf32>
      %swap3A_162 = vector.shape_cast %broadcast_in_dim3A_14 : vector<16xf32> to vector<1x16xf32>
      tpu.vector_store %arg7[%swap3A_158, %swap3A_159], %swap3A_162 {strides = array<i32>} : memref<80x128xf32, #tpu.memory_space<vmem>>, vector<1x16xf32>,
      %swap3A_163 = arith.index_cast %scan3A_127 : i32 to index
      %swap3A_164 = arith.constant 48 : index
      %swap3A_165 = tpu.vector_load %arg8[%swap3A_163, %swap3A_164] {strides = array<i32>} : memref<80x128xf32, #tpu.memory_space<vmem>>, vector<1x16xf32>,
      %swap3A_166 = vector.shape_cast %swap3A_165 : vector<1x16xf32> to vector<16xf32>
      %swap3A_167 = vector.shape_cast %broadcast_in_dim3A_14 : vector<16xf32> to vector<1x16xf32>
      tpu.vector_store %arg8[%swap3A_163, %swap3A_164], %swap3A_167 {strides = array<i32>} : memref<80x128xf32, #tpu.memory_space<vmem>>, vector<1x16xf32>,
      %swap3A_168 = arith.index_cast %scan3A_127 : i32 to index
      %swap3A_169 = arith.constant 64 : index
      %swap3A_170 = tpu.vector_load %arg7[%swap3A_168, %swap3A_169] {strides = array<i32>} : memref<80x128xf32, #tpu.memory_space<vmem>>, vector<1x16xf32>,
      %swap3A_171 = vector.shape_cast %swap3A_170 : vector<1x16xf32> to vector<16xf32>
      %swap3A_172 = vector.shape_cast %broadcast_in_dim3A_14 : vector<16xf32> to vector<1x16xf32>
      tpu.vector_store %arg7[%swap3A_168, %swap3A_169], %swap3A_172 {strides = array<i32>} : memref<80x128xf32, #tpu.memory_space<vmem>>, vector<1x16xf32>,
      %swap3A_173 = arith.index_cast %scan3A_127 : i32 to index
      %swap3A_174 = arith.constant 64 : index
      %swap3A_175 = tpu.vector_load %arg8[%swap3A_173, %swap3A_174] {strides = array<i32>} : memref<80x128xf32, #tpu.memory_space<vmem>>, vector<1x16xf32>,
      %swap3A_176 = vector.shape_cast %swap3A_175 : vector<1x16xf32> to vector<16xf32>
      %swap3A_177 = vector.shape_cast %broadcast_in_dim3A_14 : vector<16xf32> to vector<1x16xf32>
      tpu.vector_store %arg8[%swap3A_173, %swap3A_174], %swap3A_177 {strides = array<i32>} : memref<80x128xf32, #tpu.memory_space<vmem>>, vector<1x16xf32>,
      %swap3A_178 = arith.index_cast %scan3A_127 : i32 to index
      %swap3A_179 = arith.constant 80 : index
      %swap3A_180 = tpu.vector_load %arg7[%swap3A_178, %swap3A_179] {strides = array<i32>} : memref<80x128xf32, #tpu.memory_space<vmem>>, vector<1x16xf32>,
      %swap3A_181 = vector.shape_cast %swap3A_180 : vector<1x16xf32> to vector<16xf32>
      %swap3A_182 = vector.shape_cast %broadcast_in_dim3A_14 : vector<16xf32> to vector<1x16xf32>
      tpu.vector_store %arg7[%swap3A_178, %swap3A_179], %swap3A_182 {strides = array<i32>} : memref<80x128xf32, #tpu.memory_space<vmem>>, vector<1x16xf32>,
      %swap3A_183 = arith.index_cast %scan3A_127 : i32 to index
      %swap3A_184 = arith.constant 80 : index
      %swap3A_185 = tpu.vector_load %arg8[%swap3A_183, %swap3A_184] {strides = array<i32>} : memref<80x128xf32, #tpu.memory_space<vmem>>, vector<1x16xf32>,
      %swap3A_186 = vector.shape_cast %swap3A_185 : vector<1x16xf32> to vector<16xf32>
      %swap3A_187 = vector.shape_cast %broadcast_in_dim3A_14 : vector<16xf32> to vector<1x16xf32>
      tpu.vector_store %arg8[%swap3A_183, %swap3A_184], %swap3A_187 {strides = array<i32>} : memref<80x128xf32, #tpu.memory_space<vmem>>, vector<1x16xf32>,
      %swap3A_188 = arith.index_cast %scan3A_127 : i32 to index
      %swap3A_189 = arith.constant 96 : index
      %swap3A_190 = tpu.vector_load %arg7[%swap3A_188, %swap3A_189] {strides = array<i32>} : memref<80x128xf32, #tpu.memory_space<vmem>>, vector<1x16xf32>,
      %swap3A_191 = vector.shape_cast %swap3A_190 : vector<1x16xf32> to vector<16xf32>
      %swap3A_192 = vector.shape_cast %broadcast_in_dim3A_14 : vector<16xf32> to vector<1x16xf32>
      tpu.vector_store %arg7[%swap3A_188, %swap3A_189], %swap3A_192 {strides = array<i32>} : memref<80x128xf32, #tpu.memory_space<vmem>>, vector<1x16xf32>,
      %swap3A_193 = arith.index_cast %scan3A_127 : i32 to index
      %swap3A_194 = arith.constant 96 : index
      %swap3A_195 = tpu.vector_load %arg8[%swap3A_193, %swap3A_194] {strides = array<i32>} : memref<80x128xf32, #tpu.memory_space<vmem>>, vector<1x16xf32>,
      %swap3A_196 = vector.shape_cast %swap3A_195 : vector<1x16xf32> to vector<16xf32>
      %swap3A_197 = vector.shape_cast %broadcast_in_dim3A_14 : vector<16xf32> to vector<1x16xf32>
      tpu.vector_store %arg8[%swap3A_193, %swap3A_194], %swap3A_197 {strides = array<i32>} : memref<80x128xf32, #tpu.memory_space<vmem>>, vector<1x16xf32>,
      %swap3A_198 = arith.index_cast %scan3A_127 : i32 to index
      %swap3A_199 = arith.constant 112 : index
      %swap3A_200 = tpu.vector_load %arg7[%swap3A_198, %swap3A_199] {strides = array<i32>} : memref<80x128xf32, #tpu.memory_space<vmem>>, vector<1x16xf32>,
      %swap3A_201 = vector.shape_cast %swap3A_200 : vector<1x16xf32> to vector<16xf32>
      %swap3A_202 = vector.shape_cast %broadcast_in_dim3A_14 : vector<16xf32> to vector<1x16xf32>
      tpu.vector_store %arg7[%swap3A_198, %swap3A_199], %swap3A_202 {strides = array<i32>} : memref<80x128xf32, #tpu.memory_space<vmem>>, vector<1x16xf32>,
      %swap3A_203 = arith.index_cast %scan3A_127 : i32 to index
      %swap3A_204 = arith.constant 112 : index
      %swap3A_205 = tpu.vector_load %arg8[%swap3A_203, %swap3A_204] {strides = array<i32>} : memref<80x128xf32, #tpu.memory_space<vmem>>, vector<1x16xf32>,
      %swap3A_206 = vector.shape_cast %swap3A_205 : vector<1x16xf32> to vector<16xf32>
      %swap3A_207 = vector.shape_cast %broadcast_in_dim3A_14 : vector<16xf32> to vector<1x16xf32>
      tpu.vector_store %arg8[%swap3A_203, %swap3A_204], %swap3A_207 {strides = array<i32>} : memref<80x128xf32, #tpu.memory_space<vmem>>, vector<1x16xf32>,
      %scan3A_208 = arith.constant 0 : i32
      scf.yield %scan3A_208 : i32
    }
    %scan3A_20 = arith.constant 80 : i32
    %scan3A_21 = arith.constant 0 : i32
    %scan3A_22 = arith.constant 0 : i32
    %scan3A_23 = arith.constant 64 : i32
    %scan3A_24 = arith.addi %scan3A_22, %scan3A_23 : i32
    %scan3A_25 = arith.constant 1 : i32
    %scan3A_26 = scf.for %scan3A_127 = %scan3A_22 to %scan3A_24 step %scan3A_25 iter_args(%scan3A_128 = %scan3A_21) -> (i32)  : i32 {
      %swap3A = arith.index_cast %scan3A_127 : i32 to index
      %swap3A_129 = arith.constant 0 : index
      %swap3A_130 = tpu.vector_load %arg9[%swap3A, %swap3A_129] {strides = array<i32>} : memref<64x128xf32, #tpu.memory_space<vmem>>, vector<1x16xf32>,
      %swap3A_131 = vector.shape_cast %swap3A_130 : vector<1x16xf32> to vector<16xf32>
      %swap3A_132 = vector.shape_cast %broadcast_in_dim3A_14 : vector<16xf32> to vector<1x16xf32>
      tpu.vector_store %arg9[%swap3A, %swap3A_129], %swap3A_132 {strides = array<i32>} : memref<64x128xf32, #tpu.memory_space<vmem>>, vector<1x16xf32>,
      %swap3A_133 = arith.index_cast %scan3A_127 : i32 to index
      %swap3A_134 = arith.constant 16 : index
      %swap3A_135 = tpu.vector_load %arg9[%swap3A_133, %swap3A_134] {strides = array<i32>} : memref<64x128xf32, #tpu.memory_space<vmem>>, vector<1x16xf32>,
      %swap3A_136 = vector.shape_cast %swap3A_135 : vector<1x16xf32> to vector<16xf32>
      %swap3A_137 = vector.shape_cast %broadcast_in_dim3A_14 : vector<16xf32> to vector<1x16xf32>
      tpu.vector_store %arg9[%swap3A_133, %swap3A_134], %swap3A_137 {strides = array<i32>} : memref<64x128xf32, #tpu.memory_space<vmem>>, vector<1x16xf32>,
      %swap3A_138 = arith.index_cast %scan3A_127 : i32 to index
      %swap3A_139 = arith.constant 32 : index
      %swap3A_140 = tpu.vector_load %arg9[%swap3A_138, %swap3A_139] {strides = array<i32>} : memref<64x128xf32, #tpu.memory_space<vmem>>, vector<1x16xf32>,
      %swap3A_141 = vector.shape_cast %swap3A_140 : vector<1x16xf32> to vector<16xf32>
      %swap3A_142 = vector.shape_cast %broadcast_in_dim3A_14 : vector<16xf32> to vector<1x16xf32>
      tpu.vector_store %arg9[%swap3A_138, %swap3A_139], %swap3A_142 {strides = array<i32>} : memref<64x128xf32, #tpu.memory_space<vmem>>, vector<1x16xf32>,
      %swap3A_143 = arith.index_cast %scan3A_127 : i32 to index
      %swap3A_144 = arith.constant 48 : index
      %swap3A_145 = tpu.vector_load %arg9[%swap3A_143, %swap3A_144] {strides = array<i32>} : memref<64x128xf32, #tpu.memory_space<vmem>>, vector<1x16xf32>,
      %swap3A_146 = vector.shape_cast %swap3A_145 : vector<1x16xf32> to vector<16xf32>
      %swap3A_147 = vector.shape_cast %broadcast_in_dim3A_14 : vector<16xf32> to vector<1x16xf32>
      tpu.vector_store %arg9[%swap3A_143, %swap3A_144], %swap3A_147 {strides = array<i32>} : memref<64x128xf32, #tpu.memory_space<vmem>>, vector<1x16xf32>,
      %swap3A_148 = arith.index_cast %scan3A_127 : i32 to index
      %swap3A_149 = arith.constant 64 : index
      %swap3A_150 = tpu.vector_load %arg9[%swap3A_148, %swap3A_149] {strides = array<i32>} : memref<64x128xf32, #tpu.memory_space<vmem>>, vector<1x16xf32>,
      %swap3A_151 = vector.shape_cast %swap3A_150 : vector<1x16xf32> to vector<16xf32>
      %swap3A_152 = vector.shape_cast %broadcast_in_dim3A_14 : vector<16xf32> to vector<1x16xf32>
      tpu.vector_store %arg9[%swap3A_148, %swap3A_149], %swap3A_152 {strides = array<i32>} : memref<64x128xf32, #tpu.memory_space<vmem>>, vector<1x16xf32>,
      %swap3A_153 = arith.index_cast %scan3A_127 : i32 to index
      %swap3A_154 = arith.constant 80 : index
      %swap3A_155 = tpu.vector_load %arg9[%swap3A_153, %swap3A_154] {strides = array<i32>} : memref<64x128xf32, #tpu.memory_space<vmem>>, vector<1x16xf32>,
      %swap3A_156 = vector.shape_cast %swap3A_155 : vector<1x16xf32> to vector<16xf32>
      %swap3A_157 = vector.shape_cast %broadcast_in_dim3A_14 : vector<16xf32> to vector<1x16xf32>
      tpu.vector_store %arg9[%swap3A_153, %swap3A_154], %swap3A_157 {strides = array<i32>} : memref<64x128xf32, #tpu.memory_space<vmem>>, vector<1x16xf32>,
      %swap3A_158 = arith.index_cast %scan3A_127 : i32 to index
      %swap3A_159 = arith.constant 96 : index
      %swap3A_160 = tpu.vector_load %arg9[%swap3A_158, %swap3A_159] {strides = array<i32>} : memref<64x128xf32, #tpu.memory_space<vmem>>, vector<1x16xf32>,
      %swap3A_161 = vector.shape_cast %swap3A_160 : vector<1x16xf32> to vector<16xf32>
      %swap3A_162 = vector.shape_cast %broadcast_in_dim3A_14 : vector<16xf32> to vector<1x16xf32>
      tpu.vector_store %arg9[%swap3A_158, %swap3A_159], %swap3A_162 {strides = array<i32>} : memref<64x128xf32, #tpu.memory_space<vmem>>, vector<1x16xf32>,
      %swap3A_163 = arith.index_cast %scan3A_127 : i32 to index
      %swap3A_164 = arith.constant 112 : index
      %swap3A_165 = tpu.vector_load %arg9[%swap3A_163, %swap3A_164] {strides = array<i32>} : memref<64x128xf32, #tpu.memory_space<vmem>>, vector<1x16xf32>,
      %swap3A_166 = vector.shape_cast %swap3A_165 : vector<1x16xf32> to vector<16xf32>
      %swap3A_167 = vector.shape_cast %broadcast_in_dim3A_14 : vector<16xf32> to vector<1x16xf32>
      tpu.vector_store %arg9[%swap3A_163, %swap3A_164], %swap3A_167 {strides = array<i32>} : memref<64x128xf32, #tpu.memory_space<vmem>>, vector<1x16xf32>,
      %scan3A_168 = arith.constant 0 : i32
      scf.yield %scan3A_168 : i32
    }
    %scan3A_27 = arith.constant 64 : i32
    %scan3A_28 = arith.constant 0 : i32
    %scan3A_29 = arith.constant 0 : i32
    %scan3A_30 = arith.constant 10 : i32
    %scan3A_31 = arith.addi %scan3A_29, %scan3A_30 : i32
    %scan3A_32 = arith.constant 1 : i32
    %scan3A_33 = scf.for %scan3A_127 = %scan3A_29 to %scan3A_31 step %scan3A_32 iter_args(%scan3A_128 = %scan3A_28) -> (i32)  : i32 {
      %mul3A_129 = arith.constant 640 : i32
      %mul3A_130 = arith.muli %arg1, %mul3A_129 : i32
      %mul3A_131 = arith.constant 64 : i32
      %mul3A_132 = arith.muli %scan3A_127, %mul3A_131 : i32
      %add3A_133 = arith.addi %mul3A_130, %mul3A_132 : i32
      "tpu.region"() ({
        %run_scoped3A = tpu.sem_alloc : memref<!tpu.dma_semaphore, #tpu.memory_space<semaphore_mem>>
        %dma_start3A = arith.constant 0 : i32
        %dma_start3A_135 = tpu.memref_slice %arg12[%add3A_133, %dma_start3A] : memref<10240x128xf32, #tpu.memory_space<vmem_shared>> -> memref<64x128xf32, #tpu.memory_space<vmem_shared>>
        %dma_start3A_136 = arith.constant 0 : i32
        %dma_start3A_137 = tpu.memref_slice %arg12[%add3A_133, %dma_start3A_136] : memref<10240x128xf32, #tpu.memory_space<vmem_shared>> -> memref<64x128xf32, #tpu.memory_space<vmem_shared>>
        tpu.enqueue_dma source(%arg9 : memref<64x128xf32, #tpu.memory_space<vmem>>) target(%dma_start3A_137 : memref<64x128xf32, #tpu.memory_space<vmem_shared>>) target_semaphore(%run_scoped3A : memref<!tpu.dma_semaphore, #tpu.memory_space<semaphore_mem>>)
        %dma_wait3A_138 = arith.constant 0 : i32
        %dma_wait3A_139 = tpu.memref_slice %arg12[%add3A_133, %dma_wait3A_138] : memref<10240x128xf32, #tpu.memory_space<vmem_shared>> -> memref<64x128xf32, #tpu.memory_space<vmem_shared>>
        %dma_wait3A_140 = arith.constant 0 : i32
        %dma_wait3A_141 = tpu.memref_slice %arg12[%add3A_133, %dma_wait3A_140] : memref<10240x128xf32, #tpu.memory_space<vmem_shared>> -> memref<64x128xf32, #tpu.memory_space<vmem_shared>>
        tpu.wait_dma2 semaphore(%run_scoped3A : memref<!tpu.dma_semaphore, #tpu.memory_space<semaphore_mem>>) src(%arg9 : memref<64x128xf32, #tpu.memory_space<vmem>>) dst(%dma_wait3A_141 : memref<64x128xf32, #tpu.memory_space<vmem_shared>>)
        tpu.yield
      }) : () -> ()
      %scan3A_134 = arith.constant 0 : i32
      scf.yield %scan3A_134 : i32
    }
    %scan3A_34 = arith.constant 10 : i32
    %barrier3A = arith.constant 0 : index
    tpu.barrier barrier_id(%barrier3A)
    %mul3A = arith.constant 160000 : i32
    %mul3A_35 = arith.muli %arg0, %mul3A : i32
    %mul3A_36 = arith.constant 10000 : i32
    %mul3A_37 = arith.muli %arg1, %mul3A_36 : i32
    %add3A = arith.addi %mul3A_35, %mul3A_37 : i32
    %scan3A_38 = arith.constant 0 : i32
    %scan3A_39 = arith.constant 0 : i32
    %scan3A_40 = arith.constant 25 : i32
    %scan3A_41 = arith.addi %scan3A_39, %scan3A_40 : i32
    %scan3A_42 = arith.constant 1 : i32
    %scan3A_43 = scf.for %scan3A_127 = %scan3A_39 to %scan3A_41 step %scan3A_42 iter_args(%scan3A_128 = %scan3A_38) -> (i32)  : i32 {
      %rem3A = arith.constant 2 : i32
      %rem3A_129 = arith.remsi %scan3A_127, %rem3A : i32
      %mul3A_130 = arith.constant 5 : i32
      %mul3A_131 = arith.muli %rem3A_129, %mul3A_130 : i32
      %mul3A_132 = arith.constant 5 : i32
      %mul3A_133 = arith.muli %scan3A_127, %mul3A_132 : i32
      %add3A_134 = arith.constant 0 : i32
      %add3A_135 = arith.addi %mul3A_133, %add3A_134 : i32
      %mul3A_136 = arith.constant 80 : i32
      %mul3A_137 = arith.muli %add3A_135, %mul3A_136 : i32
      %add3A_138 = arith.addi %add3A, %mul3A_137 : i32
      %add3A_139 = arith.constant 0 : i32
      %add3A_140 = arith.addi %mul3A_131, %add3A_139 : i32
      %dma_start3A = arith.constant 0 : i32
      %dma_start3A_141 = tpu.memref_slice %arg5[%add3A_140, %dma_start3A] : memref<10x80xi32, #tpu.memory_space<vmem>> -> memref<1x80xi32, #tpu.memory_space<vmem>>
      %dma_start3A_142 = tpu.memref_squeeze %dma_start3A_141 : memref<1x80xi32, #tpu.memory_space<vmem>> -> memref<80xi32, #tpu.memory_space<vmem>>
      %dma_start3A_143 = tpu.memref_slice %arg2[%add3A_138] : memref<320000xi32, #tpu.memory_space<hbm>> -> memref<80xi32, #tpu.memory_space<hbm>>
      %dma_start3A_144 = arith.constant 0 : i32
      %dma_start3A_145 = tpu.memref_slice %arg5[%add3A_140, %dma_start3A_144] : memref<10x80xi32, #tpu.memory_space<vmem>> -> memref<1x80xi32, #tpu.memory_space<vmem>>
      %dma_start3A_146 = tpu.memref_squeeze %dma_start3A_145 : memref<1x80xi32, #tpu.memory_space<vmem>> -> memref<80xi32, #tpu.memory_space<vmem>>
      %dma_start3A_147 = tpu.memref_slice %arg2[%add3A_138] : memref<320000xi32, #tpu.memory_space<hbm>> -> memref<80xi32, #tpu.memory_space<hbm>>
      tpu.enqueue_dma source(%dma_start3A_147 : memref<80xi32, #tpu.memory_space<hbm>>) target(%dma_start3A_146 : memref<80xi32, #tpu.memory_space<vmem>>) target_semaphore(%arg10 : memref<!tpu.dma_semaphore, #tpu.memory_space<semaphore_mem>>)
      %add3A_148 = arith.constant 0 : i32
      %add3A_149 = arith.addi %mul3A_131, %add3A_148 : i32
      %dma_start3A_150 = arith.constant 0 : i32
      %dma_start3A_151 = tpu.memref_slice %arg6[%add3A_149, %dma_start3A_150] : memref<10x80xi32, #tpu.memory_space<vmem>> -> memref<1x80xi32, #tpu.memory_space<vmem>>
      %dma_start3A_152 = tpu.memref_squeeze %dma_start3A_151 : memref<1x80xi32, #tpu.memory_space<vmem>> -> memref<80xi32, #tpu.memory_space<vmem>>
      %dma_start3A_153 = tpu.memref_slice %arg3[%add3A_138] : memref<320000xi32, #tpu.memory_space<hbm>> -> memref<80xi32, #tpu.memory_space<hbm>>
      %dma_start3A_154 = arith.constant 0 : i32
      %dma_start3A_155 = tpu.memref_slice %arg6[%add3A_149, %dma_start3A_154] : memref<10x80xi32, #tpu.memory_space<vmem>> -> memref<1x80xi32, #tpu.memory_space<vmem>>
      %dma_start3A_156 = tpu.memref_squeeze %dma_start3A_155 : memref<1x80xi32, #tpu.memory_space<vmem>> -> memref<80xi32, #tpu.memory_space<vmem>>
      %dma_start3A_157 = tpu.memref_slice %arg3[%add3A_138] : memref<320000xi32, #tpu.memory_space<hbm>> -> memref<80xi32, #tpu.memory_space<hbm>>
      tpu.enqueue_dma source(%dma_start3A_157 : memref<80xi32, #tpu.memory_space<hbm>>) target(%dma_start3A_156 : memref<80xi32, #tpu.memory_space<vmem>>) target_semaphore(%arg10 : memref<!tpu.dma_semaphore, #tpu.memory_space<semaphore_mem>>)
      %mul3A_158 = arith.constant 5 : i32
      %mul3A_159 = arith.muli %scan3A_127, %mul3A_158 : i32
      %add3A_160 = arith.constant 1 : i32
      %add3A_161 = arith.addi %mul3A_159, %add3A_160 : i32
      %mul3A_162 = arith.constant 80 : i32
      %mul3A_163 = arith.muli %add3A_161, %mul3A_162 : i32
      %add3A_164 = arith.addi %add3A, %mul3A_163 : i32
      %add3A_165 = arith.constant 1 : i32
      %add3A_166 = arith.addi %mul3A_131, %add3A_165 : i32
      %dma_start3A_167 = arith.constant 0 : i32
      %dma_start3A_168 = tpu.memref_slice %arg5[%add3A_166, %dma_start3A_167] : memref<10x80xi32, #tpu.memory_space<vmem>> -> memref<1x80xi32, #tpu.memory_space<vmem>>
      %dma_start3A_169 = tpu.memref_squeeze %dma_start3A_168 : memref<1x80xi32, #tpu.memory_space<vmem>> -> memref<80xi32, #tpu.memory_space<vmem>>
      %dma_start3A_170 = tpu.memref_slice %arg2[%add3A_164] : memref<320000xi32, #tpu.memory_space<hbm>> -> memref<80xi32, #tpu.memory_space<hbm>>
      %dma_start3A_171 = arith.constant 0 : i32
      %dma_start3A_172 = tpu.memref_slice %arg5[%add3A_166, %dma_start3A_171] : memref<10x80xi32, #tpu.memory_space<vmem>> -> memref<1x80xi32, #tpu.memory_space<vmem>>
      %dma_start3A_173 = tpu.memref_squeeze %dma_start3A_172 : memref<1x80xi32, #tpu.memory_space<vmem>> -> memref<80xi32, #tpu.memory_space<vmem>>
      %dma_start3A_174 = tpu.memref_slice %arg2[%add3A_164] : memref<320000xi32, #tpu.memory_space<hbm>> -> memref<80xi32, #tpu.memory_space<hbm>>
      tpu.enqueue_dma source(%dma_start3A_174 : memref<80xi32, #tpu.memory_space<hbm>>) target(%dma_start3A_173 : memref<80xi32, #tpu.memory_space<vmem>>) target_semaphore(%arg10 : memref<!tpu.dma_semaphore, #tpu.memory_space<semaphore_mem>>)
      %add3A_175 = arith.constant 1 : i32
      %add3A_176 = arith.addi %mul3A_131, %add3A_175 : i32
      %dma_start3A_177 = arith.constant 0 : i32
      %dma_start3A_178 = tpu.memref_slice %arg6[%add3A_176, %dma_start3A_177] : memref<10x80xi32, #tpu.memory_space<vmem>> -> memref<1x80xi32, #tpu.memory_space<vmem>>
      %dma_start3A_179 = tpu.memref_squeeze %dma_start3A_178 : memref<1x80xi32, #tpu.memory_space<vmem>> -> memref<80xi32, #tpu.memory_space<vmem>>
      %dma_start3A_180 = tpu.memref_slice %arg3[%add3A_164] : memref<320000xi32, #tpu.memory_space<hbm>> -> memref<80xi32, #tpu.memory_space<hbm>>
      %dma_start3A_181 = arith.constant 0 : i32
      %dma_start3A_182 = tpu.memref_slice %arg6[%add3A_176, %dma_start3A_181] : memref<10x80xi32, #tpu.memory_space<vmem>> -> memref<1x80xi32, #tpu.memory_space<vmem>>
      %dma_start3A_183 = tpu.memref_squeeze %dma_start3A_182 : memref<1x80xi32, #tpu.memory_space<vmem>> -> memref<80xi32, #tpu.memory_space<vmem>>
      %dma_start3A_184 = tpu.memref_slice %arg3[%add3A_164] : memref<320000xi32, #tpu.memory_space<hbm>> -> memref<80xi32, #tpu.memory_space<hbm>>
      tpu.enqueue_dma source(%dma_start3A_184 : memref<80xi32, #tpu.memory_space<hbm>>) target(%dma_start3A_183 : memref<80xi32, #tpu.memory_space<vmem>>) target_semaphore(%arg10 : memref<!tpu.dma_semaphore, #tpu.memory_space<semaphore_mem>>)
      %mul3A_185 = arith.constant 5 : i32
      %mul3A_186 = arith.muli %scan3A_127, %mul3A_185 : i32
      %add3A_187 = arith.constant 2 : i32
      %add3A_188 = arith.addi %mul3A_186, %add3A_187 : i32
      %mul3A_189 = arith.constant 80 : i32
      %mul3A_190 = arith.muli %add3A_188, %mul3A_189 : i32
      %add3A_191 = arith.addi %add3A, %mul3A_190 : i32
      %add3A_192 = arith.constant 2 : i32
      %add3A_193 = arith.addi %mul3A_131, %add3A_192 : i32
      %dma_start3A_194 = arith.constant 0 : i32
      %dma_start3A_195 = tpu.memref_slice %arg5[%add3A_193, %dma_start3A_194] : memref<10x80xi32, #tpu.memory_space<vmem>> -> memref<1x80xi32, #tpu.memory_space<vmem>>
      %dma_start3A_196 = tpu.memref_squeeze %dma_start3A_195 : memref<1x80xi32, #tpu.memory_space<vmem>> -> memref<80xi32, #tpu.memory_space<vmem>>
      %dma_start3A_197 = tpu.memref_slice %arg2[%add3A_191] : memref<320000xi32, #tpu.memory_space<hbm>> -> memref<80xi32, #tpu.memory_space<hbm>>
      %dma_start3A_198 = arith.constant 0 : i32
      %dma_start3A_199 = tpu.memref_slice %arg5[%add3A_193, %dma_start3A_198] : memref<10x80xi32, #tpu.memory_space<vmem>> -> memref<1x80xi32, #tpu.memory_space<vmem>>
      %dma_start3A_200 = tpu.memref_squeeze %dma_start3A_199 : memref<1x80xi32, #tpu.memory_space<vmem>> -> memref<80xi32, #tpu.memory_space<vmem>>
      %dma_start3A_201 = tpu.memref_slice %arg2[%add3A_191] : memref<320000xi32, #tpu.memory_space<hbm>> -> memref<80xi32, #tpu.memory_space<hbm>>
      tpu.enqueue_dma source(%dma_start3A_201 : memref<80xi32, #tpu.memory_space<hbm>>) target(%dma_start3A_200 : memref<80xi32, #tpu.memory_space<vmem>>) target_semaphore(%arg10 : memref<!tpu.dma_semaphore, #tpu.memory_space<semaphore_mem>>)
      %add3A_202 = arith.constant 2 : i32
      %add3A_203 = arith.addi %mul3A_131, %add3A_202 : i32
      %dma_start3A_204 = arith.constant 0 : i32
      %dma_start3A_205 = tpu.memref_slice %arg6[%add3A_203, %dma_start3A_204] : memref<10x80xi32, #tpu.memory_space<vmem>> -> memref<1x80xi32, #tpu.memory_space<vmem>>
      %dma_start3A_206 = tpu.memref_squeeze %dma_start3A_205 : memref<1x80xi32, #tpu.memory_space<vmem>> -> memref<80xi32, #tpu.memory_space<vmem>>
      %dma_start3A_207 = tpu.memref_slice %arg3[%add3A_191] : memref<320000xi32, #tpu.memory_space<hbm>> -> memref<80xi32, #tpu.memory_space<hbm>>
      %dma_start3A_208 = arith.constant 0 : i32
      %dma_start3A_209 = tpu.memref_slice %arg6[%add3A_203, %dma_start3A_208] : memref<10x80xi32, #tpu.memory_space<vmem>> -> memref<1x80xi32, #tpu.memory_space<vmem>>
      %dma_start3A_210 = tpu.memref_squeeze %dma_start3A_209 : memref<1x80xi32, #tpu.memory_space<vmem>> -> memref<80xi32, #tpu.memory_space<vmem>>
      %dma_start3A_211 = tpu.memref_slice %arg3[%add3A_191] : memref<320000xi32, #tpu.memory_space<hbm>> -> memref<80xi32, #tpu.memory_space<hbm>>
      tpu.enqueue_dma source(%dma_start3A_211 : memref<80xi32, #tpu.memory_space<hbm>>) target(%dma_start3A_210 : memref<80xi32, #tpu.memory_space<vmem>>) target_semaphore(%arg10 : memref<!tpu.dma_semaphore, #tpu.memory_space<semaphore_mem>>)
      %mul3A_212 = arith.constant 5 : i32
      %mul3A_213 = arith.muli %scan3A_127, %mul3A_212 : i32
      %add3A_214 = arith.constant 3 : i32
      %add3A_215 = arith.addi %mul3A_213, %add3A_214 : i32
      %mul3A_216 = arith.constant 80 : i32
      %mul3A_217 = arith.muli %add3A_215, %mul3A_216 : i32
      %add3A_218 = arith.addi %add3A, %mul3A_217 : i32
      %add3A_219 = arith.constant 3 : i32
      %add3A_220 = arith.addi %mul3A_131, %add3A_219 : i32
      %dma_start3A_221 = arith.constant 0 : i32
      %dma_start3A_222 = tpu.memref_slice %arg5[%add3A_220, %dma_start3A_221] : memref<10x80xi32, #tpu.memory_space<vmem>> -> memref<1x80xi32, #tpu.memory_space<vmem>>
      %dma_start3A_223 = tpu.memref_squeeze %dma_start3A_222 : memref<1x80xi32, #tpu.memory_space<vmem>> -> memref<80xi32, #tpu.memory_space<vmem>>
      %dma_start3A_224 = tpu.memref_slice %arg2[%add3A_218] : memref<320000xi32, #tpu.memory_space<hbm>> -> memref<80xi32, #tpu.memory_space<hbm>>
      %dma_start3A_225 = arith.constant 0 : i32
      %dma_start3A_226 = tpu.memref_slice %arg5[%add3A_220, %dma_start3A_225] : memref<10x80xi32, #tpu.memory_space<vmem>> -> memref<1x80xi32, #tpu.memory_space<vmem>>
      %dma_start3A_227 = tpu.memref_squeeze %dma_start3A_226 : memref<1x80xi32, #tpu.memory_space<vmem>> -> memref<80xi32, #tpu.memory_space<vmem>>
      %dma_start3A_228 = tpu.memref_slice %arg2[%add3A_218] : memref<320000xi32, #tpu.memory_space<hbm>> -> memref<80xi32, #tpu.memory_space<hbm>>
      tpu.enqueue_dma source(%dma_start3A_228 : memref<80xi32, #tpu.memory_space<hbm>>) target(%dma_start3A_227 : memref<80xi32, #tpu.memory_space<vmem>>) target_semaphore(%arg10 : memref<!tpu.dma_semaphore, #tpu.memory_space<semaphore_mem>>)
      %add3A_229 = arith.constant 3 : i32
      %add3A_230 = arith.addi %mul3A_131, %add3A_229 : i32
      %dma_start3A_231 = arith.constant 0 : i32
      %dma_start3A_232 = tpu.memref_slice %arg6[%add3A_230, %dma_start3A_231] : memref<10x80xi32, #tpu.memory_space<vmem>> -> memref<1x80xi32, #tpu.memory_space<vmem>>
      %dma_start3A_233 = tpu.memref_squeeze %dma_start3A_232 : memref<1x80xi32, #tpu.memory_space<vmem>> -> memref<80xi32, #tpu.memory_space<vmem>>
      %dma_start3A_234 = tpu.memref_slice %arg3[%add3A_218] : memref<320000xi32, #tpu.memory_space<hbm>> -> memref<80xi32, #tpu.memory_space<hbm>>
      %dma_start3A_235 = arith.constant 0 : i32
      %dma_start3A_236 = tpu.memref_slice %arg6[%add3A_230, %dma_start3A_235] : memref<10x80xi32, #tpu.memory_space<vmem>> -> memref<1x80xi32, #tpu.memory_space<vmem>>
      %dma_start3A_237 = tpu.memref_squeeze %dma_start3A_236 : memref<1x80xi32, #tpu.memory_space<vmem>> -> memref<80xi32, #tpu.memory_space<vmem>>
      %dma_start3A_238 = tpu.memref_slice %arg3[%add3A_218] : memref<320000xi32, #tpu.memory_space<hbm>> -> memref<80xi32, #tpu.memory_space<hbm>>
      tpu.enqueue_dma source(%dma_start3A_238 : memref<80xi32, #tpu.memory_space<hbm>>) target(%dma_start3A_237 : memref<80xi32, #tpu.memory_space<vmem>>) target_semaphore(%arg10 : memref<!tpu.dma_semaphore, #tpu.memory_space<semaphore_mem>>)
      %mul3A_239 = arith.constant 5 : i32
      %mul3A_240 = arith.muli %scan3A_127, %mul3A_239 : i32
      %add3A_241 = arith.constant 4 : i32
      %add3A_242 = arith.addi %mul3A_240, %add3A_241 : i32
      %mul3A_243 = arith.constant 80 : i32
      %mul3A_244 = arith.muli %add3A_242, %mul3A_243 : i32
      %add3A_245 = arith.addi %add3A, %mul3A_244 : i32
      %add3A_246 = arith.constant 4 : i32
      %add3A_247 = arith.addi %mul3A_131, %add3A_246 : i32
      %dma_start3A_248 = arith.constant 0 : i32
      %dma_start3A_249 = tpu.memref_slice %arg5[%add3A_247, %dma_start3A_248] : memref<10x80xi32, #tpu.memory_space<vmem>> -> memref<1x80xi32, #tpu.memory_space<vmem>>
      %dma_start3A_250 = tpu.memref_squeeze %dma_start3A_249 : memref<1x80xi32, #tpu.memory_space<vmem>> -> memref<80xi32, #tpu.memory_space<vmem>>
      %dma_start3A_251 = tpu.memref_slice %arg2[%add3A_245] : memref<320000xi32, #tpu.memory_space<hbm>> -> memref<80xi32, #tpu.memory_space<hbm>>
      %dma_start3A_252 = arith.constant 0 : i32
      %dma_start3A_253 = tpu.memref_slice %arg5[%add3A_247, %dma_start3A_252] : memref<10x80xi32, #tpu.memory_space<vmem>> -> memref<1x80xi32, #tpu.memory_space<vmem>>
      %dma_start3A_254 = tpu.memref_squeeze %dma_start3A_253 : memref<1x80xi32, #tpu.memory_space<vmem>> -> memref<80xi32, #tpu.memory_space<vmem>>
      %dma_start3A_255 = tpu.memref_slice %arg2[%add3A_245] : memref<320000xi32, #tpu.memory_space<hbm>> -> memref<80xi32, #tpu.memory_space<hbm>>
      tpu.enqueue_dma source(%dma_start3A_255 : memref<80xi32, #tpu.memory_space<hbm>>) target(%dma_start3A_254 : memref<80xi32, #tpu.memory_space<vmem>>) target_semaphore(%arg10 : memref<!tpu.dma_semaphore, #tpu.memory_space<semaphore_mem>>)
      %add3A_256 = arith.constant 4 : i32
      %add3A_257 = arith.addi %mul3A_131, %add3A_256 : i32
      %dma_start3A_258 = arith.constant 0 : i32
      %dma_start3A_259 = tpu.memref_slice %arg6[%add3A_257, %dma_start3A_258] : memref<10x80xi32, #tpu.memory_space<vmem>> -> memref<1x80xi32, #tpu.memory_space<vmem>>
      %dma_start3A_260 = tpu.memref_squeeze %dma_start3A_259 : memref<1x80xi32, #tpu.memory_space<vmem>> -> memref<80xi32, #tpu.memory_space<vmem>>
      %dma_start3A_261 = tpu.memref_slice %arg3[%add3A_245] : memref<320000xi32, #tpu.memory_space<hbm>> -> memref<80xi32, #tpu.memory_space<hbm>>
      %dma_start3A_262 = arith.constant 0 : i32
      %dma_start3A_263 = tpu.memref_slice %arg6[%add3A_257, %dma_start3A_262] : memref<10x80xi32, #tpu.memory_space<vmem>> -> memref<1x80xi32, #tpu.memory_space<vmem>>
      %dma_start3A_264 = tpu.memref_squeeze %dma_start3A_263 : memref<1x80xi32, #tpu.memory_space<vmem>> -> memref<80xi32, #tpu.memory_space<vmem>>
      %dma_start3A_265 = tpu.memref_slice %arg3[%add3A_245] : memref<320000xi32, #tpu.memory_space<hbm>> -> memref<80xi32, #tpu.memory_space<hbm>>
      tpu.enqueue_dma source(%dma_start3A_265 : memref<80xi32, #tpu.memory_space<hbm>>) target(%dma_start3A_264 : memref<80xi32, #tpu.memory_space<vmem>>) target_semaphore(%arg10 : memref<!tpu.dma_semaphore, #tpu.memory_space<semaphore_mem>>)
      %dma_wait3A_266 = arith.constant 0 : i32
      %dma_wait3A_267 = tpu.memref_slice %arg5[%add3A_140, %dma_wait3A_266] : memref<10x80xi32, #tpu.memory_space<vmem>> -> memref<1x80xi32, #tpu.memory_space<vmem>>
      %dma_wait3A_268 = tpu.memref_squeeze %dma_wait3A_267 : memref<1x80xi32, #tpu.memory_space<vmem>> -> memref<80xi32, #tpu.memory_space<vmem>>
      %dma_wait3A_269 = tpu.memref_slice %arg2[%add3A_138] : memref<320000xi32, #tpu.memory_space<hbm>> -> memref<80xi32, #tpu.memory_space<hbm>>
      %dma_wait3A_270 = arith.constant 0 : i32
      %dma_wait3A_271 = tpu.memref_slice %arg5[%add3A_140, %dma_wait3A_270] : memref<10x80xi32, #tpu.memory_space<vmem>> -> memref<1x80xi32, #tpu.memory_space<vmem>>
      %dma_wait3A_272 = tpu.memref_squeeze %dma_wait3A_271 : memref<1x80xi32, #tpu.memory_space<vmem>> -> memref<80xi32, #tpu.memory_space<vmem>>
      %dma_wait3A_273 = tpu.memref_slice %arg2[%add3A_138] : memref<320000xi32, #tpu.memory_space<hbm>> -> memref<80xi32, #tpu.memory_space<hbm>>
      tpu.wait_dma2 semaphore(%arg10 : memref<!tpu.dma_semaphore, #tpu.memory_space<semaphore_mem>>) src(%dma_wait3A_273 : memref<80xi32, #tpu.memory_space<hbm>>) dst(%dma_wait3A_272 : memref<80xi32, #tpu.memory_space<vmem>>)
      %dma_wait3A_274 = arith.constant 0 : i32
      %dma_wait3A_275 = tpu.memref_slice %arg6[%add3A_149, %dma_wait3A_274] : memref<10x80xi32, #tpu.memory_space<vmem>> -> memref<1x80xi32, #tpu.memory_space<vmem>>
      %dma_wait3A_276 = tpu.memref_squeeze %dma_wait3A_275 : memref<1x80xi32, #tpu.memory_space<vmem>> -> memref<80xi32, #tpu.memory_space<vmem>>
      %dma_wait3A_277 = tpu.memref_slice %arg3[%add3A_138] : memref<320000xi32, #tpu.memory_space<hbm>> -> memref<80xi32, #tpu.memory_space<hbm>>
      %dma_wait3A_278 = arith.constant 0 : i32
      %dma_wait3A_279 = tpu.memref_slice %arg6[%add3A_149, %dma_wait3A_278] : memref<10x80xi32, #tpu.memory_space<vmem>> -> memref<1x80xi32, #tpu.memory_space<vmem>>
      %dma_wait3A_280 = tpu.memref_squeeze %dma_wait3A_279 : memref<1x80xi32, #tpu.memory_space<vmem>> -> memref<80xi32, #tpu.memory_space<vmem>>
      %dma_wait3A_281 = tpu.memref_slice %arg3[%add3A_138] : memref<320000xi32, #tpu.memory_space<hbm>> -> memref<80xi32, #tpu.memory_space<hbm>>
      tpu.wait_dma2 semaphore(%arg10 : memref<!tpu.dma_semaphore, #tpu.memory_space<semaphore_mem>>) src(%dma_wait3A_281 : memref<80xi32, #tpu.memory_space<hbm>>) dst(%dma_wait3A_280 : memref<80xi32, #tpu.memory_space<vmem>>)
      %dma_wait3A_282 = arith.constant 0 : i32
      %dma_wait3A_283 = tpu.memref_slice %arg5[%add3A_166, %dma_wait3A_282] : memref<10x80xi32, #tpu.memory_space<vmem>> -> memref<1x80xi32, #tpu.memory_space<vmem>>
      %dma_wait3A_284 = tpu.memref_squeeze %dma_wait3A_283 : memref<1x80xi32, #tpu.memory_space<vmem>> -> memref<80xi32, #tpu.memory_space<vmem>>
      %dma_wait3A_285 = tpu.memref_slice %arg2[%add3A_164] : memref<320000xi32, #tpu.memory_space<hbm>> -> memref<80xi32, #tpu.memory_space<hbm>>
      %dma_wait3A_286 = arith.constant 0 : i32
      %dma_wait3A_287 = tpu.memref_slice %arg5[%add3A_166, %dma_wait3A_286] : memref<10x80xi32, #tpu.memory_space<vmem>> -> memref<1x80xi32, #tpu.memory_space<vmem>>
      %dma_wait3A_288 = tpu.memref_squeeze %dma_wait3A_287 : memref<1x80xi32, #tpu.memory_space<vmem>> -> memref<80xi32, #tpu.memory_space<vmem>>
      %dma_wait3A_289 = tpu.memref_slice %arg2[%add3A_164] : memref<320000xi32, #tpu.memory_space<hbm>> -> memref<80xi32, #tpu.memory_space<hbm>>
      tpu.wait_dma2 semaphore(%arg10 : memref<!tpu.dma_semaphore, #tpu.memory_space<semaphore_mem>>) src(%dma_wait3A_289 : memref<80xi32, #tpu.memory_space<hbm>>) dst(%dma_wait3A_288 : memref<80xi32, #tpu.memory_space<vmem>>)
      %dma_wait3A_290 = arith.constant 0 : i32
      %dma_wait3A_291 = tpu.memref_slice %arg6[%add3A_176, %dma_wait3A_290] : memref<10x80xi32, #tpu.memory_space<vmem>> -> memref<1x80xi32, #tpu.memory_space<vmem>>
      %dma_wait3A_292 = tpu.memref_squeeze %dma_wait3A_291 : memref<1x80xi32, #tpu.memory_space<vmem>> -> memref<80xi32, #tpu.memory_space<vmem>>
      %dma_wait3A_293 = tpu.memref_slice %arg3[%add3A_164] : memref<320000xi32, #tpu.memory_space<hbm>> -> memref<80xi32, #tpu.memory_space<hbm>>
      %dma_wait3A_294 = arith.constant 0 : i32
      %dma_wait3A_295 = tpu.memref_slice %arg6[%add3A_176, %dma_wait3A_294] : memref<10x80xi32, #tpu.memory_space<vmem>> -> memref<1x80xi32, #tpu.memory_space<vmem>>
      %dma_wait3A_296 = tpu.memref_squeeze %dma_wait3A_295 : memref<1x80xi32, #tpu.memory_space<vmem>> -> memref<80xi32, #tpu.memory_space<vmem>>
      %dma_wait3A_297 = tpu.memref_slice %arg3[%add3A_164] : memref<320000xi32, #tpu.memory_space<hbm>> -> memref<80xi32, #tpu.memory_space<hbm>>
      tpu.wait_dma2 semaphore(%arg10 : memref<!tpu.dma_semaphore, #tpu.memory_space<semaphore_mem>>) src(%dma_wait3A_297 : memref<80xi32, #tpu.memory_space<hbm>>) dst(%dma_wait3A_296 : memref<80xi32, #tpu.memory_space<vmem>>)
      %dma_wait3A_298 = arith.constant 0 : i32
      %dma_wait3A_299 = tpu.memref_slice %arg5[%add3A_193, %dma_wait3A_298] : memref<10x80xi32, #tpu.memory_space<vmem>> -> memref<1x80xi32, #tpu.memory_space<vmem>>
      %dma_wait3A_300 = tpu.memref_squeeze %dma_wait3A_299 : memref<1x80xi32, #tpu.memory_space<vmem>> -> memref<80xi32, #tpu.memory_space<vmem>>
      %dma_wait3A_301 = tpu.memref_slice %arg2[%add3A_191] : memref<320000xi32, #tpu.memory_space<hbm>> -> memref<80xi32, #tpu.memory_space<hbm>>
      %dma_wait3A_302 = arith.constant 0 : i32
      %dma_wait3A_303 = tpu.memref_slice %arg5[%add3A_193, %dma_wait3A_302] : memref<10x80xi32, #tpu.memory_space<vmem>> -> memref<1x80xi32, #tpu.memory_space<vmem>>
      %dma_wait3A_304 = tpu.memref_squeeze %dma_wait3A_303 : memref<1x80xi32, #tpu.memory_space<vmem>> -> memref<80xi32, #tpu.memory_space<vmem>>
      %dma_wait3A_305 = tpu.memref_slice %arg2[%add3A_191] : memref<320000xi32, #tpu.memory_space<hbm>> -> memref<80xi32, #tpu.memory_space<hbm>>
      tpu.wait_dma2 semaphore(%arg10 : memref<!tpu.dma_semaphore, #tpu.memory_space<semaphore_mem>>) src(%dma_wait3A_305 : memref<80xi32, #tpu.memory_space<hbm>>) dst(%dma_wait3A_304 : memref<80xi32, #tpu.memory_space<vmem>>)
      %dma_wait3A_306 = arith.constant 0 : i32
      %dma_wait3A_307 = tpu.memref_slice %arg6[%add3A_203, %dma_wait3A_306] : memref<10x80xi32, #tpu.memory_space<vmem>> -> memref<1x80xi32, #tpu.memory_space<vmem>>
      %dma_wait3A_308 = tpu.memref_squeeze %dma_wait3A_307 : memref<1x80xi32, #tpu.memory_space<vmem>> -> memref<80xi32, #tpu.memory_space<vmem>>
      %dma_wait3A_309 = tpu.memref_slice %arg3[%add3A_191] : memref<320000xi32, #tpu.memory_space<hbm>> -> memref<80xi32, #tpu.memory_space<hbm>>
      %dma_wait3A_310 = arith.constant 0 : i32
      %dma_wait3A_311 = tpu.memref_slice %arg6[%add3A_203, %dma_wait3A_310] : memref<10x80xi32, #tpu.memory_space<vmem>> -> memref<1x80xi32, #tpu.memory_space<vmem>>
      %dma_wait3A_312 = tpu.memref_squeeze %dma_wait3A_311 : memref<1x80xi32, #tpu.memory_space<vmem>> -> memref<80xi32, #tpu.memory_space<vmem>>
      %dma_wait3A_313 = tpu.memref_slice %arg3[%add3A_191] : memref<320000xi32, #tpu.memory_space<hbm>> -> memref<80xi32, #tpu.memory_space<hbm>>
      tpu.wait_dma2 semaphore(%arg10 : memref<!tpu.dma_semaphore, #tpu.memory_space<semaphore_mem>>) src(%dma_wait3A_313 : memref<80xi32, #tpu.memory_space<hbm>>) dst(%dma_wait3A_312 : memref<80xi32, #tpu.memory_space<vmem>>)
      %dma_wait3A_314 = arith.constant 0 : i32
      %dma_wait3A_315 = tpu.memref_slice %arg5[%add3A_220, %dma_wait3A_314] : memref<10x80xi32, #tpu.memory_space<vmem>> -> memref<1x80xi32, #tpu.memory_space<vmem>>
      %dma_wait3A_316 = tpu.memref_squeeze %dma_wait3A_315 : memref<1x80xi32, #tpu.memory_space<vmem>> -> memref<80xi32, #tpu.memory_space<vmem>>
      %dma_wait3A_317 = tpu.memref_slice %arg2[%add3A_218] : memref<320000xi32, #tpu.memory_space<hbm>> -> memref<80xi32, #tpu.memory_space<hbm>>
      %dma_wait3A_318 = arith.constant 0 : i32
      %dma_wait3A_319 = tpu.memref_slice %arg5[%add3A_220, %dma_wait3A_318] : memref<10x80xi32, #tpu.memory_space<vmem>> -> memref<1x80xi32, #tpu.memory_space<vmem>>
      %dma_wait3A_320 = tpu.memref_squeeze %dma_wait3A_319 : memref<1x80xi32, #tpu.memory_space<vmem>> -> memref<80xi32, #tpu.memory_space<vmem>>
      %dma_wait3A_321 = tpu.memref_slice %arg2[%add3A_218] : memref<320000xi32, #tpu.memory_space<hbm>> -> memref<80xi32, #tpu.memory_space<hbm>>
      tpu.wait_dma2 semaphore(%arg10 : memref<!tpu.dma_semaphore, #tpu.memory_space<semaphore_mem>>) src(%dma_wait3A_321 : memref<80xi32, #tpu.memory_space<hbm>>) dst(%dma_wait3A_320 : memref<80xi32, #tpu.memory_space<vmem>>)
      %dma_wait3A_322 = arith.constant 0 : i32
      %dma_wait3A_323 = tpu.memref_slice %arg6[%add3A_230, %dma_wait3A_322] : memref<10x80xi32, #tpu.memory_space<vmem>> -> memref<1x80xi32, #tpu.memory_space<vmem>>
      %dma_wait3A_324 = tpu.memref_squeeze %dma_wait3A_323 : memref<1x80xi32, #tpu.memory_space<vmem>> -> memref<80xi32, #tpu.memory_space<vmem>>
      %dma_wait3A_325 = tpu.memref_slice %arg3[%add3A_218] : memref<320000xi32, #tpu.memory_space<hbm>> -> memref<80xi32, #tpu.memory_space<hbm>>
      %dma_wait3A_326 = arith.constant 0 : i32
      %dma_wait3A_327 = tpu.memref_slice %arg6[%add3A_230, %dma_wait3A_326] : memref<10x80xi32, #tpu.memory_space<vmem>> -> memref<1x80xi32, #tpu.memory_space<vmem>>
      %dma_wait3A_328 = tpu.memref_squeeze %dma_wait3A_327 : memref<1x80xi32, #tpu.memory_space<vmem>> -> memref<80xi32, #tpu.memory_space<vmem>>
      %dma_wait3A_329 = tpu.memref_slice %arg3[%add3A_218] : memref<320000xi32, #tpu.memory_space<hbm>> -> memref<80xi32, #tpu.memory_space<hbm>>
      tpu.wait_dma2 semaphore(%arg10 : memref<!tpu.dma_semaphore, #tpu.memory_space<semaphore_mem>>) src(%dma_wait3A_329 : memref<80xi32, #tpu.memory_space<hbm>>) dst(%dma_wait3A_328 : memref<80xi32, #tpu.memory_space<vmem>>)
      %dma_wait3A_330 = arith.constant 0 : i32
      %dma_wait3A_331 = tpu.memref_slice %arg5[%add3A_247, %dma_wait3A_330] : memref<10x80xi32, #tpu.memory_space<vmem>> -> memref<1x80xi32, #tpu.memory_space<vmem>>
      %dma_wait3A_332 = tpu.memref_squeeze %dma_wait3A_331 : memref<1x80xi32, #tpu.memory_space<vmem>> -> memref<80xi32, #tpu.memory_space<vmem>>
      %dma_wait3A_333 = tpu.memref_slice %arg2[%add3A_245] : memref<320000xi32, #tpu.memory_space<hbm>> -> memref<80xi32, #tpu.memory_space<hbm>>
      %dma_wait3A_334 = arith.constant 0 : i32
      %dma_wait3A_335 = tpu.memref_slice %arg5[%add3A_247, %dma_wait3A_334] : memref<10x80xi32, #tpu.memory_space<vmem>> -> memref<1x80xi32, #tpu.memory_space<vmem>>
      %dma_wait3A_336 = tpu.memref_squeeze %dma_wait3A_335 : memref<1x80xi32, #tpu.memory_space<vmem>> -> memref<80xi32, #tpu.memory_space<vmem>>
      %dma_wait3A_337 = tpu.memref_slice %arg2[%add3A_245] : memref<320000xi32, #tpu.memory_space<hbm>> -> memref<80xi32, #tpu.memory_space<hbm>>
      tpu.wait_dma2 semaphore(%arg10 : memref<!tpu.dma_semaphore, #tpu.memory_space<semaphore_mem>>) src(%dma_wait3A_337 : memref<80xi32, #tpu.memory_space<hbm>>) dst(%dma_wait3A_336 : memref<80xi32, #tpu.memory_space<vmem>>)
      %dma_wait3A_338 = arith.constant 0 : i32
      %dma_wait3A_339 = tpu.memref_slice %arg6[%add3A_257, %dma_wait3A_338] : memref<10x80xi32, #tpu.memory_space<vmem>> -> memref<1x80xi32, #tpu.memory_space<vmem>>
      %dma_wait3A_340 = tpu.memref_squeeze %dma_wait3A_339 : memref<1x80xi32, #tpu.memory_space<vmem>> -> memref<80xi32, #tpu.memory_space<vmem>>
      %dma_wait3A_341 = tpu.memref_slice %arg3[%add3A_245] : memref<320000xi32, #tpu.memory_space<hbm>> -> memref<80xi32, #tpu.memory_space<hbm>>
      %dma_wait3A_342 = arith.constant 0 : i32
      %dma_wait3A_343 = tpu.memref_slice %arg6[%add3A_257, %dma_wait3A_342] : memref<10x80xi32, #tpu.memory_space<vmem>> -> memref<1x80xi32, #tpu.memory_space<vmem>>
      %dma_wait3A_344 = tpu.memref_squeeze %dma_wait3A_343 : memref<1x80xi32, #tpu.memory_space<vmem>> -> memref<80xi32, #tpu.memory_space<vmem>>
      %dma_wait3A_345 = tpu.memref_slice %arg3[%add3A_245] : memref<320000xi32, #tpu.memory_space<hbm>> -> memref<80xi32, #tpu.memory_space<hbm>>
      tpu.wait_dma2 semaphore(%arg10 : memref<!tpu.dma_semaphore, #tpu.memory_space<semaphore_mem>>) src(%dma_wait3A_345 : memref<80xi32, #tpu.memory_space<hbm>>) dst(%dma_wait3A_344 : memref<80xi32, #tpu.memory_space<vmem>>)
      %add3A_346 = arith.constant 0 : i32
      %add3A_347 = arith.addi %mul3A_131, %add3A_346 : i32
      %dma_start3A_348 = arith.constant 0 : i32
      %dma_start3A_349 = tpu.memref_slice %arg5[%add3A_347, %dma_start3A_348] : memref<10x80xi32, #tpu.memory_space<vmem>> -> memref<1x80xi32, #tpu.memory_space<vmem>>
      %dma_start3A_350 = tpu.memref_squeeze %dma_start3A_349 : memref<1x80xi32, #tpu.memory_space<vmem>> -> memref<80xi32, #tpu.memory_space<vmem>>
      %dma_start3A_351 = arith.constant 0 : i32
      %dma_start3A_352 = arith.constant 0 : i32
      %dma_start3A_353 = tpu.memref_slice %arg12[%dma_start3A_351, %dma_start3A_352] : memref<10240x128xf32, #tpu.memory_space<vmem_shared>> -> memref<10240x128xf32, #tpu.memory_space<vmem_shared>>
      tpu.enqueue_indirect_dma source(%arg7 : memref<80x128xf32, #tpu.memory_space<vmem>>) target(%dma_start3A_353 : memref<10240x128xf32, #tpu.memory_space<vmem_shared>>) offsets(%dma_start3A_350 : memref<80xi32, #tpu.memory_space<vmem>>) semaphore(%arg11 : memref<!tpu.dma_semaphore, #tpu.memory_space<semaphore_mem>>) {add = true}
      %add3A_354 = arith.constant 0 : i32
      %add3A_355 = arith.addi %mul3A_131, %add3A_354 : i32
      %dma_start3A_356 = arith.constant 0 : i32
      %dma_start3A_357 = tpu.memref_slice %arg6[%add3A_355, %dma_start3A_356] : memref<10x80xi32, #tpu.memory_space<vmem>> -> memref<1x80xi32, #tpu.memory_space<vmem>>
      %dma_start3A_358 = tpu.memref_squeeze %dma_start3A_357 : memref<1x80xi32, #tpu.memory_space<vmem>> -> memref<80xi32, #tpu.memory_space<vmem>>
      %dma_start3A_359 = arith.constant 0 : i32
      %dma_start3A_360 = arith.constant 0 : i32
      %dma_start3A_361 = tpu.memref_slice %arg12[%dma_start3A_359, %dma_start3A_360] : memref<10240x128xf32, #tpu.memory_space<vmem_shared>> -> memref<10240x128xf32, #tpu.memory_space<vmem_shared>>
      tpu.enqueue_indirect_dma source(%arg8 : memref<80x128xf32, #tpu.memory_space<vmem>>) target(%dma_start3A_361 : memref<10240x128xf32, #tpu.memory_space<vmem_shared>>) offsets(%dma_start3A_358 : memref<80xi32, #tpu.memory_space<vmem>>) semaphore(%arg11 : memref<!tpu.dma_semaphore, #tpu.memory_space<semaphore_mem>>) {add = true}
      %add3A_362 = arith.constant 1 : i32
      %add3A_363 = arith.addi %mul3A_131, %add3A_362 : i32
      %dma_start3A_364 = arith.constant 0 : i32
      %dma_start3A_365 = tpu.memref_slice %arg5[%add3A_363, %dma_start3A_364] : memref<10x80xi32, #tpu.memory_space<vmem>> -> memref<1x80xi32, #tpu.memory_space<vmem>>
      %dma_start3A_366 = tpu.memref_squeeze %dma_start3A_365 : memref<1x80xi32, #tpu.memory_space<vmem>> -> memref<80xi32, #tpu.memory_space<vmem>>
      %dma_start3A_367 = arith.constant 0 : i32
      %dma_start3A_368 = arith.constant 0 : i32
      %dma_start3A_369 = tpu.memref_slice %arg12[%dma_start3A_367, %dma_start3A_368] : memref<10240x128xf32, #tpu.memory_space<vmem_shared>> -> memref<10240x128xf32, #tpu.memory_space<vmem_shared>>
      tpu.enqueue_indirect_dma source(%arg7 : memref<80x128xf32, #tpu.memory_space<vmem>>) target(%dma_start3A_369 : memref<10240x128xf32, #tpu.memory_space<vmem_shared>>) offsets(%dma_start3A_366 : memref<80xi32, #tpu.memory_space<vmem>>) semaphore(%arg11 : memref<!tpu.dma_semaphore, #tpu.memory_space<semaphore_mem>>) {add = true}
      %add3A_370 = arith.constant 1 : i32
      %add3A_371 = arith.addi %mul3A_131, %add3A_370 : i32
      %dma_start3A_372 = arith.constant 0 : i32
      %dma_start3A_373 = tpu.memref_slice %arg6[%add3A_371, %dma_start3A_372] : memref<10x80xi32, #tpu.memory_space<vmem>> -> memref<1x80xi32, #tpu.memory_space<vmem>>
      %dma_start3A_374 = tpu.memref_squeeze %dma_start3A_373 : memref<1x80xi32, #tpu.memory_space<vmem>> -> memref<80xi32, #tpu.memory_space<vmem>>
      %dma_start3A_375 = arith.constant 0 : i32
      %dma_start3A_376 = arith.constant 0 : i32
      %dma_start3A_377 = tpu.memref_slice %arg12[%dma_start3A_375, %dma_start3A_376] : memref<10240x128xf32, #tpu.memory_space<vmem_shared>> -> memref<10240x128xf32, #tpu.memory_space<vmem_shared>>
      tpu.enqueue_indirect_dma source(%arg8 : memref<80x128xf32, #tpu.memory_space<vmem>>) target(%dma_start3A_377 : memref<10240x128xf32, #tpu.memory_space<vmem_shared>>) offsets(%dma_start3A_374 : memref<80xi32, #tpu.memory_space<vmem>>) semaphore(%arg11 : memref<!tpu.dma_semaphore, #tpu.memory_space<semaphore_mem>>) {add = true}
      %add3A_378 = arith.constant 2 : i32
      %add3A_379 = arith.addi %mul3A_131, %add3A_378 : i32
      %dma_start3A_380 = arith.constant 0 : i32
      %dma_start3A_381 = tpu.memref_slice %arg5[%add3A_379, %dma_start3A_380] : memref<10x80xi32, #tpu.memory_space<vmem>> -> memref<1x80xi32, #tpu.memory_space<vmem>>
      %dma_start3A_382 = tpu.memref_squeeze %dma_start3A_381 : memref<1x80xi32, #tpu.memory_space<vmem>> -> memref<80xi32, #tpu.memory_space<vmem>>
      %dma_start3A_383 = arith.constant 0 : i32
      %dma_start3A_384 = arith.constant 0 : i32
      %dma_start3A_385 = tpu.memref_slice %arg12[%dma_start3A_383, %dma_start3A_384] : memref<10240x128xf32, #tpu.memory_space<vmem_shared>> -> memref<10240x128xf32, #tpu.memory_space<vmem_shared>>
      tpu.enqueue_indirect_dma source(%arg7 : memref<80x128xf32, #tpu.memory_space<vmem>>) target(%dma_start3A_385 : memref<10240x128xf32, #tpu.memory_space<vmem_shared>>) offsets(%dma_start3A_382 : memref<80xi32, #tpu.memory_space<vmem>>) semaphore(%arg11 : memref<!tpu.dma_semaphore, #tpu.memory_space<semaphore_mem>>) {add = true}
      %add3A_386 = arith.constant 2 : i32
      %add3A_387 = arith.addi %mul3A_131, %add3A_386 : i32
      %dma_start3A_388 = arith.constant 0 : i32
      %dma_start3A_389 = tpu.memref_slice %arg6[%add3A_387, %dma_start3A_388] : memref<10x80xi32, #tpu.memory_space<vmem>> -> memref<1x80xi32, #tpu.memory_space<vmem>>
      %dma_start3A_390 = tpu.memref_squeeze %dma_start3A_389 : memref<1x80xi32, #tpu.memory_space<vmem>> -> memref<80xi32, #tpu.memory_space<vmem>>
      %dma_start3A_391 = arith.constant 0 : i32
      %dma_start3A_392 = arith.constant 0 : i32
      %dma_start3A_393 = tpu.memref_slice %arg12[%dma_start3A_391, %dma_start3A_392] : memref<10240x128xf32, #tpu.memory_space<vmem_shared>> -> memref<10240x128xf32, #tpu.memory_space<vmem_shared>>
      tpu.enqueue_indirect_dma source(%arg8 : memref<80x128xf32, #tpu.memory_space<vmem>>) target(%dma_start3A_393 : memref<10240x128xf32, #tpu.memory_space<vmem_shared>>) offsets(%dma_start3A_390 : memref<80xi32, #tpu.memory_space<vmem>>) semaphore(%arg11 : memref<!tpu.dma_semaphore, #tpu.memory_space<semaphore_mem>>) {add = true}
      %add3A_394 = arith.constant 3 : i32
      %add3A_395 = arith.addi %mul3A_131, %add3A_394 : i32
      %dma_start3A_396 = arith.constant 0 : i32
      %dma_start3A_397 = tpu.memref_slice %arg5[%add3A_395, %dma_start3A_396] : memref<10x80xi32, #tpu.memory_space<vmem>> -> memref<1x80xi32, #tpu.memory_space<vmem>>
      %dma_start3A_398 = tpu.memref_squeeze %dma_start3A_397 : memref<1x80xi32, #tpu.memory_space<vmem>> -> memref<80xi32, #tpu.memory_space<vmem>>
      %dma_start3A_399 = arith.constant 0 : i32
      %dma_start3A_400 = arith.constant 0 : i32
      %dma_start3A_401 = tpu.memref_slice %arg12[%dma_start3A_399, %dma_start3A_400] : memref<10240x128xf32, #tpu.memory_space<vmem_shared>> -> memref<10240x128xf32, #tpu.memory_space<vmem_shared>>
      tpu.enqueue_indirect_dma source(%arg7 : memref<80x128xf32, #tpu.memory_space<vmem>>) target(%dma_start3A_401 : memref<10240x128xf32, #tpu.memory_space<vmem_shared>>) offsets(%dma_start3A_398 : memref<80xi32, #tpu.memory_space<vmem>>) semaphore(%arg11 : memref<!tpu.dma_semaphore, #tpu.memory_space<semaphore_mem>>) {add = true}
      %add3A_402 = arith.constant 3 : i32
      %add3A_403 = arith.addi %mul3A_131, %add3A_402 : i32
      %dma_start3A_404 = arith.constant 0 : i32
      %dma_start3A_405 = tpu.memref_slice %arg6[%add3A_403, %dma_start3A_404] : memref<10x80xi32, #tpu.memory_space<vmem>> -> memref<1x80xi32, #tpu.memory_space<vmem>>
      %dma_start3A_406 = tpu.memref_squeeze %dma_start3A_405 : memref<1x80xi32, #tpu.memory_space<vmem>> -> memref<80xi32, #tpu.memory_space<vmem>>
      %dma_start3A_407 = arith.constant 0 : i32
      %dma_start3A_408 = arith.constant 0 : i32
      %dma_start3A_409 = tpu.memref_slice %arg12[%dma_start3A_407, %dma_start3A_408] : memref<10240x128xf32, #tpu.memory_space<vmem_shared>> -> memref<10240x128xf32, #tpu.memory_space<vmem_shared>>
      tpu.enqueue_indirect_dma source(%arg8 : memref<80x128xf32, #tpu.memory_space<vmem>>) target(%dma_start3A_409 : memref<10240x128xf32, #tpu.memory_space<vmem_shared>>) offsets(%dma_start3A_406 : memref<80xi32, #tpu.memory_space<vmem>>) semaphore(%arg11 : memref<!tpu.dma_semaphore, #tpu.memory_space<semaphore_mem>>) {add = true}
      %add3A_410 = arith.constant 4 : i32
      %add3A_411 = arith.addi %mul3A_131, %add3A_410 : i32
      %dma_start3A_412 = arith.constant 0 : i32
      %dma_start3A_413 = tpu.memref_slice %arg5[%add3A_411, %dma_start3A_412] : memref<10x80xi32, #tpu.memory_space<vmem>> -> memref<1x80xi32, #tpu.memory_space<vmem>>
      %dma_start3A_414 = tpu.memref_squeeze %dma_start3A_413 : memref<1x80xi32, #tpu.memory_space<vmem>> -> memref<80xi32, #tpu.memory_space<vmem>>
      %dma_start3A_415 = arith.constant 0 : i32
      %dma_start3A_416 = arith.constant 0 : i32
      %dma_start3A_417 = tpu.memref_slice %arg12[%dma_start3A_415, %dma_start3A_416] : memref<10240x128xf32, #tpu.memory_space<vmem_shared>> -> memref<10240x128xf32, #tpu.memory_space<vmem_shared>>
      tpu.enqueue_indirect_dma source(%arg7 : memref<80x128xf32, #tpu.memory_space<vmem>>) target(%dma_start3A_417 : memref<10240x128xf32, #tpu.memory_space<vmem_shared>>) offsets(%dma_start3A_414 : memref<80xi32, #tpu.memory_space<vmem>>) semaphore(%arg11 : memref<!tpu.dma_semaphore, #tpu.memory_space<semaphore_mem>>) {add = true}
      %add3A_418 = arith.constant 4 : i32
      %add3A_419 = arith.addi %mul3A_131, %add3A_418 : i32
      %dma_start3A_420 = arith.constant 0 : i32
      %dma_start3A_421 = tpu.memref_slice %arg6[%add3A_419, %dma_start3A_420] : memref<10x80xi32, #tpu.memory_space<vmem>> -> memref<1x80xi32, #tpu.memory_space<vmem>>
      %dma_start3A_422 = tpu.memref_squeeze %dma_start3A_421 : memref<1x80xi32, #tpu.memory_space<vmem>> -> memref<80xi32, #tpu.memory_space<vmem>>
      %dma_start3A_423 = arith.constant 0 : i32
      %dma_start3A_424 = arith.constant 0 : i32
      %dma_start3A_425 = tpu.memref_slice %arg12[%dma_start3A_423, %dma_start3A_424] : memref<10240x128xf32, #tpu.memory_space<vmem_shared>> -> memref<10240x128xf32, #tpu.memory_space<vmem_shared>>
      tpu.enqueue_indirect_dma source(%arg8 : memref<80x128xf32, #tpu.memory_space<vmem>>) target(%dma_start3A_425 : memref<10240x128xf32, #tpu.memory_space<vmem_shared>>) offsets(%dma_start3A_422 : memref<80xi32, #tpu.memory_space<vmem>>) semaphore(%arg11 : memref<!tpu.dma_semaphore, #tpu.memory_space<semaphore_mem>>) {add = true}
      %gt3A = arith.constant 0 : i32
      %gt3A_426 = arith.cmpi sgt, %scan3A_127, %gt3A : i32
      %convert_element_type3A = arith.extui %gt3A_426 : i1 to i32
      %cond3A = arith.constant 0 : i32
      %cond3A_427 = arith.cmpi ne, %convert_element_type3A, %cond3A : i32
      scf.if %cond3A_427 {
        %dma_wait3A_429 = arith.constant 0 : i32
        %dma_wait3A_430 = arith.constant 0 : i32
        %dma_wait3A_431 = tpu.memref_slice %arg4[%arg0, %dma_wait3A_429, %dma_wait3A_430] : memref<2x10240x128xf32, #tpu.memory_space<hbm>> -> memref<1x80x128xf32, #tpu.memory_space<hbm>>
        %dma_wait3A_432 = tpu.memref_squeeze %dma_wait3A_431 : memref<1x80x128xf32, #tpu.memory_space<hbm>> -> memref<80x128xf32, #tpu.memory_space<hbm>>
        %dma_wait3A_433 = arith.constant 0 : i32
        %dma_wait3A_434 = arith.constant 0 : i32
        %dma_wait3A_435 = tpu.memref_slice %arg4[%arg0, %dma_wait3A_433, %dma_wait3A_434] : memref<2x10240x128xf32, #tpu.memory_space<hbm>> -> memref<1x80x128xf32, #tpu.memory_space<hbm>>
        %dma_wait3A_436 = tpu.memref_squeeze %dma_wait3A_435 : memref<1x80x128xf32, #tpu.memory_space<hbm>> -> memref<80x128xf32, #tpu.memory_space<hbm>>
        tpu.wait_dma2 semaphore(%arg11 : memref<!tpu.dma_semaphore, #tpu.memory_space<semaphore_mem>>) src(%dma_wait3A_436 : memref<80x128xf32, #tpu.memory_space<hbm>>) dst(%arg7 : memref<80x128xf32, #tpu.memory_space<vmem>>)
        %dma_wait3A_437 = arith.constant 0 : i32
        %dma_wait3A_438 = arith.constant 0 : i32
        %dma_wait3A_439 = tpu.memref_slice %arg4[%arg0, %dma_wait3A_437, %dma_wait3A_438] : memref<2x10240x128xf32, #tpu.memory_space<hbm>> -> memref<1x80x128xf32, #tpu.memory_space<hbm>>
        %dma_wait3A_440 = tpu.memref_squeeze %dma_wait3A_439 : memref<1x80x128xf32, #tpu.memory_space<hbm>> -> memref<80x128xf32, #tpu.memory_space<hbm>>
        %dma_wait3A_441 = arith.constant 0 : i32
        %dma_wait3A_442 = arith.constant 0 : i32
        %dma_wait3A_443 = tpu.memref_slice %arg4[%arg0, %dma_wait3A_441, %dma_wait3A_442] : memref<2x10240x128xf32, #tpu.memory_space<hbm>> -> memref<1x80x128xf32, #tpu.memory_space<hbm>>
        %dma_wait3A_444 = tpu.memref_squeeze %dma_wait3A_443 : memref<1x80x128xf32, #tpu.memory_space<hbm>> -> memref<80x128xf32, #tpu.memory_space<hbm>>
        tpu.wait_dma2 semaphore(%arg11 : memref<!tpu.dma_semaphore, #tpu.memory_space<semaphore_mem>>) src(%dma_wait3A_444 : memref<80x128xf32, #tpu.memory_space<hbm>>) dst(%arg7 : memref<80x128xf32, #tpu.memory_space<vmem>>)
        %dma_wait3A_445 = arith.constant 0 : i32
        %dma_wait3A_446 = arith.constant 0 : i32
        %dma_wait3A_447 = tpu.memref_slice %arg4[%arg0, %dma_wait3A_445, %dma_wait3A_446] : memref<2x10240x128xf32, #tpu.memory_space<hbm>> -> memref<1x80x128xf32, #tpu.memory_space<hbm>>
        %dma_wait3A_448 = tpu.memref_squeeze %dma_wait3A_447 : memref<1x80x128xf32, #tpu.memory_space<hbm>> -> memref<80x128xf32, #tpu.memory_space<hbm>>
        %dma_wait3A_449 = arith.constant 0 : i32
        %dma_wait3A_450 = arith.constant 0 : i32
        %dma_wait3A_451 = tpu.memref_slice %arg4[%arg0, %dma_wait3A_449, %dma_wait3A_450] : memref<2x10240x128xf32, #tpu.memory_space<hbm>> -> memref<1x80x128xf32, #tpu.memory_space<hbm>>
        %dma_wait3A_452 = tpu.memref_squeeze %dma_wait3A_451 : memref<1x80x128xf32, #tpu.memory_space<hbm>> -> memref<80x128xf32, #tpu.memory_space<hbm>>
        tpu.wait_dma2 semaphore(%arg11 : memref<!tpu.dma_semaphore, #tpu.memory_space<semaphore_mem>>) src(%dma_wait3A_452 : memref<80x128xf32, #tpu.memory_space<hbm>>) dst(%arg7 : memref<80x128xf32, #tpu.memory_space<vmem>>)
        %dma_wait3A_453 = arith.constant 0 : i32
        %dma_wait3A_454 = arith.constant 0 : i32
        %dma_wait3A_455 = tpu.memref_slice %arg4[%arg0, %dma_wait3A_453, %dma_wait3A_454] : memref<2x10240x128xf32, #tpu.memory_space<hbm>> -> memref<1x80x128xf32, #tpu.memory_space<hbm>>
        %dma_wait3A_456 = tpu.memref_squeeze %dma_wait3A_455 : memref<1x80x128xf32, #tpu.memory_space<hbm>> -> memref<80x128xf32, #tpu.memory_space<hbm>>
        %dma_wait3A_457 = arith.constant 0 : i32
        %dma_wait3A_458 = arith.constant 0 : i32
        %dma_wait3A_459 = tpu.memref_slice %arg4[%arg0, %dma_wait3A_457, %dma_wait3A_458] : memref<2x10240x128xf32, #tpu.memory_space<hbm>> -> memref<1x80x128xf32, #tpu.memory_space<hbm>>
        %dma_wait3A_460 = tpu.memref_squeeze %dma_wait3A_459 : memref<1x80x128xf32, #tpu.memory_space<hbm>> -> memref<80x128xf32, #tpu.memory_space<hbm>>
        tpu.wait_dma2 semaphore(%arg11 : memref<!tpu.dma_semaphore, #tpu.memory_space<semaphore_mem>>) src(%dma_wait3A_460 : memref<80x128xf32, #tpu.memory_space<hbm>>) dst(%arg7 : memref<80x128xf32, #tpu.memory_space<vmem>>)
        %dma_wait3A_461 = arith.constant 0 : i32
        %dma_wait3A_462 = arith.constant 0 : i32
        %dma_wait3A_463 = tpu.memref_slice %arg4[%arg0, %dma_wait3A_461, %dma_wait3A_462] : memref<2x10240x128xf32, #tpu.memory_space<hbm>> -> memref<1x80x128xf32, #tpu.memory_space<hbm>>
        %dma_wait3A_464 = tpu.memref_squeeze %dma_wait3A_463 : memref<1x80x128xf32, #tpu.memory_space<hbm>> -> memref<80x128xf32, #tpu.memory_space<hbm>>
        %dma_wait3A_465 = arith.constant 0 : i32
        %dma_wait3A_466 = arith.constant 0 : i32
        %dma_wait3A_467 = tpu.memref_slice %arg4[%arg0, %dma_wait3A_465, %dma_wait3A_466] : memref<2x10240x128xf32, #tpu.memory_space<hbm>> -> memref<1x80x128xf32, #tpu.memory_space<hbm>>
        %dma_wait3A_468 = tpu.memref_squeeze %dma_wait3A_467 : memref<1x80x128xf32, #tpu.memory_space<hbm>> -> memref<80x128xf32, #tpu.memory_space<hbm>>
        tpu.wait_dma2 semaphore(%arg11 : memref<!tpu.dma_semaphore, #tpu.memory_space<semaphore_mem>>) src(%dma_wait3A_468 : memref<80x128xf32, #tpu.memory_space<hbm>>) dst(%arg7 : memref<80x128xf32, #tpu.memory_space<vmem>>)
        %dma_wait3A_469 = arith.constant 0 : i32
        %dma_wait3A_470 = arith.constant 0 : i32
        %dma_wait3A_471 = tpu.memref_slice %arg4[%arg0, %dma_wait3A_469, %dma_wait3A_470] : memref<2x10240x128xf32, #tpu.memory_space<hbm>> -> memref<1x80x128xf32, #tpu.memory_space<hbm>>
        %dma_wait3A_472 = tpu.memref_squeeze %dma_wait3A_471 : memref<1x80x128xf32, #tpu.memory_space<hbm>> -> memref<80x128xf32, #tpu.memory_space<hbm>>
        %dma_wait3A_473 = arith.constant 0 : i32
        %dma_wait3A_474 = arith.constant 0 : i32
        %dma_wait3A_475 = tpu.memref_slice %arg4[%arg0, %dma_wait3A_473, %dma_wait3A_474] : memref<2x10240x128xf32, #tpu.memory_space<hbm>> -> memref<1x80x128xf32, #tpu.memory_space<hbm>>
        %dma_wait3A_476 = tpu.memref_squeeze %dma_wait3A_475 : memref<1x80x128xf32, #tpu.memory_space<hbm>> -> memref<80x128xf32, #tpu.memory_space<hbm>>
        tpu.wait_dma2 semaphore(%arg11 : memref<!tpu.dma_semaphore, #tpu.memory_space<semaphore_mem>>) src(%dma_wait3A_476 : memref<80x128xf32, #tpu.memory_space<hbm>>) dst(%arg7 : memref<80x128xf32, #tpu.memory_space<vmem>>)
        %dma_wait3A_477 = arith.constant 0 : i32
        %dma_wait3A_478 = arith.constant 0 : i32
        %dma_wait3A_479 = tpu.memref_slice %arg4[%arg0, %dma_wait3A_477, %dma_wait3A_478] : memref<2x10240x128xf32, #tpu.memory_space<hbm>> -> memref<1x80x128xf32, #tpu.memory_space<hbm>>
        %dma_wait3A_480 = tpu.memref_squeeze %dma_wait3A_479 : memref<1x80x128xf32, #tpu.memory_space<hbm>> -> memref<80x128xf32, #tpu.memory_space<hbm>>
        %dma_wait3A_481 = arith.constant 0 : i32
        %dma_wait3A_482 = arith.constant 0 : i32
        %dma_wait3A_483 = tpu.memref_slice %arg4[%arg0, %dma_wait3A_481, %dma_wait3A_482] : memref<2x10240x128xf32, #tpu.memory_space<hbm>> -> memref<1x80x128xf32, #tpu.memory_space<hbm>>
        %dma_wait3A_484 = tpu.memref_squeeze %dma_wait3A_483 : memref<1x80x128xf32, #tpu.memory_space<hbm>> -> memref<80x128xf32, #tpu.memory_space<hbm>>
        tpu.wait_dma2 semaphore(%arg11 : memref<!tpu.dma_semaphore, #tpu.memory_space<semaphore_mem>>) src(%dma_wait3A_484 : memref<80x128xf32, #tpu.memory_space<hbm>>) dst(%arg7 : memref<80x128xf32, #tpu.memory_space<vmem>>)
        %dma_wait3A_485 = arith.constant 0 : i32
        %dma_wait3A_486 = arith.constant 0 : i32
        %dma_wait3A_487 = tpu.memref_slice %arg4[%arg0, %dma_wait3A_485, %dma_wait3A_486] : memref<2x10240x128xf32, #tpu.memory_space<hbm>> -> memref<1x80x128xf32, #tpu.memory_space<hbm>>
        %dma_wait3A_488 = tpu.memref_squeeze %dma_wait3A_487 : memref<1x80x128xf32, #tpu.memory_space<hbm>> -> memref<80x128xf32, #tpu.memory_space<hbm>>
        %dma_wait3A_489 = arith.constant 0 : i32
        %dma_wait3A_490 = arith.constant 0 : i32
        %dma_wait3A_491 = tpu.memref_slice %arg4[%arg0, %dma_wait3A_489, %dma_wait3A_490] : memref<2x10240x128xf32, #tpu.memory_space<hbm>> -> memref<1x80x128xf32, #tpu.memory_space<hbm>>
        %dma_wait3A_492 = tpu.memref_squeeze %dma_wait3A_491 : memref<1x80x128xf32, #tpu.memory_space<hbm>> -> memref<80x128xf32, #tpu.memory_space<hbm>>
        tpu.wait_dma2 semaphore(%arg11 : memref<!tpu.dma_semaphore, #tpu.memory_space<semaphore_mem>>) src(%dma_wait3A_492 : memref<80x128xf32, #tpu.memory_space<hbm>>) dst(%arg7 : memref<80x128xf32, #tpu.memory_space<vmem>>)
        %dma_wait3A_493 = arith.constant 0 : i32
        %dma_wait3A_494 = arith.constant 0 : i32
        %dma_wait3A_495 = tpu.memref_slice %arg4[%arg0, %dma_wait3A_493, %dma_wait3A_494] : memref<2x10240x128xf32, #tpu.memory_space<hbm>> -> memref<1x80x128xf32, #tpu.memory_space<hbm>>
        %dma_wait3A_496 = tpu.memref_squeeze %dma_wait3A_495 : memref<1x80x128xf32, #tpu.memory_space<hbm>> -> memref<80x128xf32, #tpu.memory_space<hbm>>
        %dma_wait3A_497 = arith.constant 0 : i32
        %dma_wait3A_498 = arith.constant 0 : i32
        %dma_wait3A_499 = tpu.memref_slice %arg4[%arg0, %dma_wait3A_497, %dma_wait3A_498] : memref<2x10240x128xf32, #tpu.memory_space<hbm>> -> memref<1x80x128xf32, #tpu.memory_space<hbm>>
        %dma_wait3A_500 = tpu.memref_squeeze %dma_wait3A_499 : memref<1x80x128xf32, #tpu.memory_space<hbm>> -> memref<80x128xf32, #tpu.memory_space<hbm>>
        tpu.wait_dma2 semaphore(%arg11 : memref<!tpu.dma_semaphore, #tpu.memory_space<semaphore_mem>>) src(%dma_wait3A_500 : memref<80x128xf32, #tpu.memory_space<hbm>>) dst(%arg7 : memref<80x128xf32, #tpu.memory_space<vmem>>)
        %dma_wait3A_501 = arith.constant 0 : i32
        %dma_wait3A_502 = arith.constant 0 : i32
        %dma_wait3A_503 = tpu.memref_slice %arg4[%arg0, %dma_wait3A_501, %dma_wait3A_502] : memref<2x10240x128xf32, #tpu.memory_space<hbm>> -> memref<1x80x128xf32, #tpu.memory_space<hbm>>
        %dma_wait3A_504 = tpu.memref_squeeze %dma_wait3A_503 : memref<1x80x128xf32, #tpu.memory_space<hbm>> -> memref<80x128xf32, #tpu.memory_space<hbm>>
        %dma_wait3A_505 = arith.constant 0 : i32
        %dma_wait3A_506 = arith.constant 0 : i32
        %dma_wait3A_507 = tpu.memref_slice %arg4[%arg0, %dma_wait3A_505, %dma_wait3A_506] : memref<2x10240x128xf32, #tpu.memory_space<hbm>> -> memref<1x80x128xf32, #tpu.memory_space<hbm>>
        %dma_wait3A_508 = tpu.memref_squeeze %dma_wait3A_507 : memref<1x80x128xf32, #tpu.memory_space<hbm>> -> memref<80x128xf32, #tpu.memory_space<hbm>>
        tpu.wait_dma2 semaphore(%arg11 : memref<!tpu.dma_semaphore, #tpu.memory_space<semaphore_mem>>) src(%dma_wait3A_508 : memref<80x128xf32, #tpu.memory_space<hbm>>) dst(%arg7 : memref<80x128xf32, #tpu.memory_space<vmem>>)
      } else {
      }
      %scan3A_428 = arith.constant 0 : i32
      scf.yield %scan3A_428 : i32
    }
    %scan3A_44 = arith.constant 25 : i32
    %dma_wait3A = arith.constant 0 : i32
    %dma_wait3A_45 = arith.constant 0 : i32
    %dma_wait3A_46 = tpu.memref_slice %arg4[%arg0, %dma_wait3A, %dma_wait3A_45] : memref<2x10240x128xf32, #tpu.memory_space<hbm>> -> memref<1x80x128xf32, #tpu.memory_space<hbm>>
    %dma_wait3A_47 = tpu.memref_squeeze %dma_wait3A_46 : memref<1x80x128xf32, #tpu.memory_space<hbm>> -> memref<80x128xf32, #tpu.memory_space<hbm>>
    %dma_wait3A_48 = arith.constant 0 : i32
    %dma_wait3A_49 = arith.constant 0 : i32
    %dma_wait3A_50 = tpu.memref_slice %arg4[%arg0, %dma_wait3A_48, %dma_wait3A_49] : memref<2x10240x128xf32, #tpu.memory_space<hbm>> -> memref<1x80x128xf32, #tpu.memory_space<hbm>>
    %dma_wait3A_51 = tpu.memref_squeeze %dma_wait3A_50 : memref<1x80x128xf32, #tpu.memory_space<hbm>> -> memref<80x128xf32, #tpu.memory_space<hbm>>
    tpu.wait_dma2 semaphore(%arg11 : memref<!tpu.dma_semaphore, #tpu.memory_space<semaphore_mem>>) src(%dma_wait3A_51 : memref<80x128xf32, #tpu.memory_space<hbm>>) dst(%arg7 : memref<80x128xf32, #tpu.memory_space<vmem>>)
    %dma_wait3A_52 = arith.constant 0 : i32
    %dma_wait3A_53 = arith.constant 0 : i32
    %dma_wait3A_54 = tpu.memref_slice %arg4[%arg0, %dma_wait3A_52, %dma_wait3A_53] : memref<2x10240x128xf32, #tpu.memory_space<hbm>> -> memref<1x80x128xf32, #tpu.memory_space<hbm>>
    %dma_wait3A_55 = tpu.memref_squeeze %dma_wait3A_54 : memref<1x80x128xf32, #tpu.memory_space<hbm>> -> memref<80x128xf32, #tpu.memory_space<hbm>>
    %dma_wait3A_56 = arith.constant 0 : i32
    %dma_wait3A_57 = arith.constant 0 : i32
    %dma_wait3A_58 = tpu.memref_slice %arg4[%arg0, %dma_wait3A_56, %dma_wait3A_57] : memref<2x10240x128xf32, #tpu.memory_space<hbm>> -> memref<1x80x128xf32, #tpu.memory_space<hbm>>
    %dma_wait3A_59 = tpu.memref_squeeze %dma_wait3A_58 : memref<1x80x128xf32, #tpu.memory_space<hbm>> -> memref<80x128xf32, #tpu.memory_space<hbm>>
    tpu.wait_dma2 semaphore(%arg11 : memref<!tpu.dma_semaphore, #tpu.memory_space<semaphore_mem>>) src(%dma_wait3A_59 : memref<80x128xf32, #tpu.memory_space<hbm>>) dst(%arg7 : memref<80x128xf32, #tpu.memory_space<vmem>>)
    %dma_wait3A_60 = arith.constant 0 : i32
    %dma_wait3A_61 = arith.constant 0 : i32
    %dma_wait3A_62 = tpu.memref_slice %arg4[%arg0, %dma_wait3A_60, %dma_wait3A_61] : memref<2x10240x128xf32, #tpu.memory_space<hbm>> -> memref<1x80x128xf32, #tpu.memory_space<hbm>>
    %dma_wait3A_63 = tpu.memref_squeeze %dma_wait3A_62 : memref<1x80x128xf32, #tpu.memory_space<hbm>> -> memref<80x128xf32, #tpu.memory_space<hbm>>
    %dma_wait3A_64 = arith.constant 0 : i32
    %dma_wait3A_65 = arith.constant 0 : i32
    %dma_wait3A_66 = tpu.memref_slice %arg4[%arg0, %dma_wait3A_64, %dma_wait3A_65] : memref<2x10240x128xf32, #tpu.memory_space<hbm>> -> memref<1x80x128xf32, #tpu.memory_space<hbm>>
    %dma_wait3A_67 = tpu.memref_squeeze %dma_wait3A_66 : memref<1x80x128xf32, #tpu.memory_space<hbm>> -> memref<80x128xf32, #tpu.memory_space<hbm>>
    tpu.wait_dma2 semaphore(%arg11 : memref<!tpu.dma_semaphore, #tpu.memory_space<semaphore_mem>>) src(%dma_wait3A_67 : memref<80x128xf32, #tpu.memory_space<hbm>>) dst(%arg7 : memref<80x128xf32, #tpu.memory_space<vmem>>)
    %dma_wait3A_68 = arith.constant 0 : i32
    %dma_wait3A_69 = arith.constant 0 : i32
    %dma_wait3A_70 = tpu.memref_slice %arg4[%arg0, %dma_wait3A_68, %dma_wait3A_69] : memref<2x10240x128xf32, #tpu.memory_space<hbm>> -> memref<1x80x128xf32, #tpu.memory_space<hbm>>
    %dma_wait3A_71 = tpu.memref_squeeze %dma_wait3A_70 : memref<1x80x128xf32, #tpu.memory_space<hbm>> -> memref<80x128xf32, #tpu.memory_space<hbm>>
    %dma_wait3A_72 = arith.constant 0 : i32
    %dma_wait3A_73 = arith.constant 0 : i32
    %dma_wait3A_74 = tpu.memref_slice %arg4[%arg0, %dma_wait3A_72, %dma_wait3A_73] : memref<2x10240x128xf32, #tpu.memory_space<hbm>> -> memref<1x80x128xf32, #tpu.memory_space<hbm>>
    %dma_wait3A_75 = tpu.memref_squeeze %dma_wait3A_74 : memref<1x80x128xf32, #tpu.memory_space<hbm>> -> memref<80x128xf32, #tpu.memory_space<hbm>>
    tpu.wait_dma2 semaphore(%arg11 : memref<!tpu.dma_semaphore, #tpu.memory_space<semaphore_mem>>) src(%dma_wait3A_75 : memref<80x128xf32, #tpu.memory_space<hbm>>) dst(%arg7 : memref<80x128xf32, #tpu.memory_space<vmem>>)
    %dma_wait3A_76 = arith.constant 0 : i32
    %dma_wait3A_77 = arith.constant 0 : i32
    %dma_wait3A_78 = tpu.memref_slice %arg4[%arg0, %dma_wait3A_76, %dma_wait3A_77] : memref<2x10240x128xf32, #tpu.memory_space<hbm>> -> memref<1x80x128xf32, #tpu.memory_space<hbm>>
    %dma_wait3A_79 = tpu.memref_squeeze %dma_wait3A_78 : memref<1x80x128xf32, #tpu.memory_space<hbm>> -> memref<80x128xf32, #tpu.memory_space<hbm>>
    %dma_wait3A_80 = arith.constant 0 : i32
    %dma_wait3A_81 = arith.constant 0 : i32
    %dma_wait3A_82 = tpu.memref_slice %arg4[%arg0, %dma_wait3A_80, %dma_wait3A_81] : memref<2x10240x128xf32, #tpu.memory_space<hbm>> -> memref<1x80x128xf32, #tpu.memory_space<hbm>>
    %dma_wait3A_83 = tpu.memref_squeeze %dma_wait3A_82 : memref<1x80x128xf32, #tpu.memory_space<hbm>> -> memref<80x128xf32, #tpu.memory_space<hbm>>
    tpu.wait_dma2 semaphore(%arg11 : memref<!tpu.dma_semaphore, #tpu.memory_space<semaphore_mem>>) src(%dma_wait3A_83 : memref<80x128xf32, #tpu.memory_space<hbm>>) dst(%arg7 : memref<80x128xf32, #tpu.memory_space<vmem>>)
    %dma_wait3A_84 = arith.constant 0 : i32
    %dma_wait3A_85 = arith.constant 0 : i32
    %dma_wait3A_86 = tpu.memref_slice %arg4[%arg0, %dma_wait3A_84, %dma_wait3A_85] : memref<2x10240x128xf32, #tpu.memory_space<hbm>> -> memref<1x80x128xf32, #tpu.memory_space<hbm>>
    %dma_wait3A_87 = tpu.memref_squeeze %dma_wait3A_86 : memref<1x80x128xf32, #tpu.memory_space<hbm>> -> memref<80x128xf32, #tpu.memory_space<hbm>>
    %dma_wait3A_88 = arith.constant 0 : i32
    %dma_wait3A_89 = arith.constant 0 : i32
    %dma_wait3A_90 = tpu.memref_slice %arg4[%arg0, %dma_wait3A_88, %dma_wait3A_89] : memref<2x10240x128xf32, #tpu.memory_space<hbm>> -> memref<1x80x128xf32, #tpu.memory_space<hbm>>
    %dma_wait3A_91 = tpu.memref_squeeze %dma_wait3A_90 : memref<1x80x128xf32, #tpu.memory_space<hbm>> -> memref<80x128xf32, #tpu.memory_space<hbm>>
    tpu.wait_dma2 semaphore(%arg11 : memref<!tpu.dma_semaphore, #tpu.memory_space<semaphore_mem>>) src(%dma_wait3A_91 : memref<80x128xf32, #tpu.memory_space<hbm>>) dst(%arg7 : memref<80x128xf32, #tpu.memory_space<vmem>>)
    %dma_wait3A_92 = arith.constant 0 : i32
    %dma_wait3A_93 = arith.constant 0 : i32
    %dma_wait3A_94 = tpu.memref_slice %arg4[%arg0, %dma_wait3A_92, %dma_wait3A_93] : memref<2x10240x128xf32, #tpu.memory_space<hbm>> -> memref<1x80x128xf32, #tpu.memory_space<hbm>>
    %dma_wait3A_95 = tpu.memref_squeeze %dma_wait3A_94 : memref<1x80x128xf32, #tpu.memory_space<hbm>> -> memref<80x128xf32, #tpu.memory_space<hbm>>
    %dma_wait3A_96 = arith.constant 0 : i32
    %dma_wait3A_97 = arith.constant 0 : i32
    %dma_wait3A_98 = tpu.memref_slice %arg4[%arg0, %dma_wait3A_96, %dma_wait3A_97] : memref<2x10240x128xf32, #tpu.memory_space<hbm>> -> memref<1x80x128xf32, #tpu.memory_space<hbm>>
    %dma_wait3A_99 = tpu.memref_squeeze %dma_wait3A_98 : memref<1x80x128xf32, #tpu.memory_space<hbm>> -> memref<80x128xf32, #tpu.memory_space<hbm>>
    tpu.wait_dma2 semaphore(%arg11 : memref<!tpu.dma_semaphore, #tpu.memory_space<semaphore_mem>>) src(%dma_wait3A_99 : memref<80x128xf32, #tpu.memory_space<hbm>>) dst(%arg7 : memref<80x128xf32, #tpu.memory_space<vmem>>)
    %dma_wait3A_100 = arith.constant 0 : i32
    %dma_wait3A_101 = arith.constant 0 : i32
    %dma_wait3A_102 = tpu.memref_slice %arg4[%arg0, %dma_wait3A_100, %dma_wait3A_101] : memref<2x10240x128xf32, #tpu.memory_space<hbm>> -> memref<1x80x128xf32, #tpu.memory_space<hbm>>
    %dma_wait3A_103 = tpu.memref_squeeze %dma_wait3A_102 : memref<1x80x128xf32, #tpu.memory_space<hbm>> -> memref<80x128xf32, #tpu.memory_space<hbm>>
    %dma_wait3A_104 = arith.constant 0 : i32
    %dma_wait3A_105 = arith.constant 0 : i32
    %dma_wait3A_106 = tpu.memref_slice %arg4[%arg0, %dma_wait3A_104, %dma_wait3A_105] : memref<2x10240x128xf32, #tpu.memory_space<hbm>> -> memref<1x80x128xf32, #tpu.memory_space<hbm>>
    %dma_wait3A_107 = tpu.memref_squeeze %dma_wait3A_106 : memref<1x80x128xf32, #tpu.memory_space<hbm>> -> memref<80x128xf32, #tpu.memory_space<hbm>>
    tpu.wait_dma2 semaphore(%arg11 : memref<!tpu.dma_semaphore, #tpu.memory_space<semaphore_mem>>) src(%dma_wait3A_107 : memref<80x128xf32, #tpu.memory_space<hbm>>) dst(%arg7 : memref<80x128xf32, #tpu.memory_space<vmem>>)
    %dma_wait3A_108 = arith.constant 0 : i32
    %dma_wait3A_109 = arith.constant 0 : i32
    %dma_wait3A_110 = tpu.memref_slice %arg4[%arg0, %dma_wait3A_108, %dma_wait3A_109] : memref<2x10240x128xf32, #tpu.memory_space<hbm>> -> memref<1x80x128xf32, #tpu.memory_space<hbm>>
    %dma_wait3A_111 = tpu.memref_squeeze %dma_wait3A_110 : memref<1x80x128xf32, #tpu.memory_space<hbm>> -> memref<80x128xf32, #tpu.memory_space<hbm>>
    %dma_wait3A_112 = arith.constant 0 : i32
    %dma_wait3A_113 = arith.constant 0 : i32
    %dma_wait3A_114 = tpu.memref_slice %arg4[%arg0, %dma_wait3A_112, %dma_wait3A_113] : memref<2x10240x128xf32, #tpu.memory_space<hbm>> -> memref<1x80x128xf32, #tpu.memory_space<hbm>>
    %dma_wait3A_115 = tpu.memref_squeeze %dma_wait3A_114 : memref<1x80x128xf32, #tpu.memory_space<hbm>> -> memref<80x128xf32, #tpu.memory_space<hbm>>
    tpu.wait_dma2 semaphore(%arg11 : memref<!tpu.dma_semaphore, #tpu.memory_space<semaphore_mem>>) src(%dma_wait3A_115 : memref<80x128xf32, #tpu.memory_space<hbm>>) dst(%arg7 : memref<80x128xf32, #tpu.memory_space<vmem>>)
    %dma_wait3A_116 = arith.constant 0 : i32
    %dma_wait3A_117 = arith.constant 0 : i32
    %dma_wait3A_118 = tpu.memref_slice %arg4[%arg0, %dma_wait3A_116, %dma_wait3A_117] : memref<2x10240x128xf32, #tpu.memory_space<hbm>> -> memref<1x80x128xf32, #tpu.memory_space<hbm>>
    %dma_wait3A_119 = tpu.memref_squeeze %dma_wait3A_118 : memref<1x80x128xf32, #tpu.memory_space<hbm>> -> memref<80x128xf32, #tpu.memory_space<hbm>>
    %dma_wait3A_120 = arith.constant 0 : i32
    %dma_wait3A_121 = arith.constant 0 : i32
    %dma_wait3A_122 = tpu.memref_slice %arg4[%arg0, %dma_wait3A_120, %dma_wait3A_121] : memref<2x10240x128xf32, #tpu.memory_space<hbm>> -> memref<1x80x128xf32, #tpu.memory_space<hbm>>
    %dma_wait3A_123 = tpu.memref_squeeze %dma_wait3A_122 : memref<1x80x128xf32, #tpu.memory_space<hbm>> -> memref<80x128xf32, #tpu.memory_space<hbm>>
    tpu.wait_dma2 semaphore(%arg11 : memref<!tpu.dma_semaphore, #tpu.memory_space<semaphore_mem>>) src(%dma_wait3A_123 : memref<80x128xf32, #tpu.memory_space<hbm>>) dst(%arg7 : memref<80x128xf32, #tpu.memory_space<vmem>>)
    %barrier3A_124 = arith.constant 0 : index
    tpu.barrier barrier_id(%barrier3A_124)
    %mul3A_125 = arith.constant 640 : i32
    %mul3A_126 = arith.muli %arg1, %mul3A_125 : i32
    "tpu.region"() ({
      %run_scoped3A = tpu.sem_alloc : memref<!tpu.dma_semaphore, #tpu.memory_space<semaphore_mem>>
      %dma_start3A = arith.constant 0 : i32
      %dma_start3A_127 = tpu.memref_slice %arg4[%arg0, %mul3A_126, %dma_start3A] : memref<2x10240x128xf32, #tpu.memory_space<hbm>> -> memref<1x640x128xf32, #tpu.memory_space<hbm>>
      %dma_start3A_128 = tpu.memref_squeeze %dma_start3A_127 : memref<1x640x128xf32, #tpu.memory_space<hbm>> -> memref<640x128xf32, #tpu.memory_space<hbm>>
      %dma_start3A_129 = arith.constant 0 : i32
      %dma_start3A_130 = tpu.memref_slice %arg12[%mul3A_126, %dma_start3A_129] : memref<10240x128xf32, #tpu.memory_space<vmem_shared>> -> memref<640x128xf32, #tpu.memory_space<vmem_shared>>
      tpu.enqueue_dma source(%dma_start3A_130 : memref<640x128xf32, #tpu.memory_space<vmem_shared>>) target(%dma_start3A_128 : memref<640x128xf32, #tpu.memory_space<hbm>>) target_semaphore(%run_scoped3A : memref<!tpu.dma_semaphore, #tpu.memory_space<semaphore_mem>>)
      %dma_wait3A_131 = arith.constant 0 : i32
      %dma_wait3A_132 = tpu.memref_slice %arg4[%arg0, %mul3A_126, %dma_wait3A_131] : memref<2x10240x128xf32, #tpu.memory_space<hbm>> -> memref<1x640x128xf32, #tpu.memory_space<hbm>>
      %dma_wait3A_133 = tpu.memref_squeeze %dma_wait3A_132 : memref<1x640x128xf32, #tpu.memory_space<hbm>> -> memref<640x128xf32, #tpu.memory_space<hbm>>
      %dma_wait3A_134 = arith.constant 0 : i32
      %dma_wait3A_135 = tpu.memref_slice %arg12[%mul3A_126, %dma_wait3A_134] : memref<10240x128xf32, #tpu.memory_space<vmem_shared>> -> memref<640x128xf32, #tpu.memory_space<vmem_shared>>
      tpu.wait_dma2 semaphore(%run_scoped3A : memref<!tpu.dma_semaphore, #tpu.memory_space<semaphore_mem>>) src(%dma_wait3A_135 : memref<640x128xf32, #tpu.memory_space<vmem_shared>>) dst(%dma_wait3A_133 : memref<640x128xf32, #tpu.memory_space<hbm>>)
      tpu.yield
    }) : () -> ()
    return
  }
}

#map = affine_map<(d0, d1) -> (0, 0)>
#map1 = affine_map<(d0, d1) -> (0)>
#map2 = affine_map<(d0, d1) -> (0, 0, 0)>
module attributes {stable_mosaic.version = 14 : i64} {
  func.func @_edge_body(%arg0: i32, %arg1: i32, %arg2: memref<10240x128xf32, #tpu.memory_space<hbm>>, %arg3: memref<320000xi32, #tpu.memory_space<hbm>>, %arg4: memref<320000xi32, #tpu.memory_space<hbm>>, %arg5: memref<2x10240x128xf32, #tpu.memory_space<hbm>>, %arg6: memref<8x80xi32, #tpu.memory_space<vmem>>, %arg7: memref<8x80xi32, #tpu.memory_space<vmem>>, %arg8: memref<80x128xf32, #tpu.memory_space<vmem>>, %arg9: memref<80x128xf32, #tpu.memory_space<vmem>>, %arg10: memref<80x128xf32, #tpu.memory_space<vmem>>, %arg11: memref<80x128xf32, #tpu.memory_space<vmem>>, %arg12: memref<!tpu.dma_semaphore, #tpu.memory_space<semaphore_mem>>, %arg13: memref<!tpu.dma_semaphore, #tpu.memory_space<semaphore_mem>>, %arg14: memref<!tpu.dma_semaphore, #tpu.memory_space<semaphore_mem>>, %arg15: memref<10240x128xf32, #tpu.memory_space<vmem_shared>>) attributes {dimension_semantics = [#tpu.dimension_semantics<core_parallel>, #tpu.dimension_semantics<subcore_parallel>], iteration_bounds = array<i64: 2, 16>, scalar_prefetch = 0 : i64, scratch_operands = 10 : i64, tpu.core_type = #tpu.core_type<sc_vector_subcore>, window_params = [{transform_indices = #map}, {transform_indices = #map1}, {transform_indices = #map1}, {transform_indices = #map2}]} {
    %broadcast_in_dim3A = arith.constant 0.000000e+00 : f32
    %broadcast_in_dim3A_0 = vector.broadcast %broadcast_in_dim3A : f32 to vector<16xf32>
    %scan3A = arith.constant 0 : i32
    %scan3A_1 = arith.constant 0 : i32
    %scan3A_2 = arith.constant 80 : i32
    %scan3A_3 = arith.addi %scan3A_1, %scan3A_2 : i32
    %scan3A_4 = arith.constant 1 : i32
    %scan3A_5 = scf.for %scan3A_80 = %scan3A_1 to %scan3A_3 step %scan3A_4 iter_args(%scan3A_81 = %scan3A) -> (i32)  : i32 {
      %swap3A = arith.index_cast %scan3A_80 : i32 to index
      %swap3A_82 = arith.constant 0 : index
      %swap3A_83 = tpu.vector_load %arg8[%swap3A, %swap3A_82] {strides = array<i32>} : memref<80x128xf32, #tpu.memory_space<vmem>>, vector<1x16xf32>,
      %swap3A_84 = vector.shape_cast %swap3A_83 : vector<1x16xf32> to vector<16xf32>
      %swap3A_85 = vector.shape_cast %broadcast_in_dim3A_0 : vector<16xf32> to vector<1x16xf32>
      tpu.vector_store %arg8[%swap3A, %swap3A_82], %swap3A_85 {strides = array<i32>} : memref<80x128xf32, #tpu.memory_space<vmem>>, vector<1x16xf32>,
      %swap3A_86 = arith.index_cast %scan3A_80 : i32 to index
      %swap3A_87 = arith.constant 16 : index
      %swap3A_88 = tpu.vector_load %arg8[%swap3A_86, %swap3A_87] {strides = array<i32>} : memref<80x128xf32, #tpu.memory_space<vmem>>, vector<1x16xf32>,
      %swap3A_89 = vector.shape_cast %swap3A_88 : vector<1x16xf32> to vector<16xf32>
      %swap3A_90 = vector.shape_cast %broadcast_in_dim3A_0 : vector<16xf32> to vector<1x16xf32>
      tpu.vector_store %arg8[%swap3A_86, %swap3A_87], %swap3A_90 {strides = array<i32>} : memref<80x128xf32, #tpu.memory_space<vmem>>, vector<1x16xf32>,
      %swap3A_91 = arith.index_cast %scan3A_80 : i32 to index
      %swap3A_92 = arith.constant 32 : index
      %swap3A_93 = tpu.vector_load %arg8[%swap3A_91, %swap3A_92] {strides = array<i32>} : memref<80x128xf32, #tpu.memory_space<vmem>>, vector<1x16xf32>,
      %swap3A_94 = vector.shape_cast %swap3A_93 : vector<1x16xf32> to vector<16xf32>
      %swap3A_95 = vector.shape_cast %broadcast_in_dim3A_0 : vector<16xf32> to vector<1x16xf32>
      tpu.vector_store %arg8[%swap3A_91, %swap3A_92], %swap3A_95 {strides = array<i32>} : memref<80x128xf32, #tpu.memory_space<vmem>>, vector<1x16xf32>,
      %swap3A_96 = arith.index_cast %scan3A_80 : i32 to index
      %swap3A_97 = arith.constant 48 : index
      %swap3A_98 = tpu.vector_load %arg8[%swap3A_96, %swap3A_97] {strides = array<i32>} : memref<80x128xf32, #tpu.memory_space<vmem>>, vector<1x16xf32>,
      %swap3A_99 = vector.shape_cast %swap3A_98 : vector<1x16xf32> to vector<16xf32>
      %swap3A_100 = vector.shape_cast %broadcast_in_dim3A_0 : vector<16xf32> to vector<1x16xf32>
      tpu.vector_store %arg8[%swap3A_96, %swap3A_97], %swap3A_100 {strides = array<i32>} : memref<80x128xf32, #tpu.memory_space<vmem>>, vector<1x16xf32>,
      %swap3A_101 = arith.index_cast %scan3A_80 : i32 to index
      %swap3A_102 = arith.constant 64 : index
      %swap3A_103 = tpu.vector_load %arg8[%swap3A_101, %swap3A_102] {strides = array<i32>} : memref<80x128xf32, #tpu.memory_space<vmem>>, vector<1x16xf32>,
      %swap3A_104 = vector.shape_cast %swap3A_103 : vector<1x16xf32> to vector<16xf32>
      %swap3A_105 = vector.shape_cast %broadcast_in_dim3A_0 : vector<16xf32> to vector<1x16xf32>
      tpu.vector_store %arg8[%swap3A_101, %swap3A_102], %swap3A_105 {strides = array<i32>} : memref<80x128xf32, #tpu.memory_space<vmem>>, vector<1x16xf32>,
      %swap3A_106 = arith.index_cast %scan3A_80 : i32 to index
      %swap3A_107 = arith.constant 80 : index
      %swap3A_108 = tpu.vector_load %arg8[%swap3A_106, %swap3A_107] {strides = array<i32>} : memref<80x128xf32, #tpu.memory_space<vmem>>, vector<1x16xf32>,
      %swap3A_109 = vector.shape_cast %swap3A_108 : vector<1x16xf32> to vector<16xf32>
      %swap3A_110 = vector.shape_cast %broadcast_in_dim3A_0 : vector<16xf32> to vector<1x16xf32>
      tpu.vector_store %arg8[%swap3A_106, %swap3A_107], %swap3A_110 {strides = array<i32>} : memref<80x128xf32, #tpu.memory_space<vmem>>, vector<1x16xf32>,
      %swap3A_111 = arith.index_cast %scan3A_80 : i32 to index
      %swap3A_112 = arith.constant 96 : index
      %swap3A_113 = tpu.vector_load %arg8[%swap3A_111, %swap3A_112] {strides = array<i32>} : memref<80x128xf32, #tpu.memory_space<vmem>>, vector<1x16xf32>,
      %swap3A_114 = vector.shape_cast %swap3A_113 : vector<1x16xf32> to vector<16xf32>
      %swap3A_115 = vector.shape_cast %broadcast_in_dim3A_0 : vector<16xf32> to vector<1x16xf32>
      tpu.vector_store %arg8[%swap3A_111, %swap3A_112], %swap3A_115 {strides = array<i32>} : memref<80x128xf32, #tpu.memory_space<vmem>>, vector<1x16xf32>,
      %swap3A_116 = arith.index_cast %scan3A_80 : i32 to index
      %swap3A_117 = arith.constant 112 : index
      %swap3A_118 = tpu.vector_load %arg8[%swap3A_116, %swap3A_117] {strides = array<i32>} : memref<80x128xf32, #tpu.memory_space<vmem>>, vector<1x16xf32>,
      %swap3A_119 = vector.shape_cast %swap3A_118 : vector<1x16xf32> to vector<16xf32>
      %swap3A_120 = vector.shape_cast %broadcast_in_dim3A_0 : vector<16xf32> to vector<1x16xf32>
      tpu.vector_store %arg8[%swap3A_116, %swap3A_117], %swap3A_120 {strides = array<i32>} : memref<80x128xf32, #tpu.memory_space<vmem>>, vector<1x16xf32>,
      %scan3A_121 = arith.constant 0 : i32
      scf.yield %scan3A_121 : i32
    }
    %scan3A_6 = arith.constant 80 : i32
    %scan3A_7 = arith.constant 0 : i32
    %scan3A_8 = arith.constant 0 : i32
    %scan3A_9 = arith.constant 8 : i32
    %scan3A_10 = arith.addi %scan3A_8, %scan3A_9 : i32
    %scan3A_11 = arith.constant 1 : i32
    %scan3A_12 = scf.for %scan3A_80 = %scan3A_8 to %scan3A_10 step %scan3A_11 iter_args(%scan3A_81 = %scan3A_7) -> (i32)  : i32 {
      %mul3A_82 = arith.constant 640 : i32
      %mul3A_83 = arith.muli %arg1, %mul3A_82 : i32
      %mul3A_84 = arith.constant 80 : i32
      %mul3A_85 = arith.muli %scan3A_80, %mul3A_84 : i32
      %add3A_86 = arith.addi %mul3A_83, %mul3A_85 : i32
      "tpu.region"() ({
        %run_scoped3A_88 = tpu.sem_alloc : memref<!tpu.dma_semaphore, #tpu.memory_space<semaphore_mem>>
        %dma_start3A_89 = arith.constant 0 : i32
        %dma_start3A_90 = tpu.memref_slice %arg15[%add3A_86, %dma_start3A_89] : memref<10240x128xf32, #tpu.memory_space<vmem_shared>> -> memref<80x128xf32, #tpu.memory_space<vmem_shared>>
        %dma_start3A_91 = arith.constant 0 : i32
        %dma_start3A_92 = tpu.memref_slice %arg15[%add3A_86, %dma_start3A_91] : memref<10240x128xf32, #tpu.memory_space<vmem_shared>> -> memref<80x128xf32, #tpu.memory_space<vmem_shared>>
        tpu.enqueue_dma source(%arg8 : memref<80x128xf32, #tpu.memory_space<vmem>>) target(%dma_start3A_92 : memref<80x128xf32, #tpu.memory_space<vmem_shared>>) target_semaphore(%run_scoped3A_88 : memref<!tpu.dma_semaphore, #tpu.memory_space<semaphore_mem>>)
        %dma_wait3A_93 = arith.constant 0 : i32
        %dma_wait3A_94 = tpu.memref_slice %arg15[%add3A_86, %dma_wait3A_93] : memref<10240x128xf32, #tpu.memory_space<vmem_shared>> -> memref<80x128xf32, #tpu.memory_space<vmem_shared>>
        %dma_wait3A_95 = arith.constant 0 : i32
        %dma_wait3A_96 = tpu.memref_slice %arg15[%add3A_86, %dma_wait3A_95] : memref<10240x128xf32, #tpu.memory_space<vmem_shared>> -> memref<80x128xf32, #tpu.memory_space<vmem_shared>>
        tpu.wait_dma2 semaphore(%run_scoped3A_88 : memref<!tpu.dma_semaphore, #tpu.memory_space<semaphore_mem>>) src(%arg8 : memref<80x128xf32, #tpu.memory_space<vmem>>) dst(%dma_wait3A_96 : memref<80x128xf32, #tpu.memory_space<vmem_shared>>)
        tpu.yield
      }) : () -> ()
      %scan3A_87 = arith.constant 0 : i32
      scf.yield %scan3A_87 : i32
    }
    %scan3A_13 = arith.constant 8 : i32
    %barrier3A = arith.constant 0 : index
    tpu.barrier barrier_id(%barrier3A)
    %mul3A = arith.constant 160000 : i32
    %mul3A_14 = arith.muli %arg0, %mul3A : i32
    %mul3A_15 = arith.constant 10000 : i32
    %mul3A_16 = arith.muli %arg1, %mul3A_15 : i32
    %add3A = arith.addi %mul3A_14, %mul3A_16 : i32
    %scan3A_17 = arith.constant 0 : i32
    %scan3A_18 = arith.constant 0 : i32
    %scan3A_19 = arith.constant 31 : i32
    %scan3A_20 = arith.addi %scan3A_18, %scan3A_19 : i32
    %scan3A_21 = arith.constant 1 : i32
    %scan3A_22 = scf.for %scan3A_80 = %scan3A_18 to %scan3A_20 step %scan3A_21 iter_args(%scan3A_81 = %scan3A_17) -> (i32)  : i32 {
      %rem3A = arith.constant 2 : i32
      %rem3A_82 = arith.remsi %scan3A_80, %rem3A : i32
      %mul3A_83 = arith.constant 4 : i32
      %mul3A_84 = arith.muli %rem3A_82, %mul3A_83 : i32
      %mul3A_85 = arith.constant 4 : i32
      %mul3A_86 = arith.muli %scan3A_80, %mul3A_85 : i32
      %add3A_87 = arith.constant 0 : i32
      %add3A_88 = arith.addi %mul3A_86, %add3A_87 : i32
      %mul3A_89 = arith.constant 80 : i32
      %mul3A_90 = arith.muli %add3A_88, %mul3A_89 : i32
      %add3A_91 = arith.addi %add3A, %mul3A_90 : i32
      %add3A_92 = arith.constant 0 : i32
      %add3A_93 = arith.addi %mul3A_84, %add3A_92 : i32
      %dma_start3A_94 = arith.constant 0 : i32
      %dma_start3A_95 = tpu.memref_slice %arg6[%add3A_93, %dma_start3A_94] : memref<8x80xi32, #tpu.memory_space<vmem>> -> memref<1x80xi32, #tpu.memory_space<vmem>>
      %dma_start3A_96 = tpu.memref_squeeze %dma_start3A_95 : memref<1x80xi32, #tpu.memory_space<vmem>> -> memref<80xi32, #tpu.memory_space<vmem>>
      %dma_start3A_97 = tpu.memref_slice %arg3[%add3A_91] : memref<320000xi32, #tpu.memory_space<hbm>> -> memref<80xi32, #tpu.memory_space<hbm>>
      %dma_start3A_98 = arith.constant 0 : i32
      %dma_start3A_99 = tpu.memref_slice %arg6[%add3A_93, %dma_start3A_98] : memref<8x80xi32, #tpu.memory_space<vmem>> -> memref<1x80xi32, #tpu.memory_space<vmem>>
      %dma_start3A_100 = tpu.memref_squeeze %dma_start3A_99 : memref<1x80xi32, #tpu.memory_space<vmem>> -> memref<80xi32, #tpu.memory_space<vmem>>
      %dma_start3A_101 = tpu.memref_slice %arg3[%add3A_91] : memref<320000xi32, #tpu.memory_space<hbm>> -> memref<80xi32, #tpu.memory_space<hbm>>
      tpu.enqueue_dma source(%dma_start3A_101 : memref<80xi32, #tpu.memory_space<hbm>>) target(%dma_start3A_100 : memref<80xi32, #tpu.memory_space<vmem>>) target_semaphore(%arg12 : memref<!tpu.dma_semaphore, #tpu.memory_space<semaphore_mem>>)
      %add3A_102 = arith.constant 0 : i32
      %add3A_103 = arith.addi %mul3A_84, %add3A_102 : i32
      %dma_start3A_104 = arith.constant 0 : i32
      %dma_start3A_105 = tpu.memref_slice %arg7[%add3A_103, %dma_start3A_104] : memref<8x80xi32, #tpu.memory_space<vmem>> -> memref<1x80xi32, #tpu.memory_space<vmem>>
      %dma_start3A_106 = tpu.memref_squeeze %dma_start3A_105 : memref<1x80xi32, #tpu.memory_space<vmem>> -> memref<80xi32, #tpu.memory_space<vmem>>
      %dma_start3A_107 = tpu.memref_slice %arg4[%add3A_91] : memref<320000xi32, #tpu.memory_space<hbm>> -> memref<80xi32, #tpu.memory_space<hbm>>
      %dma_start3A_108 = arith.constant 0 : i32
      %dma_start3A_109 = tpu.memref_slice %arg7[%add3A_103, %dma_start3A_108] : memref<8x80xi32, #tpu.memory_space<vmem>> -> memref<1x80xi32, #tpu.memory_space<vmem>>
      %dma_start3A_110 = tpu.memref_squeeze %dma_start3A_109 : memref<1x80xi32, #tpu.memory_space<vmem>> -> memref<80xi32, #tpu.memory_space<vmem>>
      %dma_start3A_111 = tpu.memref_slice %arg4[%add3A_91] : memref<320000xi32, #tpu.memory_space<hbm>> -> memref<80xi32, #tpu.memory_space<hbm>>
      tpu.enqueue_dma source(%dma_start3A_111 : memref<80xi32, #tpu.memory_space<hbm>>) target(%dma_start3A_110 : memref<80xi32, #tpu.memory_space<vmem>>) target_semaphore(%arg12 : memref<!tpu.dma_semaphore, #tpu.memory_space<semaphore_mem>>)
      %mul3A_112 = arith.constant 4 : i32
      %mul3A_113 = arith.muli %scan3A_80, %mul3A_112 : i32
      %add3A_114 = arith.constant 1 : i32
      %add3A_115 = arith.addi %mul3A_113, %add3A_114 : i32
      %mul3A_116 = arith.constant 80 : i32
      %mul3A_117 = arith.muli %add3A_115, %mul3A_116 : i32
      %add3A_118 = arith.addi %add3A, %mul3A_117 : i32
      %add3A_119 = arith.constant 1 : i32
      %add3A_120 = arith.addi %mul3A_84, %add3A_119 : i32
      %dma_start3A_121 = arith.constant 0 : i32
      %dma_start3A_122 = tpu.memref_slice %arg6[%add3A_120, %dma_start3A_121] : memref<8x80xi32, #tpu.memory_space<vmem>> -> memref<1x80xi32, #tpu.memory_space<vmem>>
      %dma_start3A_123 = tpu.memref_squeeze %dma_start3A_122 : memref<1x80xi32, #tpu.memory_space<vmem>> -> memref<80xi32, #tpu.memory_space<vmem>>
      %dma_start3A_124 = tpu.memref_slice %arg3[%add3A_118] : memref<320000xi32, #tpu.memory_space<hbm>> -> memref<80xi32, #tpu.memory_space<hbm>>
      %dma_start3A_125 = arith.constant 0 : i32
      %dma_start3A_126 = tpu.memref_slice %arg6[%add3A_120, %dma_start3A_125] : memref<8x80xi32, #tpu.memory_space<vmem>> -> memref<1x80xi32, #tpu.memory_space<vmem>>
      %dma_start3A_127 = tpu.memref_squeeze %dma_start3A_126 : memref<1x80xi32, #tpu.memory_space<vmem>> -> memref<80xi32, #tpu.memory_space<vmem>>
      %dma_start3A_128 = tpu.memref_slice %arg3[%add3A_118] : memref<320000xi32, #tpu.memory_space<hbm>> -> memref<80xi32, #tpu.memory_space<hbm>>
      tpu.enqueue_dma source(%dma_start3A_128 : memref<80xi32, #tpu.memory_space<hbm>>) target(%dma_start3A_127 : memref<80xi32, #tpu.memory_space<vmem>>) target_semaphore(%arg12 : memref<!tpu.dma_semaphore, #tpu.memory_space<semaphore_mem>>)
      %add3A_129 = arith.constant 1 : i32
      %add3A_130 = arith.addi %mul3A_84, %add3A_129 : i32
      %dma_start3A_131 = arith.constant 0 : i32
      %dma_start3A_132 = tpu.memref_slice %arg7[%add3A_130, %dma_start3A_131] : memref<8x80xi32, #tpu.memory_space<vmem>> -> memref<1x80xi32, #tpu.memory_space<vmem>>
      %dma_start3A_133 = tpu.memref_squeeze %dma_start3A_132 : memref<1x80xi32, #tpu.memory_space<vmem>> -> memref<80xi32, #tpu.memory_space<vmem>>
      %dma_start3A_134 = tpu.memref_slice %arg4[%add3A_118] : memref<320000xi32, #tpu.memory_space<hbm>> -> memref<80xi32, #tpu.memory_space<hbm>>
      %dma_start3A_135 = arith.constant 0 : i32
      %dma_start3A_136 = tpu.memref_slice %arg7[%add3A_130, %dma_start3A_135] : memref<8x80xi32, #tpu.memory_space<vmem>> -> memref<1x80xi32, #tpu.memory_space<vmem>>
      %dma_start3A_137 = tpu.memref_squeeze %dma_start3A_136 : memref<1x80xi32, #tpu.memory_space<vmem>> -> memref<80xi32, #tpu.memory_space<vmem>>
      %dma_start3A_138 = tpu.memref_slice %arg4[%add3A_118] : memref<320000xi32, #tpu.memory_space<hbm>> -> memref<80xi32, #tpu.memory_space<hbm>>
      tpu.enqueue_dma source(%dma_start3A_138 : memref<80xi32, #tpu.memory_space<hbm>>) target(%dma_start3A_137 : memref<80xi32, #tpu.memory_space<vmem>>) target_semaphore(%arg12 : memref<!tpu.dma_semaphore, #tpu.memory_space<semaphore_mem>>)
      %mul3A_139 = arith.constant 4 : i32
      %mul3A_140 = arith.muli %scan3A_80, %mul3A_139 : i32
      %add3A_141 = arith.constant 2 : i32
      %add3A_142 = arith.addi %mul3A_140, %add3A_141 : i32
      %mul3A_143 = arith.constant 80 : i32
      %mul3A_144 = arith.muli %add3A_142, %mul3A_143 : i32
      %add3A_145 = arith.addi %add3A, %mul3A_144 : i32
      %add3A_146 = arith.constant 2 : i32
      %add3A_147 = arith.addi %mul3A_84, %add3A_146 : i32
      %dma_start3A_148 = arith.constant 0 : i32
      %dma_start3A_149 = tpu.memref_slice %arg6[%add3A_147, %dma_start3A_148] : memref<8x80xi32, #tpu.memory_space<vmem>> -> memref<1x80xi32, #tpu.memory_space<vmem>>
      %dma_start3A_150 = tpu.memref_squeeze %dma_start3A_149 : memref<1x80xi32, #tpu.memory_space<vmem>> -> memref<80xi32, #tpu.memory_space<vmem>>
      %dma_start3A_151 = tpu.memref_slice %arg3[%add3A_145] : memref<320000xi32, #tpu.memory_space<hbm>> -> memref<80xi32, #tpu.memory_space<hbm>>
      %dma_start3A_152 = arith.constant 0 : i32
      %dma_start3A_153 = tpu.memref_slice %arg6[%add3A_147, %dma_start3A_152] : memref<8x80xi32, #tpu.memory_space<vmem>> -> memref<1x80xi32, #tpu.memory_space<vmem>>
      %dma_start3A_154 = tpu.memref_squeeze %dma_start3A_153 : memref<1x80xi32, #tpu.memory_space<vmem>> -> memref<80xi32, #tpu.memory_space<vmem>>
      %dma_start3A_155 = tpu.memref_slice %arg3[%add3A_145] : memref<320000xi32, #tpu.memory_space<hbm>> -> memref<80xi32, #tpu.memory_space<hbm>>
      tpu.enqueue_dma source(%dma_start3A_155 : memref<80xi32, #tpu.memory_space<hbm>>) target(%dma_start3A_154 : memref<80xi32, #tpu.memory_space<vmem>>) target_semaphore(%arg12 : memref<!tpu.dma_semaphore, #tpu.memory_space<semaphore_mem>>)
      %add3A_156 = arith.constant 2 : i32
      %add3A_157 = arith.addi %mul3A_84, %add3A_156 : i32
      %dma_start3A_158 = arith.constant 0 : i32
      %dma_start3A_159 = tpu.memref_slice %arg7[%add3A_157, %dma_start3A_158] : memref<8x80xi32, #tpu.memory_space<vmem>> -> memref<1x80xi32, #tpu.memory_space<vmem>>
      %dma_start3A_160 = tpu.memref_squeeze %dma_start3A_159 : memref<1x80xi32, #tpu.memory_space<vmem>> -> memref<80xi32, #tpu.memory_space<vmem>>
      %dma_start3A_161 = tpu.memref_slice %arg4[%add3A_145] : memref<320000xi32, #tpu.memory_space<hbm>> -> memref<80xi32, #tpu.memory_space<hbm>>
      %dma_start3A_162 = arith.constant 0 : i32
      %dma_start3A_163 = tpu.memref_slice %arg7[%add3A_157, %dma_start3A_162] : memref<8x80xi32, #tpu.memory_space<vmem>> -> memref<1x80xi32, #tpu.memory_space<vmem>>
      %dma_start3A_164 = tpu.memref_squeeze %dma_start3A_163 : memref<1x80xi32, #tpu.memory_space<vmem>> -> memref<80xi32, #tpu.memory_space<vmem>>
      %dma_start3A_165 = tpu.memref_slice %arg4[%add3A_145] : memref<320000xi32, #tpu.memory_space<hbm>> -> memref<80xi32, #tpu.memory_space<hbm>>
      tpu.enqueue_dma source(%dma_start3A_165 : memref<80xi32, #tpu.memory_space<hbm>>) target(%dma_start3A_164 : memref<80xi32, #tpu.memory_space<vmem>>) target_semaphore(%arg12 : memref<!tpu.dma_semaphore, #tpu.memory_space<semaphore_mem>>)
      %mul3A_166 = arith.constant 4 : i32
      %mul3A_167 = arith.muli %scan3A_80, %mul3A_166 : i32
      %add3A_168 = arith.constant 3 : i32
      %add3A_169 = arith.addi %mul3A_167, %add3A_168 : i32
      %mul3A_170 = arith.constant 80 : i32
      %mul3A_171 = arith.muli %add3A_169, %mul3A_170 : i32
      %add3A_172 = arith.addi %add3A, %mul3A_171 : i32
      %add3A_173 = arith.constant 3 : i32
      %add3A_174 = arith.addi %mul3A_84, %add3A_173 : i32
      %dma_start3A_175 = arith.constant 0 : i32
      %dma_start3A_176 = tpu.memref_slice %arg6[%add3A_174, %dma_start3A_175] : memref<8x80xi32, #tpu.memory_space<vmem>> -> memref<1x80xi32, #tpu.memory_space<vmem>>
      %dma_start3A_177 = tpu.memref_squeeze %dma_start3A_176 : memref<1x80xi32, #tpu.memory_space<vmem>> -> memref<80xi32, #tpu.memory_space<vmem>>
      %dma_start3A_178 = tpu.memref_slice %arg3[%add3A_172] : memref<320000xi32, #tpu.memory_space<hbm>> -> memref<80xi32, #tpu.memory_space<hbm>>
      %dma_start3A_179 = arith.constant 0 : i32
      %dma_start3A_180 = tpu.memref_slice %arg6[%add3A_174, %dma_start3A_179] : memref<8x80xi32, #tpu.memory_space<vmem>> -> memref<1x80xi32, #tpu.memory_space<vmem>>
      %dma_start3A_181 = tpu.memref_squeeze %dma_start3A_180 : memref<1x80xi32, #tpu.memory_space<vmem>> -> memref<80xi32, #tpu.memory_space<vmem>>
      %dma_start3A_182 = tpu.memref_slice %arg3[%add3A_172] : memref<320000xi32, #tpu.memory_space<hbm>> -> memref<80xi32, #tpu.memory_space<hbm>>
      tpu.enqueue_dma source(%dma_start3A_182 : memref<80xi32, #tpu.memory_space<hbm>>) target(%dma_start3A_181 : memref<80xi32, #tpu.memory_space<vmem>>) target_semaphore(%arg12 : memref<!tpu.dma_semaphore, #tpu.memory_space<semaphore_mem>>)
      %add3A_183 = arith.constant 3 : i32
      %add3A_184 = arith.addi %mul3A_84, %add3A_183 : i32
      %dma_start3A_185 = arith.constant 0 : i32
      %dma_start3A_186 = tpu.memref_slice %arg7[%add3A_184, %dma_start3A_185] : memref<8x80xi32, #tpu.memory_space<vmem>> -> memref<1x80xi32, #tpu.memory_space<vmem>>
      %dma_start3A_187 = tpu.memref_squeeze %dma_start3A_186 : memref<1x80xi32, #tpu.memory_space<vmem>> -> memref<80xi32, #tpu.memory_space<vmem>>
      %dma_start3A_188 = tpu.memref_slice %arg4[%add3A_172] : memref<320000xi32, #tpu.memory_space<hbm>> -> memref<80xi32, #tpu.memory_space<hbm>>
      %dma_start3A_189 = arith.constant 0 : i32
      %dma_start3A_190 = tpu.memref_slice %arg7[%add3A_184, %dma_start3A_189] : memref<8x80xi32, #tpu.memory_space<vmem>> -> memref<1x80xi32, #tpu.memory_space<vmem>>
      %dma_start3A_191 = tpu.memref_squeeze %dma_start3A_190 : memref<1x80xi32, #tpu.memory_space<vmem>> -> memref<80xi32, #tpu.memory_space<vmem>>
      %dma_start3A_192 = tpu.memref_slice %arg4[%add3A_172] : memref<320000xi32, #tpu.memory_space<hbm>> -> memref<80xi32, #tpu.memory_space<hbm>>
      tpu.enqueue_dma source(%dma_start3A_192 : memref<80xi32, #tpu.memory_space<hbm>>) target(%dma_start3A_191 : memref<80xi32, #tpu.memory_space<vmem>>) target_semaphore(%arg12 : memref<!tpu.dma_semaphore, #tpu.memory_space<semaphore_mem>>)
      %dma_wait3A_193 = arith.constant 0 : i32
      %dma_wait3A_194 = tpu.memref_slice %arg6[%add3A_93, %dma_wait3A_193] : memref<8x80xi32, #tpu.memory_space<vmem>> -> memref<1x80xi32, #tpu.memory_space<vmem>>
      %dma_wait3A_195 = tpu.memref_squeeze %dma_wait3A_194 : memref<1x80xi32, #tpu.memory_space<vmem>> -> memref<80xi32, #tpu.memory_space<vmem>>
      %dma_wait3A_196 = tpu.memref_slice %arg3[%add3A_91] : memref<320000xi32, #tpu.memory_space<hbm>> -> memref<80xi32, #tpu.memory_space<hbm>>
      %dma_wait3A_197 = arith.constant 0 : i32
      %dma_wait3A_198 = tpu.memref_slice %arg6[%add3A_93, %dma_wait3A_197] : memref<8x80xi32, #tpu.memory_space<vmem>> -> memref<1x80xi32, #tpu.memory_space<vmem>>
      %dma_wait3A_199 = tpu.memref_squeeze %dma_wait3A_198 : memref<1x80xi32, #tpu.memory_space<vmem>> -> memref<80xi32, #tpu.memory_space<vmem>>
      %dma_wait3A_200 = tpu.memref_slice %arg3[%add3A_91] : memref<320000xi32, #tpu.memory_space<hbm>> -> memref<80xi32, #tpu.memory_space<hbm>>
      tpu.wait_dma2 semaphore(%arg12 : memref<!tpu.dma_semaphore, #tpu.memory_space<semaphore_mem>>) src(%dma_wait3A_200 : memref<80xi32, #tpu.memory_space<hbm>>) dst(%dma_wait3A_199 : memref<80xi32, #tpu.memory_space<vmem>>)
      %dma_wait3A_201 = arith.constant 0 : i32
      %dma_wait3A_202 = tpu.memref_slice %arg7[%add3A_103, %dma_wait3A_201] : memref<8x80xi32, #tpu.memory_space<vmem>> -> memref<1x80xi32, #tpu.memory_space<vmem>>
      %dma_wait3A_203 = tpu.memref_squeeze %dma_wait3A_202 : memref<1x80xi32, #tpu.memory_space<vmem>> -> memref<80xi32, #tpu.memory_space<vmem>>
      %dma_wait3A_204 = tpu.memref_slice %arg4[%add3A_91] : memref<320000xi32, #tpu.memory_space<hbm>> -> memref<80xi32, #tpu.memory_space<hbm>>
      %dma_wait3A_205 = arith.constant 0 : i32
      %dma_wait3A_206 = tpu.memref_slice %arg7[%add3A_103, %dma_wait3A_205] : memref<8x80xi32, #tpu.memory_space<vmem>> -> memref<1x80xi32, #tpu.memory_space<vmem>>
      %dma_wait3A_207 = tpu.memref_squeeze %dma_wait3A_206 : memref<1x80xi32, #tpu.memory_space<vmem>> -> memref<80xi32, #tpu.memory_space<vmem>>
      %dma_wait3A_208 = tpu.memref_slice %arg4[%add3A_91] : memref<320000xi32, #tpu.memory_space<hbm>> -> memref<80xi32, #tpu.memory_space<hbm>>
      tpu.wait_dma2 semaphore(%arg12 : memref<!tpu.dma_semaphore, #tpu.memory_space<semaphore_mem>>) src(%dma_wait3A_208 : memref<80xi32, #tpu.memory_space<hbm>>) dst(%dma_wait3A_207 : memref<80xi32, #tpu.memory_space<vmem>>)
      %dma_wait3A_209 = arith.constant 0 : i32
      %dma_wait3A_210 = tpu.memref_slice %arg6[%add3A_120, %dma_wait3A_209] : memref<8x80xi32, #tpu.memory_space<vmem>> -> memref<1x80xi32, #tpu.memory_space<vmem>>
      %dma_wait3A_211 = tpu.memref_squeeze %dma_wait3A_210 : memref<1x80xi32, #tpu.memory_space<vmem>> -> memref<80xi32, #tpu.memory_space<vmem>>
      %dma_wait3A_212 = tpu.memref_slice %arg3[%add3A_118] : memref<320000xi32, #tpu.memory_space<hbm>> -> memref<80xi32, #tpu.memory_space<hbm>>
      %dma_wait3A_213 = arith.constant 0 : i32
      %dma_wait3A_214 = tpu.memref_slice %arg6[%add3A_120, %dma_wait3A_213] : memref<8x80xi32, #tpu.memory_space<vmem>> -> memref<1x80xi32, #tpu.memory_space<vmem>>
      %dma_wait3A_215 = tpu.memref_squeeze %dma_wait3A_214 : memref<1x80xi32, #tpu.memory_space<vmem>> -> memref<80xi32, #tpu.memory_space<vmem>>
      %dma_wait3A_216 = tpu.memref_slice %arg3[%add3A_118] : memref<320000xi32, #tpu.memory_space<hbm>> -> memref<80xi32, #tpu.memory_space<hbm>>
      tpu.wait_dma2 semaphore(%arg12 : memref<!tpu.dma_semaphore, #tpu.memory_space<semaphore_mem>>) src(%dma_wait3A_216 : memref<80xi32, #tpu.memory_space<hbm>>) dst(%dma_wait3A_215 : memref<80xi32, #tpu.memory_space<vmem>>)
      %dma_wait3A_217 = arith.constant 0 : i32
      %dma_wait3A_218 = tpu.memref_slice %arg7[%add3A_130, %dma_wait3A_217] : memref<8x80xi32, #tpu.memory_space<vmem>> -> memref<1x80xi32, #tpu.memory_space<vmem>>
      %dma_wait3A_219 = tpu.memref_squeeze %dma_wait3A_218 : memref<1x80xi32, #tpu.memory_space<vmem>> -> memref<80xi32, #tpu.memory_space<vmem>>
      %dma_wait3A_220 = tpu.memref_slice %arg4[%add3A_118] : memref<320000xi32, #tpu.memory_space<hbm>> -> memref<80xi32, #tpu.memory_space<hbm>>
      %dma_wait3A_221 = arith.constant 0 : i32
      %dma_wait3A_222 = tpu.memref_slice %arg7[%add3A_130, %dma_wait3A_221] : memref<8x80xi32, #tpu.memory_space<vmem>> -> memref<1x80xi32, #tpu.memory_space<vmem>>
      %dma_wait3A_223 = tpu.memref_squeeze %dma_wait3A_222 : memref<1x80xi32, #tpu.memory_space<vmem>> -> memref<80xi32, #tpu.memory_space<vmem>>
      %dma_wait3A_224 = tpu.memref_slice %arg4[%add3A_118] : memref<320000xi32, #tpu.memory_space<hbm>> -> memref<80xi32, #tpu.memory_space<hbm>>
      tpu.wait_dma2 semaphore(%arg12 : memref<!tpu.dma_semaphore, #tpu.memory_space<semaphore_mem>>) src(%dma_wait3A_224 : memref<80xi32, #tpu.memory_space<hbm>>) dst(%dma_wait3A_223 : memref<80xi32, #tpu.memory_space<vmem>>)
      %dma_wait3A_225 = arith.constant 0 : i32
      %dma_wait3A_226 = tpu.memref_slice %arg6[%add3A_147, %dma_wait3A_225] : memref<8x80xi32, #tpu.memory_space<vmem>> -> memref<1x80xi32, #tpu.memory_space<vmem>>
      %dma_wait3A_227 = tpu.memref_squeeze %dma_wait3A_226 : memref<1x80xi32, #tpu.memory_space<vmem>> -> memref<80xi32, #tpu.memory_space<vmem>>
      %dma_wait3A_228 = tpu.memref_slice %arg3[%add3A_145] : memref<320000xi32, #tpu.memory_space<hbm>> -> memref<80xi32, #tpu.memory_space<hbm>>
      %dma_wait3A_229 = arith.constant 0 : i32
      %dma_wait3A_230 = tpu.memref_slice %arg6[%add3A_147, %dma_wait3A_229] : memref<8x80xi32, #tpu.memory_space<vmem>> -> memref<1x80xi32, #tpu.memory_space<vmem>>
      %dma_wait3A_231 = tpu.memref_squeeze %dma_wait3A_230 : memref<1x80xi32, #tpu.memory_space<vmem>> -> memref<80xi32, #tpu.memory_space<vmem>>
      %dma_wait3A_232 = tpu.memref_slice %arg3[%add3A_145] : memref<320000xi32, #tpu.memory_space<hbm>> -> memref<80xi32, #tpu.memory_space<hbm>>
      tpu.wait_dma2 semaphore(%arg12 : memref<!tpu.dma_semaphore, #tpu.memory_space<semaphore_mem>>) src(%dma_wait3A_232 : memref<80xi32, #tpu.memory_space<hbm>>) dst(%dma_wait3A_231 : memref<80xi32, #tpu.memory_space<vmem>>)
      %dma_wait3A_233 = arith.constant 0 : i32
      %dma_wait3A_234 = tpu.memref_slice %arg7[%add3A_157, %dma_wait3A_233] : memref<8x80xi32, #tpu.memory_space<vmem>> -> memref<1x80xi32, #tpu.memory_space<vmem>>
      %dma_wait3A_235 = tpu.memref_squeeze %dma_wait3A_234 : memref<1x80xi32, #tpu.memory_space<vmem>> -> memref<80xi32, #tpu.memory_space<vmem>>
      %dma_wait3A_236 = tpu.memref_slice %arg4[%add3A_145] : memref<320000xi32, #tpu.memory_space<hbm>> -> memref<80xi32, #tpu.memory_space<hbm>>
      %dma_wait3A_237 = arith.constant 0 : i32
      %dma_wait3A_238 = tpu.memref_slice %arg7[%add3A_157, %dma_wait3A_237] : memref<8x80xi32, #tpu.memory_space<vmem>> -> memref<1x80xi32, #tpu.memory_space<vmem>>
      %dma_wait3A_239 = tpu.memref_squeeze %dma_wait3A_238 : memref<1x80xi32, #tpu.memory_space<vmem>> -> memref<80xi32, #tpu.memory_space<vmem>>
      %dma_wait3A_240 = tpu.memref_slice %arg4[%add3A_145] : memref<320000xi32, #tpu.memory_space<hbm>> -> memref<80xi32, #tpu.memory_space<hbm>>
      tpu.wait_dma2 semaphore(%arg12 : memref<!tpu.dma_semaphore, #tpu.memory_space<semaphore_mem>>) src(%dma_wait3A_240 : memref<80xi32, #tpu.memory_space<hbm>>) dst(%dma_wait3A_239 : memref<80xi32, #tpu.memory_space<vmem>>)
      %dma_wait3A_241 = arith.constant 0 : i32
      %dma_wait3A_242 = tpu.memref_slice %arg6[%add3A_174, %dma_wait3A_241] : memref<8x80xi32, #tpu.memory_space<vmem>> -> memref<1x80xi32, #tpu.memory_space<vmem>>
      %dma_wait3A_243 = tpu.memref_squeeze %dma_wait3A_242 : memref<1x80xi32, #tpu.memory_space<vmem>> -> memref<80xi32, #tpu.memory_space<vmem>>
      %dma_wait3A_244 = tpu.memref_slice %arg3[%add3A_172] : memref<320000xi32, #tpu.memory_space<hbm>> -> memref<80xi32, #tpu.memory_space<hbm>>
      %dma_wait3A_245 = arith.constant 0 : i32
      %dma_wait3A_246 = tpu.memref_slice %arg6[%add3A_174, %dma_wait3A_245] : memref<8x80xi32, #tpu.memory_space<vmem>> -> memref<1x80xi32, #tpu.memory_space<vmem>>
      %dma_wait3A_247 = tpu.memref_squeeze %dma_wait3A_246 : memref<1x80xi32, #tpu.memory_space<vmem>> -> memref<80xi32, #tpu.memory_space<vmem>>
      %dma_wait3A_248 = tpu.memref_slice %arg3[%add3A_172] : memref<320000xi32, #tpu.memory_space<hbm>> -> memref<80xi32, #tpu.memory_space<hbm>>
      tpu.wait_dma2 semaphore(%arg12 : memref<!tpu.dma_semaphore, #tpu.memory_space<semaphore_mem>>) src(%dma_wait3A_248 : memref<80xi32, #tpu.memory_space<hbm>>) dst(%dma_wait3A_247 : memref<80xi32, #tpu.memory_space<vmem>>)
      %dma_wait3A_249 = arith.constant 0 : i32
      %dma_wait3A_250 = tpu.memref_slice %arg7[%add3A_184, %dma_wait3A_249] : memref<8x80xi32, #tpu.memory_space<vmem>> -> memref<1x80xi32, #tpu.memory_space<vmem>>
      %dma_wait3A_251 = tpu.memref_squeeze %dma_wait3A_250 : memref<1x80xi32, #tpu.memory_space<vmem>> -> memref<80xi32, #tpu.memory_space<vmem>>
      %dma_wait3A_252 = tpu.memref_slice %arg4[%add3A_172] : memref<320000xi32, #tpu.memory_space<hbm>> -> memref<80xi32, #tpu.memory_space<hbm>>
      %dma_wait3A_253 = arith.constant 0 : i32
      %dma_wait3A_254 = tpu.memref_slice %arg7[%add3A_184, %dma_wait3A_253] : memref<8x80xi32, #tpu.memory_space<vmem>> -> memref<1x80xi32, #tpu.memory_space<vmem>>
      %dma_wait3A_255 = tpu.memref_squeeze %dma_wait3A_254 : memref<1x80xi32, #tpu.memory_space<vmem>> -> memref<80xi32, #tpu.memory_space<vmem>>
      %dma_wait3A_256 = tpu.memref_slice %arg4[%add3A_172] : memref<320000xi32, #tpu.memory_space<hbm>> -> memref<80xi32, #tpu.memory_space<hbm>>
      tpu.wait_dma2 semaphore(%arg12 : memref<!tpu.dma_semaphore, #tpu.memory_space<semaphore_mem>>) src(%dma_wait3A_256 : memref<80xi32, #tpu.memory_space<hbm>>) dst(%dma_wait3A_255 : memref<80xi32, #tpu.memory_space<vmem>>)
      %gt3A = arith.constant 0 : i32
      %gt3A_257 = arith.cmpi sgt, %scan3A_80, %gt3A : i32
      %convert_element_type3A = arith.extui %gt3A_257 : i1 to i32
      %cond3A = arith.constant 0 : i32
      %cond3A_258 = arith.cmpi ne, %convert_element_type3A, %cond3A : i32
      scf.if %cond3A_258 {
        %dma_wait3A_363 = arith.constant 0 : i32
        %dma_wait3A_364 = arith.constant 0 : i32
        %dma_wait3A_365 = tpu.memref_slice %arg2[%dma_wait3A_363, %dma_wait3A_364] : memref<10240x128xf32, #tpu.memory_space<hbm>> -> memref<80x128xf32, #tpu.memory_space<hbm>>
        %dma_wait3A_366 = arith.constant 0 : i32
        %dma_wait3A_367 = arith.constant 0 : i32
        %dma_wait3A_368 = tpu.memref_slice %arg2[%dma_wait3A_366, %dma_wait3A_367] : memref<10240x128xf32, #tpu.memory_space<hbm>> -> memref<80x128xf32, #tpu.memory_space<hbm>>
        tpu.wait_dma2 semaphore(%arg14 : memref<!tpu.dma_semaphore, #tpu.memory_space<semaphore_mem>>) src(%dma_wait3A_368 : memref<80x128xf32, #tpu.memory_space<hbm>>) dst(%arg8 : memref<80x128xf32, #tpu.memory_space<vmem>>)
      } else {
      }
      %add3A_259 = arith.constant 0 : i32
      %add3A_260 = arith.addi %mul3A_84, %add3A_259 : i32
      %dma_start3A_261 = arith.constant 0 : i32
      %dma_start3A_262 = tpu.memref_slice %arg6[%add3A_260, %dma_start3A_261] : memref<8x80xi32, #tpu.memory_space<vmem>> -> memref<1x80xi32, #tpu.memory_space<vmem>>
      %dma_start3A_263 = tpu.memref_squeeze %dma_start3A_262 : memref<1x80xi32, #tpu.memory_space<vmem>> -> memref<80xi32, #tpu.memory_space<vmem>>
      %dma_start3A_264 = arith.constant 0 : i32
      %dma_start3A_265 = arith.constant 0 : i32
      %dma_start3A_266 = tpu.memref_slice %arg2[%dma_start3A_264, %dma_start3A_265] : memref<10240x128xf32, #tpu.memory_space<hbm>> -> memref<10240x128xf32, #tpu.memory_space<hbm>>
      tpu.enqueue_indirect_dma source(%dma_start3A_266 : memref<10240x128xf32, #tpu.memory_space<hbm>>) target(%arg8 : memref<80x128xf32, #tpu.memory_space<vmem>>) offsets(%dma_start3A_263 : memref<80xi32, #tpu.memory_space<vmem>>) semaphore(%arg13 : memref<!tpu.dma_semaphore, #tpu.memory_space<semaphore_mem>>)
      %gt3A_267 = arith.constant 0 : i32
      %gt3A_268 = arith.cmpi sgt, %scan3A_80, %gt3A_267 : i32
      %convert_element_type3A_269 = arith.extui %gt3A_268 : i1 to i32
      %cond3A_270 = arith.constant 0 : i32
      %cond3A_271 = arith.cmpi ne, %convert_element_type3A_269, %cond3A_270 : i32
      scf.if %cond3A_271 {
        %dma_wait3A_363 = arith.constant 0 : i32
        %dma_wait3A_364 = arith.constant 0 : i32
        %dma_wait3A_365 = tpu.memref_slice %arg2[%dma_wait3A_363, %dma_wait3A_364] : memref<10240x128xf32, #tpu.memory_space<hbm>> -> memref<80x128xf32, #tpu.memory_space<hbm>>
        %dma_wait3A_366 = arith.constant 0 : i32
        %dma_wait3A_367 = arith.constant 0 : i32
        %dma_wait3A_368 = tpu.memref_slice %arg2[%dma_wait3A_366, %dma_wait3A_367] : memref<10240x128xf32, #tpu.memory_space<hbm>> -> memref<80x128xf32, #tpu.memory_space<hbm>>
        tpu.wait_dma2 semaphore(%arg14 : memref<!tpu.dma_semaphore, #tpu.memory_space<semaphore_mem>>) src(%dma_wait3A_368 : memref<80x128xf32, #tpu.memory_space<hbm>>) dst(%arg9 : memref<80x128xf32, #tpu.memory_space<vmem>>)
      } else {
      }
      %add3A_272 = arith.constant 1 : i32
      %add3A_273 = arith.addi %mul3A_84, %add3A_272 : i32
      %dma_start3A_274 = arith.constant 0 : i32
      %dma_start3A_275 = tpu.memref_slice %arg6[%add3A_273, %dma_start3A_274] : memref<8x80xi32, #tpu.memory_space<vmem>> -> memref<1x80xi32, #tpu.memory_space<vmem>>
      %dma_start3A_276 = tpu.memref_squeeze %dma_start3A_275 : memref<1x80xi32, #tpu.memory_space<vmem>> -> memref<80xi32, #tpu.memory_space<vmem>>
      %dma_start3A_277 = arith.constant 0 : i32
      %dma_start3A_278 = arith.constant 0 : i32
      %dma_start3A_279 = tpu.memref_slice %arg2[%dma_start3A_277, %dma_start3A_278] : memref<10240x128xf32, #tpu.memory_space<hbm>> -> memref<10240x128xf32, #tpu.memory_space<hbm>>
      tpu.enqueue_indirect_dma source(%dma_start3A_279 : memref<10240x128xf32, #tpu.memory_space<hbm>>) target(%arg9 : memref<80x128xf32, #tpu.memory_space<vmem>>) offsets(%dma_start3A_276 : memref<80xi32, #tpu.memory_space<vmem>>) semaphore(%arg13 : memref<!tpu.dma_semaphore, #tpu.memory_space<semaphore_mem>>)
      %gt3A_280 = arith.constant 0 : i32
      %gt3A_281 = arith.cmpi sgt, %scan3A_80, %gt3A_280 : i32
      %convert_element_type3A_282 = arith.extui %gt3A_281 : i1 to i32
      %cond3A_283 = arith.constant 0 : i32
      %cond3A_284 = arith.cmpi ne, %convert_element_type3A_282, %cond3A_283 : i32
      scf.if %cond3A_284 {
        %dma_wait3A_363 = arith.constant 0 : i32
        %dma_wait3A_364 = arith.constant 0 : i32
        %dma_wait3A_365 = tpu.memref_slice %arg2[%dma_wait3A_363, %dma_wait3A_364] : memref<10240x128xf32, #tpu.memory_space<hbm>> -> memref<80x128xf32, #tpu.memory_space<hbm>>
        %dma_wait3A_366 = arith.constant 0 : i32
        %dma_wait3A_367 = arith.constant 0 : i32
        %dma_wait3A_368 = tpu.memref_slice %arg2[%dma_wait3A_366, %dma_wait3A_367] : memref<10240x128xf32, #tpu.memory_space<hbm>> -> memref<80x128xf32, #tpu.memory_space<hbm>>
        tpu.wait_dma2 semaphore(%arg14 : memref<!tpu.dma_semaphore, #tpu.memory_space<semaphore_mem>>) src(%dma_wait3A_368 : memref<80x128xf32, #tpu.memory_space<hbm>>) dst(%arg10 : memref<80x128xf32, #tpu.memory_space<vmem>>)
      } else {
      }
      %add3A_285 = arith.constant 2 : i32
      %add3A_286 = arith.addi %mul3A_84, %add3A_285 : i32
      %dma_start3A_287 = arith.constant 0 : i32
      %dma_start3A_288 = tpu.memref_slice %arg6[%add3A_286, %dma_start3A_287] : memref<8x80xi32, #tpu.memory_space<vmem>> -> memref<1x80xi32, #tpu.memory_space<vmem>>
      %dma_start3A_289 = tpu.memref_squeeze %dma_start3A_288 : memref<1x80xi32, #tpu.memory_space<vmem>> -> memref<80xi32, #tpu.memory_space<vmem>>
      %dma_start3A_290 = arith.constant 0 : i32
      %dma_start3A_291 = arith.constant 0 : i32
      %dma_start3A_292 = tpu.memref_slice %arg2[%dma_start3A_290, %dma_start3A_291] : memref<10240x128xf32, #tpu.memory_space<hbm>> -> memref<10240x128xf32, #tpu.memory_space<hbm>>
      tpu.enqueue_indirect_dma source(%dma_start3A_292 : memref<10240x128xf32, #tpu.memory_space<hbm>>) target(%arg10 : memref<80x128xf32, #tpu.memory_space<vmem>>) offsets(%dma_start3A_289 : memref<80xi32, #tpu.memory_space<vmem>>) semaphore(%arg13 : memref<!tpu.dma_semaphore, #tpu.memory_space<semaphore_mem>>)
      %gt3A_293 = arith.constant 0 : i32
      %gt3A_294 = arith.cmpi sgt, %scan3A_80, %gt3A_293 : i32
      %convert_element_type3A_295 = arith.extui %gt3A_294 : i1 to i32
      %cond3A_296 = arith.constant 0 : i32
      %cond3A_297 = arith.cmpi ne, %convert_element_type3A_295, %cond3A_296 : i32
      scf.if %cond3A_297 {
        %dma_wait3A_363 = arith.constant 0 : i32
        %dma_wait3A_364 = arith.constant 0 : i32
        %dma_wait3A_365 = tpu.memref_slice %arg2[%dma_wait3A_363, %dma_wait3A_364] : memref<10240x128xf32, #tpu.memory_space<hbm>> -> memref<80x128xf32, #tpu.memory_space<hbm>>
        %dma_wait3A_366 = arith.constant 0 : i32
        %dma_wait3A_367 = arith.constant 0 : i32
        %dma_wait3A_368 = tpu.memref_slice %arg2[%dma_wait3A_366, %dma_wait3A_367] : memref<10240x128xf32, #tpu.memory_space<hbm>> -> memref<80x128xf32, #tpu.memory_space<hbm>>
        tpu.wait_dma2 semaphore(%arg14 : memref<!tpu.dma_semaphore, #tpu.memory_space<semaphore_mem>>) src(%dma_wait3A_368 : memref<80x128xf32, #tpu.memory_space<hbm>>) dst(%arg11 : memref<80x128xf32, #tpu.memory_space<vmem>>)
      } else {
      }
      %add3A_298 = arith.constant 3 : i32
      %add3A_299 = arith.addi %mul3A_84, %add3A_298 : i32
      %dma_start3A_300 = arith.constant 0 : i32
      %dma_start3A_301 = tpu.memref_slice %arg6[%add3A_299, %dma_start3A_300] : memref<8x80xi32, #tpu.memory_space<vmem>> -> memref<1x80xi32, #tpu.memory_space<vmem>>
      %dma_start3A_302 = tpu.memref_squeeze %dma_start3A_301 : memref<1x80xi32, #tpu.memory_space<vmem>> -> memref<80xi32, #tpu.memory_space<vmem>>
      %dma_start3A_303 = arith.constant 0 : i32
      %dma_start3A_304 = arith.constant 0 : i32
      %dma_start3A_305 = tpu.memref_slice %arg2[%dma_start3A_303, %dma_start3A_304] : memref<10240x128xf32, #tpu.memory_space<hbm>> -> memref<10240x128xf32, #tpu.memory_space<hbm>>
      tpu.enqueue_indirect_dma source(%dma_start3A_305 : memref<10240x128xf32, #tpu.memory_space<hbm>>) target(%arg11 : memref<80x128xf32, #tpu.memory_space<vmem>>) offsets(%dma_start3A_302 : memref<80xi32, #tpu.memory_space<vmem>>) semaphore(%arg13 : memref<!tpu.dma_semaphore, #tpu.memory_space<semaphore_mem>>)
      %dma_wait3A_306 = arith.constant 0 : i32
      %dma_wait3A_307 = tpu.memref_slice %arg6[%add3A_260, %dma_wait3A_306] : memref<8x80xi32, #tpu.memory_space<vmem>> -> memref<1x80xi32, #tpu.memory_space<vmem>>
      %dma_wait3A_308 = tpu.memref_squeeze %dma_wait3A_307 : memref<1x80xi32, #tpu.memory_space<vmem>> -> memref<80xi32, #tpu.memory_space<vmem>>
      %dma_wait3A_309 = arith.constant 0 : i32
      %dma_wait3A_310 = arith.constant 0 : i32
      %dma_wait3A_311 = tpu.memref_slice %arg2[%dma_wait3A_309, %dma_wait3A_310] : memref<10240x128xf32, #tpu.memory_space<hbm>> -> memref<10240x128xf32, #tpu.memory_space<hbm>>
      tpu.wait_indirect_dma semaphore(%arg13 : memref<!tpu.dma_semaphore, #tpu.memory_space<semaphore_mem>>) src(%dma_wait3A_311 : memref<10240x128xf32, #tpu.memory_space<hbm>>) dst(%arg8 : memref<80x128xf32, #tpu.memory_space<vmem>>)
      %add3A_312 = arith.constant 0 : i32
      %add3A_313 = arith.addi %mul3A_84, %add3A_312 : i32
      %dma_start3A_314 = arith.constant 0 : i32
      %dma_start3A_315 = tpu.memref_slice %arg7[%add3A_313, %dma_start3A_314] : memref<8x80xi32, #tpu.memory_space<vmem>> -> memref<1x80xi32, #tpu.memory_space<vmem>>
      %dma_start3A_316 = tpu.memref_squeeze %dma_start3A_315 : memref<1x80xi32, #tpu.memory_space<vmem>> -> memref<80xi32, #tpu.memory_space<vmem>>
      %dma_start3A_317 = arith.constant 0 : i32
      %dma_start3A_318 = arith.constant 0 : i32
      %dma_start3A_319 = tpu.memref_slice %arg15[%dma_start3A_317, %dma_start3A_318] : memref<10240x128xf32, #tpu.memory_space<vmem_shared>> -> memref<10240x128xf32, #tpu.memory_space<vmem_shared>>
      tpu.enqueue_indirect_dma source(%arg8 : memref<80x128xf32, #tpu.memory_space<vmem>>) target(%dma_start3A_319 : memref<10240x128xf32, #tpu.memory_space<vmem_shared>>) offsets(%dma_start3A_316 : memref<80xi32, #tpu.memory_space<vmem>>) semaphore(%arg14 : memref<!tpu.dma_semaphore, #tpu.memory_space<semaphore_mem>>) {add = true}
      %dma_wait3A_320 = arith.constant 0 : i32
      %dma_wait3A_321 = tpu.memref_slice %arg6[%add3A_273, %dma_wait3A_320] : memref<8x80xi32, #tpu.memory_space<vmem>> -> memref<1x80xi32, #tpu.memory_space<vmem>>
      %dma_wait3A_322 = tpu.memref_squeeze %dma_wait3A_321 : memref<1x80xi32, #tpu.memory_space<vmem>> -> memref<80xi32, #tpu.memory_space<vmem>>
      %dma_wait3A_323 = arith.constant 0 : i32
      %dma_wait3A_324 = arith.constant 0 : i32
      %dma_wait3A_325 = tpu.memref_slice %arg2[%dma_wait3A_323, %dma_wait3A_324] : memref<10240x128xf32, #tpu.memory_space<hbm>> -> memref<10240x128xf32, #tpu.memory_space<hbm>>
      tpu.wait_indirect_dma semaphore(%arg13 : memref<!tpu.dma_semaphore, #tpu.memory_space<semaphore_mem>>) src(%dma_wait3A_325 : memref<10240x128xf32, #tpu.memory_space<hbm>>) dst(%arg9 : memref<80x128xf32, #tpu.memory_space<vmem>>)
      %add3A_326 = arith.constant 1 : i32
      %add3A_327 = arith.addi %mul3A_84, %add3A_326 : i32
      %dma_start3A_328 = arith.constant 0 : i32
      %dma_start3A_329 = tpu.memref_slice %arg7[%add3A_327, %dma_start3A_328] : memref<8x80xi32, #tpu.memory_space<vmem>> -> memref<1x80xi32, #tpu.memory_space<vmem>>
      %dma_start3A_330 = tpu.memref_squeeze %dma_start3A_329 : memref<1x80xi32, #tpu.memory_space<vmem>> -> memref<80xi32, #tpu.memory_space<vmem>>
      %dma_start3A_331 = arith.constant 0 : i32
      %dma_start3A_332 = arith.constant 0 : i32
      %dma_start3A_333 = tpu.memref_slice %arg15[%dma_start3A_331, %dma_start3A_332] : memref<10240x128xf32, #tpu.memory_space<vmem_shared>> -> memref<10240x128xf32, #tpu.memory_space<vmem_shared>>
      tpu.enqueue_indirect_dma source(%arg9 : memref<80x128xf32, #tpu.memory_space<vmem>>) target(%dma_start3A_333 : memref<10240x128xf32, #tpu.memory_space<vmem_shared>>) offsets(%dma_start3A_330 : memref<80xi32, #tpu.memory_space<vmem>>) semaphore(%arg14 : memref<!tpu.dma_semaphore, #tpu.memory_space<semaphore_mem>>) {add = true}
      %dma_wait3A_334 = arith.constant 0 : i32
      %dma_wait3A_335 = tpu.memref_slice %arg6[%add3A_286, %dma_wait3A_334] : memref<8x80xi32, #tpu.memory_space<vmem>> -> memref<1x80xi32, #tpu.memory_space<vmem>>
      %dma_wait3A_336 = tpu.memref_squeeze %dma_wait3A_335 : memref<1x80xi32, #tpu.memory_space<vmem>> -> memref<80xi32, #tpu.memory_space<vmem>>
      %dma_wait3A_337 = arith.constant 0 : i32
      %dma_wait3A_338 = arith.constant 0 : i32
      %dma_wait3A_339 = tpu.memref_slice %arg2[%dma_wait3A_337, %dma_wait3A_338] : memref<10240x128xf32, #tpu.memory_space<hbm>> -> memref<10240x128xf32, #tpu.memory_space<hbm>>
      tpu.wait_indirect_dma semaphore(%arg13 : memref<!tpu.dma_semaphore, #tpu.memory_space<semaphore_mem>>) src(%dma_wait3A_339 : memref<10240x128xf32, #tpu.memory_space<hbm>>) dst(%arg10 : memref<80x128xf32, #tpu.memory_space<vmem>>)
      %add3A_340 = arith.constant 2 : i32
      %add3A_341 = arith.addi %mul3A_84, %add3A_340 : i32
      %dma_start3A_342 = arith.constant 0 : i32
      %dma_start3A_343 = tpu.memref_slice %arg7[%add3A_341, %dma_start3A_342] : memref<8x80xi32, #tpu.memory_space<vmem>> -> memref<1x80xi32, #tpu.memory_space<vmem>>
      %dma_start3A_344 = tpu.memref_squeeze %dma_start3A_343 : memref<1x80xi32, #tpu.memory_space<vmem>> -> memref<80xi32, #tpu.memory_space<vmem>>
      %dma_start3A_345 = arith.constant 0 : i32
      %dma_start3A_346 = arith.constant 0 : i32
      %dma_start3A_347 = tpu.memref_slice %arg15[%dma_start3A_345, %dma_start3A_346] : memref<10240x128xf32, #tpu.memory_space<vmem_shared>> -> memref<10240x128xf32, #tpu.memory_space<vmem_shared>>
      tpu.enqueue_indirect_dma source(%arg10 : memref<80x128xf32, #tpu.memory_space<vmem>>) target(%dma_start3A_347 : memref<10240x128xf32, #tpu.memory_space<vmem_shared>>) offsets(%dma_start3A_344 : memref<80xi32, #tpu.memory_space<vmem>>) semaphore(%arg14 : memref<!tpu.dma_semaphore, #tpu.memory_space<semaphore_mem>>) {add = true}
      %dma_wait3A_348 = arith.constant 0 : i32
      %dma_wait3A_349 = tpu.memref_slice %arg6[%add3A_299, %dma_wait3A_348] : memref<8x80xi32, #tpu.memory_space<vmem>> -> memref<1x80xi32, #tpu.memory_space<vmem>>
      %dma_wait3A_350 = tpu.memref_squeeze %dma_wait3A_349 : memref<1x80xi32, #tpu.memory_space<vmem>> -> memref<80xi32, #tpu.memory_space<vmem>>
      %dma_wait3A_351 = arith.constant 0 : i32
      %dma_wait3A_352 = arith.constant 0 : i32
      %dma_wait3A_353 = tpu.memref_slice %arg2[%dma_wait3A_351, %dma_wait3A_352] : memref<10240x128xf32, #tpu.memory_space<hbm>> -> memref<10240x128xf32, #tpu.memory_space<hbm>>
      tpu.wait_indirect_dma semaphore(%arg13 : memref<!tpu.dma_semaphore, #tpu.memory_space<semaphore_mem>>) src(%dma_wait3A_353 : memref<10240x128xf32, #tpu.memory_space<hbm>>) dst(%arg11 : memref<80x128xf32, #tpu.memory_space<vmem>>)
      %add3A_354 = arith.constant 3 : i32
      %add3A_355 = arith.addi %mul3A_84, %add3A_354 : i32
      %dma_start3A_356 = arith.constant 0 : i32
      %dma_start3A_357 = tpu.memref_slice %arg7[%add3A_355, %dma_start3A_356] : memref<8x80xi32, #tpu.memory_space<vmem>> -> memref<1x80xi32, #tpu.memory_space<vmem>>
      %dma_start3A_358 = tpu.memref_squeeze %dma_start3A_357 : memref<1x80xi32, #tpu.memory_space<vmem>> -> memref<80xi32, #tpu.memory_space<vmem>>
      %dma_start3A_359 = arith.constant 0 : i32
      %dma_start3A_360 = arith.constant 0 : i32
      %dma_start3A_361 = tpu.memref_slice %arg15[%dma_start3A_359, %dma_start3A_360] : memref<10240x128xf32, #tpu.memory_space<vmem_shared>> -> memref<10240x128xf32, #tpu.memory_space<vmem_shared>>
      tpu.enqueue_indirect_dma source(%arg11 : memref<80x128xf32, #tpu.memory_space<vmem>>) target(%dma_start3A_361 : memref<10240x128xf32, #tpu.memory_space<vmem_shared>>) offsets(%dma_start3A_358 : memref<80xi32, #tpu.memory_space<vmem>>) semaphore(%arg14 : memref<!tpu.dma_semaphore, #tpu.memory_space<semaphore_mem>>) {add = true}
      %scan3A_362 = arith.constant 0 : i32
      scf.yield %scan3A_362 : i32
    }
    %scan3A_23 = arith.constant 31 : i32
    %dma_wait3A = arith.constant 0 : i32
    %dma_wait3A_24 = arith.constant 0 : i32
    %dma_wait3A_25 = tpu.memref_slice %arg2[%dma_wait3A, %dma_wait3A_24] : memref<10240x128xf32, #tpu.memory_space<hbm>> -> memref<80x128xf32, #tpu.memory_space<hbm>>
    %dma_wait3A_26 = arith.constant 0 : i32
    %dma_wait3A_27 = arith.constant 0 : i32
    %dma_wait3A_28 = tpu.memref_slice %arg2[%dma_wait3A_26, %dma_wait3A_27] : memref<10240x128xf32, #tpu.memory_space<hbm>> -> memref<80x128xf32, #tpu.memory_space<hbm>>
    tpu.wait_dma2 semaphore(%arg14 : memref<!tpu.dma_semaphore, #tpu.memory_space<semaphore_mem>>) src(%dma_wait3A_28 : memref<80x128xf32, #tpu.memory_space<hbm>>) dst(%arg8 : memref<80x128xf32, #tpu.memory_space<vmem>>)
    %dma_wait3A_29 = arith.constant 0 : i32
    %dma_wait3A_30 = arith.constant 0 : i32
    %dma_wait3A_31 = tpu.memref_slice %arg2[%dma_wait3A_29, %dma_wait3A_30] : memref<10240x128xf32, #tpu.memory_space<hbm>> -> memref<80x128xf32, #tpu.memory_space<hbm>>
    %dma_wait3A_32 = arith.constant 0 : i32
    %dma_wait3A_33 = arith.constant 0 : i32
    %dma_wait3A_34 = tpu.memref_slice %arg2[%dma_wait3A_32, %dma_wait3A_33] : memref<10240x128xf32, #tpu.memory_space<hbm>> -> memref<80x128xf32, #tpu.memory_space<hbm>>
    tpu.wait_dma2 semaphore(%arg14 : memref<!tpu.dma_semaphore, #tpu.memory_space<semaphore_mem>>) src(%dma_wait3A_34 : memref<80x128xf32, #tpu.memory_space<hbm>>) dst(%arg9 : memref<80x128xf32, #tpu.memory_space<vmem>>)
    %dma_wait3A_35 = arith.constant 0 : i32
    %dma_wait3A_36 = arith.constant 0 : i32
    %dma_wait3A_37 = tpu.memref_slice %arg2[%dma_wait3A_35, %dma_wait3A_36] : memref<10240x128xf32, #tpu.memory_space<hbm>> -> memref<80x128xf32, #tpu.memory_space<hbm>>
    %dma_wait3A_38 = arith.constant 0 : i32
    %dma_wait3A_39 = arith.constant 0 : i32
    %dma_wait3A_40 = tpu.memref_slice %arg2[%dma_wait3A_38, %dma_wait3A_39] : memref<10240x128xf32, #tpu.memory_space<hbm>> -> memref<80x128xf32, #tpu.memory_space<hbm>>
    tpu.wait_dma2 semaphore(%arg14 : memref<!tpu.dma_semaphore, #tpu.memory_space<semaphore_mem>>) src(%dma_wait3A_40 : memref<80x128xf32, #tpu.memory_space<hbm>>) dst(%arg10 : memref<80x128xf32, #tpu.memory_space<vmem>>)
    %dma_wait3A_41 = arith.constant 0 : i32
    %dma_wait3A_42 = arith.constant 0 : i32
    %dma_wait3A_43 = tpu.memref_slice %arg2[%dma_wait3A_41, %dma_wait3A_42] : memref<10240x128xf32, #tpu.memory_space<hbm>> -> memref<80x128xf32, #tpu.memory_space<hbm>>
    %dma_wait3A_44 = arith.constant 0 : i32
    %dma_wait3A_45 = arith.constant 0 : i32
    %dma_wait3A_46 = tpu.memref_slice %arg2[%dma_wait3A_44, %dma_wait3A_45] : memref<10240x128xf32, #tpu.memory_space<hbm>> -> memref<80x128xf32, #tpu.memory_space<hbm>>
    tpu.wait_dma2 semaphore(%arg14 : memref<!tpu.dma_semaphore, #tpu.memory_space<semaphore_mem>>) src(%dma_wait3A_46 : memref<80x128xf32, #tpu.memory_space<hbm>>) dst(%arg11 : memref<80x128xf32, #tpu.memory_space<vmem>>)
    %add3A_47 = arith.constant 9920 : i32
    %add3A_48 = arith.addi %add3A, %add3A_47 : i32
    %run_scoped3A = arith.constant 0 : i32
    "tpu.region"() ({
      %run_scoped3A_80 = tpu.sem_alloc : memref<!tpu.dma_semaphore, #tpu.memory_space<semaphore_mem>>
      %dma_start3A_81 = arith.constant 0 : i32
      %dma_start3A_82 = tpu.memref_slice %arg6[%run_scoped3A, %dma_start3A_81] : memref<8x80xi32, #tpu.memory_space<vmem>> -> memref<1x80xi32, #tpu.memory_space<vmem>>
      %dma_start3A_83 = tpu.memref_squeeze %dma_start3A_82 : memref<1x80xi32, #tpu.memory_space<vmem>> -> memref<80xi32, #tpu.memory_space<vmem>>
      %dma_start3A_84 = tpu.memref_slice %arg3[%add3A_48] : memref<320000xi32, #tpu.memory_space<hbm>> -> memref<80xi32, #tpu.memory_space<hbm>>
      %dma_start3A_85 = arith.constant 0 : i32
      %dma_start3A_86 = tpu.memref_slice %arg6[%run_scoped3A, %dma_start3A_85] : memref<8x80xi32, #tpu.memory_space<vmem>> -> memref<1x80xi32, #tpu.memory_space<vmem>>
      %dma_start3A_87 = tpu.memref_squeeze %dma_start3A_86 : memref<1x80xi32, #tpu.memory_space<vmem>> -> memref<80xi32, #tpu.memory_space<vmem>>
      %dma_start3A_88 = tpu.memref_slice %arg3[%add3A_48] : memref<320000xi32, #tpu.memory_space<hbm>> -> memref<80xi32, #tpu.memory_space<hbm>>
      tpu.enqueue_dma source(%dma_start3A_88 : memref<80xi32, #tpu.memory_space<hbm>>) target(%dma_start3A_87 : memref<80xi32, #tpu.memory_space<vmem>>) target_semaphore(%run_scoped3A_80 : memref<!tpu.dma_semaphore, #tpu.memory_space<semaphore_mem>>)
      %dma_wait3A_89 = arith.constant 0 : i32
      %dma_wait3A_90 = tpu.memref_slice %arg6[%run_scoped3A, %dma_wait3A_89] : memref<8x80xi32, #tpu.memory_space<vmem>> -> memref<1x80xi32, #tpu.memory_space<vmem>>
      %dma_wait3A_91 = tpu.memref_squeeze %dma_wait3A_90 : memref<1x80xi32, #tpu.memory_space<vmem>> -> memref<80xi32, #tpu.memory_space<vmem>>
      %dma_wait3A_92 = tpu.memref_slice %arg3[%add3A_48] : memref<320000xi32, #tpu.memory_space<hbm>> -> memref<80xi32, #tpu.memory_space<hbm>>
      %dma_wait3A_93 = arith.constant 0 : i32
      %dma_wait3A_94 = tpu.memref_slice %arg6[%run_scoped3A, %dma_wait3A_93] : memref<8x80xi32, #tpu.memory_space<vmem>> -> memref<1x80xi32, #tpu.memory_space<vmem>>
      %dma_wait3A_95 = tpu.memref_squeeze %dma_wait3A_94 : memref<1x80xi32, #tpu.memory_space<vmem>> -> memref<80xi32, #tpu.memory_space<vmem>>
      %dma_wait3A_96 = tpu.memref_slice %arg3[%add3A_48] : memref<320000xi32, #tpu.memory_space<hbm>> -> memref<80xi32, #tpu.memory_space<hbm>>
      tpu.wait_dma2 semaphore(%run_scoped3A_80 : memref<!tpu.dma_semaphore, #tpu.memory_space<semaphore_mem>>) src(%dma_wait3A_96 : memref<80xi32, #tpu.memory_space<hbm>>) dst(%dma_wait3A_95 : memref<80xi32, #tpu.memory_space<vmem>>)
      tpu.yield
    }) : () -> ()
    %run_scoped3A_49 = arith.constant 0 : i32
    "tpu.region"() ({
      %run_scoped3A_80 = tpu.sem_alloc : memref<!tpu.dma_semaphore, #tpu.memory_space<semaphore_mem>>
      %dma_start3A_81 = arith.constant 0 : i32
      %dma_start3A_82 = tpu.memref_slice %arg7[%run_scoped3A_49, %dma_start3A_81] : memref<8x80xi32, #tpu.memory_space<vmem>> -> memref<1x80xi32, #tpu.memory_space<vmem>>
      %dma_start3A_83 = tpu.memref_squeeze %dma_start3A_82 : memref<1x80xi32, #tpu.memory_space<vmem>> -> memref<80xi32, #tpu.memory_space<vmem>>
      %dma_start3A_84 = tpu.memref_slice %arg4[%add3A_48] : memref<320000xi32, #tpu.memory_space<hbm>> -> memref<80xi32, #tpu.memory_space<hbm>>
      %dma_start3A_85 = arith.constant 0 : i32
      %dma_start3A_86 = tpu.memref_slice %arg7[%run_scoped3A_49, %dma_start3A_85] : memref<8x80xi32, #tpu.memory_space<vmem>> -> memref<1x80xi32, #tpu.memory_space<vmem>>
      %dma_start3A_87 = tpu.memref_squeeze %dma_start3A_86 : memref<1x80xi32, #tpu.memory_space<vmem>> -> memref<80xi32, #tpu.memory_space<vmem>>
      %dma_start3A_88 = tpu.memref_slice %arg4[%add3A_48] : memref<320000xi32, #tpu.memory_space<hbm>> -> memref<80xi32, #tpu.memory_space<hbm>>
      tpu.enqueue_dma source(%dma_start3A_88 : memref<80xi32, #tpu.memory_space<hbm>>) target(%dma_start3A_87 : memref<80xi32, #tpu.memory_space<vmem>>) target_semaphore(%run_scoped3A_80 : memref<!tpu.dma_semaphore, #tpu.memory_space<semaphore_mem>>)
      %dma_wait3A_89 = arith.constant 0 : i32
      %dma_wait3A_90 = tpu.memref_slice %arg7[%run_scoped3A_49, %dma_wait3A_89] : memref<8x80xi32, #tpu.memory_space<vmem>> -> memref<1x80xi32, #tpu.memory_space<vmem>>
      %dma_wait3A_91 = tpu.memref_squeeze %dma_wait3A_90 : memref<1x80xi32, #tpu.memory_space<vmem>> -> memref<80xi32, #tpu.memory_space<vmem>>
      %dma_wait3A_92 = tpu.memref_slice %arg4[%add3A_48] : memref<320000xi32, #tpu.memory_space<hbm>> -> memref<80xi32, #tpu.memory_space<hbm>>
      %dma_wait3A_93 = arith.constant 0 : i32
      %dma_wait3A_94 = tpu.memref_slice %arg7[%run_scoped3A_49, %dma_wait3A_93] : memref<8x80xi32, #tpu.memory_space<vmem>> -> memref<1x80xi32, #tpu.memory_space<vmem>>
      %dma_wait3A_95 = tpu.memref_squeeze %dma_wait3A_94 : memref<1x80xi32, #tpu.memory_space<vmem>> -> memref<80xi32, #tpu.memory_space<vmem>>
      %dma_wait3A_96 = tpu.memref_slice %arg4[%add3A_48] : memref<320000xi32, #tpu.memory_space<hbm>> -> memref<80xi32, #tpu.memory_space<hbm>>
      tpu.wait_dma2 semaphore(%run_scoped3A_80 : memref<!tpu.dma_semaphore, #tpu.memory_space<semaphore_mem>>) src(%dma_wait3A_96 : memref<80xi32, #tpu.memory_space<hbm>>) dst(%dma_wait3A_95 : memref<80xi32, #tpu.memory_space<vmem>>)
      tpu.yield
    }) : () -> ()
    %dma_start3A = arith.constant 0 : i32
    %dma_start3A_50 = arith.constant 0 : i32
    %dma_start3A_51 = tpu.memref_slice %arg6[%dma_start3A, %dma_start3A_50] : memref<8x80xi32, #tpu.memory_space<vmem>> -> memref<1x80xi32, #tpu.memory_space<vmem>>
    %dma_start3A_52 = tpu.memref_squeeze %dma_start3A_51 : memref<1x80xi32, #tpu.memory_space<vmem>> -> memref<80xi32, #tpu.memory_space<vmem>>
    %dma_start3A_53 = arith.constant 0 : i32
    %dma_start3A_54 = arith.constant 0 : i32
    %dma_start3A_55 = tpu.memref_slice %arg2[%dma_start3A_53, %dma_start3A_54] : memref<10240x128xf32, #tpu.memory_space<hbm>> -> memref<10240x128xf32, #tpu.memory_space<hbm>>
    tpu.enqueue_indirect_dma source(%dma_start3A_55 : memref<10240x128xf32, #tpu.memory_space<hbm>>) target(%arg8 : memref<80x128xf32, #tpu.memory_space<vmem>>) offsets(%dma_start3A_52 : memref<80xi32, #tpu.memory_space<vmem>>) semaphore(%arg13 : memref<!tpu.dma_semaphore, #tpu.memory_space<semaphore_mem>>)
    %dma_wait3A_56 = arith.constant 0 : i32
    %dma_wait3A_57 = arith.constant 0 : i32
    %dma_wait3A_58 = tpu.memref_slice %arg6[%dma_wait3A_56, %dma_wait3A_57] : memref<8x80xi32, #tpu.memory_space<vmem>> -> memref<1x80xi32, #tpu.memory_space<vmem>>
    %dma_wait3A_59 = tpu.memref_squeeze %dma_wait3A_58 : memref<1x80xi32, #tpu.memory_space<vmem>> -> memref<80xi32, #tpu.memory_space<vmem>>
    %dma_wait3A_60 = arith.constant 0 : i32
    %dma_wait3A_61 = arith.constant 0 : i32
    %dma_wait3A_62 = tpu.memref_slice %arg2[%dma_wait3A_60, %dma_wait3A_61] : memref<10240x128xf32, #tpu.memory_space<hbm>> -> memref<10240x128xf32, #tpu.memory_space<hbm>>
    tpu.wait_indirect_dma semaphore(%arg13 : memref<!tpu.dma_semaphore, #tpu.memory_space<semaphore_mem>>) src(%dma_wait3A_62 : memref<10240x128xf32, #tpu.memory_space<hbm>>) dst(%arg8 : memref<80x128xf32, #tpu.memory_space<vmem>>)
    %dma_start3A_63 = arith.constant 0 : i32
    %dma_start3A_64 = arith.constant 0 : i32
    %dma_start3A_65 = tpu.memref_slice %arg7[%dma_start3A_63, %dma_start3A_64] : memref<8x80xi32, #tpu.memory_space<vmem>> -> memref<1x80xi32, #tpu.memory_space<vmem>>
    %dma_start3A_66 = tpu.memref_squeeze %dma_start3A_65 : memref<1x80xi32, #tpu.memory_space<vmem>> -> memref<80xi32, #tpu.memory_space<vmem>>
    %dma_start3A_67 = arith.constant 0 : i32
    %dma_start3A_68 = arith.constant 0 : i32
    %dma_start3A_69 = tpu.memref_slice %arg15[%dma_start3A_67, %dma_start3A_68] : memref<10240x128xf32, #tpu.memory_space<vmem_shared>> -> memref<10240x128xf32, #tpu.memory_space<vmem_shared>>
    tpu.enqueue_indirect_dma source(%arg8 : memref<80x128xf32, #tpu.memory_space<vmem>>) target(%dma_start3A_69 : memref<10240x128xf32, #tpu.memory_space<vmem_shared>>) offsets(%dma_start3A_66 : memref<80xi32, #tpu.memory_space<vmem>>) semaphore(%arg14 : memref<!tpu.dma_semaphore, #tpu.memory_space<semaphore_mem>>) {add = true}
    %dma_wait3A_70 = arith.constant 0 : i32
    %dma_wait3A_71 = arith.constant 0 : i32
    %dma_wait3A_72 = tpu.memref_slice %arg7[%dma_wait3A_70, %dma_wait3A_71] : memref<8x80xi32, #tpu.memory_space<vmem>> -> memref<1x80xi32, #tpu.memory_space<vmem>>
    %dma_wait3A_73 = tpu.memref_squeeze %dma_wait3A_72 : memref<1x80xi32, #tpu.memory_space<vmem>> -> memref<80xi32, #tpu.memory_space<vmem>>
    %dma_wait3A_74 = arith.constant 0 : i32
    %dma_wait3A_75 = arith.constant 0 : i32
    %dma_wait3A_76 = tpu.memref_slice %arg15[%dma_wait3A_74, %dma_wait3A_75] : memref<10240x128xf32, #tpu.memory_space<vmem_shared>> -> memref<10240x128xf32, #tpu.memory_space<vmem_shared>>
    tpu.wait_indirect_dma semaphore(%arg14 : memref<!tpu.dma_semaphore, #tpu.memory_space<semaphore_mem>>) src(%arg8 : memref<80x128xf32, #tpu.memory_space<vmem>>) dst(%dma_wait3A_76 : memref<10240x128xf32, #tpu.memory_space<vmem_shared>>)
    %barrier3A_77 = arith.constant 0 : index
    tpu.barrier barrier_id(%barrier3A_77)
    %mul3A_78 = arith.constant 640 : i32
    %mul3A_79 = arith.muli %arg1, %mul3A_78 : i32
    "tpu.region"() ({
      %run_scoped3A_80 = tpu.sem_alloc : memref<!tpu.dma_semaphore, #tpu.memory_space<semaphore_mem>>
      %dma_start3A_81 = arith.constant 0 : i32
      %dma_start3A_82 = tpu.memref_slice %arg5[%arg0, %mul3A_79, %dma_start3A_81] : memref<2x10240x128xf32, #tpu.memory_space<hbm>> -> memref<1x640x128xf32, #tpu.memory_space<hbm>>
      %dma_start3A_83 = tpu.memref_squeeze %dma_start3A_82 : memref<1x640x128xf32, #tpu.memory_space<hbm>> -> memref<640x128xf32, #tpu.memory_space<hbm>>
      %dma_start3A_84 = arith.constant 0 : i32
      %dma_start3A_85 = tpu.memref_slice %arg15[%mul3A_79, %dma_start3A_84] : memref<10240x128xf32, #tpu.memory_space<vmem_shared>> -> memref<640x128xf32, #tpu.memory_space<vmem_shared>>
      tpu.enqueue_dma source(%dma_start3A_85 : memref<640x128xf32, #tpu.memory_space<vmem_shared>>) target(%dma_start3A_83 : memref<640x128xf32, #tpu.memory_space<hbm>>) target_semaphore(%run_scoped3A_80 : memref<!tpu.dma_semaphore, #tpu.memory_space<semaphore_mem>>)
      %dma_wait3A_86 = arith.constant 0 : i32
      %dma_wait3A_87 = tpu.memref_slice %arg5[%arg0, %mul3A_79, %dma_wait3A_86] : memref<2x10240x128xf32, #tpu.memory_space<hbm>> -> memref<1x640x128xf32, #tpu.memory_space<hbm>>
      %dma_wait3A_88 = tpu.memref_squeeze %dma_wait3A_87 : memref<1x640x128xf32, #tpu.memory_space<hbm>> -> memref<640x128xf32, #tpu.memory_space<hbm>>
      %dma_wait3A_89 = arith.constant 0 : i32
      %dma_wait3A_90 = tpu.memref_slice %arg15[%mul3A_79, %dma_wait3A_89] : memref<10240x128xf32, #tpu.memory_space<vmem_shared>> -> memref<640x128xf32, #tpu.memory_space<vmem_shared>>
      tpu.wait_dma2 semaphore(%run_scoped3A_80 : memref<!tpu.dma_semaphore, #tpu.memory_space<semaphore_mem>>) src(%dma_wait3A_90 : memref<640x128xf32, #tpu.memory_space<vmem_shared>>) dst(%dma_wait3A_88 : memref<640x128xf32, #tpu.memory_space<hbm>>)
      tpu.yield
    }) : () -> ()
    return
  }
}

module attributes {stable_mosaic.version = 14 : i64} {
  func.func @_mid_body(%arg0: i32, %arg1: memref<2x2048x128xf32, #tpu.memory_space<vmem>>, %arg2: memref<2048x8xf32, #tpu.memory_space<vmem>>, %arg3: memref<1x128xf32, #tpu.memory_space<vmem>>, %arg4: memref<128x128xf32, #tpu.memory_space<vmem>>, %arg5: memref<2048x128xf32, #tpu.memory_space<vmem>>) attributes {dimension_semantics = [#tpu.dimension_semantics<arbitrary>], iteration_bounds = array<i64: 5>, scalar_prefetch = 0 : i64, scratch_operands = 0 : i64, tpu.core_type = #tpu.core_type<tc>, window_params = [{transform_indices = @transform_0, window_bounds = array<i64: 2, 2048, 128>}, {transform_indices = @transform_1, window_bounds = array<i64: 2048, 8>}, {pipeline_mode = #tpu.pipeline_mode<synchronous>, transform_indices = @transform_2, window_bounds = array<i64: 1, 128>}, {pipeline_mode = #tpu.pipeline_mode<synchronous>, transform_indices = @transform_3, window_bounds = array<i64: 128, 128>}, {transform_indices = @transform_4, window_bounds = array<i64: 2048, 128>}]} {
    %get3A = arith.constant 0 : index
    %get3A_0 = arith.constant 1 : index
    %get3A_1 = vector.load %arg2[%get3A, %get3A_0] : memref<2048x8xf32, #tpu.memory_space<vmem>>, vector<2048x1xf32>
    %get3A_2 = vector.shape_cast %get3A_1 : vector<2048x1xf32> to vector<2048xf32>
    %get3A_3 = arith.constant 0 : index
    %get3A_4 = arith.constant 0 : index
    %get3A_5 = vector.load %arg2[%get3A_3, %get3A_4] : memref<2048x8xf32, #tpu.memory_space<vmem>>, vector<2048x1xf32>
    %get3A_6 = vector.shape_cast %get3A_5 : vector<2048x1xf32> to vector<2048xf32>
    %get3A_7 = arith.constant 0 : index
    %get3A_8 = arith.constant 0 : index
    %get3A_9 = arith.constant 0 : index
    %get3A_10 = vector.load %arg1[%get3A_7, %get3A_8, %get3A_9] : memref<2x2048x128xf32, #tpu.memory_space<vmem>>, vector<1x2048x128xf32>
    %get3A_11 = vector.shape_cast %get3A_10 : vector<1x2048x128xf32> to vector<2048x128xf32>
    %get3A_12 = arith.constant 1 : index
    %get3A_13 = arith.constant 0 : index
    %get3A_14 = arith.constant 0 : index
    %get3A_15 = vector.load %arg1[%get3A_12, %get3A_13, %get3A_14] : memref<2x2048x128xf32, #tpu.memory_space<vmem>>, vector<1x2048x128xf32>
    %get3A_16 = vector.shape_cast %get3A_15 : vector<1x2048x128xf32> to vector<2048x128xf32>
    %add3A = arith.addf %get3A_11, %get3A_16 : vector<2048x128xf32>
    %broadcast_in_dim3A = vector.shape_cast %get3A_2 : vector<2048xf32> to vector<2048x1xf32>
    %mul3A = vector.broadcast %broadcast_in_dim3A : vector<2048x1xf32> to vector<2048x128xf32>
    %mul3A_17 = arith.mulf %add3A, %mul3A : vector<2048x128xf32>
    %get3A_18 = arith.constant 0 : index
    %get3A_19 = arith.constant 0 : index
    %get3A_20 = vector.load %arg3[%get3A_18, %get3A_19] : memref<1x128xf32, #tpu.memory_space<vmem>>, vector<1x128xf32>
    %get3A_21 = vector.shape_cast %get3A_20 : vector<1x128xf32> to vector<128xf32>
    %broadcast_in_dim3A_22 = vector.shape_cast %get3A_21 : vector<128xf32> to vector<1x128xf32>
    %add3A_23 = vector.broadcast %broadcast_in_dim3A_22 : vector<1x128xf32> to vector<2048x128xf32>
    %add3A_24 = arith.addf %mul3A_17, %add3A_23 : vector<2048x128xf32>
    %max3A = arith.constant 0.000000e+00 : f32
    %max3A_25 = vector.broadcast %max3A : f32 to vector<2048x128xf32>
    %max3A_26 = arith.maximumf %add3A_24, %max3A_25 : vector<2048x128xf32>
    %get3A_27 = arith.constant 0 : index
    %get3A_28 = arith.constant 0 : index
    %get3A_29 = vector.load %arg4[%get3A_27, %get3A_28] : memref<128x128xf32, #tpu.memory_space<vmem>>, vector<128x128xf32>
    %dot_general3A = arith.constant dense<0.000000e+00> : vector<2048x128xf32>
    %dot_general3A_30 = tpu.matmul %max3A_26, %get3A_29, %dot_general3A {dimension_numbers = #tpu.dot_dimension_numbers<[1], [0], [0], [1], [0, 0, 1, 1], [], []>, transpose_lhs_hint = false} : vector<2048x128xf32>, vector<128x128xf32>, vector<2048x128xf32> -> vector<2048x128xf32>
    %broadcast_in_dim3A_31 = vector.shape_cast %get3A_6 : vector<2048xf32> to vector<2048x1xf32>
    %mul3A_32 = vector.broadcast %broadcast_in_dim3A_31 : vector<2048x1xf32> to vector<2048x128xf32>
    %mul3A_33 = arith.mulf %dot_general3A_30, %mul3A_32 : vector<2048x128xf32>
    %swap3A = arith.constant 0 : index
    %swap3A_34 = arith.constant 0 : index
    %swap3A_35 = vector.load %arg5[%swap3A, %swap3A_34] : memref<2048x128xf32, #tpu.memory_space<vmem>>, vector<2048x128xf32>
    tpu.vector_store %arg5[%swap3A, %swap3A_34], %mul3A_33 {strides = array<i32>} : memref<2048x128xf32, #tpu.memory_space<vmem>>, vector<2048x128xf32>,
    return
  }
  func.func @transform_0(%arg0: i32) -> (i32, i32, i32) {
    %c0_i32 = arith.constant 0 : i32
    %c0_i32_0 = arith.constant 0 : i32
    %c0_i32_1 = arith.constant 0 : i32
    return %c0_i32, %arg0, %c0_i32_0 : i32, i32, i32
  }
  func.func @transform_1(%arg0: i32) -> (i32, i32) {
    %c0_i32 = arith.constant 0 : i32
    %c0_i32_0 = arith.constant 0 : i32
    return %arg0, %c0_i32 : i32, i32
  }
  func.func @transform_2(%arg0: i32) -> (i32, i32) {
    %c0_i32 = arith.constant 0 : i32
    %c0_i32_0 = arith.constant 0 : i32
    %c0_i32_1 = arith.constant 0 : i32
    return %c0_i32, %c0_i32_0 : i32, i32
  }
  func.func @transform_3(%arg0: i32) -> (i32, i32) {
    %c0_i32 = arith.constant 0 : i32
    %c0_i32_0 = arith.constant 0 : i32
    %c0_i32_1 = arith.constant 0 : i32
    return %c0_i32, %c0_i32_0 : i32, i32
  }
  func.func @transform_4(%arg0: i32) -> (i32, i32) {
    %c0_i32 = arith.constant 0 : i32
    %c0_i32_0 = arith.constant 0 : i32
    return %arg0, %c0_i32 : i32, i32
  }
}

module attributes {stable_mosaic.version = 14 : i64} {
  func.func @_pre_body(%arg0: i32, %arg1: memref<2048x128xf32, #tpu.memory_space<vmem>>, %arg2: memref<128x128xf32, #tpu.memory_space<vmem>>, %arg3: memref<2x10240x128xf32, #tpu.memory_space<vmem>>, %arg4: memref<2048x128xf32, #tpu.memory_space<vmem>>, %arg5: memref<2048x8xf32, #tpu.memory_space<vmem>>) attributes {dimension_semantics = [#tpu.dimension_semantics<arbitrary>], iteration_bounds = array<i64: 5>, scalar_prefetch = 0 : i64, scratch_operands = 0 : i64, tpu.core_type = #tpu.core_type<tc>, window_params = [{transform_indices = @transform_0, window_bounds = array<i64: 2048, 128>}, {pipeline_mode = #tpu.pipeline_mode<synchronous>, transform_indices = @transform_1, window_bounds = array<i64: 128, 128>}, {pipeline_mode = #tpu.pipeline_mode<synchronous>, transform_indices = @transform_2, window_bounds = array<i64: 2, 10240, 128>}, {transform_indices = @transform_3, window_bounds = array<i64: 2048, 128>}, {transform_indices = @transform_4, window_bounds = array<i64: 2048, 8>}]} {
    %mul3A = arith.constant 2048 : i32
    %mul3A_0 = arith.muli %arg0, %mul3A : i32
    %get3A = arith.constant 0 : index
    %get3A_1 = arith.index_cast %mul3A_0 : i32 to index
    %get3A_2 = arith.constant 0 : index
    %get3A_3 = vector.load %arg3[%get3A, %get3A_1, %get3A_2] : memref<2x10240x128xf32, #tpu.memory_space<vmem>>, vector<1x2048x128xf32>
    %get3A_4 = vector.shape_cast %get3A_3 : vector<1x2048x128xf32> to vector<2048x128xf32>
    %get3A_5 = arith.constant 1 : index
    %get3A_6 = arith.index_cast %mul3A_0 : i32 to index
    %get3A_7 = arith.constant 0 : index
    %get3A_8 = vector.load %arg3[%get3A_5, %get3A_6, %get3A_7] : memref<2x10240x128xf32, #tpu.memory_space<vmem>>, vector<1x2048x128xf32>
    %get3A_9 = vector.shape_cast %get3A_8 : vector<1x2048x128xf32> to vector<2048x128xf32>
    %add3A = arith.addf %get3A_4, %get3A_9 : vector<2048x128xf32>
    %iota3A = tpu.iota {dimensions = array<i32: 1>} : vector<1x128xi32>
    %eq3A = arith.constant 0 : i32
    %eq3A_10 = vector.broadcast %eq3A : i32 to vector<1x128xi32>
    %eq3A_11 = arith.cmpi eq, %iota3A, %eq3A_10 : vector<1x128xi32>
    %jit3A = arith.constant 0.000000e+00 : f32
    %broadcast_in_dim3A = vector.shape_cast %eq3A_11 : vector<1x128xi1> to vector<1x128xi1>
    %broadcast_in_dim3A_12 = vector.broadcast %broadcast_in_dim3A : vector<1x128xi1> to vector<2048x128xi1>
    %broadcast_in_dim3A_13 = vector.broadcast %jit3A : f32 to vector<2048x128xf32>
    %select_n3A = arith.select %broadcast_in_dim3A_12, %add3A, %broadcast_in_dim3A_13 : vector<2048x128xi1>, vector<2048x128xf32>
    %reduce_sum3A = arith.constant dense<0.000000e+00> : vector<2048xf32>
    %reduce_sum3A_14 = vector.multi_reduction <add>, %select_n3A, %reduce_sum3A [1] : vector<2048x128xf32> to vector<2048xf32>
    %eq3A_15 = arith.constant 1 : i32
    %eq3A_16 = vector.broadcast %eq3A_15 : i32 to vector<1x128xi32>
    %eq3A_17 = arith.cmpi eq, %iota3A, %eq3A_16 : vector<1x128xi32>
    %jit3A_18 = arith.constant 0.000000e+00 : f32
    %broadcast_in_dim3A_19 = vector.shape_cast %eq3A_17 : vector<1x128xi1> to vector<1x128xi1>
    %broadcast_in_dim3A_20 = vector.broadcast %broadcast_in_dim3A_19 : vector<1x128xi1> to vector<2048x128xi1>
    %broadcast_in_dim3A_21 = vector.broadcast %jit3A_18 : f32 to vector<2048x128xf32>
    %select_n3A_22 = arith.select %broadcast_in_dim3A_20, %add3A, %broadcast_in_dim3A_21 : vector<2048x128xi1>, vector<2048x128xf32>
    %reduce_sum3A_23 = arith.constant dense<0.000000e+00> : vector<2048xf32>
    %reduce_sum3A_24 = vector.multi_reduction <add>, %select_n3A_22, %reduce_sum3A_23 [1] : vector<2048x128xf32> to vector<2048xf32>
    %gt3A = arith.constant 0.000000e+00 : f32
    %gt3A_25 = vector.broadcast %gt3A : f32 to vector<2048xf32>
    %gt3A_26 = arith.cmpf ogt, %reduce_sum3A_14, %gt3A_25 : vector<2048xf32>
    %max3A = arith.constant 1.000000e+00 : f32
    %max3A_27 = vector.broadcast %max3A : f32 to vector<2048xf32>
    %max3A_28 = arith.maximumf %reduce_sum3A_14, %max3A_27 : vector<2048xf32>
    %rsqrt3A = math.rsqrt %max3A_28 : vector<2048xf32>
    %jit3A_29 = arith.constant 0.000000e+00 : f32
    %broadcast_in_dim3A_30 = vector.broadcast %jit3A_29 : f32 to vector<2048xf32>
    %select_n3A_31 = arith.select %gt3A_26, %rsqrt3A, %broadcast_in_dim3A_30 : vector<2048xi1>, vector<2048xf32>
    %gt3A_32 = arith.constant 0.000000e+00 : f32
    %gt3A_33 = vector.broadcast %gt3A_32 : f32 to vector<2048xf32>
    %gt3A_34 = arith.cmpf ogt, %reduce_sum3A_24, %gt3A_33 : vector<2048xf32>
    %max3A_35 = arith.constant 1.000000e+00 : f32
    %max3A_36 = vector.broadcast %max3A_35 : f32 to vector<2048xf32>
    %max3A_37 = arith.maximumf %reduce_sum3A_24, %max3A_36 : vector<2048xf32>
    %rsqrt3A_38 = math.rsqrt %max3A_37 : vector<2048xf32>
    %jit3A_39 = arith.constant 0.000000e+00 : f32
    %broadcast_in_dim3A_40 = vector.broadcast %jit3A_39 : f32 to vector<2048xf32>
    %select_n3A_41 = arith.select %gt3A_34, %rsqrt3A_38, %broadcast_in_dim3A_40 : vector<2048xi1>, vector<2048xf32>
    %get3A_42 = arith.constant 0 : index
    %get3A_43 = arith.constant 0 : index
    %get3A_44 = vector.load %arg1[%get3A_42, %get3A_43] : memref<2048x128xf32, #tpu.memory_space<vmem>>, vector<2048x128xf32>
    %get3A_45 = arith.constant 0 : index
    %get3A_46 = arith.constant 0 : index
    %get3A_47 = vector.load %arg2[%get3A_45, %get3A_46] : memref<128x128xf32, #tpu.memory_space<vmem>>, vector<128x128xf32>
    %dot_general3A = arith.constant dense<0.000000e+00> : vector<2048x128xf32>
    %dot_general3A_48 = tpu.matmul %get3A_44, %get3A_47, %dot_general3A {dimension_numbers = #tpu.dot_dimension_numbers<[1], [0], [0], [1], [0, 0, 1, 1], [], []>, transpose_lhs_hint = false} : vector<2048x128xf32>, vector<128x128xf32>, vector<2048x128xf32> -> vector<2048x128xf32>
    %broadcast_in_dim3A_49 = vector.shape_cast %select_n3A_31 : vector<2048xf32> to vector<2048x1xf32>
    %mul3A_50 = vector.broadcast %broadcast_in_dim3A_49 : vector<2048x1xf32> to vector<2048x128xf32>
    %mul3A_51 = arith.mulf %dot_general3A_48, %mul3A_50 : vector<2048x128xf32>
    %swap3A = arith.constant 0 : index
    %swap3A_52 = arith.constant 0 : index
    %swap3A_53 = vector.load %arg4[%swap3A, %swap3A_52] : memref<2048x128xf32, #tpu.memory_space<vmem>>, vector<2048x128xf32>
    tpu.vector_store %arg4[%swap3A, %swap3A_52], %mul3A_51 {strides = array<i32>} : memref<2048x128xf32, #tpu.memory_space<vmem>>, vector<2048x128xf32>,
    %broadcast_in_dim3A_54 = vector.shape_cast %select_n3A_31 : vector<2048xf32> to vector<2048x1xf32>
    %broadcast_in_dim3A_55 = vector.shape_cast %select_n3A_41 : vector<2048xf32> to vector<2048x1xf32>
    %broadcast_in_dim3A_56 = arith.constant 0.000000e+00 : f32
    %broadcast_in_dim3A_57 = vector.broadcast %broadcast_in_dim3A_56 : f32 to vector<2048x6xf32>
    %concatenate3A = tpu.concatenate %broadcast_in_dim3A_54, %broadcast_in_dim3A_55, %broadcast_in_dim3A_57 in 1 : vector<2048x1xf32>, vector<2048x1xf32>, vector<2048x6xf32> -> vector<2048x8xf32>
    %swap3A_58 = arith.constant 0 : index
    %swap3A_59 = arith.constant 0 : index
    %swap3A_60 = vector.load %arg5[%swap3A_58, %swap3A_59] : memref<2048x8xf32, #tpu.memory_space<vmem>>, vector<2048x8xf32>
    tpu.vector_store %arg5[%swap3A_58, %swap3A_59], %concatenate3A {strides = array<i32>} : memref<2048x8xf32, #tpu.memory_space<vmem>>, vector<2048x8xf32>,
    return
  }
  func.func @transform_0(%arg0: i32) -> (i32, i32) {
    %c0_i32 = arith.constant 0 : i32
    %c0_i32_0 = arith.constant 0 : i32
    return %arg0, %c0_i32 : i32, i32
  }
  func.func @transform_1(%arg0: i32) -> (i32, i32) {
    %c0_i32 = arith.constant 0 : i32
    %c0_i32_0 = arith.constant 0 : i32
    %c0_i32_1 = arith.constant 0 : i32
    return %c0_i32, %c0_i32_0 : i32, i32
  }
  func.func @transform_2(%arg0: i32) -> (i32, i32, i32) {
    %c0_i32 = arith.constant 0 : i32
    %c0_i32_0 = arith.constant 0 : i32
    %c0_i32_1 = arith.constant 0 : i32
    %c0_i32_2 = arith.constant 0 : i32
    return %c0_i32, %c0_i32_0, %c0_i32_1 : i32, i32, i32
  }
  func.func @transform_3(%arg0: i32) -> (i32, i32) {
    %c0_i32 = arith.constant 0 : i32
    %c0_i32_0 = arith.constant 0 : i32
    return %arg0, %c0_i32 : i32, i32
  }
  func.func @transform_4(%arg0: i32) -> (i32, i32) {
    %c0_i32 = arith.constant 0 : i32
    %c0_i32_0 = arith.constant 0 : i32
    return %arg0, %c0_i32 : i32, i32
  }
}

module attributes {stable_mosaic.version = 14 : i64} {
  func.func @_post_body(%arg0: i32, %arg1: memref<2x2048x128xf32, #tpu.memory_space<vmem>>, %arg2: memref<2048x8xf32, #tpu.memory_space<vmem>>, %arg3: memref<1x128xf32, #tpu.memory_space<vmem>>, %arg4: memref<2048x128xf32, #tpu.memory_space<vmem>>, %arg5: memref<2048x128xf32, #tpu.memory_space<vmem>>) attributes {dimension_semantics = [#tpu.dimension_semantics<arbitrary>], iteration_bounds = array<i64: 5>, scalar_prefetch = 0 : i64, scratch_operands = 0 : i64, tpu.core_type = #tpu.core_type<tc>, window_params = [{transform_indices = @transform_0, window_bounds = array<i64: 2, 2048, 128>}, {transform_indices = @transform_1, window_bounds = array<i64: 2048, 8>}, {pipeline_mode = #tpu.pipeline_mode<synchronous>, transform_indices = @transform_2, window_bounds = array<i64: 1, 128>}, {transform_indices = @transform_3, window_bounds = array<i64: 2048, 128>}, {transform_indices = @transform_4, window_bounds = array<i64: 2048, 128>}]} {
    %get3A = arith.constant 0 : index
    %get3A_0 = arith.constant 1 : index
    %get3A_1 = vector.load %arg2[%get3A, %get3A_0] : memref<2048x8xf32, #tpu.memory_space<vmem>>, vector<2048x1xf32>
    %get3A_2 = vector.shape_cast %get3A_1 : vector<2048x1xf32> to vector<2048xf32>
    %get3A_3 = arith.constant 0 : index
    %get3A_4 = arith.constant 0 : index
    %get3A_5 = arith.constant 0 : index
    %get3A_6 = vector.load %arg1[%get3A_3, %get3A_4, %get3A_5] : memref<2x2048x128xf32, #tpu.memory_space<vmem>>, vector<1x2048x128xf32>
    %get3A_7 = vector.shape_cast %get3A_6 : vector<1x2048x128xf32> to vector<2048x128xf32>
    %get3A_8 = arith.constant 1 : index
    %get3A_9 = arith.constant 0 : index
    %get3A_10 = arith.constant 0 : index
    %get3A_11 = vector.load %arg1[%get3A_8, %get3A_9, %get3A_10] : memref<2x2048x128xf32, #tpu.memory_space<vmem>>, vector<1x2048x128xf32>
    %get3A_12 = vector.shape_cast %get3A_11 : vector<1x2048x128xf32> to vector<2048x128xf32>
    %add3A = arith.addf %get3A_7, %get3A_12 : vector<2048x128xf32>
    %broadcast_in_dim3A = vector.shape_cast %get3A_2 : vector<2048xf32> to vector<2048x1xf32>
    %mul3A = vector.broadcast %broadcast_in_dim3A : vector<2048x1xf32> to vector<2048x128xf32>
    %mul3A_13 = arith.mulf %add3A, %mul3A : vector<2048x128xf32>
    %get3A_14 = arith.constant 0 : index
    %get3A_15 = arith.constant 0 : index
    %get3A_16 = vector.load %arg3[%get3A_14, %get3A_15] : memref<1x128xf32, #tpu.memory_space<vmem>>, vector<1x128xf32>
    %get3A_17 = vector.shape_cast %get3A_16 : vector<1x128xf32> to vector<128xf32>
    %broadcast_in_dim3A_18 = vector.shape_cast %get3A_17 : vector<128xf32> to vector<1x128xf32>
    %add3A_19 = vector.broadcast %broadcast_in_dim3A_18 : vector<1x128xf32> to vector<2048x128xf32>
    %add3A_20 = arith.addf %mul3A_13, %add3A_19 : vector<2048x128xf32>
    %max3A = arith.constant 0.000000e+00 : f32
    %max3A_21 = vector.broadcast %max3A : f32 to vector<2048x128xf32>
    %max3A_22 = arith.maximumf %add3A_20, %max3A_21 : vector<2048x128xf32>
    %get3A_23 = arith.constant 0 : index
    %get3A_24 = arith.constant 0 : index
    %get3A_25 = vector.load %arg4[%get3A_23, %get3A_24] : memref<2048x128xf32, #tpu.memory_space<vmem>>, vector<2048x128xf32>
    %add3A_26 = arith.addf %max3A_22, %get3A_25 : vector<2048x128xf32>
    %swap3A = arith.constant 0 : index
    %swap3A_27 = arith.constant 0 : index
    %swap3A_28 = vector.load %arg5[%swap3A, %swap3A_27] : memref<2048x128xf32, #tpu.memory_space<vmem>>, vector<2048x128xf32>
    tpu.vector_store %arg5[%swap3A, %swap3A_27], %add3A_26 {strides = array<i32>} : memref<2048x128xf32, #tpu.memory_space<vmem>>, vector<2048x128xf32>,
    return
  }
  func.func @transform_0(%arg0: i32) -> (i32, i32, i32) {
    %c0_i32 = arith.constant 0 : i32
    %c0_i32_0 = arith.constant 0 : i32
    %c0_i32_1 = arith.constant 0 : i32
    return %c0_i32, %arg0, %c0_i32_0 : i32, i32, i32
  }
  func.func @transform_1(%arg0: i32) -> (i32, i32) {
    %c0_i32 = arith.constant 0 : i32
    %c0_i32_0 = arith.constant 0 : i32
    return %arg0, %c0_i32 : i32, i32
  }
  func.func @transform_2(%arg0: i32) -> (i32, i32) {
    %c0_i32 = arith.constant 0 : i32
    %c0_i32_0 = arith.constant 0 : i32
    %c0_i32_1 = arith.constant 0 : i32
    return %c0_i32, %c0_i32_0 : i32, i32
  }
  func.func @transform_3(%arg0: i32) -> (i32, i32) {
    %c0_i32 = arith.constant 0 : i32
    %c0_i32_0 = arith.constant 0 : i32
    return %arg0, %c0_i32 : i32, i32
  }
  func.func @transform_4(%arg0: i32) -> (i32, i32) {
    %c0_i32 = arith.constant 0 : i32
    %c0_i32_0 = arith.constant 0 : i32
    return %arg0, %c0_i32 : i32, i32
  }
}

</mosaic_0001>

<sc_bundles>
// kernel: kernel.11.cloned.1.call-start
scs
__scs_entry_jumppad:
0x0: {  	(pc) =	sbr.rel $0x88, $3  }
0x1: {  	(tag) =	ssettag $0x0;
	lr =	simm.s32 $0x1  }
0x2: {  	[smem:$0x3F9B] =	sst lr;
	_ =	strace $0xD0000000  }
0x3: {  	_ = 	snop  }
0x4: {  	_ = 	snop  }
0x5: {  	_ = 	snop  }
0x6: {  	_ = 	snop  }
0x7: {  	_ = 	snop  }
__scs_overlays_trampoline_lowered:
0x8: {  	[smem:$0x3FAA] =	sst s0  }
0x9: {  	[smem:$0x3FAB] =	sst s1  }
0xa: {  	[smem:$0x3FAC] =	sst s2  }
0xb: {  	[smem:$0x3FAD] =	sst s3  }
0xc: {  	[smem:$0x3FAE] =	sst s4  }
0xd: {  	[smem:$0x3FAF] =	sst s5  }
0xe: {  	[smem:$0x3FB0] =	sst s6  }
0xf: {  	[smem:$0x3FB1] =	sst s7  }
0x10: {  	[smem:$0x3FB2] =	sst s8  }
0x11: {  	[smem:$0x3FB3] =	sst s9;
	s0 =	simm.s32 @!p0 $0x0  }
0x12: {  	s1 =	sld [smem:$0x3F99];
	s0 =	simm.s32 @p0 $0x1  }
0x13: {  	[smem:$0x3FB4] =	sst s0;
	s0 =	simm.s32 @!p1 $0x0  }
0x14: {  	s2 =	sld [smem:$0x3F98];
	s0 =	simm.s32 @p1 $0x1  }
0x15: {  	[smem:$0x3FB5] =	sst s0;
	s0 =	simm.s32 @!p2 $0x0  }
0x16: {  	s3 =	sld [smem:$0x3FDB];
	s0 =	simm.s32 @p2 $0x1  }
0x17: {  	s4 =	simm.s32 $0x1BF5;
	[smem:$0x3FB7] =	sst s0  }
0x18: {  	s0 =	sld [smem:$0x3F9A];
	_ =	swait.ge [sflag:s4], $0x0  }
0x19: {  	s7 =	sld [smem:$0x3F9B]  }
0x1a: {  	s8 =	sadd.s32 $0xFFFFE003, lr  }
0x1b: {  	s9 =	sadd.s32 $0xFFFFFEF7, lr;
	s5 =	simm.s32 $0xFFFFFFFF;
	p2 =	slt.u32 s8, $0xFFFFF086  }
0x1c: {  	p1 =	slt.u32 s9, $0xF7A;
	s5 =	simm.s32 @!p2 $0x0  }
0x1d: {  	s5 =	simm.s32 @p1 $0x1;
	p0 =	seq.s32 s7, s2  }
0x1e: {  	s7 =	smul.u32 @!p0 $0xF7A, s2;
	p2 =	seq.s32 @!p0 s5, $0x0  }
0x1f: {  	s9 =	smul.u32 $0xF7A, s1;
	s8 =	simm.s32 @!p0 $0x1BF5;
	p2 =	por !p2, p0  }
0x20: {  	[sflag:s8] =	ssyncset.s32 @!p0 $0xFFFFF086;
	s6 =	sadd.s32 @!p0 s3, s7;
	s7 =	simm.s32 @!p0 $0x108  }
0x21: {  	s3 =	sadd.s32 s3, s9;
	s6 =	sadd.s32 @!p0 $0x88, s6;
	s7 =	simm.s32 @p2 $0x1082  }
0x22: {  	[simem:s7], [sflag:s8] =	dma.local @!p0 [hbm:s6], $0xF7A  }
0x23: {  	s9 =	sor.u32 $0xD0000000, s2;
	s6 =	simm.s32 $0x108;
	_ =	swait.ge @!p0 [sflag:s8], $0x0  }
0x24: {  	s3 =	sadd.s32 $0x88, s3;
	s6 =	simm.s32 @!p1 $0x1082;
	[sflag:s4] =	ssyncset.s32 $0xFFFFF086  }
0x25: {  	[simem:s6], [sflag:s4] =	dma.local [hbm:s3], $0xF7A  }
0x26: {  	[smem:$0x3F9B] =	sst s1;
	(tag) =	ssettag s2;
	_ =	strace s9  }
0x27: {  	s1 =	sld [smem:$0x3FAB]  }
0x28: {  	s2 =	sld [smem:$0x3FAC]  }
0x29: {  	s4 =	sld [smem:$0x3FAE]  }
0x2a: {  	p0 =	seq.s32 s5, $0x0;
	s5 =	sld [smem:$0x3FAF]  }
0x2b: {  	s6 =	sld [smem:$0x3FB0]  }
0x2c: {  	s7 =	sld [smem:$0x3FB1]  }
0x2d: {  	s3 =	simm.s32 $0x108;
	s8 =	sld [smem:$0x3FB2]  }
0x2e: {  	s3 =	simm.s32 @!p0 $0x1082;
	s9 =	sld [smem:$0x3FB3]  }
0x2f: {  	lr =	sadd.s32 s0, s3;
	s0 =	sld [smem:$0x3FAA]  }
0x30: {  	s3 =	sld [smem:$0x3FAD]  }
0x31: {  	[smem:$0x3FB6] =	sst s10  }
0x32: {  	s10 =	sld [smem:$0x3FB4];
	_ =	sdelay $0x3  }
0x33: {  	p0 =	seq.s32 s10, $0x1;
	s10 =	sld [smem:$0x3FB6];
	_ =	sdelay $0x3  }
0x34: {  	[smem:$0x3FB6] =	sst s10  }
0x35: {  	s10 =	sld [smem:$0x3FB5];
	_ =	sdelay $0x3  }
0x36: {  	p1 =	seq.s32 s10, $0x1;
	s10 =	sld [smem:$0x3FB6];
	_ =	sdelay $0x3  }
0x37: {  	[smem:$0x3FB6] =	sst s10  }
0x38: {  	s10 =	sld [smem:$0x3FB7]  }
0x39: {  	_ = 	snop;
	(pc) =	sbr.ind lr, $3  }
0x3a: {  	_ = 	snop  }
0x3b: {  	_ = 	snop  }
0x3c: {  	p2 =	seq.s32 s10, $0x1;
	s10 =	sld [smem:$0x3FB6]  }
0x3d: {  	_ =	shalt  }
0x3e: {  	_ =	shalt  }
0x3f: {  	_ =	shalt  }
0x40: {  	_ =	shalt  }
0x41: {  	_ =	shalt  }
0x42: {  	_ =	shalt  }
0x43: {  	_ =	shalt  }
0x44: {  	_ =	shalt  }
0x45: {  	_ =	shalt  }
0x46: {  	_ =	shalt  }
0x47: {  	_ =	shalt  }
0x48: {  	_ =	shalt  }
0x49: {  	_ =	shalt  }
0x4a: {  	_ =	shalt  }
0x4b: {  	_ =	shalt  }
0x4c: {  	_ =	shalt  }
0x4d: {  	_ =	shalt  }
0x4e: {  	_ =	shalt  }
0x4f: {  	_ =	shalt  }
0x50: {  	_ =	shalt  }
0x51: {  	_ =	shalt  }
0x52: {  	_ =	shalt  }
0x53: {  	_ =	shalt  }
0x54: {  	_ =	shalt  }
0x55: {  	_ =	shalt  }
0x56: {  	_ =	shalt  }
0x57: {  	_ =	shalt  }
0x58: {  	_ =	shalt  }
0x59: {  	_ =	shalt  }
0x5a: {  	_ =	shalt  }
0x5b: {  	_ =	shalt  }
0x5c: {  	_ =	shalt  }
0x5d: {  	_ =	shalt  }
0x5e: {  	_ =	shalt  }
0x5f: {  	_ =	shalt  }
0x60: {  	_ =	shalt  }
0x61: {  	_ =	shalt  }
0x62: {  	_ =	shalt  }
0x63: {  	_ =	shalt  }
0x64: {  	_ =	shalt  }
0x65: {  	_ =	shalt  }
0x66: {  	_ =	shalt  }
0x67: {  	_ =	shalt  }
0x68: {  	_ =	shalt  }
0x69: {  	_ =	shalt  }
0x6a: {  	_ =	shalt  }
0x6b: {  	_ =	shalt  }
0x6c: {  	_ =	shalt  }
0x6d: {  	_ =	shalt  }
0x6e: {  	_ =	shalt  }
0x6f: {  	_ =	shalt  }
0x70: {  	_ =	shalt  }
0x71: {  	_ =	shalt  }
0x72: {  	_ =	shalt  }
0x73: {  	_ =	shalt  }
0x74: {  	_ =	shalt  }
0x75: {  	_ =	shalt  }
0x76: {  	_ =	shalt  }
0x77: {  	_ =	shalt  }
0x78: {  	_ =	shalt  }
0x79: {  	_ =	shalt  }
0x7a: {  	_ =	shalt  }
0x7b: {  	_ =	shalt  }
0x7c: {  	_ =	shalt  }
0x7d: {  	_ =	shalt  }
0x7e: {  	_ =	shalt  }
0x7f: {  	_ =	shalt  }
0x80: {  	_ =	shalt  }
0x81: {  	_ =	shalt  }
0x82: {  	_ =	shalt  }
0x83: {  	_ =	shalt  }
0x84: {  	_ =	shalt  }
0x85: {  	_ =	shalt  }
0x86: {  	_ =	shalt  }
0x87: {  	_ =	shalt  }
.Lfunc_end0:
.L_simem_size_0:
called_computation.1_lowered:
.L_overlay_start_0:
0x88: {  	s2 =	sld [smem:$0x3FD9]  }
0x89: {  	s3 =	sld [smem:$0x3FFE];
	_ =	sdelay $0x1  }
0x8a: {  	s1 =	srdreg.scid  }
0x8b: {  	s0 =	sand.u32 $0x1, s1  }
0x8c: {  	s17 =	sshll.u32 s0, $0xA;
	s2 =	sadd.s32 s3, s2  }
0x8d: {  	s2 =	sadd.s32 s2, s17  }
0x8e: {  	[smem:$0x3FC2] =	sst s2  }
0x8f: {  	_ = 	snop  }
0x90: {  	s2 =	sld [smem:$0x3FD0];
	(tm) =	ssettm $0x1  }
0x91: {  	s18 =	sld [smem:$0x3FFB];
	_ =	sdelay $0x3  }
0x92: {  	_ =	strace s18  }
0x93: {  	s3 =	sld [smem:$0x3FFC];
	_ =	sdelay $0x3  }
0x94: {  	_ =	strace s3  }
0x95: {  	s3 =	sld [smem:$0x3FFD];
	_ =	sdelay $0x3  }
0x96: {  	_ =	strace s3  }
0x97: {  	_ =	strace $0x8FFFFFFF  }
0x98: {  	s19 =	sld [smem:$0x3FDB];
	_ =	sdelay $0x1  }
0x99: {  	s4 =	simm.s32 $_scs_section_size  }
0x9a: {  	s5 =	simm.s32 $_size__tile_overlayer_lowered;
	s6 =	simm.s32 $_tile_overlayer_lowered  }
0x9b: {  	s22 =	simm.s32 $0x1BFF;
	s21 =	sshll.u32 s6, $0x1;
	s3 =	sadd.s32 s4, s19  }
0x9c: {  	s7 =	simm.s32 $0x0;
	s20 =	sshll.u32 s5, $0x1;
	s5 =	sadd.s32 s21, s3  }
0x9d: {  	[timem:s7], [sflag:s22] =	dma.local [hbm:s5], s20  }
0x9e: {  	_ =	swait.ge [sflag:s22], s20  }
0x9f: {  	s4 =	ssub.s32 $0x0, s20;
	[sflag:s22] =	ssyncset.done $0x0  }
0xa0: {  	[sflag:s22] =	ssyncadd.s32 s4;
	_ =	sdelay $0x1  }
0xa1: {  	s23 =	simm.s32 $0x1B8B  }
0xa2: {  	_ =	swait.ge [sflag:s23], $0x1  }
0xa3: {  	[sflag:s23] =	ssyncset.done $0x0  }
0xa4: {  	s25 =	simm.s32 $0x1B8E;
	s24 =	sld [smem:$0x3FFE];
	[sflag:s23] =	ssyncadd.s32 $0xFFFFFFFF  }
0xa5: {  	s26 =	simm.s32 $execute0_lowered;
	[smem:$0x3FD2] =	sst s25  }
0xa6: {  	s5 =	sshll.u32 s26, $0x1;
	_ =	strace $0x80000049;
	[dreg:$0x1] =	wrdreg $0xFFFFFFFF  }
0xa7: {  	s28 =	simm.s32 $_size_execute0_lowered;
	s3 =	sadd.s32 s3, s5;
	[dreg:$0x0] =	wrdreg $0x0  }
0xa8: {  	s5 =	sshll.u32 s28, $0x1;
	[dreg:$0x2] =	wrdreg s3  }
0xa9: {  	[dreg:$0x3] =	wrdreg s5  }
0xaa: {  	[dreg:$0x4] =	wrdreg $0xC0  }
0xab: {  	_ =	task [dreg:s7], $0x5FFFF  }
0xac: {  	[dreg:$0x1] =	wrdreg $0xFFFFFFFF  }
0xad: {  	[dreg:$0x0] =	wrdreg $0x60  }
0xae: {  	[dreg:$0x2] =	wrdreg s24  }
0xaf: {  	[dreg:$0x3] =	wrdreg s2  }
0xb0: {  	[dreg:$0x4] =	wrdreg $0xA8000  }
0xb1: {  	[dreg:$0x5] =	wrdreg $0x9  }
0xb2: {  	_ =	task.clear_ibuf [dreg:s7], $0x6FFFF;
	_ =	strace $0x90000049  }
0xb3: {  	s29 =	simm.s32 $0x9;
	_ =	strace $0x8000004B  }
0xb4: {  	_ =	swait.ge [sflag:s29], $0x1  }
0xb5: {  	[sflag:s29] =	ssyncadd.s32 $0xFFFFFFFF  }
0xb6: {  	_ =	strace $0x9000004B  }
0xb7: {  	_ =	sfence  }
0xb8: {  	s30 =	sld [smem:$0x0];
	_ =	sdelay $0x2  }
0xb9: {  	s31 =	sshll.u32 s1, $0xD;
	s1 =	sshrl.u32 s1, $0x2  }
0xba: {  	s3 =	sand.u32 $0x4000, s31;
	s1 =	sadd.s32 s1, s30  }
0xbb: {  	s0 =	sor.u32 s3, s0;
	s1 =	sshll.u32 s1, $0x11  }
0xbc: {  	s0 =	sor.u32 s1, s0  }
0xbd: {  	s0 =	sadd.s32 $0x8F2B, s0  }
0xbe: {  	[sflag:s0] =	ssyncadd.remote.s32 $0x1  }
0xbf: {  	_ =	sfence.sel $0xFFFF  }
0xc0: {  	[dreg:$0x0] =	wrdreg $0xFFFFFFFF;
	(pc) =	sbr.abs _section_cstart, $3  }
0xc1: {  	[dreg:$0x1] =	wrdreg $0xFFFFFFFF  }
0xc2: {  	_ =	task.clear_ibuf [dreg:s7], $0x2FFFF;
	_ =	strace $0x9FFFFFFF  }
0xc3: {  	(tm) =	ssettm $0x7FFFFFFF  }
tec
execute0_lowered:
.L_overlay_start_1:
0x0: {  	(tag) =	ssettag $0x1  }
0x1: {  	s0 =	rddreg [dreg:$0x0]  }
0x2: {  	s1 =	rddreg [dreg:$0x1];
	s11 =	stileid.u32  }
0x3: {  	s3 =	srdreg.scid;
	s7 =	smul.u32 $0x14000, s11  }
0x4: {  	s2 =	rddreg [dreg:$0x2];
	s5 =	sand.u32 $0x1, s3;
	s9 =	smul.u32 $0x2710, s11  }
0x5: {  	s3 =	simm.s32 $0x0;
	s4 =	sadd.s32 $0xBC00, s0;
	s11 =	smul.u32 $0x50000, s11  }
0x6: {  	s10 =	sadd.s32 $0x1E00, s0;
	s6 =	smul.u32 $0x140000, s5;
	[smem:$0x7FF] =	sst s3  }
0x7: {  	s8 =	smul.u32 $0x27100, s5;
	s5 =	ssub.s32 $0x2, s5;
	_ =	strace $0x8000004A  }
0x8: {  	s30 =	sshrl.u32 s5, $0x1;
	s13 =	sshrl.u32 s11, $0x2;
	s6 =	sadd.s32 s7, s6  }
0x9: {  	s29 =	sadd.s32 s9, s8;
	s5 =	ssub.s32 s5, s30;
	s8 =	sadd.s32 s13, s2  }
0xa: {  	s30 =	simm.s32 $0x3000;
	s6 =	sshrl.u32 s6, $0x3;
	s9 =	sshrl.u32 s29, $0x3  }
0xb: {  	s14 =	sadd.s32 $0xF0, s29;
	s5 =	smax.u32 s5, $0x1;
	s15 =	sadd.s32 $0x2800, s8  }
0xc: {  	s16 =	sadd.s32 $0x5000, s8;
	s18 =	sadd.s32 $0xA0, s29;
	[dreg:$0xc] =	wrdreg s30  }
0xd: {  	s21 =	sadd.s32 $0x50, s29;
	s24 =	sadd.s32 $0x7800, s8;
	[dreg:$0x11] =	wrdreg s5  }
0xe: {  	s13 =	sadd.s32 $0xA000, s8;
	s0 =	sadd.s32 s6, s0;
	[dreg:$0x12] =	wrdreg s15  }
0xf: {  	s31 =	sadd.s32 $0x4D8, s9;
	[dreg:$0x13] =	wrdreg s16;
	s19 =	sshrl.u32 s18, $0x3  }
0x10: {  	s23 =	sshrl.u32 s21, $0x3;
	[dreg:$0x14] =	wrdreg s24;
	s28 =	sadd.s32 s9, s1  }
0x11: {  	s15 =	sadd.s32 $0xF000, s8;
	s29 =	sadd.s32 s9, s10;
	[dreg:$0xa] =	wrdreg s28  }
0x12: {  	s16 =	sadd.s32 $0x11800, s8;
	s12 =	sadd.s32 s10, s31;
	[dreg:$0xb] =	wrdreg s29  }
0x13: {  	s18 =	simm.s32 $0x4;
	s6 =	sadd.s32 s1, s31;
	[dreg:$0xe] =	wrdreg s12  }
0x14: {  	s21 =	simm.s32 $0x8000;
	s0 =	sadd.s32 $0x33C00, s0;
	[dreg:$0xf] =	wrdreg s6  }
0x15: {  	s24 =	simm.s32 $0x400;
	s20 =	sadd.s32 s19, s1;
	[dreg:$0x10] =	wrdreg s0  }
0x16: {  	s22 =	sadd.s32 s19, s10;
	s25 =	sadd.s32 s23, s1;
	[dreg:$0x6] =	wrdreg s20  }
0x17: {  	s26 =	sadd.s32 s23, s10;
	s19 =	simm.s32 $0x1;
	[dreg:$0x7] =	wrdreg s22  }
0x18: {  	s31 =	simm.s32 $0x5800;
	s23 =	simm.s32 $0x3;
	[dreg:$0x8] =	wrdreg s25  }
0x19: {  	s0 =	sshrl.u32 s14, $0x3;
	s14 =	sadd.s32 $0xC800, s8;
	[dreg:$0x9] =	wrdreg s26  }
0x1a: {  	s20 =	simm.s32 $0x50;
	[dreg:$0xd] =	wrdreg s31;
	s17 =	sadd.s32 s0, s1  }
0x1b: {  	s22 =	simm.s32 $0x2;
	s0 =	sadd.s32 s0, s10;
	[dreg:$0x4] =	wrdreg s17  }
0x1c: {  	v0 =	vimm.f32 $0.0e+00;
	s25 =	simm.s32 $0x0;
	[dreg:$0x5] =	wrdreg s0;
	s17 =	simm.s32 $0x800  }
.LBB2_1:
0x1d: {  	s0 =	simm.s32 $0x0;
	s1 =	simm.s32 $0x200  }
.LBB2_2:
0x1e: {  	p0 =	sne.s32 s1, $0x9E00;
	[tilespmem:s0+$0x870] =	vst v0  }
0x1f: {  	[tilespmem:s0+$0x800] =	vst v0  }
0x20: {  	[tilespmem:s0+$0x810] =	vst v0  }
.Ltmp0:
0x21: {  	[tilespmem:s0+$0x820] =	vst v0;
	(pc) =	sbr.rel @p0 .LBB2_2-.Ltmp0, $4  }
0x22: {  	[tilespmem:s0+$0x830] =	vst v0  }
0x23: {  	[tilespmem:s0+$0x840] =	vst v0  }
0x24: {  	[tilespmem:s0+$0x850] =	vst v0  }
0x25: {  	[tilespmem:s0+$0x860] =	vst v0;
	s0 =	sshra.s32 s1, $0x2;
	s1 =	sadd.s32 $0x200, s1  }
0x26: {  	[tilespmem:s0+$0x870] =	vst v0  }
0x27: {  	[tilespmem:s0+$0x800] =	vst v0  }
0x28: {  	[tilespmem:s0+$0x810] =	vst v0  }
0x29: {  	[tilespmem:s0+$0x820] =	vst v0  }
0x2a: {  	[tilespmem:s0+$0x830] =	vst v0  }
0x2b: {  	[tilespmem:s0+$0x840] =	vst v0  }
0x2c: {  	[tilespmem:s0+$0x850] =	vst v0  }
0x2d: {  	[tilespmem:s0+$0x860] =	vst v0  }
0x2e: {  	[spmem:s8] =	stream.linear.scatter [tilespmem:s17], [sflag:$0x4], $0x2800, $0x38;
	[tilespmem:$0x1E800] =	vst v63  }
0x2f: {  	_ =	swait.ge [sflag:s18], $0x2800  }
0x30: {  	[sflag:s18] =	ssyncset.done $0x0  }
0x31: {  	s7 =	rddreg [dreg:$0x12];
	[sflag:s18] =	ssyncadd.s32 $0xFFFFD800  }
0x32: {  	[spmem:s7] =	stream.linear.scatter [tilespmem:s17], [sflag:$0x4], $0x2800, $0x38;
	[tilespmem:$0x1E800] =	vst v63  }
0x33: {  	_ =	swait.ge [sflag:s18], $0x2800  }
0x34: {  	[sflag:s18] =	ssyncset.done $0x0  }
0x35: {  	s9 =	rddreg [dreg:$0x13];
	[sflag:s18] =	ssyncadd.s32 $0xFFFFD800  }
0x36: {  	[spmem:s9] =	stream.linear.scatter [tilespmem:s17], [sflag:$0x4], $0x2800, $0x38;
	[tilespmem:$0x1E800] =	vst v63  }
0x37: {  	_ =	swait.ge [sflag:s18], $0x2800  }
0x38: {  	[sflag:s18] =	ssyncset.done $0x0  }
0x39: {  	s10 =	rddreg [dreg:$0x14];
	[sflag:s18] =	ssyncadd.s32 $0xFFFFD800  }
0x3a: {  	[spmem:s10] =	stream.linear.scatter [tilespmem:s17], [sflag:$0x4], $0x2800, $0x38;
	[tilespmem:$0x1E800] =	vst v63  }
0x3b: {  	_ =	swait.ge [sflag:s18], $0x2800  }
0x3c: {  	[sflag:s18] =	ssyncset.done $0x0  }
0x3d: {  	[sflag:s18] =	ssyncadd.s32 $0xFFFFD800  }
0x3e: {  	[spmem:s13] =	stream.linear.scatter [tilespmem:s17], [sflag:$0x4], $0x2800, $0x38;
	[tilespmem:$0x1E800] =	vst v63  }
0x3f: {  	_ =	swait.ge [sflag:s18], $0x2800  }
0x40: {  	[sflag:s18] =	ssyncset.done $0x0  }
0x41: {  	[sflag:s18] =	ssyncadd.s32 $0xFFFFD800  }
0x42: {  	[spmem:s14] =	stream.linear.scatter [tilespmem:s17], [sflag:$0x4], $0x2800, $0x38;
	[tilespmem:$0x1E800] =	vst v63  }
0x43: {  	_ =	swait.ge [sflag:s18], $0x2800  }
0x44: {  	[sflag:s18] =	ssyncset.done $0x0  }
0x45: {  	[sflag:s18] =	ssyncadd.s32 $0xFFFFD800  }
0x46: {  	[spmem:s15] =	stream.linear.scatter [tilespmem:s17], [sflag:$0x4], $0x2800, $0x38;
	[tilespmem:$0x1E800] =	vst v63  }
0x47: {  	_ =	swait.ge [sflag:s18], $0x2800  }
0x48: {  	[sflag:s18] =	ssyncset.done $0x0  }
0x49: {  	[sflag:s18] =	ssyncadd.s32 $0xFFFFD800  }
0x4a: {  	[spmem:s16] =	stream.linear.scatter [tilespmem:s17], [sflag:$0x4], $0x2800, $0x38;
	[tilespmem:$0x1E800] =	vst v63  }
0x4b: {  	_ =	swait.ge [sflag:s18], $0x2800  }
0x4c: {  	[sflag:s18] =	ssyncset.done $0x0  }
0x4d: {  	[sflag:s18] =	ssyncadd.s32 $0xFFFFD800  }
0x4e: {  	[bflag:$0x0] =	sbarrier.arrive $0xFFFF  }
0x4f: {  	s1 =	simm.s32 $0x0;
	s11 =	rddreg [dreg:$0xb]  }
0x50: {  	s6 =	sand.u32 $0x200, s1;
	s5 =	rddreg [dreg:$0xa];
	s0 =	sadd.s32 $0x0, s11  }
0x51: {  	[tilespmem:s6], [sflag:$0x1] =	stream.linear.gather [hbm4b:s0+s3], $0x50, $0x38;
	[tilespmem:$0x1E800] =	vst v63  }
0x52: {  	s12 =	rddreg [dreg:$0x9];
	s5 =	sadd.s32 $0x0, s5;
	s0 =	sor.u32 $0x400, s6  }
0x53: {  	[tilespmem:s0], [sflag:$0x1] =	stream.linear.gather [hbm4b:s5+s3], $0x50, $0x38;
	[tilespmem:$0x1E800] =	vst v63  }
0x54: {  	s7 =	sor.u32 $0x80, s6;
	s9 =	rddreg [dreg:$0x8];
	s1 =	sadd.s32 $0x0, s12  }
0x55: {  	[tilespmem:s7], [sflag:$0x1] =	stream.linear.gather [hbm4b:s1+s3], $0x50, $0x38;
	[tilespmem:$0x1E800] =	vst v63  }
0x56: {  	s31 =	sor.u32 $0x480, s6;
	s26 =	rddreg [dreg:$0x7];
	s9 =	sadd.s32 $0x0, s9  }
0x57: {  	[tilespmem:s31], [sflag:$0x1] =	stream.linear.gather [hbm4b:s9+s3], $0x50, $0x38;
	[tilespmem:$0x1E800] =	vst v63  }
0x58: {  	s10 =	rddreg [dreg:$0x6];
	s5 =	sadd.s32 $0x0, s26;
	s9 =	sor.u32 $0x100, s6  }
0x59: {  	[tilespmem:s9], [sflag:$0x1] =	stream.linear.gather [hbm4b:s5+s3], $0x50, $0x38;
	[tilespmem:$0x1E800] =	vst v63  }
0x5a: {  	s10 =	sadd.s32 $0x0, s10;
	s26 =	rddreg [dreg:$0x5];
	s5 =	sor.u32 $0x500, s6  }
0x5b: {  	[tilespmem:s5], [sflag:$0x1] =	stream.linear.gather [hbm4b:s10+s3], $0x50, $0x38;
	[tilespmem:$0x1E800] =	vst v63  }
0x5c: {  	s29 =	rddreg [dreg:$0x4];
	s11 =	sor.u32 $0x180, s6;
	s26 =	sadd.s32 $0x0, s26  }
0x5d: {  	[tilespmem:s11], [sflag:$0x1] =	stream.linear.gather [hbm4b:s26+s3], $0x50, $0x38;
	[tilespmem:$0x1E800] =	vst v63  }
0x5e: {  	s28 =	sor.u32 $0x580, s6;
	s12 =	sadd.s32 $0x0, s29  }
0x5f: {  	[tilespmem:s28], [sflag:$0x1] =	stream.linear.gather [hbm4b:s12+s3], $0x50, $0x38;
	[tilespmem:$0x1E800] =	vst v63  }
0x60: {  	_ =	swait.ge [sflag:s19], $0x50  }
0x61: {  	[sflag:s19] =	ssyncset.done $0x0  }
0x62: {  	[sflag:s19] =	ssyncadd.s32 $0xFFFFFFB0  }
0x63: {  	_ =	swait.ge [sflag:s19], $0x50  }
0x64: {  	[sflag:s19] =	ssyncset.done $0x0  }
0x65: {  	[sflag:s19] =	ssyncadd.s32 $0xFFFFFFB0  }
0x66: {  	_ =	swait.ge [sflag:s19], $0x50  }
0x67: {  	[sflag:s19] =	ssyncset.done $0x0  }
0x68: {  	[sflag:s19] =	ssyncadd.s32 $0xFFFFFFB0  }
0x69: {  	_ =	swait.ge [sflag:s19], $0x50  }
0x6a: {  	[sflag:s19] =	ssyncset.done $0x0  }
0x6b: {  	[sflag:s19] =	ssyncadd.s32 $0xFFFFFFB0  }
0x6c: {  	_ =	swait.ge [sflag:s19], $0x50  }
0x6d: {  	[sflag:s19] =	ssyncset.done $0x0  }
0x6e: {  	[sflag:s19] =	ssyncadd.s32 $0xFFFFFFB0  }
0x6f: {  	_ =	swait.ge [sflag:s19], $0x50  }
0x70: {  	[sflag:s19] =	ssyncset.done $0x0  }
0x71: {  	[sflag:s19] =	ssyncadd.s32 $0xFFFFFFB0  }
0x72: {  	_ =	swait.ge [sflag:s19], $0x50  }
0x73: {  	[sflag:s19] =	ssyncset.done $0x0  }
0x74: {  	[sflag:s19] =	ssyncadd.s32 $0xFFFFFFB0  }
0x75: {  	_ =	swait.ge [sflag:s19], $0x50  }
0x76: {  	p0 =	por $0x1, $0x1;
	[sflag:s19] =	ssyncset.done $0x0  }
0x77: {  	s29 =	simm.s32 @p0 $0x800;
	s26 =	simm.s32 @p0 $0x50;
	[sflag:s19] =	ssyncadd.s32 $0xFFFFFFB0  }
0x78: {  	[tilespmem:s29], [sflag:$0x2] =	stream.indirect.gather @p0 [hbm4b:s4+s26], $0x80, s6, s26, $0xb8;
	[tilespmem:$0x1E800] =	vst v63  }
0x79: {  	s29 =	simm.s32 @p0 $0x3000  }
0x7a: {  	[tilespmem:s29], [sflag:$0x2] =	stream.indirect.gather @p0 [hbm4b:s4+s26], $0x80, s7, s26, $0xb8;
	[tilespmem:$0x1E800] =	vst v63  }
0x7b: {  	s30 =	simm.s32 @!p0 $0x3;
	s29 =	simm.s32 @p0 $0x5800  }
0x7c: {  	[tilespmem:s29], [sflag:$0x2] =	stream.indirect.gather @p0 [hbm4b:s4+s26], $0x80, s9, s26, $0xb8;
	[tilespmem:$0x1E800] =	vst v63  }
0x7d: {  	_ =	swait.ge @!p0 [sflag:s30], $0x2800  }
0x7e: {  	[sflag:s30] =	ssyncset.done @!p0 $0x0  }
0x7f: {  	s26 =	simm.s32 @!p0 $0x50;
	s29 =	simm.s32 @!p0 $0x800;
	[sflag:s30] =	ssyncadd.s32 @!p0 $0xFFFFD800  }
0x80: {  	[tilespmem:s29], [sflag:$0x2] =	stream.indirect.gather @!p0 [hbm4b:s4+s26], $0x80, s6, s26, $0xb8;
	[tilespmem:$0x1E800] =	vst v63  }
0x81: {  	_ =	swait.ge @!p0 [sflag:s30], $0x2800  }
0x82: {  	[sflag:s30] =	ssyncset.done @!p0 $0x0  }
0x83: {  	s6 =	simm.s32 @!p0 $0x3000;
	[sflag:s30] =	ssyncadd.s32 @!p0 $0xFFFFD800  }
0x84: {  	[tilespmem:s6], [sflag:$0x2] =	stream.indirect.gather @!p0 [hbm4b:s4+s26], $0x80, s7, s26, $0xb8;
	[tilespmem:$0x1E800] =	vst v63  }
0x85: {  	_ =	swait.ge @!p0 [sflag:s30], $0x2800  }
0x86: {  	[sflag:s30] =	ssyncset.done @!p0 $0x0  }
0x87: {  	s6 =	simm.s32 @!p0 $0x5800;
	[sflag:s30] =	ssyncadd.s32 @!p0 $0xFFFFD800  }
0x88: {  	[tilespmem:s6], [sflag:$0x2] =	stream.indirect.gather @!p0 [hbm4b:s4+s26], $0x80, s9, s26, $0xb8;
	[tilespmem:$0x1E800] =	vst v63  }
0x89: {  	_ =	swait.ge @!p0 [sflag:s30], $0x2800  }
0x8a: {  	[sflag:s30] =	ssyncset.done @!p0 $0x0  }
0x8b: {  	[sflag:s30] =	ssyncadd.s32 @!p0 $0xFFFFD800  }
0x8c: {  	[tilespmem:s21], [sflag:$0x2] =	stream.indirect.gather [hbm4b:s4+s20], $0x80, s11, s20, $0xb8;
	[tilespmem:$0x1E800] =	vst v63  }
0x8d: {  	_ =	swait.ge [sflag:s22], $0x2800  }
0x8e: {  	[sflag:s22] =	ssyncset.done $0x0  }
0x8f: {  	[sflag:s22] =	ssyncadd.s32 $0xFFFFD800  }
0x90: {  	[spmem:s2] =	stream.indirect.scatter.add.f32 [tilespmem:s17], [sflag:$0x3], $0x80, s0, s20, $0xb8;
	[tilespmem:$0x1E800] =	vst v63  }
0x91: {  	_ =	swait.ge [sflag:s22], $0x2800  }
0x92: {  	[sflag:s22] =	ssyncset.done $0x0  }
0x93: {  	s26 =	rddreg [dreg:$0xc];
	[sflag:s22] =	ssyncadd.s32 $0xFFFFD800  }
0x94: {  	[spmem:s2] =	stream.indirect.scatter.add.f32 [tilespmem:s26], [sflag:$0x3], $0x80, s31, s20, $0xb8;
	[tilespmem:$0x1E800] =	vst v63  }
0x95: {  	_ =	swait.ge [sflag:s22], $0x2800  }
0x96: {  	[sflag:s22] =	ssyncset.done $0x0  }
0x97: {  	s31 =	rddreg [dreg:$0xd];
	[sflag:s22] =	ssyncadd.s32 $0xFFFFD800  }
0x98: {  	[spmem:s2] =	stream.indirect.scatter.add.f32 [tilespmem:s31], [sflag:$0x3], $0x80, s5, s20, $0xb8;
	[tilespmem:$0x1E800] =	vst v63  }
0x99: {  	s29 =	simm.s32 $0x50;
	_ =	swait.ge [sflag:s22], $0x2800  }
0x9a: {  	s30 =	simm.s32 $0x200;
	s0 =	rddreg [dreg:$0xb];
	[sflag:s22] =	ssyncset.done $0x0  }
0x9b: {  	s26 =	simm.s32 $0x28;
	s1 =	rddreg [dreg:$0xa];
	[sflag:s22] =	ssyncadd.s32 $0xFFFFD800  }
.LBB2_4:
0x9c: {  	[spmem:s2] =	stream.indirect.scatter.add.f32 [tilespmem:s21], [sflag:$0x3], $0x80, s28, s20, $0xb8;
	[tilespmem:$0x1E800] =	vst v63  }
0x9d: {  	s5 =	sand.u32 $0x200, s30;
	s0 =	sadd.s32 s26, s0  }
0x9e: {  	[tilespmem:s5], [sflag:$0x1] =	stream.linear.gather [hbm4b:s0+s3], $0x50, $0x38;
	[tilespmem:$0x1E800] =	vst v63  }
0x9f: {  	s7 =	rddreg [dreg:$0x9];
	s11 =	sadd.s32 s26, s1;
	s31 =	sor.u32 $0x400, s5  }
0xa0: {  	[tilespmem:s31], [sflag:$0x1] =	stream.linear.gather [hbm4b:s11+s3], $0x50, $0x38;
	[tilespmem:$0x1E800] =	vst v63  }
0xa1: {  	s12 =	rddreg [dreg:$0x8];
	s6 =	sor.u32 $0x80, s5;
	s7 =	sadd.s32 s26, s7  }
0xa2: {  	[tilespmem:s6], [sflag:$0x1] =	stream.linear.gather [hbm4b:s7+s3], $0x50, $0x38;
	[tilespmem:$0x1E800] =	vst v63  }
0xa3: {  	s9 =	rddreg [dreg:$0x7];
	s1 =	sadd.s32 s26, s12;
	s0 =	sor.u32 $0x480, s5  }
0xa4: {  	[tilespmem:s0], [sflag:$0x1] =	stream.linear.gather [hbm4b:s1+s3], $0x50, $0x38;
	[tilespmem:$0x1E800] =	vst v63  }
0xa5: {  	s28 =	rddreg [dreg:$0x6];
	s9 =	sadd.s32 s26, s9;
	s7 =	sor.u32 $0x100, s5  }
0xa6: {  	[tilespmem:s7], [sflag:$0x1] =	stream.linear.gather [hbm4b:s9+s3], $0x50, $0x38;
	[tilespmem:$0x1E800] =	vst v63  }
0xa7: {  	s11 =	rddreg [dreg:$0x5];
	s1 =	sor.u32 $0x500, s5;
	s9 =	sadd.s32 s26, s28  }
0xa8: {  	[tilespmem:s1], [sflag:$0x1] =	stream.linear.gather [hbm4b:s9+s3], $0x50, $0x38;
	[tilespmem:$0x1E800] =	vst v63  }
0xa9: {  	s12 =	rddreg [dreg:$0x4];
	s11 =	sadd.s32 s26, s11;
	s9 =	sor.u32 $0x180, s5  }
0xaa: {  	[tilespmem:s9], [sflag:$0x1] =	stream.linear.gather [hbm4b:s11+s3], $0x50, $0x38;
	[tilespmem:$0x1E800] =	vst v63  }
0xab: {  	s12 =	sadd.s32 s26, s12;
	s28 =	sor.u32 $0x580, s5  }
0xac: {  	[tilespmem:s28], [sflag:$0x1] =	stream.linear.gather [hbm4b:s12+s3], $0x50, $0x38;
	[tilespmem:$0x1E800] =	vst v63  }
0xad: {  	_ =	swait.ge [sflag:s19], $0x50  }
0xae: {  	[sflag:s19] =	ssyncset.done $0x0  }
0xaf: {  	[sflag:s19] =	ssyncadd.s32 $0xFFFFFFB0  }
0xb0: {  	_ =	swait.ge [sflag:s19], $0x50  }
0xb1: {  	[sflag:s19] =	ssyncset.done $0x0  }
0xb2: {  	[sflag:s19] =	ssyncadd.s32 $0xFFFFFFB0  }
0xb3: {  	_ =	swait.ge [sflag:s19], $0x50  }
0xb4: {  	[sflag:s19] =	ssyncset.done $0x0  }
0xb5: {  	[sflag:s19] =	ssyncadd.s32 $0xFFFFFFB0  }
0xb6: {  	_ =	swait.ge [sflag:s19], $0x50  }
0xb7: {  	[sflag:s19] =	ssyncset.done $0x0  }
0xb8: {  	[sflag:s19] =	ssyncadd.s32 $0xFFFFFFB0  }
0xb9: {  	_ =	swait.ge [sflag:s19], $0x50  }
0xba: {  	[sflag:s19] =	ssyncset.done $0x0  }
0xbb: {  	[sflag:s19] =	ssyncadd.s32 $0xFFFFFFB0  }
0xbc: {  	_ =	swait.ge [sflag:s19], $0x50  }
0xbd: {  	[sflag:s19] =	ssyncset.done $0x0  }
0xbe: {  	[sflag:s19] =	ssyncadd.s32 $0xFFFFFFB0  }
0xbf: {  	_ =	swait.ge [sflag:s19], $0x50  }
0xc0: {  	[sflag:s19] =	ssyncset.done $0x0  }
0xc1: {  	[sflag:s19] =	ssyncadd.s32 $0xFFFFFFB0  }
0xc2: {  	s10 =	smov.u32 s29;
	_ =	swait.ge [sflag:s19], $0x50  }
0xc3: {  	p1 =	seq.s32 s26, $0x0;
	s26 =	smov.u32 s10;
	[sflag:s19] =	ssyncset.done $0x0  }
0xc4: {  	s10 =	simm.s32 @p1 $0x50;
	s11 =	simm.s32 @p1 $0x800;
	[sflag:s19] =	ssyncadd.s32 $0xFFFFFFB0  }
0xc5: {  	[tilespmem:s11], [sflag:$0x2] =	stream.indirect.gather @p1 [hbm4b:s4+s10], $0x80, s5, s10, $0xb8;
	[tilespmem:$0x1E800] =	vst v63  }
0xc6: {  	s11 =	simm.s32 @p1 $0x3000  }
0xc7: {  	[tilespmem:s11], [sflag:$0x2] =	stream.indirect.gather @p1 [hbm4b:s4+s10], $0x80, s6, s10, $0xb8;
	[tilespmem:$0x1E800] =	vst v63  }
0xc8: {  	s12 =	simm.s32 @!p1 $0x3;
	s11 =	simm.s32 @p1 $0x5800  }
0xc9: {  	[tilespmem:s11], [sflag:$0x2] =	stream.indirect.gather @p1 [hbm4b:s4+s10], $0x80, s7, s10, $0xb8;
	[tilespmem:$0x1E800] =	vst v63  }
0xca: {  	_ =	swait.ge @!p1 [sflag:s12], $0x2800  }
0xcb: {  	[sflag:s12] =	ssyncset.done @!p1 $0x0  }
0xcc: {  	s10 =	simm.s32 @!p1 $0x50;
	s11 =	simm.s32 @!p1 $0x800;
	[sflag:s12] =	ssyncadd.s32 @!p1 $0xFFFFD800  }
0xcd: {  	[tilespmem:s11], [sflag:$0x2] =	stream.indirect.gather @!p1 [hbm4b:s4+s10], $0x80, s5, s10, $0xb8;
	[tilespmem:$0x1E800] =	vst v63  }
0xce: {  	_ =	swait.ge @!p1 [sflag:s12], $0x2800  }
0xcf: {  	[sflag:s12] =	ssyncset.done @!p1 $0x0  }
0xd0: {  	s5 =	simm.s32 @!p1 $0x3000;
	[sflag:s12] =	ssyncadd.s32 @!p1 $0xFFFFD800  }
0xd1: {  	[tilespmem:s5], [sflag:$0x2] =	stream.indirect.gather @!p1 [hbm4b:s4+s10], $0x80, s6, s10, $0xb8;
	[tilespmem:$0x1E800] =	vst v63  }
0xd2: {  	_ =	swait.ge @!p1 [sflag:s12], $0x2800  }
0xd3: {  	[sflag:s12] =	ssyncset.done @!p1 $0x0  }
0xd4: {  	s5 =	simm.s32 @!p1 $0x5800;
	[sflag:s12] =	ssyncadd.s32 @!p1 $0xFFFFD800  }
0xd5: {  	[tilespmem:s5], [sflag:$0x2] =	stream.indirect.gather @!p1 [hbm4b:s4+s10], $0x80, s7, s10, $0xb8;
	[tilespmem:$0x1E800] =	vst v63  }
0xd6: {  	_ =	swait.ge @!p1 [sflag:s12], $0x2800  }
0xd7: {  	[sflag:s12] =	ssyncset.done @!p1 $0x0  }
0xd8: {  	[sflag:s12] =	ssyncadd.s32 @!p1 $0xFFFFD800  }
0xd9: {  	[tilespmem:s21], [sflag:$0x2] =	stream.indirect.gather [hbm4b:s4+s20], $0x80, s9, s20, $0xb8;
	[tilespmem:$0x1E800] =	vst v63  }
0xda: {  	_ =	swait.ge [sflag:s22], $0x2800  }
0xdb: {  	[sflag:s22] =	ssyncset.done $0x0  }
0xdc: {  	[sflag:s22] =	ssyncadd.s32 $0xFFFFD800  }
0xdd: {  	[spmem:s2] =	stream.indirect.scatter.add.f32 [tilespmem:s17], [sflag:$0x3], $0x80, s31, s20, $0xb8;
	[tilespmem:$0x1E800] =	vst v63  }
0xde: {  	_ =	swait.ge [sflag:s22], $0x2800  }
0xdf: {  	[sflag:s22] =	ssyncset.done $0x0  }
0xe0: {  	s12 =	rddreg [dreg:$0xc];
	[sflag:s22] =	ssyncadd.s32 $0xFFFFD800  }
0xe1: {  	[spmem:s2] =	stream.indirect.scatter.add.f32 [tilespmem:s12], [sflag:$0x3], $0x80, s0, s20, $0xb8;
	[tilespmem:$0x1E800] =	vst v63  }
0xe2: {  	s29 =	sadd.s32 $0x28, s29;
	_ =	swait.ge [sflag:s22], $0x2800  }
0xe3: {  	p0 =	sne.s32 s29, $0x4D8;
	[sflag:s22] =	ssyncset.done $0x0  }
.Ltmp1:
0xe4: {  	s31 =	rddreg [dreg:$0xd];
	[sflag:s22] =	ssyncadd.s32 $0xFFFFD800;
	(pc) =	sbr.rel @p0 .LBB2_4-.Ltmp1, $4  }
0xe5: {  	[spmem:s2] =	stream.indirect.scatter.add.f32 [tilespmem:s31], [sflag:$0x3], $0x80, s1, s20, $0xb8;
	[tilespmem:$0x1E800] =	vst v63  }
0xe6: {  	_ =	swait.ge [sflag:s22], $0x2800  }
0xe7: {  	s0 =	rddreg [dreg:$0xb];
	[sflag:s22] =	ssyncset.done $0x0  }
0xe8: {  	s30 =	sadd.s32 $0x200, s30;
	s1 =	rddreg [dreg:$0xa];
	[sflag:s22] =	ssyncadd.s32 $0xFFFFD800  }
0xe9: {  	[spmem:s2] =	stream.indirect.scatter.add.f32 [tilespmem:s21], [sflag:$0x3], $0x80, s28, s20, $0xb8;
	[tilespmem:$0x1E800] =	vst v63  }
0xea: {  	s7 =	sand.u32 $0x200, s30;
	s0 =	sadd.s32 s26, s0  }
0xeb: {  	[tilespmem:s7], [sflag:$0x1] =	stream.linear.gather [hbm4b:s0+s3], $0x50, $0x38;
	[tilespmem:$0x1E800] =	vst v63  }
0xec: {  	s5 =	rddreg [dreg:$0x9];
	s1 =	sadd.s32 s26, s1;
	s0 =	sor.u32 $0x400, s7  }
0xed: {  	[tilespmem:s0], [sflag:$0x1] =	stream.linear.gather [hbm4b:s1+s3], $0x50, $0x38;
	[tilespmem:$0x1E800] =	vst v63  }
0xee: {  	s6 =	rddreg [dreg:$0x8];
	s9 =	sor.u32 $0x80, s7;
	s11 =	sadd.s32 s26, s5  }
0xef: {  	[tilespmem:s9], [sflag:$0x1] =	stream.linear.gather [hbm4b:s11+s3], $0x50, $0x38;
	[tilespmem:$0x1E800] =	vst v63  }
0xf0: {  	s12 =	rddreg [dreg:$0x7];
	s6 =	sadd.s32 s26, s6;
	s1 =	sor.u32 $0x480, s7  }
0xf1: {  	[tilespmem:s1], [sflag:$0x1] =	stream.linear.gather [hbm4b:s6+s3], $0x50, $0x38;
	[tilespmem:$0x1E800] =	vst v63  }
0xf2: {  	s10 =	rddreg [dreg:$0x6];
	s5 =	sadd.s32 s26, s12;
	s11 =	sor.u32 $0x100, s7  }
0xf3: {  	[tilespmem:s11], [sflag:$0x1] =	stream.linear.gather [hbm4b:s5+s3], $0x50, $0x38;
	[tilespmem:$0x1E800] =	vst v63  }
0xf4: {  	s28 =	rddreg [dreg:$0x5];
	s29 =	sor.u32 $0x500, s7;
	s10 =	sadd.s32 s26, s10  }
0xf5: {  	[tilespmem:s29], [sflag:$0x1] =	stream.linear.gather [hbm4b:s10+s3], $0x50, $0x38;
	[tilespmem:$0x1E800] =	vst v63  }
0xf6: {  	s12 =	rddreg [dreg:$0x4];
	s30 =	sor.u32 $0x180, s7;
	s6 =	sadd.s32 s26, s28  }
0xf7: {  	[tilespmem:s30], [sflag:$0x1] =	stream.linear.gather [hbm4b:s6+s3], $0x50, $0x38;
	[tilespmem:$0x1E800] =	vst v63  }
0xf8: {  	s31 =	sor.u32 $0x580, s7;
	s12 =	sadd.s32 s26, s12  }
0xf9: {  	[tilespmem:s31], [sflag:$0x1] =	stream.linear.gather [hbm4b:s12+s3], $0x50, $0x38;
	[tilespmem:$0x1E800] =	vst v63  }
0xfa: {  	_ =	swait.ge [sflag:s19], $0x50  }
0xfb: {  	[sflag:s19] =	ssyncset.done $0x0  }
0xfc: {  	[sflag:s19] =	ssyncadd.s32 $0xFFFFFFB0  }
0xfd: {  	_ =	swait.ge [sflag:s19], $0x50  }
0xfe: {  	[sflag:s19] =	ssyncset.done $0x0  }
0xff: {  	[sflag:s19] =	ssyncadd.s32 $0xFFFFFFB0  }
0x100: {  	_ =	swait.ge [sflag:s19], $0x50  }
0x101: {  	[sflag:s19] =	ssyncset.done $0x0  }
0x102: {  	[sflag:s19] =	ssyncadd.s32 $0xFFFFFFB0  }
0x103: {  	_ =	swait.ge [sflag:s19], $0x50  }
0x104: {  	[sflag:s19] =	ssyncset.done $0x0  }
0x105: {  	[sflag:s19] =	ssyncadd.s32 $0xFFFFFFB0  }
0x106: {  	_ =	swait.ge [sflag:s19], $0x50  }
0x107: {  	[sflag:s19] =	ssyncset.done $0x0  }
0x108: {  	[sflag:s19] =	ssyncadd.s32 $0xFFFFFFB0  }
0x109: {  	_ =	swait.ge [sflag:s19], $0x50  }
0x10a: {  	[sflag:s19] =	ssyncset.done $0x0  }
0x10b: {  	[sflag:s19] =	ssyncadd.s32 $0xFFFFFFB0  }
0x10c: {  	_ =	swait.ge [sflag:s19], $0x50  }
0x10d: {  	[sflag:s19] =	ssyncset.done $0x0  }
0x10e: {  	[sflag:s19] =	ssyncadd.s32 $0xFFFFFFB0  }
0x10f: {  	_ =	swait.ge [sflag:s19], $0x50  }
0x110: {  	p0 =	seq.s32 s26, $0x0;
	[sflag:s19] =	ssyncset.done $0x0  }
0x111: {  	s26 =	simm.s32 @p0 $0x800;
	s12 =	simm.s32 @p0 $0x50;
	[sflag:s19] =	ssyncadd.s32 $0xFFFFFFB0  }
0x112: {  	[tilespmem:s26], [sflag:$0x2] =	stream.indirect.gather @p0 [hbm4b:s4+s12], $0x80, s7, s12, $0xb8;
	[tilespmem:$0x1E800] =	vst v63  }
0x113: {  	s26 =	simm.s32 @p0 $0x3000  }
0x114: {  	[tilespmem:s26], [sflag:$0x2] =	stream.indirect.gather @p0 [hbm4b:s4+s12], $0x80, s9, s12, $0xb8;
	[tilespmem:$0x1E800] =	vst v63  }
0x115: {  	s28 =	simm.s32 @!p0 $0x3;
	s26 =	simm.s32 @p0 $0x5800  }
0x116: {  	[tilespmem:s26], [sflag:$0x2] =	stream.indirect.gather @p0 [hbm4b:s4+s12], $0x80, s11, s12, $0xb8;
	[tilespmem:$0x1E800] =	vst v63  }
0x117: {  	_ =	swait.ge @!p0 [sflag:s28], $0x2800  }
0x118: {  	[sflag:s28] =	ssyncset.done @!p0 $0x0  }
0x119: {  	s12 =	simm.s32 @!p0 $0x50;
	s26 =	simm.s32 @!p0 $0x800;
	[sflag:s28] =	ssyncadd.s32 @!p0 $0xFFFFD800  }
0x11a: {  	[tilespmem:s26], [sflag:$0x2] =	stream.indirect.gather @!p0 [hbm4b:s4+s12], $0x80, s7, s12, $0xb8;
	[tilespmem:$0x1E800] =	vst v63  }
0x11b: {  	_ =	swait.ge @!p0 [sflag:s28], $0x2800  }
0x11c: {  	[sflag:s28] =	ssyncset.done @!p0 $0x0  }
0x11d: {  	s7 =	simm.s32 @!p0 $0x3000;
	[sflag:s28] =	ssyncadd.s32 @!p0 $0xFFFFD800  }
0x11e: {  	[tilespmem:s7], [sflag:$0x2] =	stream.indirect.gather @!p0 [hbm4b:s4+s12], $0x80, s9, s12, $0xb8;
	[tilespmem:$0x1E800] =	vst v63  }
0x11f: {  	_ =	swait.ge @!p0 [sflag:s28], $0x2800  }
0x120: {  	[sflag:s28] =	ssyncset.done @!p0 $0x0  }
0x121: {  	s7 =	simm.s32 @!p0 $0x5800;
	[sflag:s28] =	ssyncadd.s32 @!p0 $0xFFFFD800  }
0x122: {  	[tilespmem:s7], [sflag:$0x2] =	stream.indirect.gather @!p0 [hbm4b:s4+s12], $0x80, s11, s12, $0xb8;
	[tilespmem:$0x1E800] =	vst v63  }
0x123: {  	_ =	swait.ge @!p0 [sflag:s28], $0x2800  }
0x124: {  	[sflag:s28] =	ssyncset.done @!p0 $0x0  }
0x125: {  	[sflag:s28] =	ssyncadd.s32 @!p0 $0xFFFFD800  }
0x126: {  	[tilespmem:s21], [sflag:$0x2] =	stream.indirect.gather [hbm4b:s4+s20], $0x80, s30, s20, $0xb8;
	[tilespmem:$0x1E800] =	vst v63  }
0x127: {  	_ =	swait.ge [sflag:s22], $0x2800  }
0x128: {  	[sflag:s22] =	ssyncset.done $0x0  }
0x129: {  	[sflag:s22] =	ssyncadd.s32 $0xFFFFD800  }
0x12a: {  	[spmem:s2] =	stream.indirect.scatter.add.f32 [tilespmem:s17], [sflag:$0x3], $0x80, s0, s20, $0xb8;
	[tilespmem:$0x1E800] =	vst v63  }
0x12b: {  	_ =	swait.ge [sflag:s22], $0x2800  }
0x12c: {  	[sflag:s22] =	ssyncset.done $0x0  }
0x12d: {  	s10 =	rddreg [dreg:$0xc];
	[sflag:s22] =	ssyncadd.s32 $0xFFFFD800  }
0x12e: {  	[spmem:s2] =	stream.indirect.scatter.add.f32 [tilespmem:s10], [sflag:$0x3], $0x80, s1, s20, $0xb8;
	[tilespmem:$0x1E800] =	vst v63  }
0x12f: {  	_ =	swait.ge [sflag:s22], $0x2800  }
0x130: {  	[sflag:s22] =	ssyncset.done $0x0  }
0x131: {  	s11 =	rddreg [dreg:$0xd];
	[sflag:s22] =	ssyncadd.s32 $0xFFFFD800  }
0x132: {  	[spmem:s2] =	stream.indirect.scatter.add.f32 [tilespmem:s11], [sflag:$0x3], $0x80, s29, s20, $0xb8;
	[tilespmem:$0x1E800] =	vst v63  }
0x133: {  	_ =	swait.ge [sflag:s22], $0x2800  }
0x134: {  	[sflag:s22] =	ssyncset.done $0x0  }
0x135: {  	[sflag:s22] =	ssyncadd.s32 $0xFFFFD800  }
0x136: {  	[spmem:s2] =	stream.indirect.scatter.add.f32 [tilespmem:s21], [sflag:$0x3], $0x80, s31, s20, $0xb8;
	[tilespmem:$0x1E800] =	vst v63  }
0x137: {  	_ =	swait.ge [sflag:s23], $0x2800  }
0x138: {  	[sflag:s23] =	ssyncset.done $0x0  }
0x139: {  	[sflag:s23] =	ssyncadd.s32 $0xFFFFD800  }
0x13a: {  	_ =	swait.ge [sflag:s23], $0x2800  }
0x13b: {  	[sflag:s23] =	ssyncset.done $0x0  }
0x13c: {  	[sflag:s23] =	ssyncadd.s32 $0xFFFFD800  }
0x13d: {  	_ =	swait.ge [sflag:s23], $0x2800  }
0x13e: {  	[sflag:s23] =	ssyncset.done $0x0  }
0x13f: {  	[sflag:s23] =	ssyncadd.s32 $0xFFFFD800  }
0x140: {  	_ =	swait.ge [sflag:s23], $0x2800  }
0x141: {  	[sflag:s23] =	ssyncset.done $0x0  }
0x142: {  	s12 =	rddreg [dreg:$0xe];
	[sflag:s23] =	ssyncadd.s32 $0xFFFFD800  }
0x143: {  	[tilespmem:s3], [sflag:$0x4] =	stream.linear.gather [hbm4b:s12+s3], $0x50, $0x38;
	[tilespmem:$0x1E800] =	vst v63  }
0x144: {  	_ =	swait.ge [sflag:s18], $0x50  }
0x145: {  	[sflag:s18] =	ssyncset.done $0x0  }
0x146: {  	s26 =	rddreg [dreg:$0xf];
	[sflag:s18] =	ssyncadd.s32 $0xFFFFFFB0  }
0x147: {  	[tilespmem:s24], [sflag:$0x4] =	stream.linear.gather [hbm4b:s26+s3], $0x50, $0x38;
	[tilespmem:$0x1E800] =	vst v63  }
0x148: {  	_ =	swait.ge [sflag:s18], $0x50  }
0x149: {  	[sflag:s18] =	ssyncset.done $0x0  }
0x14a: {  	[sflag:s18] =	ssyncadd.s32 $0xFFFFFFB0  }
0x14b: {  	[tilespmem:s17], [sflag:$0x2] =	stream.indirect.gather [hbm4b:s4+s20], $0x80, s3, s20, $0xb8;
	[tilespmem:$0x1E800] =	vst v63  }
0x14c: {  	_ =	swait.ge [sflag:s22], $0x2800  }
0x14d: {  	[sflag:s22] =	ssyncset.done $0x0  }
0x14e: {  	[sflag:s22] =	ssyncadd.s32 $0xFFFFD800  }
0x14f: {  	[spmem:s2] =	stream.indirect.scatter.add.f32 [tilespmem:s17], [sflag:$0x3], $0x80, s24, s20, $0xb8;
	[tilespmem:$0x1E800] =	vst v63  }
0x150: {  	_ =	swait.ge [sflag:s23], $0x2800  }
0x151: {  	[sflag:s23] =	ssyncset.done $0x0  }
0x152: {  	s28 =	stileid.u32;
	[sflag:s23] =	ssyncadd.s32 $0xFFFFD800  }
0x153: {  	s0 =	sshll.u32 s28, $0x6;
	[bflag:$0x0] =	sbarrier.arrive $0xFFFF  }
0x154: {  	s0 =	sor.u32 $0x1C04, s0;
	s29 =	sshrl.u32 s8, $0x3;
	s30 =	rddreg [dreg:$0x10]  }
0x155: {  	[hbm:s30], [sflag:s0] =	dma.local [spmem:s29], $0x2800  }
0x156: {  	_ =	swait.ge [sflag:s18], $0x2800  }
0x157: {  	s25 =	sadd.s32 $0x1, s25;
	s31 =	rddreg [dreg:$0x11]  }
0x158: {  	p0 =	sne.s32 s25, s31  }
.Ltmp2:
0x159: {  	_ = 	snop;
	(pc) =	sbr.rel @p0 .LBB2_1-.Ltmp2, $3  }
0x15a: {  	_ =	sdelay $0x1  }
0x15b: {  	[sflag:s18] =	ssyncset.done $0x0  }
0x15c: {  	[sflag:s18] =	ssyncadd.s32 $0xFFFFD800  }
0x15d: {  	_ =	sfence.sel $0x180000  }
0x15e: {  	[bflag:$0x0] =	sbarrier.arrive $0xFFFF  }
0x15f: {  	_ =	strace $0x9000004A  }
0x160: {  	s0 =	stileid.u32;
	[bflag:$0x2] =	sbarrier.arrive $0xFFFF  }
0x161: {  	p0 =	sne.s32 s0, $0x0;
	s0 =	rddreg [dreg:$0x3]  }
0x162: {  	s0 =	sadd.s32 @!p0 $0x100000, s0  }
0x163: {  	[sflag:s0] =	ssyncadd.tile.s32 @!p0 $0x1;
	_ =	shalt  }
.Lfunc_end2:
_tile_overlayer_lowered:
.L_overlay_start_2:
0x164: {  	(tag) =	ssettag $0x2  }
0x165: {  	s0 =	rddreg [dreg:$0x0];
	s2 =	stileid.u32  }
0x166: {  	s1 =	rddreg [dreg:$0x1];
	p0 =	sne.s32 s2, $0x0  }
0x167: {  	s3 =	rddreg [dreg:$0x2];
	[bflag:$0x3] =	sbarrier.arrive $0xFFFF;
	s2 =	simm.s32 @!p0 $0x1C04  }
0x168: {  	[timem:s3], [sflag:s2] =	dma.local @!p0 [hbm:s0], s1  }
0x169: {  	s0 =	simm.s32 @!p0 $0x4  }
0x16a: {  	_ =	swait.ge @!p0 [sflag:s0], s1  }
0x16b: {  	s1 =	ssub.s32 @!p0 $0x0, s1;
	[sflag:s0] =	ssyncset.done @!p0 $0x0  }
0x16c: {  	[sflag:s0] =	ssyncadd.s32 @!p0 s1  }
0x16d: {  	[bflag:$0x3] =	sbarrier.arrive $0xFFFF  }
0x16e: {  	_ =	shalt  }

// kernel: kernel.14.cloned.1.call-start
scs
__scs_entry_jumppad:
0x0: {  	(pc) =	sbr.rel $0x88, $3  }
0x1: {  	(tag) =	ssettag $0x0;
	lr =	simm.s32 $0x1  }
0x2: {  	[smem:$0x3F9B] =	sst lr;
	_ =	strace $0xD0000000  }
0x3: {  	_ = 	snop  }
0x4: {  	_ = 	snop  }
0x5: {  	_ = 	snop  }
0x6: {  	_ = 	snop  }
0x7: {  	_ = 	snop  }
__scs_overlays_trampoline_lowered:
0x8: {  	[smem:$0x3FAA] =	sst s0  }
0x9: {  	[smem:$0x3FAB] =	sst s1  }
0xa: {  	[smem:$0x3FAC] =	sst s2  }
0xb: {  	[smem:$0x3FAD] =	sst s3  }
0xc: {  	[smem:$0x3FAE] =	sst s4  }
0xd: {  	[smem:$0x3FAF] =	sst s5  }
0xe: {  	[smem:$0x3FB0] =	sst s6  }
0xf: {  	[smem:$0x3FB1] =	sst s7  }
0x10: {  	[smem:$0x3FB2] =	sst s8  }
0x11: {  	[smem:$0x3FB3] =	sst s9;
	s0 =	simm.s32 @!p0 $0x0  }
0x12: {  	s1 =	sld [smem:$0x3F99];
	s0 =	simm.s32 @p0 $0x1  }
0x13: {  	[smem:$0x3FB4] =	sst s0;
	s0 =	simm.s32 @!p1 $0x0  }
0x14: {  	s2 =	sld [smem:$0x3F98];
	s0 =	simm.s32 @p1 $0x1  }
0x15: {  	[smem:$0x3FB5] =	sst s0;
	s0 =	simm.s32 @!p2 $0x0  }
0x16: {  	s3 =	sld [smem:$0x3FDB];
	s0 =	simm.s32 @p2 $0x1  }
0x17: {  	s4 =	simm.s32 $0x1BF5;
	[smem:$0x3FB7] =	sst s0  }
0x18: {  	s0 =	sld [smem:$0x3F9A];
	_ =	swait.ge [sflag:s4], $0x0  }
0x19: {  	s7 =	sld [smem:$0x3F9B]  }
0x1a: {  	s8 =	sadd.s32 $0xFFFFE003, lr  }
0x1b: {  	s9 =	sadd.s32 $0xFFFFFEF7, lr;
	s5 =	simm.s32 $0xFFFFFFFF;
	p2 =	slt.u32 s8, $0xFFFFF086  }
0x1c: {  	p1 =	slt.u32 s9, $0xF7A;
	s5 =	simm.s32 @!p2 $0x0  }
0x1d: {  	s5 =	simm.s32 @p1 $0x1;
	p0 =	seq.s32 s7, s2  }
0x1e: {  	s7 =	smul.u32 @!p0 $0xF7A, s2;
	p2 =	seq.s32 @!p0 s5, $0x0  }
0x1f: {  	s9 =	smul.u32 $0xF7A, s1;
	s8 =	simm.s32 @!p0 $0x1BF5;
	p2 =	por !p2, p0  }
0x20: {  	[sflag:s8] =	ssyncset.s32 @!p0 $0xFFFFF086;
	s6 =	sadd.s32 @!p0 s3, s7;
	s7 =	simm.s32 @!p0 $0x108  }
0x21: {  	s3 =	sadd.s32 s3, s9;
	s6 =	sadd.s32 @!p0 $0x88, s6;
	s7 =	simm.s32 @p2 $0x1082  }
0x22: {  	[simem:s7], [sflag:s8] =	dma.local @!p0 [hbm:s6], $0xF7A  }
0x23: {  	s9 =	sor.u32 $0xD0000000, s2;
	s6 =	simm.s32 $0x108;
	_ =	swait.ge @!p0 [sflag:s8], $0x0  }
0x24: {  	s3 =	sadd.s32 $0x88, s3;
	s6 =	simm.s32 @!p1 $0x1082;
	[sflag:s4] =	ssyncset.s32 $0xFFFFF086  }
0x25: {  	[simem:s6], [sflag:s4] =	dma.local [hbm:s3], $0xF7A  }
0x26: {  	[smem:$0x3F9B] =	sst s1;
	(tag) =	ssettag s2;
	_ =	strace s9  }
0x27: {  	s1 =	sld [smem:$0x3FAB]  }
0x28: {  	s2 =	sld [smem:$0x3FAC]  }
0x29: {  	s4 =	sld [smem:$0x3FAE]  }
0x2a: {  	p0 =	seq.s32 s5, $0x0;
	s5 =	sld [smem:$0x3FAF]  }
0x2b: {  	s6 =	sld [smem:$0x3FB0]  }
0x2c: {  	s7 =	sld [smem:$0x3FB1]  }
0x2d: {  	s3 =	simm.s32 $0x108;
	s8 =	sld [smem:$0x3FB2]  }
0x2e: {  	s3 =	simm.s32 @!p0 $0x1082;
	s9 =	sld [smem:$0x3FB3]  }
0x2f: {  	lr =	sadd.s32 s0, s3;
	s0 =	sld [smem:$0x3FAA]  }
0x30: {  	s3 =	sld [smem:$0x3FAD]  }
0x31: {  	[smem:$0x3FB6] =	sst s10  }
0x32: {  	s10 =	sld [smem:$0x3FB4];
	_ =	sdelay $0x3  }
0x33: {  	p0 =	seq.s32 s10, $0x1;
	s10 =	sld [smem:$0x3FB6];
	_ =	sdelay $0x3  }
0x34: {  	[smem:$0x3FB6] =	sst s10  }
0x35: {  	s10 =	sld [smem:$0x3FB5];
	_ =	sdelay $0x3  }
0x36: {  	p1 =	seq.s32 s10, $0x1;
	s10 =	sld [smem:$0x3FB6];
	_ =	sdelay $0x3  }
0x37: {  	[smem:$0x3FB6] =	sst s10  }
0x38: {  	s10 =	sld [smem:$0x3FB7]  }
0x39: {  	_ = 	snop;
	(pc) =	sbr.ind lr, $3  }
0x3a: {  	_ = 	snop  }
0x3b: {  	_ = 	snop  }
0x3c: {  	p2 =	seq.s32 s10, $0x1;
	s10 =	sld [smem:$0x3FB6]  }
0x3d: {  	_ =	shalt  }
0x3e: {  	_ =	shalt  }
0x3f: {  	_ =	shalt  }
0x40: {  	_ =	shalt  }
0x41: {  	_ =	shalt  }
0x42: {  	_ =	shalt  }
0x43: {  	_ =	shalt  }
0x44: {  	_ =	shalt  }
0x45: {  	_ =	shalt  }
0x46: {  	_ =	shalt  }
0x47: {  	_ =	shalt  }
0x48: {  	_ =	shalt  }
0x49: {  	_ =	shalt  }
0x4a: {  	_ =	shalt  }
0x4b: {  	_ =	shalt  }
0x4c: {  	_ =	shalt  }
0x4d: {  	_ =	shalt  }
0x4e: {  	_ =	shalt  }
0x4f: {  	_ =	shalt  }
0x50: {  	_ =	shalt  }
0x51: {  	_ =	shalt  }
0x52: {  	_ =	shalt  }
0x53: {  	_ =	shalt  }
0x54: {  	_ =	shalt  }
0x55: {  	_ =	shalt  }
0x56: {  	_ =	shalt  }
0x57: {  	_ =	shalt  }
0x58: {  	_ =	shalt  }
0x59: {  	_ =	shalt  }
0x5a: {  	_ =	shalt  }
0x5b: {  	_ =	shalt  }
0x5c: {  	_ =	shalt  }
0x5d: {  	_ =	shalt  }
0x5e: {  	_ =	shalt  }
0x5f: {  	_ =	shalt  }
0x60: {  	_ =	shalt  }
0x61: {  	_ =	shalt  }
0x62: {  	_ =	shalt  }
0x63: {  	_ =	shalt  }
0x64: {  	_ =	shalt  }
0x65: {  	_ =	shalt  }
0x66: {  	_ =	shalt  }
0x67: {  	_ =	shalt  }
0x68: {  	_ =	shalt  }
0x69: {  	_ =	shalt  }
0x6a: {  	_ =	shalt  }
0x6b: {  	_ =	shalt  }
0x6c: {  	_ =	shalt  }
0x6d: {  	_ =	shalt  }
0x6e: {  	_ =	shalt  }
0x6f: {  	_ =	shalt  }
0x70: {  	_ =	shalt  }
0x71: {  	_ =	shalt  }
0x72: {  	_ =	shalt  }
0x73: {  	_ =	shalt  }
0x74: {  	_ =	shalt  }
0x75: {  	_ =	shalt  }
0x76: {  	_ =	shalt  }
0x77: {  	_ =	shalt  }
0x78: {  	_ =	shalt  }
0x79: {  	_ =	shalt  }
0x7a: {  	_ =	shalt  }
0x7b: {  	_ =	shalt  }
0x7c: {  	_ =	shalt  }
0x7d: {  	_ =	shalt  }
0x7e: {  	_ =	shalt  }
0x7f: {  	_ =	shalt  }
0x80: {  	_ =	shalt  }
0x81: {  	_ =	shalt  }
0x82: {  	_ =	shalt  }
0x83: {  	_ =	shalt  }
0x84: {  	_ =	shalt  }
0x85: {  	_ =	shalt  }
0x86: {  	_ =	shalt  }
0x87: {  	_ =	shalt  }
.Lfunc_end0:
.L_simem_size_0:
called_computation.2_lowered:
.L_overlay_start_0:
0x88: {  	s2 =	sld [smem:$0x3FD9]  }
0x89: {  	s3 =	sld [smem:$0x3FFE];
	_ =	sdelay $0x1  }
0x8a: {  	s1 =	srdreg.scid  }
0x8b: {  	s0 =	sand.u32 $0x1, s1  }
0x8c: {  	s17 =	sshll.u32 s0, $0xA;
	s2 =	sadd.s32 s3, s2  }
0x8d: {  	s2 =	sadd.s32 s2, s17  }
0x8e: {  	[smem:$0x3FC2] =	sst s2  }
0x8f: {  	_ = 	snop  }
0x90: {  	s2 =	sld [smem:$0x3FD0];
	(tm) =	ssettm $0x1  }
0x91: {  	s18 =	sld [smem:$0x3FFB];
	_ =	sdelay $0x3  }
0x92: {  	_ =	strace s18  }
0x93: {  	s3 =	sld [smem:$0x3FFC];
	_ =	sdelay $0x3  }
0x94: {  	_ =	strace s3  }
0x95: {  	s3 =	sld [smem:$0x3FFD];
	_ =	sdelay $0x3  }
0x96: {  	_ =	strace s3  }
0x97: {  	_ =	strace $0x8FFFFFFF  }
0x98: {  	s19 =	sld [smem:$0x3FDB];
	_ =	sdelay $0x1  }
0x99: {  	s4 =	simm.s32 $_scs_section_size  }
0x9a: {  	s5 =	simm.s32 $_size__tile_overlayer_lowered;
	s6 =	simm.s32 $_tile_overlayer_lowered  }
0x9b: {  	s22 =	simm.s32 $0x1BFF;
	s21 =	sshll.u32 s6, $0x1;
	s3 =	sadd.s32 s4, s19  }
0x9c: {  	s7 =	simm.s32 $0x0;
	s20 =	sshll.u32 s5, $0x1;
	s5 =	sadd.s32 s21, s3  }
0x9d: {  	[timem:s7], [sflag:s22] =	dma.local [hbm:s5], s20  }
0x9e: {  	_ =	swait.ge [sflag:s22], s20  }
0x9f: {  	s4 =	ssub.s32 $0x0, s20;
	[sflag:s22] =	ssyncset.done $0x0  }
0xa0: {  	[sflag:s22] =	ssyncadd.s32 s4;
	_ =	sdelay $0x1  }
0xa1: {  	s23 =	simm.s32 $0x1B8B  }
0xa2: {  	_ =	swait.ge [sflag:s23], $0x1  }
0xa3: {  	[sflag:s23] =	ssyncset.done $0x0  }
0xa4: {  	s25 =	simm.s32 $0x1B8E;
	s24 =	sld [smem:$0x3FFE];
	[sflag:s23] =	ssyncadd.s32 $0xFFFFFFFF  }
0xa5: {  	s26 =	simm.s32 $execute0_lowered;
	[smem:$0x3FD2] =	sst s25  }
0xa6: {  	s5 =	sshll.u32 s26, $0x1;
	_ =	strace $0x8000004C;
	[dreg:$0x1] =	wrdreg $0xFFFFFFFF  }
0xa7: {  	s28 =	simm.s32 $_size_execute0_lowered;
	s3 =	sadd.s32 s3, s5;
	[dreg:$0x0] =	wrdreg $0x0  }
0xa8: {  	s5 =	sshll.u32 s28, $0x1;
	[dreg:$0x2] =	wrdreg s3  }
0xa9: {  	[dreg:$0x3] =	wrdreg s5  }
0xaa: {  	[dreg:$0x4] =	wrdreg $0xC0  }
0xab: {  	_ =	task [dreg:s7], $0x5FFFF  }
0xac: {  	[dreg:$0x1] =	wrdreg $0xFFFFFFFF  }
0xad: {  	[dreg:$0x0] =	wrdreg $0x60  }
0xae: {  	[dreg:$0x2] =	wrdreg s24  }
0xaf: {  	[dreg:$0x3] =	wrdreg s2  }
0xb0: {  	[dreg:$0x4] =	wrdreg $0xA8000  }
0xb1: {  	[dreg:$0x5] =	wrdreg $0x9  }
0xb2: {  	_ =	task.clear_ibuf [dreg:s7], $0x6FFFF;
	_ =	strace $0x9000004C  }
0xb3: {  	s29 =	simm.s32 $0x9;
	_ =	strace $0x8000004E  }
0xb4: {  	_ =	swait.ge [sflag:s29], $0x1  }
0xb5: {  	[sflag:s29] =	ssyncadd.s32 $0xFFFFFFFF  }
0xb6: {  	_ =	strace $0x9000004E  }
0xb7: {  	_ =	sfence  }
0xb8: {  	s30 =	sld [smem:$0x0];
	_ =	sdelay $0x2  }
0xb9: {  	s31 =	sshll.u32 s1, $0xD;
	s1 =	sshrl.u32 s1, $0x2  }
0xba: {  	s3 =	sand.u32 $0x4000, s31;
	s1 =	sadd.s32 s1, s30  }
0xbb: {  	s0 =	sor.u32 s3, s0;
	s1 =	sshll.u32 s1, $0x11  }
0xbc: {  	s0 =	sor.u32 s1, s0  }
0xbd: {  	s0 =	sadd.s32 $0x8F2B, s0  }
0xbe: {  	[sflag:s0] =	ssyncadd.remote.s32 $0x1  }
0xbf: {  	_ =	sfence.sel $0xFFFF  }
0xc0: {  	[dreg:$0x0] =	wrdreg $0xFFFFFFFF;
	(pc) =	sbr.abs _section_cstart, $3  }
0xc1: {  	[dreg:$0x1] =	wrdreg $0xFFFFFFFF  }
0xc2: {  	_ =	task.clear_ibuf [dreg:s7], $0x2FFFF;
	_ =	strace $0x9FFFFFFF  }
0xc3: {  	(tm) =	ssettm $0x7FFFFFFF  }
tec
execute0_lowered:
.L_overlay_start_1:
0x0: {  	(tag) =	ssettag $0x1  }
0x1: {  	s0 =	rddreg [dreg:$0x0]  }
0x2: {  	s1 =	rddreg [dreg:$0x1];
	s11 =	stileid.u32  }
0x3: {  	s3 =	srdreg.scid;
	s7 =	smul.u32 $0x14000, s11  }
0x4: {  	s2 =	rddreg [dreg:$0x2];
	s5 =	sand.u32 $0x1, s3;
	s9 =	smul.u32 $0x2710, s11  }
0x5: {  	s3 =	simm.s32 $0x0;
	s4 =	sadd.s32 $0xBC00, s0;
	s11 =	smul.u32 $0x50000, s11  }
0x6: {  	s10 =	sadd.s32 $0x1E00, s0;
	s6 =	smul.u32 $0x140000, s5;
	[smem:$0x7FF] =	sst s3  }
0x7: {  	s8 =	smul.u32 $0x27100, s5;
	s5 =	ssub.s32 $0x2, s5;
	_ =	strace $0x8000004D  }
0x8: {  	s30 =	sshrl.u32 s5, $0x1;
	s13 =	sshrl.u32 s11, $0x2;
	s6 =	sadd.s32 s7, s6  }
0x9: {  	s29 =	sadd.s32 s9, s8;
	s5 =	ssub.s32 s5, s30;
	s8 =	sadd.s32 s13, s2  }
0xa: {  	s30 =	simm.s32 $0x3000;
	s6 =	sshrl.u32 s6, $0x3;
	s9 =	sshrl.u32 s29, $0x3  }
0xb: {  	s14 =	sadd.s32 $0xF0, s29;
	s5 =	smax.u32 s5, $0x1;
	s15 =	sadd.s32 $0x2800, s8  }
0xc: {  	s16 =	sadd.s32 $0x5000, s8;
	s18 =	sadd.s32 $0xA0, s29;
	[dreg:$0xc] =	wrdreg s30  }
0xd: {  	s21 =	sadd.s32 $0x50, s29;
	s24 =	sadd.s32 $0x7800, s8;
	[dreg:$0x11] =	wrdreg s5  }
0xe: {  	s13 =	sadd.s32 $0xA000, s8;
	s0 =	sadd.s32 s6, s0;
	[dreg:$0x12] =	wrdreg s15  }
0xf: {  	s31 =	sadd.s32 $0x4D8, s9;
	[dreg:$0x13] =	wrdreg s16;
	s19 =	sshrl.u32 s18, $0x3  }
0x10: {  	s23 =	sshrl.u32 s21, $0x3;
	[dreg:$0x14] =	wrdreg s24;
	s28 =	sadd.s32 s9, s1  }
0x11: {  	s15 =	sadd.s32 $0xF000, s8;
	s29 =	sadd.s32 s9, s10;
	[dreg:$0xa] =	wrdreg s28  }
0x12: {  	s16 =	sadd.s32 $0x11800, s8;
	s12 =	sadd.s32 s10, s31;
	[dreg:$0xb] =	wrdreg s29  }
0x13: {  	s18 =	simm.s32 $0x4;
	s6 =	sadd.s32 s1, s31;
	[dreg:$0xe] =	wrdreg s12  }
0x14: {  	s21 =	simm.s32 $0x8000;
	s0 =	sadd.s32 $0x33C00, s0;
	[dreg:$0xf] =	wrdreg s6  }
0x15: {  	s24 =	simm.s32 $0x400;
	s20 =	sadd.s32 s19, s1;
	[dreg:$0x10] =	wrdreg s0  }
0x16: {  	s22 =	sadd.s32 s19, s10;
	s25 =	sadd.s32 s23, s1;
	[dreg:$0x6] =	wrdreg s20  }
0x17: {  	s26 =	sadd.s32 s23, s10;
	s19 =	simm.s32 $0x1;
	[dreg:$0x7] =	wrdreg s22  }
0x18: {  	s31 =	simm.s32 $0x5800;
	s23 =	simm.s32 $0x3;
	[dreg:$0x8] =	wrdreg s25  }
0x19: {  	s0 =	sshrl.u32 s14, $0x3;
	s14 =	sadd.s32 $0xC800, s8;
	[dreg:$0x9] =	wrdreg s26  }
0x1a: {  	s20 =	simm.s32 $0x50;
	[dreg:$0xd] =	wrdreg s31;
	s17 =	sadd.s32 s0, s1  }
0x1b: {  	s22 =	simm.s32 $0x2;
	s0 =	sadd.s32 s0, s10;
	[dreg:$0x4] =	wrdreg s17  }
0x1c: {  	v0 =	vimm.f32 $0.0e+00;
	s25 =	simm.s32 $0x0;
	[dreg:$0x5] =	wrdreg s0;
	s17 =	simm.s32 $0x800  }
.LBB2_1:
0x1d: {  	s0 =	simm.s32 $0x0;
	s1 =	simm.s32 $0x200  }
.LBB2_2:
0x1e: {  	p0 =	sne.s32 s1, $0x9E00;
	[tilespmem:s0+$0x870] =	vst v0  }
0x1f: {  	[tilespmem:s0+$0x800] =	vst v0  }
0x20: {  	[tilespmem:s0+$0x810] =	vst v0  }
.Ltmp0:
0x21: {  	[tilespmem:s0+$0x820] =	vst v0;
	(pc) =	sbr.rel @p0 .LBB2_2-.Ltmp0, $4  }
0x22: {  	[tilespmem:s0+$0x830] =	vst v0  }
0x23: {  	[tilespmem:s0+$0x840] =	vst v0  }
0x24: {  	[tilespmem:s0+$0x850] =	vst v0  }
0x25: {  	[tilespmem:s0+$0x860] =	vst v0;
	s0 =	sshra.s32 s1, $0x2;
	s1 =	sadd.s32 $0x200, s1  }
0x26: {  	[tilespmem:s0+$0x870] =	vst v0  }
0x27: {  	[tilespmem:s0+$0x800] =	vst v0  }
0x28: {  	[tilespmem:s0+$0x810] =	vst v0  }
0x29: {  	[tilespmem:s0+$0x820] =	vst v0  }
0x2a: {  	[tilespmem:s0+$0x830] =	vst v0  }
0x2b: {  	[tilespmem:s0+$0x840] =	vst v0  }
0x2c: {  	[tilespmem:s0+$0x850] =	vst v0  }
0x2d: {  	[tilespmem:s0+$0x860] =	vst v0  }
0x2e: {  	[spmem:s8] =	stream.linear.scatter [tilespmem:s17], [sflag:$0x4], $0x2800, $0x38;
	[tilespmem:$0x1E800] =	vst v63  }
0x2f: {  	_ =	swait.ge [sflag:s18], $0x2800  }
0x30: {  	[sflag:s18] =	ssyncset.done $0x0  }
0x31: {  	s7 =	rddreg [dreg:$0x12];
	[sflag:s18] =	ssyncadd.s32 $0xFFFFD800  }
0x32: {  	[spmem:s7] =	stream.linear.scatter [tilespmem:s17], [sflag:$0x4], $0x2800, $0x38;
	[tilespmem:$0x1E800] =	vst v63  }
0x33: {  	_ =	swait.ge [sflag:s18], $0x2800  }
0x34: {  	[sflag:s18] =	ssyncset.done $0x0  }
0x35: {  	s9 =	rddreg [dreg:$0x13];
	[sflag:s18] =	ssyncadd.s32 $0xFFFFD800  }
0x36: {  	[spmem:s9] =	stream.linear.scatter [tilespmem:s17], [sflag:$0x4], $0x2800, $0x38;
	[tilespmem:$0x1E800] =	vst v63  }
0x37: {  	_ =	swait.ge [sflag:s18], $0x2800  }
0x38: {  	[sflag:s18] =	ssyncset.done $0x0  }
0x39: {  	s10 =	rddreg [dreg:$0x14];
	[sflag:s18] =	ssyncadd.s32 $0xFFFFD800  }
0x3a: {  	[spmem:s10] =	stream.linear.scatter [tilespmem:s17], [sflag:$0x4], $0x2800, $0x38;
	[tilespmem:$0x1E800] =	vst v63  }
0x3b: {  	_ =	swait.ge [sflag:s18], $0x2800  }
0x3c: {  	[sflag:s18] =	ssyncset.done $0x0  }
0x3d: {  	[sflag:s18] =	ssyncadd.s32 $0xFFFFD800  }
0x3e: {  	[spmem:s13] =	stream.linear.scatter [tilespmem:s17], [sflag:$0x4], $0x2800, $0x38;
	[tilespmem:$0x1E800] =	vst v63  }
0x3f: {  	_ =	swait.ge [sflag:s18], $0x2800  }
0x40: {  	[sflag:s18] =	ssyncset.done $0x0  }
0x41: {  	[sflag:s18] =	ssyncadd.s32 $0xFFFFD800  }
0x42: {  	[spmem:s14] =	stream.linear.scatter [tilespmem:s17], [sflag:$0x4], $0x2800, $0x38;
	[tilespmem:$0x1E800] =	vst v63  }
0x43: {  	_ =	swait.ge [sflag:s18], $0x2800  }
0x44: {  	[sflag:s18] =	ssyncset.done $0x0  }
0x45: {  	[sflag:s18] =	ssyncadd.s32 $0xFFFFD800  }
0x46: {  	[spmem:s15] =	stream.linear.scatter [tilespmem:s17], [sflag:$0x4], $0x2800, $0x38;
	[tilespmem:$0x1E800] =	vst v63  }
0x47: {  	_ =	swait.ge [sflag:s18], $0x2800  }
0x48: {  	[sflag:s18] =	ssyncset.done $0x0  }
0x49: {  	[sflag:s18] =	ssyncadd.s32 $0xFFFFD800  }
0x4a: {  	[spmem:s16] =	stream.linear.scatter [tilespmem:s17], [sflag:$0x4], $0x2800, $0x38;
	[tilespmem:$0x1E800] =	vst v63  }
0x4b: {  	_ =	swait.ge [sflag:s18], $0x2800  }
0x4c: {  	[sflag:s18] =	ssyncset.done $0x0  }
0x4d: {  	[sflag:s18] =	ssyncadd.s32 $0xFFFFD800  }
0x4e: {  	[bflag:$0x0] =	sbarrier.arrive $0xFFFF  }
0x4f: {  	s1 =	simm.s32 $0x0;
	s11 =	rddreg [dreg:$0xb]  }
0x50: {  	s6 =	sand.u32 $0x200, s1;
	s5 =	rddreg [dreg:$0xa];
	s0 =	sadd.s32 $0x0, s11  }
0x51: {  	[tilespmem:s6], [sflag:$0x1] =	stream.linear.gather [hbm4b:s0+s3], $0x50, $0x38;
	[tilespmem:$0x1E800] =	vst v63  }
0x52: {  	s12 =	rddreg [dreg:$0x9];
	s5 =	sadd.s32 $0x0, s5;
	s0 =	sor.u32 $0x400, s6  }
0x53: {  	[tilespmem:s0], [sflag:$0x1] =	stream.linear.gather [hbm4b:s5+s3], $0x50, $0x38;
	[tilespmem:$0x1E800] =	vst v63  }
0x54: {  	s7 =	sor.u32 $0x80, s6;
	s9 =	rddreg [dreg:$0x8];
	s1 =	sadd.s32 $0x0, s12  }
0x55: {  	[tilespmem:s7], [sflag:$0x1] =	stream.linear.gather [hbm4b:s1+s3], $0x50, $0x38;
	[tilespmem:$0x1E800] =	vst v63  }
0x56: {  	s31 =	sor.u32 $0x480, s6;
	s26 =	rddreg [dreg:$0x7];
	s9 =	sadd.s32 $0x0, s9  }
0x57: {  	[tilespmem:s31], [sflag:$0x1] =	stream.linear.gather [hbm4b:s9+s3], $0x50, $0x38;
	[tilespmem:$0x1E800] =	vst v63  }
0x58: {  	s10 =	rddreg [dreg:$0x6];
	s5 =	sadd.s32 $0x0, s26;
	s9 =	sor.u32 $0x100, s6  }
0x59: {  	[tilespmem:s9], [sflag:$0x1] =	stream.linear.gather [hbm4b:s5+s3], $0x50, $0x38;
	[tilespmem:$0x1E800] =	vst v63  }
0x5a: {  	s10 =	sadd.s32 $0x0, s10;
	s26 =	rddreg [dreg:$0x5];
	s5 =	sor.u32 $0x500, s6  }
0x5b: {  	[tilespmem:s5], [sflag:$0x1] =	stream.linear.gather [hbm4b:s10+s3], $0x50, $0x38;
	[tilespmem:$0x1E800] =	vst v63  }
0x5c: {  	s29 =	rddreg [dreg:$0x4];
	s11 =	sor.u32 $0x180, s6;
	s26 =	sadd.s32 $0x0, s26  }
0x5d: {  	[tilespmem:s11], [sflag:$0x1] =	stream.linear.gather [hbm4b:s26+s3], $0x50, $0x38;
	[tilespmem:$0x1E800] =	vst v63  }
0x5e: {  	s28 =	sor.u32 $0x580, s6;
	s12 =	sadd.s32 $0x0, s29  }
0x5f: {  	[tilespmem:s28], [sflag:$0x1] =	stream.linear.gather [hbm4b:s12+s3], $0x50, $0x38;
	[tilespmem:$0x1E800] =	vst v63  }
0x60: {  	_ =	swait.ge [sflag:s19], $0x50  }
0x61: {  	[sflag:s19] =	ssyncset.done $0x0  }
0x62: {  	[sflag:s19] =	ssyncadd.s32 $0xFFFFFFB0  }
0x63: {  	_ =	swait.ge [sflag:s19], $0x50  }
0x64: {  	[sflag:s19] =	ssyncset.done $0x0  }
0x65: {  	[sflag:s19] =	ssyncadd.s32 $0xFFFFFFB0  }
0x66: {  	_ =	swait.ge [sflag:s19], $0x50  }
0x67: {  	[sflag:s19] =	ssyncset.done $0x0  }
0x68: {  	[sflag:s19] =	ssyncadd.s32 $0xFFFFFFB0  }
0x69: {  	_ =	swait.ge [sflag:s19], $0x50  }
0x6a: {  	[sflag:s19] =	ssyncset.done $0x0  }
0x6b: {  	[sflag:s19] =	ssyncadd.s32 $0xFFFFFFB0  }
0x6c: {  	_ =	swait.ge [sflag:s19], $0x50  }
0x6d: {  	[sflag:s19] =	ssyncset.done $0x0  }
0x6e: {  	[sflag:s19] =	ssyncadd.s32 $0xFFFFFFB0  }
0x6f: {  	_ =	swait.ge [sflag:s19], $0x50  }
0x70: {  	[sflag:s19] =	ssyncset.done $0x0  }
0x71: {  	[sflag:s19] =	ssyncadd.s32 $0xFFFFFFB0  }
0x72: {  	_ =	swait.ge [sflag:s19], $0x50  }
0x73: {  	[sflag:s19] =	ssyncset.done $0x0  }
0x74: {  	[sflag:s19] =	ssyncadd.s32 $0xFFFFFFB0  }
0x75: {  	_ =	swait.ge [sflag:s19], $0x50  }
0x76: {  	p0 =	por $0x1, $0x1;
	[sflag:s19] =	ssyncset.done $0x0  }
0x77: {  	s29 =	simm.s32 @p0 $0x800;
	s26 =	simm.s32 @p0 $0x50;
	[sflag:s19] =	ssyncadd.s32 $0xFFFFFFB0  }
0x78: {  	[tilespmem:s29], [sflag:$0x2] =	stream.indirect.gather @p0 [hbm4b:s4+s26], $0x80, s6, s26, $0xb8;
	[tilespmem:$0x1E800] =	vst v63  }
0x79: {  	s29 =	simm.s32 @p0 $0x3000  }
0x7a: {  	[tilespmem:s29], [sflag:$0x2] =	stream.indirect.gather @p0 [hbm4b:s4+s26], $0x80, s7, s26, $0xb8;
	[tilespmem:$0x1E800] =	vst v63  }
0x7b: {  	s30 =	simm.s32 @!p0 $0x3;
	s29 =	simm.s32 @p0 $0x5800  }
0x7c: {  	[tilespmem:s29], [sflag:$0x2] =	stream.indirect.gather @p0 [hbm4b:s4+s26], $0x80, s9, s26, $0xb8;
	[tilespmem:$0x1E800] =	vst v63  }
0x7d: {  	_ =	swait.ge @!p0 [sflag:s30], $0x2800  }
0x7e: {  	[sflag:s30] =	ssyncset.done @!p0 $0x0  }
0x7f: {  	s26 =	simm.s32 @!p0 $0x50;
	s29 =	simm.s32 @!p0 $0x800;
	[sflag:s30] =	ssyncadd.s32 @!p0 $0xFFFFD800  }
0x80: {  	[tilespmem:s29], [sflag:$0x2] =	stream.indirect.gather @!p0 [hbm4b:s4+s26], $0x80, s6, s26, $0xb8;
	[tilespmem:$0x1E800] =	vst v63  }
0x81: {  	_ =	swait.ge @!p0 [sflag:s30], $0x2800  }
0x82: {  	[sflag:s30] =	ssyncset.done @!p0 $0x0  }
0x83: {  	s6 =	simm.s32 @!p0 $0x3000;
	[sflag:s30] =	ssyncadd.s32 @!p0 $0xFFFFD800  }
0x84: {  	[tilespmem:s6], [sflag:$0x2] =	stream.indirect.gather @!p0 [hbm4b:s4+s26], $0x80, s7, s26, $0xb8;
	[tilespmem:$0x1E800] =	vst v63  }
0x85: {  	_ =	swait.ge @!p0 [sflag:s30], $0x2800  }
0x86: {  	[sflag:s30] =	ssyncset.done @!p0 $0x0  }
0x87: {  	s6 =	simm.s32 @!p0 $0x5800;
	[sflag:s30] =	ssyncadd.s32 @!p0 $0xFFFFD800  }
0x88: {  	[tilespmem:s6], [sflag:$0x2] =	stream.indirect.gather @!p0 [hbm4b:s4+s26], $0x80, s9, s26, $0xb8;
	[tilespmem:$0x1E800] =	vst v63  }
0x89: {  	_ =	swait.ge @!p0 [sflag:s30], $0x2800  }
0x8a: {  	[sflag:s30] =	ssyncset.done @!p0 $0x0  }
0x8b: {  	[sflag:s30] =	ssyncadd.s32 @!p0 $0xFFFFD800  }
0x8c: {  	[tilespmem:s21], [sflag:$0x2] =	stream.indirect.gather [hbm4b:s4+s20], $0x80, s11, s20, $0xb8;
	[tilespmem:$0x1E800] =	vst v63  }
0x8d: {  	_ =	swait.ge [sflag:s22], $0x2800  }
0x8e: {  	[sflag:s22] =	ssyncset.done $0x0  }
0x8f: {  	[sflag:s22] =	ssyncadd.s32 $0xFFFFD800  }
0x90: {  	[spmem:s2] =	stream.indirect.scatter.add.f32 [tilespmem:s17], [sflag:$0x3], $0x80, s0, s20, $0xb8;
	[tilespmem:$0x1E800] =	vst v63  }
0x91: {  	_ =	swait.ge [sflag:s22], $0x2800  }
0x92: {  	[sflag:s22] =	ssyncset.done $0x0  }
0x93: {  	s26 =	rddreg [dreg:$0xc];
	[sflag:s22] =	ssyncadd.s32 $0xFFFFD800  }
0x94: {  	[spmem:s2] =	stream.indirect.scatter.add.f32 [tilespmem:s26], [sflag:$0x3], $0x80, s31, s20, $0xb8;
	[tilespmem:$0x1E800] =	vst v63  }
0x95: {  	_ =	swait.ge [sflag:s22], $0x2800  }
0x96: {  	[sflag:s22] =	ssyncset.done $0x0  }
0x97: {  	s31 =	rddreg [dreg:$0xd];
	[sflag:s22] =	ssyncadd.s32 $0xFFFFD800  }
0x98: {  	[spmem:s2] =	stream.indirect.scatter.add.f32 [tilespmem:s31], [sflag:$0x3], $0x80, s5, s20, $0xb8;
	[tilespmem:$0x1E800] =	vst v63  }
0x99: {  	s29 =	simm.s32 $0x50;
	_ =	swait.ge [sflag:s22], $0x2800  }
0x9a: {  	s30 =	simm.s32 $0x200;
	s0 =	rddreg [dreg:$0xb];
	[sflag:s22] =	ssyncset.done $0x0  }
0x9b: {  	s26 =	simm.s32 $0x28;
	s1 =	rddreg [dreg:$0xa];
	[sflag:s22] =	ssyncadd.s32 $0xFFFFD800  }
.LBB2_4:
0x9c: {  	[spmem:s2] =	stream.indirect.scatter.add.f32 [tilespmem:s21], [sflag:$0x3], $0x80, s28, s20, $0xb8;
	[tilespmem:$0x1E800] =	vst v63  }
0x9d: {  	s5 =	sand.u32 $0x200, s30;
	s0 =	sadd.s32 s26, s0  }
0x9e: {  	[tilespmem:s5], [sflag:$0x1] =	stream.linear.gather [hbm4b:s0+s3], $0x50, $0x38;
	[tilespmem:$0x1E800] =	vst v63  }
0x9f: {  	s7 =	rddreg [dreg:$0x9];
	s11 =	sadd.s32 s26, s1;
	s31 =	sor.u32 $0x400, s5  }
0xa0: {  	[tilespmem:s31], [sflag:$0x1] =	stream.linear.gather [hbm4b:s11+s3], $0x50, $0x38;
	[tilespmem:$0x1E800] =	vst v63  }
0xa1: {  	s12 =	rddreg [dreg:$0x8];
	s6 =	sor.u32 $0x80, s5;
	s7 =	sadd.s32 s26, s7  }
0xa2: {  	[tilespmem:s6], [sflag:$0x1] =	stream.linear.gather [hbm4b:s7+s3], $0x50, $0x38;
	[tilespmem:$0x1E800] =	vst v63  }
0xa3: {  	s9 =	rddreg [dreg:$0x7];
	s1 =	sadd.s32 s26, s12;
	s0 =	sor.u32 $0x480, s5  }
0xa4: {  	[tilespmem:s0], [sflag:$0x1] =	stream.linear.gather [hbm4b:s1+s3], $0x50, $0x38;
	[tilespmem:$0x1E800] =	vst v63  }
0xa5: {  	s28 =	rddreg [dreg:$0x6];
	s9 =	sadd.s32 s26, s9;
	s7 =	sor.u32 $0x100, s5  }
0xa6: {  	[tilespmem:s7], [sflag:$0x1] =	stream.linear.gather [hbm4b:s9+s3], $0x50, $0x38;
	[tilespmem:$0x1E800] =	vst v63  }
0xa7: {  	s11 =	rddreg [dreg:$0x5];
	s1 =	sor.u32 $0x500, s5;
	s9 =	sadd.s32 s26, s28  }
0xa8: {  	[tilespmem:s1], [sflag:$0x1] =	stream.linear.gather [hbm4b:s9+s3], $0x50, $0x38;
	[tilespmem:$0x1E800] =	vst v63  }
0xa9: {  	s12 =	rddreg [dreg:$0x4];
	s11 =	sadd.s32 s26, s11;
	s9 =	sor.u32 $0x180, s5  }
0xaa: {  	[tilespmem:s9], [sflag:$0x1] =	stream.linear.gather [hbm4b:s11+s3], $0x50, $0x38;
	[tilespmem:$0x1E800] =	vst v63  }
0xab: {  	s12 =	sadd.s32 s26, s12;
	s28 =	sor.u32 $0x580, s5  }
0xac: {  	[tilespmem:s28], [sflag:$0x1] =	stream.linear.gather [hbm4b:s12+s3], $0x50, $0x38;
	[tilespmem:$0x1E800] =	vst v63  }
0xad: {  	_ =	swait.ge [sflag:s19], $0x50  }
0xae: {  	[sflag:s19] =	ssyncset.done $0x0  }
0xaf: {  	[sflag:s19] =	ssyncadd.s32 $0xFFFFFFB0  }
0xb0: {  	_ =	swait.ge [sflag:s19], $0x50  }
0xb1: {  	[sflag:s19] =	ssyncset.done $0x0  }
0xb2: {  	[sflag:s19] =	ssyncadd.s32 $0xFFFFFFB0  }
0xb3: {  	_ =	swait.ge [sflag:s19], $0x50  }
0xb4: {  	[sflag:s19] =	ssyncset.done $0x0  }
0xb5: {  	[sflag:s19] =	ssyncadd.s32 $0xFFFFFFB0  }
0xb6: {  	_ =	swait.ge [sflag:s19], $0x50  }
0xb7: {  	[sflag:s19] =	ssyncset.done $0x0  }
0xb8: {  	[sflag:s19] =	ssyncadd.s32 $0xFFFFFFB0  }
0xb9: {  	_ =	swait.ge [sflag:s19], $0x50  }
0xba: {  	[sflag:s19] =	ssyncset.done $0x0  }
0xbb: {  	[sflag:s19] =	ssyncadd.s32 $0xFFFFFFB0  }
0xbc: {  	_ =	swait.ge [sflag:s19], $0x50  }
0xbd: {  	[sflag:s19] =	ssyncset.done $0x0  }
0xbe: {  	[sflag:s19] =	ssyncadd.s32 $0xFFFFFFB0  }
0xbf: {  	_ =	swait.ge [sflag:s19], $0x50  }
0xc0: {  	[sflag:s19] =	ssyncset.done $0x0  }
0xc1: {  	[sflag:s19] =	ssyncadd.s32 $0xFFFFFFB0  }
0xc2: {  	s10 =	smov.u32 s29;
	_ =	swait.ge [sflag:s19], $0x50  }
0xc3: {  	p1 =	seq.s32 s26, $0x0;
	s26 =	smov.u32 s10;
	[sflag:s19] =	ssyncset.done $0x0  }
0xc4: {  	s10 =	simm.s32 @p1 $0x50;
	s11 =	simm.s32 @p1 $0x800;
	[sflag:s19] =	ssyncadd.s32 $0xFFFFFFB0  }
0xc5: {  	[tilespmem:s11], [sflag:$0x2] =	stream.indirect.gather @p1 [hbm4b:s4+s10], $0x80, s5, s10, $0xb8;
	[tilespmem:$0x1E800] =	vst v63  }
0xc6: {  	s11 =	simm.s32 @p1 $0x3000  }
0xc7: {  	[tilespmem:s11], [sflag:$0x2] =	stream.indirect.gather @p1 [hbm4b:s4+s10], $0x80, s6, s10, $0xb8;
	[tilespmem:$0x1E800] =	vst v63  }
0xc8: {  	s12 =	simm.s32 @!p1 $0x3;
	s11 =	simm.s32 @p1 $0x5800  }
0xc9: {  	[tilespmem:s11], [sflag:$0x2] =	stream.indirect.gather @p1 [hbm4b:s4+s10], $0x80, s7, s10, $0xb8;
	[tilespmem:$0x1E800] =	vst v63  }
0xca: {  	_ =	swait.ge @!p1 [sflag:s12], $0x2800  }
0xcb: {  	[sflag:s12] =	ssyncset.done @!p1 $0x0  }
0xcc: {  	s10 =	simm.s32 @!p1 $0x50;
	s11 =	simm.s32 @!p1 $0x800;
	[sflag:s12] =	ssyncadd.s32 @!p1 $0xFFFFD800  }
0xcd: {  	[tilespmem:s11], [sflag:$0x2] =	stream.indirect.gather @!p1 [hbm4b:s4+s10], $0x80, s5, s10, $0xb8;
	[tilespmem:$0x1E800] =	vst v63  }
0xce: {  	_ =	swait.ge @!p1 [sflag:s12], $0x2800  }
0xcf: {  	[sflag:s12] =	ssyncset.done @!p1 $0x0  }
0xd0: {  	s5 =	simm.s32 @!p1 $0x3000;
	[sflag:s12] =	ssyncadd.s32 @!p1 $0xFFFFD800  }
0xd1: {  	[tilespmem:s5], [sflag:$0x2] =	stream.indirect.gather @!p1 [hbm4b:s4+s10], $0x80, s6, s10, $0xb8;
	[tilespmem:$0x1E800] =	vst v63  }
0xd2: {  	_ =	swait.ge @!p1 [sflag:s12], $0x2800  }
0xd3: {  	[sflag:s12] =	ssyncset.done @!p1 $0x0  }
0xd4: {  	s5 =	simm.s32 @!p1 $0x5800;
	[sflag:s12] =	ssyncadd.s32 @!p1 $0xFFFFD800  }
0xd5: {  	[tilespmem:s5], [sflag:$0x2] =	stream.indirect.gather @!p1 [hbm4b:s4+s10], $0x80, s7, s10, $0xb8;
	[tilespmem:$0x1E800] =	vst v63  }
0xd6: {  	_ =	swait.ge @!p1 [sflag:s12], $0x2800  }
0xd7: {  	[sflag:s12] =	ssyncset.done @!p1 $0x0  }
0xd8: {  	[sflag:s12] =	ssyncadd.s32 @!p1 $0xFFFFD800  }
0xd9: {  	[tilespmem:s21], [sflag:$0x2] =	stream.indirect.gather [hbm4b:s4+s20], $0x80, s9, s20, $0xb8;
	[tilespmem:$0x1E800] =	vst v63  }
0xda: {  	_ =	swait.ge [sflag:s22], $0x2800  }
0xdb: {  	[sflag:s22] =	ssyncset.done $0x0  }
0xdc: {  	[sflag:s22] =	ssyncadd.s32 $0xFFFFD800  }
0xdd: {  	[spmem:s2] =	stream.indirect.scatter.add.f32 [tilespmem:s17], [sflag:$0x3], $0x80, s31, s20, $0xb8;
	[tilespmem:$0x1E800] =	vst v63  }
0xde: {  	_ =	swait.ge [sflag:s22], $0x2800  }
0xdf: {  	[sflag:s22] =	ssyncset.done $0x0  }
0xe0: {  	s12 =	rddreg [dreg:$0xc];
	[sflag:s22] =	ssyncadd.s32 $0xFFFFD800  }
0xe1: {  	[spmem:s2] =	stream.indirect.scatter.add.f32 [tilespmem:s12], [sflag:$0x3], $0x80, s0, s20, $0xb8;
	[tilespmem:$0x1E800] =	vst v63  }
0xe2: {  	s29 =	sadd.s32 $0x28, s29;
	_ =	swait.ge [sflag:s22], $0x2800  }
0xe3: {  	p0 =	sne.s32 s29, $0x4D8;
	[sflag:s22] =	ssyncset.done $0x0  }
.Ltmp1:
0xe4: {  	s31 =	rddreg [dreg:$0xd];
	[sflag:s22] =	ssyncadd.s32 $0xFFFFD800;
	(pc) =	sbr.rel @p0 .LBB2_4-.Ltmp1, $4  }
0xe5: {  	[spmem:s2] =	stream.indirect.scatter.add.f32 [tilespmem:s31], [sflag:$0x3], $0x80, s1, s20, $0xb8;
	[tilespmem:$0x1E800] =	vst v63  }
0xe6: {  	_ =	swait.ge [sflag:s22], $0x2800  }
0xe7: {  	s0 =	rddreg [dreg:$0xb];
	[sflag:s22] =	ssyncset.done $0x0  }
0xe8: {  	s30 =	sadd.s32 $0x200, s30;
	s1 =	rddreg [dreg:$0xa];
	[sflag:s22] =	ssyncadd.s32 $0xFFFFD800  }
0xe9: {  	[spmem:s2] =	stream.indirect.scatter.add.f32 [tilespmem:s21], [sflag:$0x3], $0x80, s28, s20, $0xb8;
	[tilespmem:$0x1E800] =	vst v63  }
0xea: {  	s7 =	sand.u32 $0x200, s30;
	s0 =	sadd.s32 s26, s0  }
0xeb: {  	[tilespmem:s7], [sflag:$0x1] =	stream.linear.gather [hbm4b:s0+s3], $0x50, $0x38;
	[tilespmem:$0x1E800] =	vst v63  }
0xec: {  	s5 =	rddreg [dreg:$0x9];
	s1 =	sadd.s32 s26, s1;
	s0 =	sor.u32 $0x400, s7  }
0xed: {  	[tilespmem:s0], [sflag:$0x1] =	stream.linear.gather [hbm4b:s1+s3], $0x50, $0x38;
	[tilespmem:$0x1E800] =	vst v63  }
0xee: {  	s6 =	rddreg [dreg:$0x8];
	s9 =	sor.u32 $0x80, s7;
	s11 =	sadd.s32 s26, s5  }
0xef: {  	[tilespmem:s9], [sflag:$0x1] =	stream.linear.gather [hbm4b:s11+s3], $0x50, $0x38;
	[tilespmem:$0x1E800] =	vst v63  }
0xf0: {  	s12 =	rddreg [dreg:$0x7];
	s6 =	sadd.s32 s26, s6;
	s1 =	sor.u32 $0x480, s7  }
0xf1: {  	[tilespmem:s1], [sflag:$0x1] =	stream.linear.gather [hbm4b:s6+s3], $0x50, $0x38;
	[tilespmem:$0x1E800] =	vst v63  }
0xf2: {  	s10 =	rddreg [dreg:$0x6];
	s5 =	sadd.s32 s26, s12;
	s11 =	sor.u32 $0x100, s7  }
0xf3: {  	[tilespmem:s11], [sflag:$0x1] =	stream.linear.gather [hbm4b:s5+s3], $0x50, $0x38;
	[tilespmem:$0x1E800] =	vst v63  }
0xf4: {  	s28 =	rddreg [dreg:$0x5];
	s29 =	sor.u32 $0x500, s7;
	s10 =	sadd.s32 s26, s10  }
0xf5: {  	[tilespmem:s29], [sflag:$0x1] =	stream.linear.gather [hbm4b:s10+s3], $0x50, $0x38;
	[tilespmem:$0x1E800] =	vst v63  }
0xf6: {  	s12 =	rddreg [dreg:$0x4];
	s30 =	sor.u32 $0x180, s7;
	s6 =	sadd.s32 s26, s28  }
0xf7: {  	[tilespmem:s30], [sflag:$0x1] =	stream.linear.gather [hbm4b:s6+s3], $0x50, $0x38;
	[tilespmem:$0x1E800] =	vst v63  }
0xf8: {  	s31 =	sor.u32 $0x580, s7;
	s12 =	sadd.s32 s26, s12  }
0xf9: {  	[tilespmem:s31], [sflag:$0x1] =	stream.linear.gather [hbm4b:s12+s3], $0x50, $0x38;
	[tilespmem:$0x1E800] =	vst v63  }
0xfa: {  	_ =	swait.ge [sflag:s19], $0x50  }
0xfb: {  	[sflag:s19] =	ssyncset.done $0x0  }
0xfc: {  	[sflag:s19] =	ssyncadd.s32 $0xFFFFFFB0  }
0xfd: {  	_ =	swait.ge [sflag:s19], $0x50  }
0xfe: {  	[sflag:s19] =	ssyncset.done $0x0  }
0xff: {  	[sflag:s19] =	ssyncadd.s32 $0xFFFFFFB0  }
0x100: {  	_ =	swait.ge [sflag:s19], $0x50  }
0x101: {  	[sflag:s19] =	ssyncset.done $0x0  }
0x102: {  	[sflag:s19] =	ssyncadd.s32 $0xFFFFFFB0  }
0x103: {  	_ =	swait.ge [sflag:s19], $0x50  }
0x104: {  	[sflag:s19] =	ssyncset.done $0x0  }
0x105: {  	[sflag:s19] =	ssyncadd.s32 $0xFFFFFFB0  }
0x106: {  	_ =	swait.ge [sflag:s19], $0x50  }
0x107: {  	[sflag:s19] =	ssyncset.done $0x0  }
0x108: {  	[sflag:s19] =	ssyncadd.s32 $0xFFFFFFB0  }
0x109: {  	_ =	swait.ge [sflag:s19], $0x50  }
0x10a: {  	[sflag:s19] =	ssyncset.done $0x0  }
0x10b: {  	[sflag:s19] =	ssyncadd.s32 $0xFFFFFFB0  }
0x10c: {  	_ =	swait.ge [sflag:s19], $0x50  }
0x10d: {  	[sflag:s19] =	ssyncset.done $0x0  }
0x10e: {  	[sflag:s19] =	ssyncadd.s32 $0xFFFFFFB0  }
0x10f: {  	_ =	swait.ge [sflag:s19], $0x50  }
0x110: {  	p0 =	seq.s32 s26, $0x0;
	[sflag:s19] =	ssyncset.done $0x0  }
0x111: {  	s26 =	simm.s32 @p0 $0x800;
	s12 =	simm.s32 @p0 $0x50;
	[sflag:s19] =	ssyncadd.s32 $0xFFFFFFB0  }
0x112: {  	[tilespmem:s26], [sflag:$0x2] =	stream.indirect.gather @p0 [hbm4b:s4+s12], $0x80, s7, s12, $0xb8;
	[tilespmem:$0x1E800] =	vst v63  }
0x113: {  	s26 =	simm.s32 @p0 $0x3000  }
0x114: {  	[tilespmem:s26], [sflag:$0x2] =	stream.indirect.gather @p0 [hbm4b:s4+s12], $0x80, s9, s12, $0xb8;
	[tilespmem:$0x1E800] =	vst v63  }
0x115: {  	s28 =	simm.s32 @!p0 $0x3;
	s26 =	simm.s32 @p0 $0x5800  }
0x116: {  	[tilespmem:s26], [sflag:$0x2] =	stream.indirect.gather @p0 [hbm4b:s4+s12], $0x80, s11, s12, $0xb8;
	[tilespmem:$0x1E800] =	vst v63  }
0x117: {  	_ =	swait.ge @!p0 [sflag:s28], $0x2800  }
0x118: {  	[sflag:s28] =	ssyncset.done @!p0 $0x0  }
0x119: {  	s12 =	simm.s32 @!p0 $0x50;
	s26 =	simm.s32 @!p0 $0x800;
	[sflag:s28] =	ssyncadd.s32 @!p0 $0xFFFFD800  }
0x11a: {  	[tilespmem:s26], [sflag:$0x2] =	stream.indirect.gather @!p0 [hbm4b:s4+s12], $0x80, s7, s12, $0xb8;
	[tilespmem:$0x1E800] =	vst v63  }
0x11b: {  	_ =	swait.ge @!p0 [sflag:s28], $0x2800  }
0x11c: {  	[sflag:s28] =	ssyncset.done @!p0 $0x0  }
0x11d: {  	s7 =	simm.s32 @!p0 $0x3000;
	[sflag:s28] =	ssyncadd.s32 @!p0 $0xFFFFD800  }
0x11e: {  	[tilespmem:s7], [sflag:$0x2] =	stream.indirect.gather @!p0 [hbm4b:s4+s12], $0x80, s9, s12, $0xb8;
	[tilespmem:$0x1E800] =	vst v63  }
0x11f: {  	_ =	swait.ge @!p0 [sflag:s28], $0x2800  }
0x120: {  	[sflag:s28] =	ssyncset.done @!p0 $0x0  }
0x121: {  	s7 =	simm.s32 @!p0 $0x5800;
	[sflag:s28] =	ssyncadd.s32 @!p0 $0xFFFFD800  }
0x122: {  	[tilespmem:s7], [sflag:$0x2] =	stream.indirect.gather @!p0 [hbm4b:s4+s12], $0x80, s11, s12, $0xb8;
	[tilespmem:$0x1E800] =	vst v63  }
0x123: {  	_ =	swait.ge @!p0 [sflag:s28], $0x2800  }
0x124: {  	[sflag:s28] =	ssyncset.done @!p0 $0x0  }
0x125: {  	[sflag:s28] =	ssyncadd.s32 @!p0 $0xFFFFD800  }
0x126: {  	[tilespmem:s21], [sflag:$0x2] =	stream.indirect.gather [hbm4b:s4+s20], $0x80, s30, s20, $0xb8;
	[tilespmem:$0x1E800] =	vst v63  }
0x127: {  	_ =	swait.ge [sflag:s22], $0x2800  }
0x128: {  	[sflag:s22] =	ssyncset.done $0x0  }
0x129: {  	[sflag:s22] =	ssyncadd.s32 $0xFFFFD800  }
0x12a: {  	[spmem:s2] =	stream.indirect.scatter.add.f32 [tilespmem:s17], [sflag:$0x3], $0x80, s0, s20, $0xb8;
	[tilespmem:$0x1E800] =	vst v63  }
0x12b: {  	_ =	swait.ge [sflag:s22], $0x2800  }
0x12c: {  	[sflag:s22] =	ssyncset.done $0x0  }
0x12d: {  	s10 =	rddreg [dreg:$0xc];
	[sflag:s22] =	ssyncadd.s32 $0xFFFFD800  }
0x12e: {  	[spmem:s2] =	stream.indirect.scatter.add.f32 [tilespmem:s10], [sflag:$0x3], $0x80, s1, s20, $0xb8;
	[tilespmem:$0x1E800] =	vst v63  }
0x12f: {  	_ =	swait.ge [sflag:s22], $0x2800  }
0x130: {  	[sflag:s22] =	ssyncset.done $0x0  }
0x131: {  	s11 =	rddreg [dreg:$0xd];
	[sflag:s22] =	ssyncadd.s32 $0xFFFFD800  }
0x132: {  	[spmem:s2] =	stream.indirect.scatter.add.f32 [tilespmem:s11], [sflag:$0x3], $0x80, s29, s20, $0xb8;
	[tilespmem:$0x1E800] =	vst v63  }
0x133: {  	_ =	swait.ge [sflag:s22], $0x2800  }
0x134: {  	[sflag:s22] =	ssyncset.done $0x0  }
0x135: {  	[sflag:s22] =	ssyncadd.s32 $0xFFFFD800  }
0x136: {  	[spmem:s2] =	stream.indirect.scatter.add.f32 [tilespmem:s21], [sflag:$0x3], $0x80, s31, s20, $0xb8;
	[tilespmem:$0x1E800] =	vst v63  }
0x137: {  	_ =	swait.ge [sflag:s23], $0x2800  }
0x138: {  	[sflag:s23] =	ssyncset.done $0x0  }
0x139: {  	[sflag:s23] =	ssyncadd.s32 $0xFFFFD800  }
0x13a: {  	_ =	swait.ge [sflag:s23], $0x2800  }
0x13b: {  	[sflag:s23] =	ssyncset.done $0x0  }
0x13c: {  	[sflag:s23] =	ssyncadd.s32 $0xFFFFD800  }
0x13d: {  	_ =	swait.ge [sflag:s23], $0x2800  }
0x13e: {  	[sflag:s23] =	ssyncset.done $0x0  }
0x13f: {  	[sflag:s23] =	ssyncadd.s32 $0xFFFFD800  }
0x140: {  	_ =	swait.ge [sflag:s23], $0x2800  }
0x141: {  	[sflag:s23] =	ssyncset.done $0x0  }
0x142: {  	s12 =	rddreg [dreg:$0xe];
	[sflag:s23] =	ssyncadd.s32 $0xFFFFD800  }
0x143: {  	[tilespmem:s3], [sflag:$0x4] =	stream.linear.gather [hbm4b:s12+s3], $0x50, $0x38;
	[tilespmem:$0x1E800] =	vst v63  }
0x144: {  	_ =	swait.ge [sflag:s18], $0x50  }
0x145: {  	[sflag:s18] =	ssyncset.done $0x0  }
0x146: {  	s26 =	rddreg [dreg:$0xf];
	[sflag:s18] =	ssyncadd.s32 $0xFFFFFFB0  }
0x147: {  	[tilespmem:s24], [sflag:$0x4] =	stream.linear.gather [hbm4b:s26+s3], $0x50, $0x38;
	[tilespmem:$0x1E800] =	vst v63  }
0x148: {  	_ =	swait.ge [sflag:s18], $0x50  }
0x149: {  	[sflag:s18] =	ssyncset.done $0x0  }
0x14a: {  	[sflag:s18] =	ssyncadd.s32 $0xFFFFFFB0  }
0x14b: {  	[tilespmem:s17], [sflag:$0x2] =	stream.indirect.gather [hbm4b:s4+s20], $0x80, s3, s20, $0xb8;
	[tilespmem:$0x1E800] =	vst v63  }
0x14c: {  	_ =	swait.ge [sflag:s22], $0x2800  }
0x14d: {  	[sflag:s22] =	ssyncset.done $0x0  }
0x14e: {  	[sflag:s22] =	ssyncadd.s32 $0xFFFFD800  }
0x14f: {  	[spmem:s2] =	stream.indirect.scatter.add.f32 [tilespmem:s17], [sflag:$0x3], $0x80, s24, s20, $0xb8;
	[tilespmem:$0x1E800] =	vst v63  }
0x150: {  	_ =	swait.ge [sflag:s23], $0x2800  }
0x151: {  	[sflag:s23] =	ssyncset.done $0x0  }
0x152: {  	s28 =	stileid.u32;
	[sflag:s23] =	ssyncadd.s32 $0xFFFFD800  }
0x153: {  	s0 =	sshll.u32 s28, $0x6;
	[bflag:$0x0] =	sbarrier.arrive $0xFFFF  }
0x154: {  	s0 =	sor.u32 $0x1C04, s0;
	s29 =	sshrl.u32 s8, $0x3;
	s30 =	rddreg [dreg:$0x10]  }
0x155: {  	[hbm:s30], [sflag:s0] =	dma.local [spmem:s29], $0x2800  }
0x156: {  	_ =	swait.ge [sflag:s18], $0x2800  }
0x157: {  	s25 =	sadd.s32 $0x1, s25;
	s31 =	rddreg [dreg:$0x11]  }
0x158: {  	p0 =	sne.s32 s25, s31  }
.Ltmp2:
0x159: {  	_ = 	snop;
	(pc) =	sbr.rel @p0 .LBB2_1-.Ltmp2, $3  }
0x15a: {  	_ =	sdelay $0x1  }
0x15b: {  	[sflag:s18] =	ssyncset.done $0x0  }
0x15c: {  	[sflag:s18] =	ssyncadd.s32 $0xFFFFD800  }
0x15d: {  	_ =	sfence.sel $0x180000  }
0x15e: {  	[bflag:$0x0] =	sbarrier.arrive $0xFFFF  }
0x15f: {  	_ =	strace $0x9000004D  }
0x160: {  	s0 =	stileid.u32;
	[bflag:$0x2] =	sbarrier.arrive $0xFFFF  }
0x161: {  	p0 =	sne.s32 s0, $0x0;
	s0 =	rddreg [dreg:$0x3]  }
0x162: {  	s0 =	sadd.s32 @!p0 $0x100000, s0  }
0x163: {  	[sflag:s0] =	ssyncadd.tile.s32 @!p0 $0x1;
	_ =	shalt  }
.Lfunc_end2:
_tile_overlayer_lowered:
.L_overlay_start_2:
0x164: {  	(tag) =	ssettag $0x2  }
0x165: {  	s0 =	rddreg [dreg:$0x0];
	s2 =	stileid.u32  }
0x166: {  	s1 =	rddreg [dreg:$0x1];
	p0 =	sne.s32 s2, $0x0  }
0x167: {  	s3 =	rddreg [dreg:$0x2];
	[bflag:$0x3] =	sbarrier.arrive $0xFFFF;
	s2 =	simm.s32 @!p0 $0x1C04  }
0x168: {  	[timem:s3], [sflag:s2] =	dma.local @!p0 [hbm:s0], s1  }
0x169: {  	s0 =	simm.s32 @!p0 $0x4  }
0x16a: {  	_ =	swait.ge @!p0 [sflag:s0], s1  }
0x16b: {  	s1 =	ssub.s32 @!p0 $0x0, s1;
	[sflag:s0] =	ssyncset.done @!p0 $0x0  }
0x16c: {  	[sflag:s0] =	ssyncadd.s32 @!p0 s1  }
0x16d: {  	[bflag:$0x3] =	sbarrier.arrive $0xFFFF  }
0x16e: {  	_ =	shalt  }

// kernel: kernel.8.cloned.1.call-start
scs
__scs_entry_jumppad:
0x0: {  	(pc) =	sbr.rel $0x88, $3  }
0x1: {  	(tag) =	ssettag $0x0;
	lr =	simm.s32 $0x1  }
0x2: {  	[smem:$0x3F9B] =	sst lr;
	_ =	strace $0xD0000000  }
0x3: {  	_ = 	snop  }
0x4: {  	_ = 	snop  }
0x5: {  	_ = 	snop  }
0x6: {  	_ = 	snop  }
0x7: {  	_ = 	snop  }
__scs_overlays_trampoline_lowered:
0x8: {  	[smem:$0x3FAA] =	sst s0  }
0x9: {  	[smem:$0x3FAB] =	sst s1  }
0xa: {  	[smem:$0x3FAC] =	sst s2  }
0xb: {  	[smem:$0x3FAD] =	sst s3  }
0xc: {  	[smem:$0x3FAE] =	sst s4  }
0xd: {  	[smem:$0x3FAF] =	sst s5  }
0xe: {  	[smem:$0x3FB0] =	sst s6  }
0xf: {  	[smem:$0x3FB1] =	sst s7  }
0x10: {  	[smem:$0x3FB2] =	sst s8  }
0x11: {  	[smem:$0x3FB3] =	sst s9;
	s0 =	simm.s32 @!p0 $0x0  }
0x12: {  	s1 =	sld [smem:$0x3F99];
	s0 =	simm.s32 @p0 $0x1  }
0x13: {  	[smem:$0x3FB4] =	sst s0;
	s0 =	simm.s32 @!p1 $0x0  }
0x14: {  	s2 =	sld [smem:$0x3F98];
	s0 =	simm.s32 @p1 $0x1  }
0x15: {  	[smem:$0x3FB5] =	sst s0;
	s0 =	simm.s32 @!p2 $0x0  }
0x16: {  	s3 =	sld [smem:$0x3FDB];
	s0 =	simm.s32 @p2 $0x1  }
0x17: {  	s4 =	simm.s32 $0x1BF5;
	[smem:$0x3FB7] =	sst s0  }
0x18: {  	s0 =	sld [smem:$0x3F9A];
	_ =	swait.ge [sflag:s4], $0x0  }
0x19: {  	s7 =	sld [smem:$0x3F9B]  }
0x1a: {  	s8 =	sadd.s32 $0xFFFFE003, lr  }
0x1b: {  	s9 =	sadd.s32 $0xFFFFFEF7, lr;
	s5 =	simm.s32 $0xFFFFFFFF;
	p2 =	slt.u32 s8, $0xFFFFF086  }
0x1c: {  	p1 =	slt.u32 s9, $0xF7A;
	s5 =	simm.s32 @!p2 $0x0  }
0x1d: {  	s5 =	simm.s32 @p1 $0x1;
	p0 =	seq.s32 s7, s2  }
0x1e: {  	s7 =	smul.u32 @!p0 $0xF7A, s2;
	p2 =	seq.s32 @!p0 s5, $0x0  }
0x1f: {  	s9 =	smul.u32 $0xF7A, s1;
	s8 =	simm.s32 @!p0 $0x1BF5;
	p2 =	por !p2, p0  }
0x20: {  	[sflag:s8] =	ssyncset.s32 @!p0 $0xFFFFF086;
	s6 =	sadd.s32 @!p0 s3, s7;
	s7 =	simm.s32 @!p0 $0x108  }
0x21: {  	s3 =	sadd.s32 s3, s9;
	s6 =	sadd.s32 @!p0 $0x88, s6;
	s7 =	simm.s32 @p2 $0x1082  }
0x22: {  	[simem:s7], [sflag:s8] =	dma.local @!p0 [hbm:s6], $0xF7A  }
0x23: {  	s9 =	sor.u32 $0xD0000000, s2;
	s6 =	simm.s32 $0x108;
	_ =	swait.ge @!p0 [sflag:s8], $0x0  }
0x24: {  	s3 =	sadd.s32 $0x88, s3;
	s6 =	simm.s32 @!p1 $0x1082;
	[sflag:s4] =	ssyncset.s32 $0xFFFFF086  }
0x25: {  	[simem:s6], [sflag:s4] =	dma.local [hbm:s3], $0xF7A  }
0x26: {  	[smem:$0x3F9B] =	sst s1;
	(tag) =	ssettag s2;
	_ =	strace s9  }
0x27: {  	s1 =	sld [smem:$0x3FAB]  }
0x28: {  	s2 =	sld [smem:$0x3FAC]  }
0x29: {  	s4 =	sld [smem:$0x3FAE]  }
0x2a: {  	p0 =	seq.s32 s5, $0x0;
	s5 =	sld [smem:$0x3FAF]  }
0x2b: {  	s6 =	sld [smem:$0x3FB0]  }
0x2c: {  	s7 =	sld [smem:$0x3FB1]  }
0x2d: {  	s3 =	simm.s32 $0x108;
	s8 =	sld [smem:$0x3FB2]  }
0x2e: {  	s3 =	simm.s32 @!p0 $0x1082;
	s9 =	sld [smem:$0x3FB3]  }
0x2f: {  	lr =	sadd.s32 s0, s3;
	s0 =	sld [smem:$0x3FAA]  }
0x30: {  	s3 =	sld [smem:$0x3FAD]  }
0x31: {  	[smem:$0x3FB6] =	sst s10  }
0x32: {  	s10 =	sld [smem:$0x3FB4];
	_ =	sdelay $0x3  }
0x33: {  	p0 =	seq.s32 s10, $0x1;
	s10 =	sld [smem:$0x3FB6];
	_ =	sdelay $0x3  }
0x34: {  	[smem:$0x3FB6] =	sst s10  }
0x35: {  	s10 =	sld [smem:$0x3FB5];
	_ =	sdelay $0x3  }
0x36: {  	p1 =	seq.s32 s10, $0x1;
	s10 =	sld [smem:$0x3FB6];
	_ =	sdelay $0x3  }
0x37: {  	[smem:$0x3FB6] =	sst s10  }
0x38: {  	s10 =	sld [smem:$0x3FB7]  }
0x39: {  	_ = 	snop;
	(pc) =	sbr.ind lr, $3  }
0x3a: {  	_ = 	snop  }
0x3b: {  	_ = 	snop  }
0x3c: {  	p2 =	seq.s32 s10, $0x1;
	s10 =	sld [smem:$0x3FB6]  }
0x3d: {  	_ =	shalt  }
0x3e: {  	_ =	shalt  }
0x3f: {  	_ =	shalt  }
0x40: {  	_ =	shalt  }
0x41: {  	_ =	shalt  }
0x42: {  	_ =	shalt  }
0x43: {  	_ =	shalt  }
0x44: {  	_ =	shalt  }
0x45: {  	_ =	shalt  }
0x46: {  	_ =	shalt  }
0x47: {  	_ =	shalt  }
0x48: {  	_ =	shalt  }
0x49: {  	_ =	shalt  }
0x4a: {  	_ =	shalt  }
0x4b: {  	_ =	shalt  }
0x4c: {  	_ =	shalt  }
0x4d: {  	_ =	shalt  }
0x4e: {  	_ =	shalt  }
0x4f: {  	_ =	shalt  }
0x50: {  	_ =	shalt  }
0x51: {  	_ =	shalt  }
0x52: {  	_ =	shalt  }
0x53: {  	_ =	shalt  }
0x54: {  	_ =	shalt  }
0x55: {  	_ =	shalt  }
0x56: {  	_ =	shalt  }
0x57: {  	_ =	shalt  }
0x58: {  	_ =	shalt  }
0x59: {  	_ =	shalt  }
0x5a: {  	_ =	shalt  }
0x5b: {  	_ =	shalt  }
0x5c: {  	_ =	shalt  }
0x5d: {  	_ =	shalt  }
0x5e: {  	_ =	shalt  }
0x5f: {  	_ =	shalt  }
0x60: {  	_ =	shalt  }
0x61: {  	_ =	shalt  }
0x62: {  	_ =	shalt  }
0x63: {  	_ =	shalt  }
0x64: {  	_ =	shalt  }
0x65: {  	_ =	shalt  }
0x66: {  	_ =	shalt  }
0x67: {  	_ =	shalt  }
0x68: {  	_ =	shalt  }
0x69: {  	_ =	shalt  }
0x6a: {  	_ =	shalt  }
0x6b: {  	_ =	shalt  }
0x6c: {  	_ =	shalt  }
0x6d: {  	_ =	shalt  }
0x6e: {  	_ =	shalt  }
0x6f: {  	_ =	shalt  }
0x70: {  	_ =	shalt  }
0x71: {  	_ =	shalt  }
0x72: {  	_ =	shalt  }
0x73: {  	_ =	shalt  }
0x74: {  	_ =	shalt  }
0x75: {  	_ =	shalt  }
0x76: {  	_ =	shalt  }
0x77: {  	_ =	shalt  }
0x78: {  	_ =	shalt  }
0x79: {  	_ =	shalt  }
0x7a: {  	_ =	shalt  }
0x7b: {  	_ =	shalt  }
0x7c: {  	_ =	shalt  }
0x7d: {  	_ =	shalt  }
0x7e: {  	_ =	shalt  }
0x7f: {  	_ =	shalt  }
0x80: {  	_ =	shalt  }
0x81: {  	_ =	shalt  }
0x82: {  	_ =	shalt  }
0x83: {  	_ =	shalt  }
0x84: {  	_ =	shalt  }
0x85: {  	_ =	shalt  }
0x86: {  	_ =	shalt  }
0x87: {  	_ =	shalt  }
.Lfunc_end0:
.L_simem_size_0:
called_computation_lowered:
.L_overlay_start_0:
0x88: {  	s2 =	sld [smem:$0x3FD9]  }
0x89: {  	s3 =	sld [smem:$0x3FFE];
	_ =	sdelay $0x1  }
0x8a: {  	s1 =	srdreg.scid  }
0x8b: {  	s0 =	sand.u32 $0x1, s1  }
0x8c: {  	s17 =	sshll.u32 s0, $0xA;
	s2 =	sadd.s32 s3, s2  }
0x8d: {  	s2 =	sadd.s32 s2, s17  }
0x8e: {  	[smem:$0x3FC2] =	sst s2  }
0x8f: {  	_ = 	snop  }
0x90: {  	s2 =	sld [smem:$0x3FD0];
	(tm) =	ssettm $0x1  }
0x91: {  	s18 =	sld [smem:$0x3FFB];
	_ =	sdelay $0x3  }
0x92: {  	_ =	strace s18  }
0x93: {  	s3 =	sld [smem:$0x3FFC];
	_ =	sdelay $0x3  }
0x94: {  	_ =	strace s3  }
0x95: {  	s3 =	sld [smem:$0x3FFD];
	_ =	sdelay $0x3  }
0x96: {  	_ =	strace s3  }
0x97: {  	_ =	strace $0x8FFFFFFF  }
0x98: {  	s19 =	sld [smem:$0x3FDB];
	_ =	sdelay $0x1  }
0x99: {  	s4 =	simm.s32 $_scs_section_size  }
0x9a: {  	s5 =	simm.s32 $_size__tile_overlayer_lowered;
	s6 =	simm.s32 $_tile_overlayer_lowered  }
0x9b: {  	s22 =	simm.s32 $0x1BFF;
	s21 =	sshll.u32 s6, $0x1;
	s3 =	sadd.s32 s4, s19  }
0x9c: {  	s7 =	simm.s32 $0x0;
	s20 =	sshll.u32 s5, $0x1;
	s5 =	sadd.s32 s21, s3  }
0x9d: {  	[timem:s7], [sflag:s22] =	dma.local [hbm:s5], s20  }
0x9e: {  	_ =	swait.ge [sflag:s22], s20  }
0x9f: {  	s4 =	ssub.s32 $0x0, s20;
	[sflag:s22] =	ssyncset.done $0x0  }
0xa0: {  	[sflag:s22] =	ssyncadd.s32 s4;
	_ =	sdelay $0x1  }
0xa1: {  	s23 =	simm.s32 $0x1B8B  }
0xa2: {  	_ =	swait.ge [sflag:s23], $0x1  }
0xa3: {  	[sflag:s23] =	ssyncset.done $0x0  }
0xa4: {  	s25 =	simm.s32 $0x1B8E;
	s24 =	sld [smem:$0x3FFE];
	[sflag:s23] =	ssyncadd.s32 $0xFFFFFFFF  }
0xa5: {  	s26 =	simm.s32 $execute0_lowered;
	[smem:$0x3FD2] =	sst s25  }
0xa6: {  	s5 =	sshll.u32 s26, $0x1;
	_ =	strace $0x80000046;
	[dreg:$0x1] =	wrdreg $0xFFFFFFFF  }
0xa7: {  	s28 =	simm.s32 $_size_execute0_lowered;
	s3 =	sadd.s32 s3, s5;
	[dreg:$0x0] =	wrdreg $0x0  }
0xa8: {  	s5 =	sshll.u32 s28, $0x1;
	[dreg:$0x2] =	wrdreg s3  }
0xa9: {  	[dreg:$0x3] =	wrdreg s5  }
0xaa: {  	[dreg:$0x4] =	wrdreg $0xC0  }
0xab: {  	_ =	task [dreg:s7], $0x5FFFF  }
0xac: {  	[dreg:$0x1] =	wrdreg $0xFFFFFFFF  }
0xad: {  	[dreg:$0x0] =	wrdreg $0x60  }
0xae: {  	[dreg:$0x2] =	wrdreg s24  }
0xaf: {  	[dreg:$0x3] =	wrdreg s2  }
0xb0: {  	[dreg:$0x4] =	wrdreg $0x80000  }
0xb1: {  	[dreg:$0x5] =	wrdreg $0x9  }
0xb2: {  	_ =	task.clear_ibuf [dreg:s7], $0x6FFFF;
	_ =	strace $0x90000046  }
0xb3: {  	s29 =	simm.s32 $0x9;
	_ =	strace $0x80000048  }
0xb4: {  	_ =	swait.ge [sflag:s29], $0x1  }
0xb5: {  	[sflag:s29] =	ssyncadd.s32 $0xFFFFFFFF  }
0xb6: {  	_ =	strace $0x90000048  }
0xb7: {  	_ =	sfence  }
0xb8: {  	s30 =	sld [smem:$0x0];
	_ =	sdelay $0x2  }
0xb9: {  	s31 =	sshll.u32 s1, $0xD;
	s1 =	sshrl.u32 s1, $0x2  }
0xba: {  	s3 =	sand.u32 $0x4000, s31;
	s1 =	sadd.s32 s1, s30  }
0xbb: {  	s0 =	sor.u32 s3, s0;
	s1 =	sshll.u32 s1, $0x11  }
0xbc: {  	s0 =	sor.u32 s1, s0  }
0xbd: {  	s0 =	sadd.s32 $0x8F2B, s0  }
0xbe: {  	[sflag:s0] =	ssyncadd.remote.s32 $0x1  }
0xbf: {  	_ =	sfence.sel $0xFFFF  }
0xc0: {  	[dreg:$0x0] =	wrdreg $0xFFFFFFFF;
	(pc) =	sbr.abs _section_cstart, $3  }
0xc1: {  	[dreg:$0x1] =	wrdreg $0xFFFFFFFF  }
0xc2: {  	_ =	task.clear_ibuf [dreg:s7], $0x2FFFF;
	_ =	strace $0x9FFFFFFF  }
0xc3: {  	(tm) =	ssettm $0x7FFFFFFF  }
tec
execute0_lowered:
.L_overlay_start_1:
0x0: {  	(tag) =	ssettag $0x1  }
0x1: {  	s0 =	rddreg [dreg:$0x0];
	s10 =	stileid.u32  }
0x2: {  	s2 =	rddreg [dreg:$0x1];
	s6 =	smul.u32 $0x14000, s10  }
0x3: {  	s3 =	srdreg.scid;
	s8 =	smul.u32 $0x50000, s10  }
0x4: {  	s1 =	rddreg [dreg:$0x2];
	s4 =	sand.u32 $0x1, s3;
	s10 =	smul.u32 $0x2710, s10  }
0x5: {  	s3 =	simm.s32 $0x0;
	s7 =	sadd.s32 $0x1E00, s0;
	s5 =	smul.u32 $0x140000, s4  }
0x6: {  	[smem:$0x7FF] =	sst s3;
	s26 =	ssub.s32 $0x2, s4;
	s9 =	smul.u32 $0x27100, s4  }
0x7: {  	_ =	strace $0x80000047;
	s29 =	sshrl.u32 s26, $0x1;
	s30 =	sshrl.u32 s8, $0x2  }
0x8: {  	s5 =	sadd.s32 s6, s5;
	s4 =	sadd.s32 s30, s1;
	s31 =	sadd.s32 s10, s9  }
0x9: {  	s28 =	sshrl.u32 s5, $0x3;
	s5 =	ssub.s32 s26, s29;
	s10 =	sadd.s32 $0x2000, s4  }
0xa: {  	s11 =	sadd.s32 $0x4000, s4;
	s12 =	sadd.s32 $0x6000, s4;
	[dreg:$0xe] =	wrdreg s10  }
0xb: {  	s13 =	sadd.s32 $0x8000, s4;
	s14 =	sadd.s32 $0x140, s31;
	[dreg:$0xf] =	wrdreg s11  }
0xc: {  	s15 =	sadd.s32 $0xA000, s4;
	s16 =	sadd.s32 $0xC000, s4;
	[dreg:$0x10] =	wrdreg s12  }
0xd: {  	s18 =	sadd.s32 $0xF0, s31;
	s21 =	sadd.s32 $0xA0, s31;
	[dreg:$0x11] =	wrdreg s13  }
0xe: {  	s25 =	sadd.s32 $0x50, s31;
	s31 =	sshrl.u32 s31, $0x3;
	[dreg:$0x12] =	wrdreg s15  }
0xf: {  	s0 =	sadd.s32 s28, s0;
	s9 =	smax.u32 s5, $0x1;
	[dreg:$0x13] =	wrdreg s16  }
0x10: {  	s13 =	sadd.s32 $0xE000, s4;
	s19 =	sshrl.u32 s18, $0x3;
	s23 =	sshrl.u32 s21, $0x3  }
0x11: {  	s28 =	sshrl.u32 s25, $0x3;
	s15 =	sadd.s32 $0x12000, s4;
	s16 =	sadd.s32 s31, s2  }
0x12: {  	s18 =	simm.s32 $0x6000;
	s0 =	sadd.s32 $0xBC00, s0;
	[dreg:$0xd] =	wrdreg s9  }
0x13: {  	s21 =	simm.s32 $0x50;
	s20 =	sadd.s32 s19, s2;
	[dreg:$0xc] =	wrdreg s0  }
0x14: {  	s25 =	simm.s32 $0x0;
	s22 =	sadd.s32 s19, s7;
	[dreg:$0x6] =	wrdreg s20  }
0x15: {  	s24 =	sadd.s32 s23, s2;
	s26 =	sadd.s32 s23, s7;
	[dreg:$0x7] =	wrdreg s22  }
0x16: {  	s29 =	sadd.s32 s28, s2;
	s30 =	sadd.s32 s28, s7;
	[dreg:$0x8] =	wrdreg s24  }
0x17: {  	s19 =	simm.s32 $0x3;
	s23 =	simm.s32 $0x3800;
	[dreg:$0x9] =	wrdreg s26  }
0x18: {  	s0 =	sshrl.u32 s14, $0x3;
	s14 =	sadd.s32 $0x10000, s4;
	[dreg:$0xa] =	wrdreg s29  }
0x19: {  	[dreg:$0xb] =	wrdreg s30;
	s20 =	simm.s32 $0x1;
	s17 =	sadd.s32 s0, s2  }
0x1a: {  	vm0 =	vcmask $0x300;
	v0 =	vimm.f32 $0.0e+00;
	vm1 =	vcmask $0x704;
	s22 =	simm.s32 $0x1000;
	s0 =	sadd.s32 s0, s7;
	[dreg:$0x4] =	wrdreg s17  }
0x1b: {  	v1 =	vsel vm0, $0x3F800000, v0;
	v2 =	vsel vm1, $0x3F800000, v0;
	s24 =	simm.s32 $0x2;
	[dreg:$0x5] =	wrdreg s0;
	s17 =	sadd.s32 s31, s7  }
.LBB2_1:
0x1c: {  	s0 =	simm.s32 $0x0;
	s2 =	simm.s32 $0x200  }
.LBB2_2:
0x1d: {  	p0 =	sne.s32 s2, $0x9E00;
	[tilespmem:s0+$0x3870] =	vst v0  }
0x1e: {  	[tilespmem:s0+$0x1000] =	vst v1  }
0x1f: {  	[tilespmem:s0+$0x3800] =	vst v2  }
0x20: {  	[tilespmem:s0+$0x1010] =	vst v0  }
0x21: {  	[tilespmem:s0+$0x3810] =	vst v0  }
0x22: {  	[tilespmem:s0+$0x1020] =	vst v0  }
0x23: {  	[tilespmem:s0+$0x3820] =	vst v0  }
0x24: {  	[tilespmem:s0+$0x1030] =	vst v0  }
0x25: {  	[tilespmem:s0+$0x3830] =	vst v0  }
0x26: {  	[tilespmem:s0+$0x1040] =	vst v0  }
0x27: {  	[tilespmem:s0+$0x3840] =	vst v0  }
.Ltmp0:
0x28: {  	[tilespmem:s0+$0x1050] =	vst v0;
	(pc) =	sbr.rel @p0 .LBB2_2-.Ltmp0, $4  }
0x29: {  	[tilespmem:s0+$0x3850] =	vst v0  }
0x2a: {  	[tilespmem:s0+$0x1060] =	vst v0  }
0x2b: {  	[tilespmem:s0+$0x3860] =	vst v0  }
0x2c: {  	[tilespmem:s0+$0x1070] =	vst v0;
	s0 =	sshra.s32 s2, $0x2;
	s2 =	sadd.s32 $0x200, s2  }
0x2d: {  	[tilespmem:s0+$0x3870] =	vst v0  }
0x2e: {  	[tilespmem:s0+$0x1000] =	vst v1  }
0x2f: {  	[tilespmem:s0+$0x3800] =	vst v2  }
0x30: {  	[tilespmem:s0+$0x1010] =	vst v0  }
0x31: {  	[tilespmem:s0+$0x3810] =	vst v0  }
0x32: {  	[tilespmem:s0+$0x1020] =	vst v0  }
0x33: {  	[tilespmem:s0+$0x3820] =	vst v0  }
0x34: {  	[tilespmem:s0+$0x1030] =	vst v0  }
0x35: {  	[tilespmem:s0+$0x3830] =	vst v0  }
0x36: {  	[tilespmem:s0+$0x1040] =	vst v0  }
0x37: {  	[tilespmem:s0+$0x3840] =	vst v0  }
0x38: {  	[tilespmem:s0+$0x1050] =	vst v0  }
0x39: {  	[tilespmem:s0+$0x3850] =	vst v0  }
0x3a: {  	[tilespmem:s0+$0x1060] =	vst v0  }
0x3b: {  	[tilespmem:s0+$0x3860] =	vst v0  }
0x3c: {  	[tilespmem:s0+$0x1070] =	vst v0;
	s0 =	simm.s32 $0x0;
	s2 =	simm.s32 $0x200  }
.LBB2_4:
0x3d: {  	p0 =	sne.s32 s2, $0x7E00;
	[tilespmem:s0+$0x6070] =	vst v0  }
0x3e: {  	[tilespmem:s0+$0x6000] =	vst v0  }
0x3f: {  	[tilespmem:s0+$0x6010] =	vst v0  }
.Ltmp1:
0x40: {  	[tilespmem:s0+$0x6020] =	vst v0;
	(pc) =	sbr.rel @p0 .LBB2_4-.Ltmp1, $4  }
0x41: {  	[tilespmem:s0+$0x6030] =	vst v0  }
0x42: {  	[tilespmem:s0+$0x6040] =	vst v0  }
0x43: {  	[tilespmem:s0+$0x6050] =	vst v0  }
0x44: {  	[tilespmem:s0+$0x6060] =	vst v0;
	s0 =	sshra.s32 s2, $0x2;
	s2 =	sadd.s32 $0x200, s2  }
0x45: {  	[tilespmem:s0+$0x6070] =	vst v0  }
0x46: {  	[tilespmem:s0+$0x6000] =	vst v0  }
0x47: {  	[tilespmem:s0+$0x6010] =	vst v0  }
0x48: {  	[tilespmem:s0+$0x6020] =	vst v0  }
0x49: {  	[tilespmem:s0+$0x6030] =	vst v0  }
0x4a: {  	[tilespmem:s0+$0x6040] =	vst v0  }
0x4b: {  	[tilespmem:s0+$0x6050] =	vst v0  }
0x4c: {  	[tilespmem:s0+$0x6060] =	vst v0  }
0x4d: {  	[spmem:s4] =	stream.linear.scatter [tilespmem:s18], [sflag:$0x3], $0x2000, $0x38;
	[tilespmem:$0x1C000] =	vst v63  }
0x4e: {  	_ =	swait.ge [sflag:s19], $0x2000  }
0x4f: {  	[sflag:s19] =	ssyncset.done $0x0  }
0x50: {  	s5 =	rddreg [dreg:$0xe];
	[sflag:s19] =	ssyncadd.s32 $0xFFFFE000  }
0x51: {  	[spmem:s5] =	stream.linear.scatter [tilespmem:s18], [sflag:$0x3], $0x2000, $0x38;
	[tilespmem:$0x1C000] =	vst v63  }
0x52: {  	_ =	swait.ge [sflag:s19], $0x2000  }
0x53: {  	[sflag:s19] =	ssyncset.done $0x0  }
0x54: {  	s6 =	rddreg [dreg:$0xf];
	[sflag:s19] =	ssyncadd.s32 $0xFFFFE000  }
0x55: {  	[spmem:s6] =	stream.linear.scatter [tilespmem:s18], [sflag:$0x3], $0x2000, $0x38;
	[tilespmem:$0x1C000] =	vst v63  }
0x56: {  	_ =	swait.ge [sflag:s19], $0x2000  }
0x57: {  	[sflag:s19] =	ssyncset.done $0x0  }
0x58: {  	s7 =	rddreg [dreg:$0x10];
	[sflag:s19] =	ssyncadd.s32 $0xFFFFE000  }
0x59: {  	[spmem:s7] =	stream.linear.scatter [tilespmem:s18], [sflag:$0x3], $0x2000, $0x38;
	[tilespmem:$0x1C000] =	vst v63  }
0x5a: {  	_ =	swait.ge [sflag:s19], $0x2000  }
0x5b: {  	[sflag:s19] =	ssyncset.done $0x0  }
0x5c: {  	s8 =	rddreg [dreg:$0x11];
	[sflag:s19] =	ssyncadd.s32 $0xFFFFE000  }
0x5d: {  	[spmem:s8] =	stream.linear.scatter [tilespmem:s18], [sflag:$0x3], $0x2000, $0x38;
	[tilespmem:$0x1C000] =	vst v63  }
0x5e: {  	_ =	swait.ge [sflag:s19], $0x2000  }
0x5f: {  	[sflag:s19] =	ssyncset.done $0x0  }
0x60: {  	s9 =	rddreg [dreg:$0x12];
	[sflag:s19] =	ssyncadd.s32 $0xFFFFE000  }
0x61: {  	[spmem:s9] =	stream.linear.scatter [tilespmem:s18], [sflag:$0x3], $0x2000, $0x38;
	[tilespmem:$0x1C000] =	vst v63  }
0x62: {  	_ =	swait.ge [sflag:s19], $0x2000  }
0x63: {  	[sflag:s19] =	ssyncset.done $0x0  }
0x64: {  	s10 =	rddreg [dreg:$0x13];
	[sflag:s19] =	ssyncadd.s32 $0xFFFFE000  }
0x65: {  	[spmem:s10] =	stream.linear.scatter [tilespmem:s18], [sflag:$0x3], $0x2000, $0x38;
	[tilespmem:$0x1C000] =	vst v63  }
0x66: {  	_ =	swait.ge [sflag:s19], $0x2000  }
0x67: {  	[sflag:s19] =	ssyncset.done $0x0  }
0x68: {  	[sflag:s19] =	ssyncadd.s32 $0xFFFFE000  }
0x69: {  	[spmem:s13] =	stream.linear.scatter [tilespmem:s18], [sflag:$0x3], $0x2000, $0x38;
	[tilespmem:$0x1C000] =	vst v63  }
0x6a: {  	_ =	swait.ge [sflag:s19], $0x2000  }
0x6b: {  	[sflag:s19] =	ssyncset.done $0x0  }
0x6c: {  	[sflag:s19] =	ssyncadd.s32 $0xFFFFE000  }
0x6d: {  	[spmem:s14] =	stream.linear.scatter [tilespmem:s18], [sflag:$0x3], $0x2000, $0x38;
	[tilespmem:$0x1C000] =	vst v63  }
0x6e: {  	_ =	swait.ge [sflag:s19], $0x2000  }
0x6f: {  	[sflag:s19] =	ssyncset.done $0x0  }
0x70: {  	[sflag:s19] =	ssyncadd.s32 $0xFFFFE000  }
0x71: {  	[spmem:s15] =	stream.linear.scatter [tilespmem:s18], [sflag:$0x3], $0x2000, $0x38;
	[tilespmem:$0x1C000] =	vst v63  }
0x72: {  	s11 =	simm.s32 $0x0;
	_ =	swait.ge [sflag:s19], $0x2000  }
0x73: {  	s0 =	sand.u32 $0x1, s11;
	[sflag:s19] =	ssyncset.done $0x0  }
0x74: {  	p0 =	seq.s32 s0, $0x1;
	s0 =	simm.s32 $0x280;
	[sflag:s19] =	ssyncadd.s32 $0xFFFFE000  }
0x75: {  	s2 =	sadd.s32 $0x0, s17;
	s0 =	simm.s32 @!p0 $0x0;
	[bflag:$0x0] =	sbarrier.arrive $0xFFFF  }
0x76: {  	[tilespmem:s0], [sflag:$0x1] =	stream.linear.gather [hbm4b:s2+s3], $0x50, $0x38;
	[tilespmem:$0x1C000] =	vst v63  }
0x77: {  	s6 =	sadd.s32 $0x0, s16;
	s5 =	rddreg [dreg:$0xb];
	s2 =	sor.u32 $0x800, s0  }
0x78: {  	[tilespmem:s2], [sflag:$0x1] =	stream.linear.gather [hbm4b:s6+s3], $0x50, $0x38;
	[tilespmem:$0x1C000] =	vst v63  }
0x79: {  	s7 =	rddreg [dreg:$0xa];
	s5 =	sadd.s32 $0x0, s5;
	s6 =	sadd.s32 $0x80, s0  }
0x7a: {  	[tilespmem:s6], [sflag:$0x1] =	stream.linear.gather [hbm4b:s5+s3], $0x50, $0x38;
	[tilespmem:$0x1C000] =	vst v63  }
0x7b: {  	s8 =	rddreg [dreg:$0x9];
	s7 =	sadd.s32 $0x0, s7;
	s5 =	sadd.s32 $0x880, s0  }
0x7c: {  	[tilespmem:s5], [sflag:$0x1] =	stream.linear.gather [hbm4b:s7+s3], $0x50, $0x38;
	[tilespmem:$0x1C000] =	vst v63  }
0x7d: {  	s9 =	rddreg [dreg:$0x8];
	s8 =	sadd.s32 $0x0, s8;
	s7 =	sor.u32 $0x100, s0  }
0x7e: {  	[tilespmem:s7], [sflag:$0x1] =	stream.linear.gather [hbm4b:s8+s3], $0x50, $0x38;
	[tilespmem:$0x1C000] =	vst v63  }
0x7f: {  	s10 =	rddreg [dreg:$0x7];
	s9 =	sadd.s32 $0x0, s9;
	s8 =	sor.u32 $0x900, s0  }
0x80: {  	[tilespmem:s8], [sflag:$0x1] =	stream.linear.gather [hbm4b:s9+s3], $0x50, $0x38;
	[tilespmem:$0x1C000] =	vst v63  }
0x81: {  	s11 =	rddreg [dreg:$0x6];
	s10 =	sadd.s32 $0x0, s10;
	s9 =	sadd.s32 $0x180, s0  }
0x82: {  	[tilespmem:s9], [sflag:$0x1] =	stream.linear.gather [hbm4b:s10+s3], $0x50, $0x38;
	[tilespmem:$0x1C000] =	vst v63  }
0x83: {  	s12 =	sadd.s32 $0x980, s0;
	s26 =	rddreg [dreg:$0x5];
	s11 =	sadd.s32 $0x0, s11  }
0x84: {  	[tilespmem:s12], [sflag:$0x1] =	stream.linear.gather [hbm4b:s11+s3], $0x50, $0x38;
	[tilespmem:$0x1C000] =	vst v63  }
0x85: {  	s30 =	sadd.s32 $0x200, s0;
	s28 =	rddreg [dreg:$0x4];
	s26 =	sadd.s32 $0x0, s26  }
0x86: {  	[tilespmem:s30], [sflag:$0x1] =	stream.linear.gather [hbm4b:s26+s3], $0x50, $0x38;
	[tilespmem:$0x1C000] =	vst v63  }
0x87: {  	s31 =	sadd.s32 $0xA00, s0;
	s28 =	sadd.s32 $0x0, s28  }
0x88: {  	[tilespmem:s31], [sflag:$0x1] =	stream.linear.gather [hbm4b:s28+s3], $0x50, $0x38;
	[tilespmem:$0x1C000] =	vst v63  }
0x89: {  	_ =	swait.ge [sflag:s20], $0x50  }
0x8a: {  	[sflag:s20] =	ssyncset.done $0x0  }
0x8b: {  	[sflag:s20] =	ssyncadd.s32 $0xFFFFFFB0  }
0x8c: {  	_ =	swait.ge [sflag:s20], $0x50  }
0x8d: {  	[sflag:s20] =	ssyncset.done $0x0  }
0x8e: {  	[sflag:s20] =	ssyncadd.s32 $0xFFFFFFB0  }
0x8f: {  	_ =	swait.ge [sflag:s20], $0x50  }
0x90: {  	[sflag:s20] =	ssyncset.done $0x0  }
0x91: {  	[sflag:s20] =	ssyncadd.s32 $0xFFFFFFB0  }
0x92: {  	_ =	swait.ge [sflag:s20], $0x50  }
0x93: {  	[sflag:s20] =	ssyncset.done $0x0  }
0x94: {  	[sflag:s20] =	ssyncadd.s32 $0xFFFFFFB0  }
0x95: {  	_ =	swait.ge [sflag:s20], $0x50  }
0x96: {  	[sflag:s20] =	ssyncset.done $0x0  }
0x97: {  	[sflag:s20] =	ssyncadd.s32 $0xFFFFFFB0  }
0x98: {  	_ =	swait.ge [sflag:s20], $0x50  }
0x99: {  	[sflag:s20] =	ssyncset.done $0x0  }
0x9a: {  	[sflag:s20] =	ssyncadd.s32 $0xFFFFFFB0  }
0x9b: {  	_ =	swait.ge [sflag:s20], $0x50  }
0x9c: {  	[sflag:s20] =	ssyncset.done $0x0  }
0x9d: {  	[sflag:s20] =	ssyncadd.s32 $0xFFFFFFB0  }
0x9e: {  	_ =	swait.ge [sflag:s20], $0x50  }
0x9f: {  	[sflag:s20] =	ssyncset.done $0x0  }
0xa0: {  	[sflag:s20] =	ssyncadd.s32 $0xFFFFFFB0  }
0xa1: {  	_ =	swait.ge [sflag:s20], $0x50  }
0xa2: {  	[sflag:s20] =	ssyncset.done $0x0  }
0xa3: {  	[sflag:s20] =	ssyncadd.s32 $0xFFFFFFB0  }
0xa4: {  	_ =	swait.ge [sflag:s20], $0x50  }
0xa5: {  	[sflag:s20] =	ssyncset.done $0x0  }
0xa6: {  	[sflag:s20] =	ssyncadd.s32 $0xFFFFFFB0  }
0xa7: {  	[spmem:s1] =	stream.indirect.scatter.add.f32 [tilespmem:s22], [sflag:$0x2], $0x80, s0, s21, $0xb8;
	[tilespmem:$0x1C000] =	vst v63  }
0xa8: {  	_ = 	snop  }
0xa9: {  	[spmem:s1] =	stream.indirect.scatter.add.f32 [tilespmem:s23], [sflag:$0x2], $0x80, s2, s21, $0xb8;
	[tilespmem:$0x1C000] =	vst v63  }
0xaa: {  	_ = 	snop  }
0xab: {  	[spmem:s1] =	stream.indirect.scatter.add.f32 [tilespmem:s22], [sflag:$0x2], $0x80, s6, s21, $0xb8;
	[tilespmem:$0x1C000] =	vst v63  }
0xac: {  	_ = 	snop  }
0xad: {  	[spmem:s1] =	stream.indirect.scatter.add.f32 [tilespmem:s23], [sflag:$0x2], $0x80, s5, s21, $0xb8;
	[tilespmem:$0x1C000] =	vst v63  }
0xae: {  	_ = 	snop  }
0xaf: {  	[spmem:s1] =	stream.indirect.scatter.add.f32 [tilespmem:s22], [sflag:$0x2], $0x80, s7, s21, $0xb8;
	[tilespmem:$0x1C000] =	vst v63  }
0xb0: {  	_ = 	snop  }
0xb1: {  	[spmem:s1] =	stream.indirect.scatter.add.f32 [tilespmem:s23], [sflag:$0x2], $0x80, s8, s21, $0xb8;
	[tilespmem:$0x1C000] =	vst v63  }
0xb2: {  	_ = 	snop  }
0xb3: {  	[spmem:s1] =	stream.indirect.scatter.add.f32 [tilespmem:s22], [sflag:$0x2], $0x80, s9, s21, $0xb8;
	[tilespmem:$0x1C000] =	vst v63  }
0xb4: {  	_ = 	snop  }
0xb5: {  	[spmem:s1] =	stream.indirect.scatter.add.f32 [tilespmem:s23], [sflag:$0x2], $0x80, s12, s21, $0xb8;
	[tilespmem:$0x1C000] =	vst v63  }
0xb6: {  	p1 =	por $0x1, $0x1  }
0xb7: {  	[spmem:s1] =	stream.indirect.scatter.add.f32 [tilespmem:s22], [sflag:$0x2], $0x80, s30, s21, $0xb8;
	[tilespmem:$0x1C000] =	vst v63  }
0xb8: {  	s0 =	simm.s32 @!p1 $0x2  }
0xb9: {  	[spmem:s1] =	stream.indirect.scatter.add.f32 [tilespmem:s23], [sflag:$0x2], $0x80, s31, s21, $0xb8;
	[tilespmem:$0x1C000] =	vst v63  }
0xba: {  	_ =	swait.ge @!p1 [sflag:s0], $0x2800  }
0xbb: {  	[sflag:s0] =	ssyncset.done @!p1 $0x0  }
0xbc: {  	[sflag:s0] =	ssyncadd.s32 @!p1 $0xFFFFD800  }
0xbd: {  	_ =	swait.ge @!p1 [sflag:s0], $0x2800  }
0xbe: {  	[sflag:s0] =	ssyncset.done @!p1 $0x0  }
0xbf: {  	[sflag:s0] =	ssyncadd.s32 @!p1 $0xFFFFD800  }
0xc0: {  	_ =	swait.ge @!p1 [sflag:s0], $0x2800  }
0xc1: {  	[sflag:s0] =	ssyncset.done @!p1 $0x0  }
0xc2: {  	[sflag:s0] =	ssyncadd.s32 @!p1 $0xFFFFD800  }
0xc3: {  	_ =	swait.ge @!p1 [sflag:s0], $0x2800  }
0xc4: {  	[sflag:s0] =	ssyncset.done @!p1 $0x0  }
0xc5: {  	[sflag:s0] =	ssyncadd.s32 @!p1 $0xFFFFD800  }
0xc6: {  	_ =	swait.ge @!p1 [sflag:s0], $0x2800  }
0xc7: {  	[sflag:s0] =	ssyncset.done @!p1 $0x0  }
0xc8: {  	[sflag:s0] =	ssyncadd.s32 @!p1 $0xFFFFD800  }
0xc9: {  	_ =	swait.ge @!p1 [sflag:s0], $0x2800  }
0xca: {  	[sflag:s0] =	ssyncset.done @!p1 $0x0  }
0xcb: {  	[sflag:s0] =	ssyncadd.s32 @!p1 $0xFFFFD800  }
0xcc: {  	_ =	swait.ge @!p1 [sflag:s0], $0x2800  }
0xcd: {  	[sflag:s0] =	ssyncset.done @!p1 $0x0  }
0xce: {  	[sflag:s0] =	ssyncadd.s32 @!p1 $0xFFFFD800  }
0xcf: {  	_ =	swait.ge @!p1 [sflag:s0], $0x2800  }
0xd0: {  	[sflag:s0] =	ssyncset.done @!p1 $0x0  }
0xd1: {  	[sflag:s0] =	ssyncadd.s32 @!p1 $0xFFFFD800  }
0xd2: {  	_ =	swait.ge @!p1 [sflag:s0], $0x2800  }
0xd3: {  	[sflag:s0] =	ssyncset.done @!p1 $0x0  }
0xd4: {  	s29 =	simm.s32 $0x64;
	s28 =	simm.s32 $0x1;
	[sflag:s0] =	ssyncadd.s32 @!p1 $0xFFFFD800  }
0xd5: {  	s26 =	simm.s32 $0x32;
	s2 =	sand.u32 $0x1, s28;
	_ =	swait.ge @!p1 [sflag:s0], $0x2800  }
.LBB2_6:
0xd6: {  	p0 =	seq.s32 s2, $0x1;
	[sflag:s0] =	ssyncset.done @!p1 $0x0;
	s31 =	simm.s32 $0x280  }
0xd7: {  	s11 =	sadd.s32 s26, s17;
	s31 =	simm.s32 @!p0 $0x0;
	[sflag:s0] =	ssyncadd.s32 @!p1 $0xFFFFD800  }
0xd8: {  	[tilespmem:s31], [sflag:$0x1] =	stream.linear.gather [hbm4b:s11+s3], $0x50, $0x38;
	[tilespmem:$0x1C000] =	vst v63  }
0xd9: {  	s5 =	rddreg [dreg:$0xb];
	s12 =	sadd.s32 s26, s16;
	s0 =	sor.u32 $0x800, s31  }
0xda: {  	[tilespmem:s0], [sflag:$0x1] =	stream.linear.gather [hbm4b:s12+s3], $0x50, $0x38;
	[tilespmem:$0x1C000] =	vst v63  }
0xdb: {  	s6 =	rddreg [dreg:$0xa];
	s5 =	sadd.s32 s26, s5;
	s2 =	sadd.s32 $0x80, s31  }
0xdc: {  	[tilespmem:s2], [sflag:$0x1] =	stream.linear.gather [hbm4b:s5+s3], $0x50, $0x38;
	[tilespmem:$0x1C000] =	vst v63  }
0xdd: {  	s7 =	rddreg [dreg:$0x9];
	s6 =	sadd.s32 s26, s6;
	s5 =	sadd.s32 $0x880, s31  }
0xde: {  	[tilespmem:s5], [sflag:$0x1] =	stream.linear.gather [hbm4b:s6+s3], $0x50, $0x38;
	[tilespmem:$0x1C000] =	vst v63  }
0xdf: {  	s8 =	rddreg [dreg:$0x8];
	s7 =	sadd.s32 s26, s7;
	s6 =	sor.u32 $0x100, s31  }
0xe0: {  	[tilespmem:s6], [sflag:$0x1] =	stream.linear.gather [hbm4b:s7+s3], $0x50, $0x38;
	[tilespmem:$0x1C000] =	vst v63  }
0xe1: {  	s9 =	rddreg [dreg:$0x7];
	s8 =	sadd.s32 s26, s8;
	s7 =	sor.u32 $0x900, s31  }
0xe2: {  	[tilespmem:s7], [sflag:$0x1] =	stream.linear.gather [hbm4b:s8+s3], $0x50, $0x38;
	[tilespmem:$0x1C000] =	vst v63  }
0xe3: {  	s10 =	rddreg [dreg:$0x6];
	s9 =	sadd.s32 s26, s9;
	s8 =	sadd.s32 $0x180, s31  }
0xe4: {  	[tilespmem:s8], [sflag:$0x1] =	stream.linear.gather [hbm4b:s9+s3], $0x50, $0x38;
	[tilespmem:$0x1C000] =	vst v63  }
0xe5: {  	s10 =	sadd.s32 s26, s10;
	s11 =	rddreg [dreg:$0x5];
	s9 =	sadd.s32 $0x980, s31  }
0xe6: {  	[tilespmem:s9], [sflag:$0x1] =	stream.linear.gather [hbm4b:s10+s3], $0x50, $0x38;
	[tilespmem:$0x1C000] =	vst v63  }
0xe7: {  	s11 =	sadd.s32 s26, s11;
	s12 =	rddreg [dreg:$0x4];
	s10 =	sadd.s32 $0x200, s31  }
0xe8: {  	[tilespmem:s10], [sflag:$0x1] =	stream.linear.gather [hbm4b:s11+s3], $0x50, $0x38;
	[tilespmem:$0x1C000] =	vst v63  }
0xe9: {  	s12 =	sadd.s32 s26, s12;
	s11 =	sadd.s32 $0xA00, s31  }
0xea: {  	[tilespmem:s11], [sflag:$0x1] =	stream.linear.gather [hbm4b:s12+s3], $0x50, $0x38;
	[tilespmem:$0x1C000] =	vst v63  }
0xeb: {  	_ =	swait.ge [sflag:s20], $0x50  }
0xec: {  	[sflag:s20] =	ssyncset.done $0x0  }
0xed: {  	[sflag:s20] =	ssyncadd.s32 $0xFFFFFFB0  }
0xee: {  	_ =	swait.ge [sflag:s20], $0x50  }
0xef: {  	[sflag:s20] =	ssyncset.done $0x0  }
0xf0: {  	[sflag:s20] =	ssyncadd.s32 $0xFFFFFFB0  }
0xf1: {  	_ =	swait.ge [sflag:s20], $0x50  }
0xf2: {  	[sflag:s20] =	ssyncset.done $0x0  }
0xf3: {  	[sflag:s20] =	ssyncadd.s32 $0xFFFFFFB0  }
0xf4: {  	_ =	swait.ge [sflag:s20], $0x50  }
0xf5: {  	[sflag:s20] =	ssyncset.done $0x0  }
0xf6: {  	[sflag:s20] =	ssyncadd.s32 $0xFFFFFFB0  }
0xf7: {  	_ =	swait.ge [sflag:s20], $0x50  }
0xf8: {  	[sflag:s20] =	ssyncset.done $0x0  }
0xf9: {  	[sflag:s20] =	ssyncadd.s32 $0xFFFFFFB0  }
0xfa: {  	_ =	swait.ge [sflag:s20], $0x50  }
0xfb: {  	[sflag:s20] =	ssyncset.done $0x0  }
0xfc: {  	[sflag:s20] =	ssyncadd.s32 $0xFFFFFFB0  }
0xfd: {  	_ =	swait.ge [sflag:s20], $0x50  }
0xfe: {  	[sflag:s20] =	ssyncset.done $0x0  }
0xff: {  	[sflag:s20] =	ssyncadd.s32 $0xFFFFFFB0  }
0x100: {  	_ =	swait.ge [sflag:s20], $0x50  }
0x101: {  	[sflag:s20] =	ssyncset.done $0x0  }
0x102: {  	[sflag:s20] =	ssyncadd.s32 $0xFFFFFFB0  }
0x103: {  	_ =	swait.ge [sflag:s20], $0x50  }
0x104: {  	[sflag:s20] =	ssyncset.done $0x0  }
0x105: {  	[sflag:s20] =	ssyncadd.s32 $0xFFFFFFB0  }
0x106: {  	_ =	swait.ge [sflag:s20], $0x50  }
0x107: {  	[sflag:s20] =	ssyncset.done $0x0  }
0x108: {  	[sflag:s20] =	ssyncadd.s32 $0xFFFFFFB0  }
0x109: {  	[spmem:s1] =	stream.indirect.scatter.add.f32 [tilespmem:s22], [sflag:$0x2], $0x80, s31, s21, $0xb8;
	[tilespmem:$0x1C000] =	vst v63  }
0x10a: {  	_ = 	snop  }
0x10b: {  	[spmem:s1] =	stream.indirect.scatter.add.f32 [tilespmem:s23], [sflag:$0x2], $0x80, s0, s21, $0xb8;
	[tilespmem:$0x1C000] =	vst v63  }
0x10c: {  	_ = 	snop  }
0x10d: {  	[spmem:s1] =	stream.indirect.scatter.add.f32 [tilespmem:s22], [sflag:$0x2], $0x80, s2, s21, $0xb8;
	[tilespmem:$0x1C000] =	vst v63  }
0x10e: {  	_ = 	snop  }
0x10f: {  	[spmem:s1] =	stream.indirect.scatter.add.f32 [tilespmem:s23], [sflag:$0x2], $0x80, s5, s21, $0xb8;
	[tilespmem:$0x1C000] =	vst v63  }
0x110: {  	_ = 	snop  }
0x111: {  	[spmem:s1] =	stream.indirect.scatter.add.f32 [tilespmem:s22], [sflag:$0x2], $0x80, s6, s21, $0xb8;
	[tilespmem:$0x1C000] =	vst v63  }
0x112: {  	_ = 	snop  }
0x113: {  	[spmem:s1] =	stream.indirect.scatter.add.f32 [tilespmem:s23], [sflag:$0x2], $0x80, s7, s21, $0xb8;
	[tilespmem:$0x1C000] =	vst v63  }
0x114: {  	_ = 	snop  }
0x115: {  	[spmem:s1] =	stream.indirect.scatter.add.f32 [tilespmem:s22], [sflag:$0x2], $0x80, s8, s21, $0xb8;
	[tilespmem:$0x1C000] =	vst v63  }
0x116: {  	_ = 	snop  }
0x117: {  	[spmem:s1] =	stream.indirect.scatter.add.f32 [tilespmem:s23], [sflag:$0x2], $0x80, s9, s21, $0xb8;
	[tilespmem:$0x1C000] =	vst v63  }
0x118: {  	p1 =	seq.s32 s26, $0x0  }
0x119: {  	[spmem:s1] =	stream.indirect.scatter.add.f32 [tilespmem:s22], [sflag:$0x2], $0x80, s10, s21, $0xb8;
	[tilespmem:$0x1C000] =	vst v63  }
0x11a: {  	s0 =	simm.s32 @!p1 $0x2  }
0x11b: {  	[spmem:s1] =	stream.indirect.scatter.add.f32 [tilespmem:s23], [sflag:$0x2], $0x80, s11, s21, $0xb8;
	[tilespmem:$0x1C000] =	vst v63  }
0x11c: {  	_ =	swait.ge @!p1 [sflag:s0], $0x2800  }
0x11d: {  	[sflag:s0] =	ssyncset.done @!p1 $0x0  }
0x11e: {  	[sflag:s0] =	ssyncadd.s32 @!p1 $0xFFFFD800  }
0x11f: {  	_ =	swait.ge @!p1 [sflag:s0], $0x2800  }
0x120: {  	[sflag:s0] =	ssyncset.done @!p1 $0x0  }
0x121: {  	[sflag:s0] =	ssyncadd.s32 @!p1 $0xFFFFD800  }
0x122: {  	_ =	swait.ge @!p1 [sflag:s0], $0x2800  }
0x123: {  	[sflag:s0] =	ssyncset.done @!p1 $0x0  }
0x124: {  	[sflag:s0] =	ssyncadd.s32 @!p1 $0xFFFFD800  }
0x125: {  	_ =	swait.ge @!p1 [sflag:s0], $0x2800  }
0x126: {  	[sflag:s0] =	ssyncset.done @!p1 $0x0  }
0x127: {  	[sflag:s0] =	ssyncadd.s32 @!p1 $0xFFFFD800  }
0x128: {  	_ =	swait.ge @!p1 [sflag:s0], $0x2800  }
0x129: {  	[sflag:s0] =	ssyncset.done @!p1 $0x0  }
0x12a: {  	[sflag:s0] =	ssyncadd.s32 @!p1 $0xFFFFD800  }
0x12b: {  	_ =	swait.ge @!p1 [sflag:s0], $0x2800  }
0x12c: {  	[sflag:s0] =	ssyncset.done @!p1 $0x0  }
0x12d: {  	[sflag:s0] =	ssyncadd.s32 @!p1 $0xFFFFD800  }
0x12e: {  	_ =	swait.ge @!p1 [sflag:s0], $0x2800  }
0x12f: {  	[sflag:s0] =	ssyncset.done @!p1 $0x0  }
0x130: {  	[sflag:s0] =	ssyncadd.s32 @!p1 $0xFFFFD800  }
0x131: {  	s30 =	smov.u32 s29;
	s29 =	sadd.s32 $0x32, s29;
	_ =	swait.ge @!p1 [sflag:s0], $0x2800  }
0x132: {  	p0 =	sne.s32 s29, $0x4E2;
	[sflag:s0] =	ssyncset.done @!p1 $0x0  }
.Ltmp2:
0x133: {  	[sflag:s0] =	ssyncadd.s32 @!p1 $0xFFFFD800;
	(pc) =	sbr.rel @p0 .LBB2_6-.Ltmp2, $4  }
0x134: {  	_ =	swait.ge @!p1 [sflag:s0], $0x2800  }
0x135: {  	[sflag:s0] =	ssyncset.done @!p1 $0x0  }
0x136: {  	s28 =	sadd.s32 $0x1, s28;
	[sflag:s0] =	ssyncadd.s32 @!p1 $0xFFFFD800  }
0x137: {  	s26 =	smov.u32 s30;
	s2 =	sand.u32 $0x1, s28;
	_ =	swait.ge @!p1 [sflag:s0], $0x2800  }
0x138: {  	p0 =	seq.s32 s2, $0x1;
	[sflag:s0] =	ssyncset.done @!p1 $0x0;
	s2 =	simm.s32 $0x280  }
0x139: {  	s5 =	sadd.s32 s26, s17;
	s2 =	simm.s32 @!p0 $0x0;
	[sflag:s0] =	ssyncadd.s32 @!p1 $0xFFFFD800  }
0x13a: {  	[tilespmem:s2], [sflag:$0x1] =	stream.linear.gather [hbm4b:s5+s3], $0x50, $0x38;
	[tilespmem:$0x1C000] =	vst v63  }
0x13b: {  	s6 =	rddreg [dreg:$0xb];
	s28 =	sadd.s32 s26, s16;
	s0 =	sor.u32 $0x800, s2  }
0x13c: {  	[tilespmem:s0], [sflag:$0x1] =	stream.linear.gather [hbm4b:s28+s3], $0x50, $0x38;
	[tilespmem:$0x1C000] =	vst v63  }
0x13d: {  	s7 =	rddreg [dreg:$0xa];
	s6 =	sadd.s32 s26, s6;
	s5 =	sadd.s32 $0x80, s2  }
0x13e: {  	[tilespmem:s5], [sflag:$0x1] =	stream.linear.gather [hbm4b:s6+s3], $0x50, $0x38;
	[tilespmem:$0x1C000] =	vst v63  }
0x13f: {  	s8 =	rddreg [dreg:$0x9];
	s7 =	sadd.s32 s26, s7;
	s6 =	sadd.s32 $0x880, s2  }
0x140: {  	[tilespmem:s6], [sflag:$0x1] =	stream.linear.gather [hbm4b:s7+s3], $0x50, $0x38;
	[tilespmem:$0x1C000] =	vst v63  }
0x141: {  	s9 =	rddreg [dreg:$0x8];
	s8 =	sadd.s32 s26, s8;
	s7 =	sor.u32 $0x100, s2  }
0x142: {  	[tilespmem:s7], [sflag:$0x1] =	stream.linear.gather [hbm4b:s8+s3], $0x50, $0x38;
	[tilespmem:$0x1C000] =	vst v63  }
0x143: {  	s10 =	rddreg [dreg:$0x7];
	s9 =	sadd.s32 s26, s9;
	s8 =	sor.u32 $0x900, s2  }
0x144: {  	[tilespmem:s8], [sflag:$0x1] =	stream.linear.gather [hbm4b:s9+s3], $0x50, $0x38;
	[tilespmem:$0x1C000] =	vst v63  }
0x145: {  	s11 =	rddreg [dreg:$0x6];
	s10 =	sadd.s32 s26, s10;
	s9 =	sadd.s32 $0x180, s2  }
0x146: {  	[tilespmem:s9], [sflag:$0x1] =	stream.linear.gather [hbm4b:s10+s3], $0x50, $0x38;
	[tilespmem:$0x1C000] =	vst v63  }
0x147: {  	s12 =	rddreg [dreg:$0x5];
	s11 =	sadd.s32 s26, s11;
	s29 =	sadd.s32 $0x980, s2  }
0x148: {  	[tilespmem:s29], [sflag:$0x1] =	stream.linear.gather [hbm4b:s11+s3], $0x50, $0x38;
	[tilespmem:$0x1C000] =	vst v63  }
0x149: {  	s12 =	sadd.s32 s26, s12;
	s30 =	sadd.s32 $0x200, s2;
	s28 =	rddreg [dreg:$0x4]  }
0x14a: {  	[tilespmem:s30], [sflag:$0x1] =	stream.linear.gather [hbm4b:s12+s3], $0x50, $0x38;
	[tilespmem:$0x1C000] =	vst v63  }
0x14b: {  	s31 =	sadd.s32 $0xA00, s2;
	s28 =	sadd.s32 s26, s28  }
0x14c: {  	[tilespmem:s31], [sflag:$0x1] =	stream.linear.gather [hbm4b:s28+s3], $0x50, $0x38;
	[tilespmem:$0x1C000] =	vst v63  }
0x14d: {  	_ =	swait.ge [sflag:s20], $0x50  }
0x14e: {  	[sflag:s20] =	ssyncset.done $0x0  }
0x14f: {  	[sflag:s20] =	ssyncadd.s32 $0xFFFFFFB0  }
0x150: {  	_ =	swait.ge [sflag:s20], $0x50  }
0x151: {  	[sflag:s20] =	ssyncset.done $0x0  }
0x152: {  	[sflag:s20] =	ssyncadd.s32 $0xFFFFFFB0  }
0x153: {  	_ =	swait.ge [sflag:s20], $0x50  }
0x154: {  	[sflag:s20] =	ssyncset.done $0x0  }
0x155: {  	[sflag:s20] =	ssyncadd.s32 $0xFFFFFFB0  }
0x156: {  	_ =	swait.ge [sflag:s20], $0x50  }
0x157: {  	[sflag:s20] =	ssyncset.done $0x0  }
0x158: {  	[sflag:s20] =	ssyncadd.s32 $0xFFFFFFB0  }
0x159: {  	_ =	swait.ge [sflag:s20], $0x50  }
0x15a: {  	[sflag:s20] =	ssyncset.done $0x0  }
0x15b: {  	[sflag:s20] =	ssyncadd.s32 $0xFFFFFFB0  }
0x15c: {  	_ =	swait.ge [sflag:s20], $0x50  }
0x15d: {  	[sflag:s20] =	ssyncset.done $0x0  }
0x15e: {  	[sflag:s20] =	ssyncadd.s32 $0xFFFFFFB0  }
0x15f: {  	_ =	swait.ge [sflag:s20], $0x50  }
0x160: {  	[sflag:s20] =	ssyncset.done $0x0  }
0x161: {  	[sflag:s20] =	ssyncadd.s32 $0xFFFFFFB0  }
0x162: {  	_ =	swait.ge [sflag:s20], $0x50  }
0x163: {  	[sflag:s20] =	ssyncset.done $0x0  }
0x164: {  	[sflag:s20] =	ssyncadd.s32 $0xFFFFFFB0  }
0x165: {  	_ =	swait.ge [sflag:s20], $0x50  }
0x166: {  	[sflag:s20] =	ssyncset.done $0x0  }
0x167: {  	[sflag:s20] =	ssyncadd.s32 $0xFFFFFFB0  }
0x168: {  	_ =	swait.ge [sflag:s20], $0x50  }
0x169: {  	[sflag:s20] =	ssyncset.done $0x0  }
0x16a: {  	[sflag:s20] =	ssyncadd.s32 $0xFFFFFFB0  }
0x16b: {  	[spmem:s1] =	stream.indirect.scatter.add.f32 [tilespmem:s22], [sflag:$0x2], $0x80, s2, s21, $0xb8;
	[tilespmem:$0x1C000] =	vst v63  }
0x16c: {  	_ = 	snop  }
0x16d: {  	[spmem:s1] =	stream.indirect.scatter.add.f32 [tilespmem:s23], [sflag:$0x2], $0x80, s0, s21, $0xb8;
	[tilespmem:$0x1C000] =	vst v63  }
0x16e: {  	_ = 	snop  }
0x16f: {  	[spmem:s1] =	stream.indirect.scatter.add.f32 [tilespmem:s22], [sflag:$0x2], $0x80, s5, s21, $0xb8;
	[tilespmem:$0x1C000] =	vst v63  }
0x170: {  	_ = 	snop  }
0x171: {  	[spmem:s1] =	stream.indirect.scatter.add.f32 [tilespmem:s23], [sflag:$0x2], $0x80, s6, s21, $0xb8;
	[tilespmem:$0x1C000] =	vst v63  }
0x172: {  	_ = 	snop  }
0x173: {  	[spmem:s1] =	stream.indirect.scatter.add.f32 [tilespmem:s22], [sflag:$0x2], $0x80, s7, s21, $0xb8;
	[tilespmem:$0x1C000] =	vst v63  }
0x174: {  	_ = 	snop  }
0x175: {  	[spmem:s1] =	stream.indirect.scatter.add.f32 [tilespmem:s23], [sflag:$0x2], $0x80, s8, s21, $0xb8;
	[tilespmem:$0x1C000] =	vst v63  }
0x176: {  	_ = 	snop  }
0x177: {  	[spmem:s1] =	stream.indirect.scatter.add.f32 [tilespmem:s22], [sflag:$0x2], $0x80, s9, s21, $0xb8;
	[tilespmem:$0x1C000] =	vst v63  }
0x178: {  	_ = 	snop  }
0x179: {  	[spmem:s1] =	stream.indirect.scatter.add.f32 [tilespmem:s23], [sflag:$0x2], $0x80, s29, s21, $0xb8;
	[tilespmem:$0x1C000] =	vst v63  }
0x17a: {  	p0 =	seq.s32 s26, $0x0  }
0x17b: {  	[spmem:s1] =	stream.indirect.scatter.add.f32 [tilespmem:s22], [sflag:$0x2], $0x80, s30, s21, $0xb8;
	[tilespmem:$0x1C000] =	vst v63  }
0x17c: {  	s0 =	simm.s32 @!p0 $0x2  }
0x17d: {  	[spmem:s1] =	stream.indirect.scatter.add.f32 [tilespmem:s23], [sflag:$0x2], $0x80, s31, s21, $0xb8;
	[tilespmem:$0x1C000] =	vst v63  }
0x17e: {  	_ =	swait.ge @!p0 [sflag:s0], $0x2800  }
0x17f: {  	[sflag:s0] =	ssyncset.done @!p0 $0x0  }
0x180: {  	[sflag:s0] =	ssyncadd.s32 @!p0 $0xFFFFD800  }
0x181: {  	_ =	swait.ge @!p0 [sflag:s0], $0x2800  }
0x182: {  	[sflag:s0] =	ssyncset.done @!p0 $0x0  }
0x183: {  	[sflag:s0] =	ssyncadd.s32 @!p0 $0xFFFFD800  }
0x184: {  	_ =	swait.ge @!p0 [sflag:s0], $0x2800  }
0x185: {  	[sflag:s0] =	ssyncset.done @!p0 $0x0  }
0x186: {  	[sflag:s0] =	ssyncadd.s32 @!p0 $0xFFFFD800  }
0x187: {  	_ =	swait.ge @!p0 [sflag:s0], $0x2800  }
0x188: {  	[sflag:s0] =	ssyncset.done @!p0 $0x0  }
0x189: {  	[sflag:s0] =	ssyncadd.s32 @!p0 $0xFFFFD800  }
0x18a: {  	_ =	swait.ge @!p0 [sflag:s0], $0x2800  }
0x18b: {  	[sflag:s0] =	ssyncset.done @!p0 $0x0  }
0x18c: {  	[sflag:s0] =	ssyncadd.s32 @!p0 $0xFFFFD800  }
0x18d: {  	_ =	swait.ge @!p0 [sflag:s0], $0x2800  }
0x18e: {  	[sflag:s0] =	ssyncset.done @!p0 $0x0  }
0x18f: {  	[sflag:s0] =	ssyncadd.s32 @!p0 $0xFFFFD800  }
0x190: {  	_ =	swait.ge @!p0 [sflag:s0], $0x2800  }
0x191: {  	[sflag:s0] =	ssyncset.done @!p0 $0x0  }
0x192: {  	[sflag:s0] =	ssyncadd.s32 @!p0 $0xFFFFD800  }
0x193: {  	_ =	swait.ge @!p0 [sflag:s0], $0x2800  }
0x194: {  	[sflag:s0] =	ssyncset.done @!p0 $0x0  }
0x195: {  	[sflag:s0] =	ssyncadd.s32 @!p0 $0xFFFFD800  }
0x196: {  	_ =	swait.ge @!p0 [sflag:s0], $0x2800  }
0x197: {  	[sflag:s0] =	ssyncset.done @!p0 $0x0  }
0x198: {  	[sflag:s0] =	ssyncadd.s32 @!p0 $0xFFFFD800  }
0x199: {  	_ =	swait.ge @!p0 [sflag:s0], $0x2800  }
0x19a: {  	[sflag:s0] =	ssyncset.done @!p0 $0x0  }
0x19b: {  	[sflag:s0] =	ssyncadd.s32 @!p0 $0xFFFFD800  }
0x19c: {  	_ =	swait.ge [sflag:s24], $0x2800  }
0x19d: {  	[sflag:s24] =	ssyncset.done $0x0  }
0x19e: {  	[sflag:s24] =	ssyncadd.s32 $0xFFFFD800  }
0x19f: {  	_ =	swait.ge [sflag:s24], $0x2800  }
0x1a0: {  	[sflag:s24] =	ssyncset.done $0x0  }
0x1a1: {  	[sflag:s24] =	ssyncadd.s32 $0xFFFFD800  }
0x1a2: {  	_ =	swait.ge [sflag:s24], $0x2800  }
0x1a3: {  	[sflag:s24] =	ssyncset.done $0x0  }
0x1a4: {  	[sflag:s24] =	ssyncadd.s32 $0xFFFFD800  }
0x1a5: {  	_ =	swait.ge [sflag:s24], $0x2800  }
0x1a6: {  	[sflag:s24] =	ssyncset.done $0x0  }
0x1a7: {  	[sflag:s24] =	ssyncadd.s32 $0xFFFFD800  }
0x1a8: {  	_ =	swait.ge [sflag:s24], $0x2800  }
0x1a9: {  	[sflag:s24] =	ssyncset.done $0x0  }
0x1aa: {  	[sflag:s24] =	ssyncadd.s32 $0xFFFFD800  }
0x1ab: {  	_ =	swait.ge [sflag:s24], $0x2800  }
0x1ac: {  	[sflag:s24] =	ssyncset.done $0x0  }
0x1ad: {  	[sflag:s24] =	ssyncadd.s32 $0xFFFFD800  }
0x1ae: {  	_ =	swait.ge [sflag:s24], $0x2800  }
0x1af: {  	[sflag:s24] =	ssyncset.done $0x0  }
0x1b0: {  	[sflag:s24] =	ssyncadd.s32 $0xFFFFD800  }
0x1b1: {  	_ =	swait.ge [sflag:s24], $0x2800  }
0x1b2: {  	[sflag:s24] =	ssyncset.done $0x0  }
0x1b3: {  	[sflag:s24] =	ssyncadd.s32 $0xFFFFD800  }
0x1b4: {  	_ =	swait.ge [sflag:s24], $0x2800  }
0x1b5: {  	[sflag:s24] =	ssyncset.done $0x0  }
0x1b6: {  	[sflag:s24] =	ssyncadd.s32 $0xFFFFD800  }
0x1b7: {  	_ =	swait.ge [sflag:s24], $0x2800  }
0x1b8: {  	[sflag:s24] =	ssyncset.done $0x0  }
0x1b9: {  	s28 =	stileid.u32;
	[sflag:s24] =	ssyncadd.s32 $0xFFFFD800  }
0x1ba: {  	s0 =	sshll.u32 s28, $0x6;
	[bflag:$0x0] =	sbarrier.arrive $0xFFFF  }
0x1bb: {  	s29 =	sshrl.u32 s4, $0x3;
	s0 =	sor.u32 $0x1C03, s0;
	s30 =	rddreg [dreg:$0xc]  }
0x1bc: {  	[hbm:s30], [sflag:s0] =	dma.local [spmem:s29], $0x2800  }
0x1bd: {  	_ =	swait.ge [sflag:s19], $0x2800  }
0x1be: {  	s25 =	sadd.s32 $0x1, s25;
	s31 =	rddreg [dreg:$0xd]  }
0x1bf: {  	p0 =	sne.s32 s25, s31  }
.Ltmp3:
0x1c0: {  	_ = 	snop;
	(pc) =	sbr.rel @p0 .LBB2_1-.Ltmp3, $3  }
0x1c1: {  	_ =	sdelay $0x1  }
0x1c2: {  	[sflag:s19] =	ssyncset.done $0x0  }
0x1c3: {  	[sflag:s19] =	ssyncadd.s32 $0xFFFFD800  }
0x1c4: {  	_ =	sfence.sel $0x180000  }
0x1c5: {  	[bflag:$0x0] =	sbarrier.arrive $0xFFFF  }
0x1c6: {  	_ =	strace $0x90000047  }
0x1c7: {  	s0 =	stileid.u32;
	[bflag:$0x2] =	sbarrier.arrive $0xFFFF  }
0x1c8: {  	p0 =	sne.s32 s0, $0x0;
	s0 =	rddreg [dreg:$0x3]  }
0x1c9: {  	s0 =	sadd.s32 @!p0 $0x100000, s0  }
0x1ca: {  	[sflag:s0] =	ssyncadd.tile.s32 @!p0 $0x1;
	_ =	shalt  }
.Lfunc_end2:
_tile_overlayer_lowered:
.L_overlay_start_2:
0x1cb: {  	(tag) =	ssettag $0x2  }
0x1cc: {  	s0 =	rddreg [dreg:$0x0];
	s2 =	stileid.u32  }
0x1cd: {  	s1 =	rddreg [dreg:$0x1];
	p0 =	sne.s32 s2, $0x0  }
0x1ce: {  	s3 =	rddreg [dreg:$0x2];
	[bflag:$0x3] =	sbarrier.arrive $0xFFFF;
	s2 =	simm.s32 @!p0 $0x1C03  }
0x1cf: {  	[timem:s3], [sflag:s2] =	dma.local @!p0 [hbm:s0], s1  }
0x1d0: {  	s0 =	simm.s32 @!p0 $0x3  }
0x1d1: {  	_ =	swait.ge @!p0 [sflag:s0], s1  }
0x1d2: {  	s1 =	ssub.s32 @!p0 $0x0, s1;
	[sflag:s0] =	ssyncset.done @!p0 $0x0  }
0x1d3: {  	[sflag:s0] =	ssyncadd.s32 @!p0 s1  }
0x1d4: {  	[bflag:$0x3] =	sbarrier.arrive $0xFFFF  }
0x1d5: {  	_ =	shalt  }

</sc_bundles>
